<compile_context>
chip_gen: v7x
topology: tpu7x:2x2x1
jax: 0.10.2.dev20260603
libtpu: 0.0.44.dev20260713+nightly
codegen_flags: <defaults>
</compile_context>

<pallas_src>
import dataclasses
import functools

import jax
import jax.numpy as jnp
from jax import lax
from jax.experimental import pallas as pl
from jax.experimental.pallas import tpu as pltpu
from jax.experimental.pallas import tpu_sc as plsc

LANES = 16
NBUF = 4
QBLK = 32


def _sc_agg(feats2d, bcast2d, nbr, *, R, BD, K, TOP_K, NW):
    RW = R // NW
    CH = BD // LANES
    GROUP = 16 // TOP_K
    NG = RW // GROUP

    mesh = plsc.VectorSubcoreMesh(core_axis_name="c", subcore_axis_name="s")
    cp = pltpu.CompilerParams()
    if "needs_layout_passes" in pltpu.CompilerParams.__dataclass_fields__:
        cp = dataclasses.replace(cp, needs_layout_passes=False)

    @functools.partial(
        pl.kernel,
        compiler_params=cp,
        out_type=jax.ShapeDtypeStruct((R, BD), jnp.float32),
        mesh=mesh,
        scratch_types=[
            pltpu.VMEM((RW, K), jnp.int32),
            pltpu.VMEM((QBLK, BD), jnp.float32),
            pltpu.VMEM((NBUF, 16, BD), jnp.float32),
            pltpu.VMEM((NG, 16), jnp.int32),
            [pltpu.SemaphoreType.DMA] * NBUF,
            [pltpu.SemaphoreType.DMA] * 2,
            [pltpu.SemaphoreType.DMA] * 2,
        ],
    )
    def k(feats_hbm, bcast_hbm, nbr_hbm, agg_hbm,
          nbr_v, q_v, big_v, sel_v, nb_sems, g_sems, w_sems):
        wid = lax.axis_index("c") * 16 + lax.axis_index("s")
        base = wid * RW

        pltpu.sync_copy(nbr_hbm.at[pl.ds(base, RW)], nbr_v)

        def nb_gather(r, j):
            return pltpu.make_async_copy(
                feats_hbm.at[nbr_v.at[r]], big_v.at[j], nb_sems[j])

        lane = lax.iota(jnp.int32, LANES)
        zero = jnp.zeros((LANES,), jnp.float32)

        for j in range(NBUF):
            nb_gather(j, j).start()

        @pl.loop(0, RW, step=NBUF)
        def _(r):
            @pl.when(lax.rem(r, QBLK) == 0)
            def _():
                pltpu.sync_copy(
                    feats_hbm.at[pl.ds(pl.multiple_of(base + r, QBLK), QBLK)],
                    q_v)

            for j in range(NBUF):
                nb_gather(r + j, j).wait()

                def cstep(c, accs):
                    qc = q_v[lax.rem(r + j, QBLK), pl.ds(c * LANES, LANES)]
                    return tuple(
                        accs[t] + qc * big_v[j, t, pl.ds(c * LANES, LANES)]
                        for t in range(K)
                    )

                accs = lax.fori_loop(0, CH, cstep, (zero,) * K, unroll=2)

                sims = zero
                for t in range(K):
                    sims = jnp.where(lane == t, jnp.sum(accs[t]), sims)

                skeys, svals = plsc.sort_key_val(
                    sims, nbr_v[r + j], descending=True)
                del skeys
                rg = (r + j) // GROUP
                rows = jnp.full((LANES,), rg, jnp.int32)
                cols = lax.rem(r + j, GROUP) * TOP_K + lane
                plsc.store_scatter(sel_v, [rows, cols], svals,
                                   mask=lane < TOP_K)

                @pl.when(r + j + NBUF < RW)
                def _():
                    nb_gather(r + j + NBUF, j).start()

        def g_gather(g, j):
            return pltpu.make_async_copy(
                bcast_hbm.at[sel_v.at[g]], big_v.at[j], g_sems[j])

        def w_write(g, j):
            return pltpu.make_async_copy(
                big_v.at[2 + j, pl.ds(0, 2 * GROUP)],
                agg_hbm.at[pl.ds(pl.multiple_of(base + g * GROUP, 8),
                                 2 * GROUP)],
                w_sems[j])

        g_gather(0, 0).start()
        g_gather(1, 1).start()

        @pl.loop(0, NG, step=4)
        def _(g):
            @pl.when(g >= 4)
            def _():
                w_write(g - 4, 0).wait()
                w_write(g - 2, 1).wait()

            for jj in range(4):
                gb = jj % 2
                wb = jj // 2
                g_gather(g + jj, gb).wait()

                @pl.loop(0, BD, step=LANES)
                def _(c):
                    for i in range(GROUP):
                        row = (jj % 2) * GROUP + i
                        s01 = (big_v[gb, TOP_K * i + 0, pl.ds(c, LANES)]
                               + big_v[gb, TOP_K * i + 1, pl.ds(c, LANES)])
                        s23 = (big_v[gb, TOP_K * i + 2, pl.ds(c, LANES)]
                               + big_v[gb, TOP_K * i + 3, pl.ds(c, LANES)])
                        big_v[2 + wb, row, pl.ds(c, LANES)] = s01 + s23

                @pl.when(g + jj + 2 < NG)
                def _():
                    g_gather(g + jj + 2, gb).start()

                if jj % 2 == 1:
                    w_write(g + jj - 1, wb).start()

        w_write(NG - 4, 0).wait()
        w_write(NG - 2, 1).wait()

    return k(feats2d, bcast2d, nbr)


def _tc_flatten(x3d, *, R, B, D, BLK):

    def body(x_ref, o_ref):
        for bb in range(B):
            o_ref[:, pl.ds(bb * D, D)] = x_ref[:, bb, :]

    return pl.pallas_call(
        body,
        grid=(R // BLK,),
        in_specs=[pl.BlockSpec((BLK, B, D), lambda i: (i, 0, 0))],
        out_specs=pl.BlockSpec((BLK, B * D), lambda i: (i, 0)),
        out_shape=jax.ShapeDtypeStruct((R, B * D), jnp.float32),
    )(x3d)


def _tc_linear(x2d, a2d, Wt, b2, *, R, B, D, TOP_K, BLK):
    BD = B * D

    def body(x_ref, a_ref, wt_ref, b_ref, o_ref):
        w1 = wt_ref[:D, :]
        w2 = wt_ref[D:, :]
        for bb in range(B):
            sl = pl.ds(bb * D, D)
            o_ref[:, bb, :] = (
                jnp.dot(x_ref[:, sl], w1, preferred_element_type=jnp.float32)
                + jnp.dot(a_ref[:, sl] * (1.0 / TOP_K), w2,
                          preferred_element_type=jnp.float32)
                + b_ref[...]
            )

    return pl.pallas_call(
        body,
        grid=(R // BLK,),
        in_specs=[
            pl.BlockSpec((BLK, BD), lambda i: (i, 0)),
            pl.BlockSpec((BLK, BD), lambda i: (i, 0)),
            pl.BlockSpec((2 * D, D), lambda i: (0, 0)),
            pl.BlockSpec((1, D), lambda i: (0, 0)),
        ],
        out_specs=pl.BlockSpec((BLK, B, D), lambda i: (i, 0, 0)),
        out_shape=jax.ShapeDtypeStruct((R, B, D), jnp.float32),
    )(x2d, a2d, Wt, b2)


def kernel(bcast_by_region, feats_by_region, neighbor_indices, W, b):
    R, B, D = bcast_by_region.shape
    K = neighbor_indices.shape[1]
    TOP_K = 4
    BD = B * D
    NW = 32

    feats2d = feats_by_region.reshape(R, BD)
    bcast2d = _tc_flatten(bcast_by_region, R=R, B=B, D=D, BLK=512)

    agg2d = _sc_agg(feats2d, bcast2d, neighbor_indices,
                    R=R, BD=BD, K=K, TOP_K=TOP_K, NW=NW)

    return _tc_linear(bcast2d, agg2d, W.T, b.reshape(1, D),
                      R=R, B=B, D=D, TOP_K=TOP_K, BLK=512)

# --- scband reference (transcript-rebuilt; emitter-appended) ---
"""Pipeline reference for scband-broadcast-router-45999099740170 (READ-ONLY COPY).

The authoritative reference and input builder live on the scoring server;
editing this copy changes nothing except your own understanding.
"""

import jax, jax.numpy as jnp
import numpy as np

R, B, D, K, TOP_K = 4096, 4, 256, 16, 4

def setup_inputs(seed: int = 0) -> dict:
    key = jax.random.key(seed)
    k1, k2, k3, k4, k5 = jax.random.split(key, 5)
    bcast = jax.random.normal(k1, (R, B, D), dtype=jnp.float32)
    feats = jax.random.normal(k2, (R, B, D), dtype=jnp.float32)
    nbr = jax.random.randint(k3, (R, K), 0, R, dtype=jnp.int32)
    W = jax.random.normal(k4, (D, 2 * D), dtype=jnp.float32) * (1.0 / np.sqrt(2 * D))
    b = jax.random.normal(k5, (D,), dtype=jnp.float32) * 0.01
    return {"bcast_by_region": bcast, "feats_by_region": feats, "neighbor_indices": nbr, "W": W, "b": b}

def reference(bcast_by_region, feats_by_region, neighbor_indices, W, b):
    # gather candidate neighbor features: [R, K, B, D]
    nbr_feats = jnp.take(feats_by_region, neighbor_indices, axis=0)
    # similarity = mean over (B, D) of elementwise product, as in torch (hr * feats[j]).mean()
    sims = jnp.mean(feats_by_region[:, None, :, :] * nbr_feats, axis=(2, 3))  # [R, K]
    # select top_k neighbors per region (K=16 > top_k=4 always, matching torch branch)
    _, top_idx = jax.lax.top_k(sims, TOP_K)  # [R, TOP_K]
    sel = jnp.take_along_axis(neighbor_indices, top_idx, axis=1)  # [R, TOP_K]
    # aggregate broadcast vectors of selected neighbors
    agg = jnp.mean(jnp.take(bcast_by_region, sel, axis=0), axis=1)  # [R, B, D]
    cat = jnp.concatenate([bcast_by_region, agg], axis=-1)  # [R, B, 2D]
    out = cat @ W.T + b  # nn.Linear
    return out

if __name__ == "__main__":
    import jax
    _d = setup_inputs()
    print(jax.jit(kernel)(*tuple(_d.values())))

</pallas_src>

<mosaic_0001>
#map = affine_map<(d0, d1) -> (0, 0)>
module attributes {stable_mosaic.version = 14 : i64} {
  func.func @k(%arg0: i32, %arg1: i32, %arg2: memref<4096x1024xf32, #tpu.memory_space<hbm>>, %arg3: memref<4096x1024xf32, #tpu.memory_space<hbm>>, %arg4: memref<4096x16xi32, #tpu.memory_space<hbm>>, %arg5: memref<4096x1024xf32, #tpu.memory_space<hbm>>, %arg6: memref<128x16xi32, #tpu.memory_space<vmem>>, %arg7: memref<32x1024xf32, #tpu.memory_space<vmem>>, %arg8: memref<4x16x1024xf32, #tpu.memory_space<vmem>>, %arg9: memref<32x16xi32, #tpu.memory_space<vmem>>, %arg10: memref<!tpu.dma_semaphore, #tpu.memory_space<semaphore_mem>>, %arg11: memref<!tpu.dma_semaphore, #tpu.memory_space<semaphore_mem>>, %arg12: memref<!tpu.dma_semaphore, #tpu.memory_space<semaphore_mem>>, %arg13: memref<!tpu.dma_semaphore, #tpu.memory_space<semaphore_mem>>, %arg14: memref<!tpu.dma_semaphore, #tpu.memory_space<semaphore_mem>>, %arg15: memref<!tpu.dma_semaphore, #tpu.memory_space<semaphore_mem>>, %arg16: memref<!tpu.dma_semaphore, #tpu.memory_space<semaphore_mem>>, %arg17: memref<!tpu.dma_semaphore, #tpu.memory_space<semaphore_mem>>) attributes {dimension_semantics = [#tpu.dimension_semantics<core_parallel>, #tpu.dimension_semantics<subcore_parallel>], iteration_bounds = array<i64: 2, 16>, scalar_prefetch = 0 : i64, scratch_operands = 12 : i64, tpu.core_type = #tpu.core_type<sc_vector_subcore>, window_params = [{transform_indices = #map}, {transform_indices = #map}, {transform_indices = #map}, {transform_indices = #map}]} {
    %mul3A = arith.constant 16 : i32
    %mul3A_0 = arith.muli %arg0, %mul3A : i32
    %add3A = arith.addi %mul3A_0, %arg1 : i32
    %mul3A_1 = arith.constant 128 : i32
    %mul3A_2 = arith.muli %add3A, %mul3A_1 : i32
    "tpu.region"() ({
      %run_scoped3A = tpu.sem_alloc : memref<!tpu.dma_semaphore, #tpu.memory_space<semaphore_mem>>
      %dma_start3A_114 = arith.constant 0 : i32
      %dma_start3A_115 = tpu.memref_slice %arg4[%mul3A_2, %dma_start3A_114] : memref<4096x16xi32, #tpu.memory_space<hbm>> -> memref<128x16xi32, #tpu.memory_space<hbm>>
      %dma_start3A_116 = arith.constant 0 : i32
      %dma_start3A_117 = tpu.memref_slice %arg4[%mul3A_2, %dma_start3A_116] : memref<4096x16xi32, #tpu.memory_space<hbm>> -> memref<128x16xi32, #tpu.memory_space<hbm>>
      tpu.enqueue_dma source(%dma_start3A_117 : memref<128x16xi32, #tpu.memory_space<hbm>>) target(%arg6 : memref<128x16xi32, #tpu.memory_space<vmem>>) target_semaphore(%run_scoped3A : memref<!tpu.dma_semaphore, #tpu.memory_space<semaphore_mem>>)
      %dma_wait3A_118 = arith.constant 0 : i32
      %dma_wait3A_119 = tpu.memref_slice %arg4[%mul3A_2, %dma_wait3A_118] : memref<4096x16xi32, #tpu.memory_space<hbm>> -> memref<128x16xi32, #tpu.memory_space<hbm>>
      %dma_wait3A_120 = arith.constant 0 : i32
      %dma_wait3A_121 = tpu.memref_slice %arg4[%mul3A_2, %dma_wait3A_120] : memref<4096x16xi32, #tpu.memory_space<hbm>> -> memref<128x16xi32, #tpu.memory_space<hbm>>
      tpu.wait_dma2 semaphore(%run_scoped3A : memref<!tpu.dma_semaphore, #tpu.memory_space<semaphore_mem>>) src(%dma_wait3A_121 : memref<128x16xi32, #tpu.memory_space<hbm>>) dst(%arg6 : memref<128x16xi32, #tpu.memory_space<vmem>>)
      tpu.yield
    }) : () -> ()
    %iota3A = tpu.iota {dimensions = array<i32: 0>} : vector<16xi32>
    %broadcast_in_dim3A = arith.constant 0.000000e+00 : f32
    %broadcast_in_dim3A_3 = vector.broadcast %broadcast_in_dim3A : f32 to vector<16xf32>
    %dma_start3A = arith.constant 0 : i32
    %dma_start3A_4 = arith.constant 0 : i32
    %dma_start3A_5 = arith.constant 0 : i32
    %dma_start3A_6 = arith.constant 0 : i32
    %dma_start3A_7 = tpu.memref_slice %arg8[%dma_start3A_4, %dma_start3A_5, %dma_start3A_6] : memref<4x16x1024xf32, #tpu.memory_space<vmem>> -> memref<1x16x1024xf32, #tpu.memory_space<vmem>>
    %dma_start3A_8 = tpu.memref_squeeze %dma_start3A_7 : memref<1x16x1024xf32, #tpu.memory_space<vmem>> -> memref<16x1024xf32, #tpu.memory_space<vmem>>
    %dma_start3A_9 = arith.constant 0 : i32
    %dma_start3A_10 = tpu.memref_slice %arg6[%dma_start3A, %dma_start3A_9] : memref<128x16xi32, #tpu.memory_space<vmem>> -> memref<1x16xi32, #tpu.memory_space<vmem>>
    %dma_start3A_11 = tpu.memref_squeeze %dma_start3A_10 : memref<1x16xi32, #tpu.memory_space<vmem>> -> memref<16xi32, #tpu.memory_space<vmem>>
    %dma_start3A_12 = arith.constant 0 : i32
    %dma_start3A_13 = arith.constant 0 : i32
    %dma_start3A_14 = tpu.memref_slice %arg2[%dma_start3A_12, %dma_start3A_13] : memref<4096x1024xf32, #tpu.memory_space<hbm>> -> memref<4096x1024xf32, #tpu.memory_space<hbm>>
    tpu.enqueue_indirect_dma source(%dma_start3A_14 : memref<4096x1024xf32, #tpu.memory_space<hbm>>) target(%dma_start3A_8 : memref<16x1024xf32, #tpu.memory_space<vmem>>) offsets(%dma_start3A_11 : memref<16xi32, #tpu.memory_space<vmem>>) semaphore(%arg10 : memref<!tpu.dma_semaphore, #tpu.memory_space<semaphore_mem>>)
    %dma_start3A_15 = arith.constant 1 : i32
    %dma_start3A_16 = arith.constant 1 : i32
    %dma_start3A_17 = arith.constant 0 : i32
    %dma_start3A_18 = arith.constant 0 : i32
    %dma_start3A_19 = tpu.memref_slice %arg8[%dma_start3A_16, %dma_start3A_17, %dma_start3A_18] : memref<4x16x1024xf32, #tpu.memory_space<vmem>> -> memref<1x16x1024xf32, #tpu.memory_space<vmem>>
    %dma_start3A_20 = tpu.memref_squeeze %dma_start3A_19 : memref<1x16x1024xf32, #tpu.memory_space<vmem>> -> memref<16x1024xf32, #tpu.memory_space<vmem>>
    %dma_start3A_21 = arith.constant 0 : i32
    %dma_start3A_22 = tpu.memref_slice %arg6[%dma_start3A_15, %dma_start3A_21] : memref<128x16xi32, #tpu.memory_space<vmem>> -> memref<1x16xi32, #tpu.memory_space<vmem>>
    %dma_start3A_23 = tpu.memref_squeeze %dma_start3A_22 : memref<1x16xi32, #tpu.memory_space<vmem>> -> memref<16xi32, #tpu.memory_space<vmem>>
    %dma_start3A_24 = arith.constant 0 : i32
    %dma_start3A_25 = arith.constant 0 : i32
    %dma_start3A_26 = tpu.memref_slice %arg2[%dma_start3A_24, %dma_start3A_25] : memref<4096x1024xf32, #tpu.memory_space<hbm>> -> memref<4096x1024xf32, #tpu.memory_space<hbm>>
    tpu.enqueue_indirect_dma source(%dma_start3A_26 : memref<4096x1024xf32, #tpu.memory_space<hbm>>) target(%dma_start3A_20 : memref<16x1024xf32, #tpu.memory_space<vmem>>) offsets(%dma_start3A_23 : memref<16xi32, #tpu.memory_space<vmem>>) semaphore(%arg11 : memref<!tpu.dma_semaphore, #tpu.memory_space<semaphore_mem>>)
    %dma_start3A_27 = arith.constant 2 : i32
    %dma_start3A_28 = arith.constant 2 : i32
    %dma_start3A_29 = arith.constant 0 : i32
    %dma_start3A_30 = arith.constant 0 : i32
    %dma_start3A_31 = tpu.memref_slice %arg8[%dma_start3A_28, %dma_start3A_29, %dma_start3A_30] : memref<4x16x1024xf32, #tpu.memory_space<vmem>> -> memref<1x16x1024xf32, #tpu.memory_space<vmem>>
    %dma_start3A_32 = tpu.memref_squeeze %dma_start3A_31 : memref<1x16x1024xf32, #tpu.memory_space<vmem>> -> memref<16x1024xf32, #tpu.memory_space<vmem>>
    %dma_start3A_33 = arith.constant 0 : i32
    %dma_start3A_34 = tpu.memref_slice %arg6[%dma_start3A_27, %dma_start3A_33] : memref<128x16xi32, #tpu.memory_space<vmem>> -> memref<1x16xi32, #tpu.memory_space<vmem>>
    %dma_start3A_35 = tpu.memref_squeeze %dma_start3A_34 : memref<1x16xi32, #tpu.memory_space<vmem>> -> memref<16xi32, #tpu.memory_space<vmem>>
    %dma_start3A_36 = arith.constant 0 : i32
    %dma_start3A_37 = arith.constant 0 : i32
    %dma_start3A_38 = tpu.memref_slice %arg2[%dma_start3A_36, %dma_start3A_37] : memref<4096x1024xf32, #tpu.memory_space<hbm>> -> memref<4096x1024xf32, #tpu.memory_space<hbm>>
    tpu.enqueue_indirect_dma source(%dma_start3A_38 : memref<4096x1024xf32, #tpu.memory_space<hbm>>) target(%dma_start3A_32 : memref<16x1024xf32, #tpu.memory_space<vmem>>) offsets(%dma_start3A_35 : memref<16xi32, #tpu.memory_space<vmem>>) semaphore(%arg12 : memref<!tpu.dma_semaphore, #tpu.memory_space<semaphore_mem>>)
    %dma_start3A_39 = arith.constant 3 : i32
    %dma_start3A_40 = arith.constant 3 : i32
    %dma_start3A_41 = arith.constant 0 : i32
    %dma_start3A_42 = arith.constant 0 : i32
    %dma_start3A_43 = tpu.memref_slice %arg8[%dma_start3A_40, %dma_start3A_41, %dma_start3A_42] : memref<4x16x1024xf32, #tpu.memory_space<vmem>> -> memref<1x16x1024xf32, #tpu.memory_space<vmem>>
    %dma_start3A_44 = tpu.memref_squeeze %dma_start3A_43 : memref<1x16x1024xf32, #tpu.memory_space<vmem>> -> memref<16x1024xf32, #tpu.memory_space<vmem>>
    %dma_start3A_45 = arith.constant 0 : i32
    %dma_start3A_46 = tpu.memref_slice %arg6[%dma_start3A_39, %dma_start3A_45] : memref<128x16xi32, #tpu.memory_space<vmem>> -> memref<1x16xi32, #tpu.memory_space<vmem>>
    %dma_start3A_47 = tpu.memref_squeeze %dma_start3A_46 : memref<1x16xi32, #tpu.memory_space<vmem>> -> memref<16xi32, #tpu.memory_space<vmem>>
    %dma_start3A_48 = arith.constant 0 : i32
    %dma_start3A_49 = arith.constant 0 : i32
    %dma_start3A_50 = tpu.memref_slice %arg2[%dma_start3A_48, %dma_start3A_49] : memref<4096x1024xf32, #tpu.memory_space<hbm>> -> memref<4096x1024xf32, #tpu.memory_space<hbm>>
    tpu.enqueue_indirect_dma source(%dma_start3A_50 : memref<4096x1024xf32, #tpu.memory_space<hbm>>) target(%dma_start3A_44 : memref<16x1024xf32, #tpu.memory_space<vmem>>) offsets(%dma_start3A_47 : memref<16xi32, #tpu.memory_space<vmem>>) semaphore(%arg13 : memref<!tpu.dma_semaphore, #tpu.memory_space<semaphore_mem>>)
    %scan3A = arith.constant 0 : i32
    %scan3A_51 = arith.constant 32 : i32
    %scan3A_52 = arith.addi %scan3A, %scan3A_51 : i32
    %scan3A_53 = arith.constant 1 : i32
    scf.for %scan3A_114 = %scan3A to %scan3A_52 step %scan3A_53  : i32 {
      %mul3A_115 = arith.constant 4 : i32
      %mul3A_116 = arith.muli %scan3A_114, %mul3A_115 : i32
      %add3A_117 = arith.constant 0 : i32
      %add3A_118 = arith.addi %add3A_117, %mul3A_116 : i32
      %rem3A = arith.constant 32 : i32
      %rem3A_119 = arith.remsi %add3A_118, %rem3A : i32
      %eq3A = arith.constant 0 : i32
      %eq3A_120 = arith.cmpi eq, %rem3A_119, %eq3A : i32
      %convert_element_type3A = arith.extui %eq3A_120 : i1 to i32
      %cond3A = arith.constant 0 : i32
      %cond3A_121 = arith.cmpi ne, %convert_element_type3A, %cond3A : i32
      scf.if %cond3A_121 {
        %add3A_987 = arith.addi %mul3A_2, %add3A_118 : i32
        %multiple_of3A_988 = tpu.assume_multiple %add3A_987, 32 : i32
        "tpu.region"() ({
          %run_scoped3A = tpu.sem_alloc : memref<!tpu.dma_semaphore, #tpu.memory_space<semaphore_mem>>
          %dma_start3A_989 = arith.constant 0 : i32
          %dma_start3A_990 = tpu.memref_slice %arg2[%multiple_of3A_988, %dma_start3A_989] : memref<4096x1024xf32, #tpu.memory_space<hbm>> -> memref<32x1024xf32, #tpu.memory_space<hbm>>
          %dma_start3A_991 = arith.constant 0 : i32
          %dma_start3A_992 = tpu.memref_slice %arg2[%multiple_of3A_988, %dma_start3A_991] : memref<4096x1024xf32, #tpu.memory_space<hbm>> -> memref<32x1024xf32, #tpu.memory_space<hbm>>
          tpu.enqueue_dma source(%dma_start3A_992 : memref<32x1024xf32, #tpu.memory_space<hbm>>) target(%arg7 : memref<32x1024xf32, #tpu.memory_space<vmem>>) target_semaphore(%run_scoped3A : memref<!tpu.dma_semaphore, #tpu.memory_space<semaphore_mem>>)
          %dma_wait3A_993 = arith.constant 0 : i32
          %dma_wait3A_994 = tpu.memref_slice %arg2[%multiple_of3A_988, %dma_wait3A_993] : memref<4096x1024xf32, #tpu.memory_space<hbm>> -> memref<32x1024xf32, #tpu.memory_space<hbm>>
          %dma_wait3A_995 = arith.constant 0 : i32
          %dma_wait3A_996 = tpu.memref_slice %arg2[%multiple_of3A_988, %dma_wait3A_995] : memref<4096x1024xf32, #tpu.memory_space<hbm>> -> memref<32x1024xf32, #tpu.memory_space<hbm>>
          tpu.wait_dma2 semaphore(%run_scoped3A : memref<!tpu.dma_semaphore, #tpu.memory_space<semaphore_mem>>) src(%dma_wait3A_996 : memref<32x1024xf32, #tpu.memory_space<hbm>>) dst(%arg7 : memref<32x1024xf32, #tpu.memory_space<vmem>>)
          tpu.yield
        }) : () -> ()
      } else {
      }
      %add3A_122 = arith.constant 0 : i32
      %add3A_123 = arith.addi %add3A_118, %add3A_122 : i32
      %dma_wait3A_124 = arith.constant 0 : i32
      %dma_wait3A_125 = arith.constant 0 : i32
      %dma_wait3A_126 = arith.constant 0 : i32
      %dma_wait3A_127 = tpu.memref_slice %arg8[%dma_wait3A_124, %dma_wait3A_125, %dma_wait3A_126] : memref<4x16x1024xf32, #tpu.memory_space<vmem>> -> memref<1x16x1024xf32, #tpu.memory_space<vmem>>
      %dma_wait3A_128 = tpu.memref_squeeze %dma_wait3A_127 : memref<1x16x1024xf32, #tpu.memory_space<vmem>> -> memref<16x1024xf32, #tpu.memory_space<vmem>>
      %dma_wait3A_129 = arith.constant 0 : i32
      %dma_wait3A_130 = tpu.memref_slice %arg6[%add3A_123, %dma_wait3A_129] : memref<128x16xi32, #tpu.memory_space<vmem>> -> memref<1x16xi32, #tpu.memory_space<vmem>>
      %dma_wait3A_131 = tpu.memref_squeeze %dma_wait3A_130 : memref<1x16xi32, #tpu.memory_space<vmem>> -> memref<16xi32, #tpu.memory_space<vmem>>
      %dma_wait3A_132 = arith.constant 0 : i32
      %dma_wait3A_133 = arith.constant 0 : i32
      %dma_wait3A_134 = tpu.memref_slice %arg2[%dma_wait3A_132, %dma_wait3A_133] : memref<4096x1024xf32, #tpu.memory_space<hbm>> -> memref<4096x1024xf32, #tpu.memory_space<hbm>>
      tpu.wait_indirect_dma semaphore(%arg10 : memref<!tpu.dma_semaphore, #tpu.memory_space<semaphore_mem>>) src(%dma_wait3A_134 : memref<4096x1024xf32, #tpu.memory_space<hbm>>) dst(%dma_wait3A_128 : memref<16x1024xf32, #tpu.memory_space<vmem>>)
      %scan3A_135 = arith.constant 0 : i32
      %scan3A_136 = arith.constant 64 : i32
      %scan3A_137 = arith.addi %scan3A_135, %scan3A_136 : i32
      %scan3A_138 = arith.constant 2 : i32
      %scan3A_139:16 = scf.for %scan3A_987 = %scan3A_135 to %scan3A_137 step %scan3A_138 iter_args(%scan3A_988 = %broadcast_in_dim3A_3, %scan3A_989 = %broadcast_in_dim3A_3, %scan3A_990 = %broadcast_in_dim3A_3, %scan3A_991 = %broadcast_in_dim3A_3, %scan3A_992 = %broadcast_in_dim3A_3, %scan3A_993 = %broadcast_in_dim3A_3, %scan3A_994 = %broadcast_in_dim3A_3, %scan3A_995 = %broadcast_in_dim3A_3, %scan3A_996 = %broadcast_in_dim3A_3, %scan3A_997 = %broadcast_in_dim3A_3, %scan3A_998 = %broadcast_in_dim3A_3, %scan3A_999 = %broadcast_in_dim3A_3, %scan3A_1000 = %broadcast_in_dim3A_3, %scan3A_1001 = %broadcast_in_dim3A_3, %scan3A_1002 = %broadcast_in_dim3A_3, %scan3A_1003 = %broadcast_in_dim3A_3) -> (vector<16xf32>, vector<16xf32>, vector<16xf32>, vector<16xf32>, vector<16xf32>, vector<16xf32>, vector<16xf32>, vector<16xf32>, vector<16xf32>, vector<16xf32>, vector<16xf32>, vector<16xf32>, vector<16xf32>, vector<16xf32>, vector<16xf32>, vector<16xf32>)  : i32 {
        %add3A_1004 = arith.constant 0 : i32
        %add3A_1005 = arith.addi %add3A_118, %add3A_1004 : i32
        %rem3A_1006 = arith.constant 32 : i32
        %rem3A_1007 = arith.remsi %add3A_1005, %rem3A_1006 : i32
        %mul3A_1008 = arith.constant 16 : i32
        %mul3A_1009 = arith.muli %scan3A_987, %mul3A_1008 : i32
        %get3A_1010 = arith.index_cast %rem3A_1007 : i32 to index
        %get3A_1011 = arith.index_cast %mul3A_1009 : i32 to index
        %get3A_1012 = tpu.vector_load %arg7[%get3A_1010, %get3A_1011] {strides = array<i32>} : memref<32x1024xf32, #tpu.memory_space<vmem>>, vector<16xf32>,
        %mul3A_1013 = arith.constant 16 : i32
        %mul3A_1014 = arith.muli %scan3A_987, %mul3A_1013 : i32
        %get3A_1015 = arith.constant 0 : i32
        %get3A_1016 = arith.constant 0 : i32
        %get3A_1017 = arith.index_cast %get3A_1015 : i32 to index
        %get3A_1018 = arith.index_cast %get3A_1016 : i32 to index
        %get3A_1019 = arith.index_cast %mul3A_1014 : i32 to index
        %get3A_1020 = tpu.vector_load %arg8[%get3A_1017, %get3A_1018, %get3A_1019] {strides = array<i32>} : memref<4x16x1024xf32, #tpu.memory_space<vmem>>, vector<16xf32>,
        %mul3A_1021 = arith.mulf %get3A_1012, %get3A_1020 : vector<16xf32>
        %add3A_1022 = arith.addf %scan3A_988, %mul3A_1021 : vector<16xf32>
        %mul3A_1023 = arith.constant 16 : i32
        %mul3A_1024 = arith.muli %scan3A_987, %mul3A_1023 : i32
        %get3A_1025 = arith.constant 0 : i32
        %get3A_1026 = arith.constant 1 : i32
        %get3A_1027 = arith.index_cast %get3A_1025 : i32 to index
        %get3A_1028 = arith.index_cast %get3A_1026 : i32 to index
        %get3A_1029 = arith.index_cast %mul3A_1024 : i32 to index
        %get3A_1030 = tpu.vector_load %arg8[%get3A_1027, %get3A_1028, %get3A_1029] {strides = array<i32>} : memref<4x16x1024xf32, #tpu.memory_space<vmem>>, vector<16xf32>,
        %mul3A_1031 = arith.mulf %get3A_1012, %get3A_1030 : vector<16xf32>
        %add3A_1032 = arith.addf %scan3A_989, %mul3A_1031 : vector<16xf32>
        %mul3A_1033 = arith.constant 16 : i32
        %mul3A_1034 = arith.muli %scan3A_987, %mul3A_1033 : i32
        %get3A_1035 = arith.constant 0 : i32
        %get3A_1036 = arith.constant 2 : i32
        %get3A_1037 = arith.index_cast %get3A_1035 : i32 to index
        %get3A_1038 = arith.index_cast %get3A_1036 : i32 to index
        %get3A_1039 = arith.index_cast %mul3A_1034 : i32 to index
        %get3A_1040 = tpu.vector_load %arg8[%get3A_1037, %get3A_1038, %get3A_1039] {strides = array<i32>} : memref<4x16x1024xf32, #tpu.memory_space<vmem>>, vector<16xf32>,
        %mul3A_1041 = arith.mulf %get3A_1012, %get3A_1040 : vector<16xf32>
        %add3A_1042 = arith.addf %scan3A_990, %mul3A_1041 : vector<16xf32>
        %mul3A_1043 = arith.constant 16 : i32
        %mul3A_1044 = arith.muli %scan3A_987, %mul3A_1043 : i32
        %get3A_1045 = arith.constant 0 : i32
        %get3A_1046 = arith.constant 3 : i32
        %get3A_1047 = arith.index_cast %get3A_1045 : i32 to index
        %get3A_1048 = arith.index_cast %get3A_1046 : i32 to index
        %get3A_1049 = arith.index_cast %mul3A_1044 : i32 to index
        %get3A_1050 = tpu.vector_load %arg8[%get3A_1047, %get3A_1048, %get3A_1049] {strides = array<i32>} : memref<4x16x1024xf32, #tpu.memory_space<vmem>>, vector<16xf32>,
        %mul3A_1051 = arith.mulf %get3A_1012, %get3A_1050 : vector<16xf32>
        %add3A_1052 = arith.addf %scan3A_991, %mul3A_1051 : vector<16xf32>
        %mul3A_1053 = arith.constant 16 : i32
        %mul3A_1054 = arith.muli %scan3A_987, %mul3A_1053 : i32
        %get3A_1055 = arith.constant 0 : i32
        %get3A_1056 = arith.constant 4 : i32
        %get3A_1057 = arith.index_cast %get3A_1055 : i32 to index
        %get3A_1058 = arith.index_cast %get3A_1056 : i32 to index
        %get3A_1059 = arith.index_cast %mul3A_1054 : i32 to index
        %get3A_1060 = tpu.vector_load %arg8[%get3A_1057, %get3A_1058, %get3A_1059] {strides = array<i32>} : memref<4x16x1024xf32, #tpu.memory_space<vmem>>, vector<16xf32>,
        %mul3A_1061 = arith.mulf %get3A_1012, %get3A_1060 : vector<16xf32>
        %add3A_1062 = arith.addf %scan3A_992, %mul3A_1061 : vector<16xf32>
        %mul3A_1063 = arith.constant 16 : i32
        %mul3A_1064 = arith.muli %scan3A_987, %mul3A_1063 : i32
        %get3A_1065 = arith.constant 0 : i32
        %get3A_1066 = arith.constant 5 : i32
        %get3A_1067 = arith.index_cast %get3A_1065 : i32 to index
        %get3A_1068 = arith.index_cast %get3A_1066 : i32 to index
        %get3A_1069 = arith.index_cast %mul3A_1064 : i32 to index
        %get3A_1070 = tpu.vector_load %arg8[%get3A_1067, %get3A_1068, %get3A_1069] {strides = array<i32>} : memref<4x16x1024xf32, #tpu.memory_space<vmem>>, vector<16xf32>,
        %mul3A_1071 = arith.mulf %get3A_1012, %get3A_1070 : vector<16xf32>
        %add3A_1072 = arith.addf %scan3A_993, %mul3A_1071 : vector<16xf32>
        %mul3A_1073 = arith.constant 16 : i32
        %mul3A_1074 = arith.muli %scan3A_987, %mul3A_1073 : i32
        %get3A_1075 = arith.constant 0 : i32
        %get3A_1076 = arith.constant 6 : i32
        %get3A_1077 = arith.index_cast %get3A_1075 : i32 to index
        %get3A_1078 = arith.index_cast %get3A_1076 : i32 to index
        %get3A_1079 = arith.index_cast %mul3A_1074 : i32 to index
        %get3A_1080 = tpu.vector_load %arg8[%get3A_1077, %get3A_1078, %get3A_1079] {strides = array<i32>} : memref<4x16x1024xf32, #tpu.memory_space<vmem>>, vector<16xf32>,
        %mul3A_1081 = arith.mulf %get3A_1012, %get3A_1080 : vector<16xf32>
        %add3A_1082 = arith.addf %scan3A_994, %mul3A_1081 : vector<16xf32>
        %mul3A_1083 = arith.constant 16 : i32
        %mul3A_1084 = arith.muli %scan3A_987, %mul3A_1083 : i32
        %get3A_1085 = arith.constant 0 : i32
        %get3A_1086 = arith.constant 7 : i32
        %get3A_1087 = arith.index_cast %get3A_1085 : i32 to index
        %get3A_1088 = arith.index_cast %get3A_1086 : i32 to index
        %get3A_1089 = arith.index_cast %mul3A_1084 : i32 to index
        %get3A_1090 = tpu.vector_load %arg8[%get3A_1087, %get3A_1088, %get3A_1089] {strides = array<i32>} : memref<4x16x1024xf32, #tpu.memory_space<vmem>>, vector<16xf32>,
        %mul3A_1091 = arith.mulf %get3A_1012, %get3A_1090 : vector<16xf32>
        %add3A_1092 = arith.addf %scan3A_995, %mul3A_1091 : vector<16xf32>
        %mul3A_1093 = arith.constant 16 : i32
        %mul3A_1094 = arith.muli %scan3A_987, %mul3A_1093 : i32
        %get3A_1095 = arith.constant 0 : i32
        %get3A_1096 = arith.constant 8 : i32
        %get3A_1097 = arith.index_cast %get3A_1095 : i32 to index
        %get3A_1098 = arith.index_cast %get3A_1096 : i32 to index
        %get3A_1099 = arith.index_cast %mul3A_1094 : i32 to index
        %get3A_1100 = tpu.vector_load %arg8[%get3A_1097, %get3A_1098, %get3A_1099] {strides = array<i32>} : memref<4x16x1024xf32, #tpu.memory_space<vmem>>, vector<16xf32>,
        %mul3A_1101 = arith.mulf %get3A_1012, %get3A_1100 : vector<16xf32>
        %add3A_1102 = arith.addf %scan3A_996, %mul3A_1101 : vector<16xf32>
        %mul3A_1103 = arith.constant 16 : i32
        %mul3A_1104 = arith.muli %scan3A_987, %mul3A_1103 : i32
        %get3A_1105 = arith.constant 0 : i32
        %get3A_1106 = arith.constant 9 : i32
        %get3A_1107 = arith.index_cast %get3A_1105 : i32 to index
        %get3A_1108 = arith.index_cast %get3A_1106 : i32 to index
        %get3A_1109 = arith.index_cast %mul3A_1104 : i32 to index
        %get3A_1110 = tpu.vector_load %arg8[%get3A_1107, %get3A_1108, %get3A_1109] {strides = array<i32>} : memref<4x16x1024xf32, #tpu.memory_space<vmem>>, vector<16xf32>,
        %mul3A_1111 = arith.mulf %get3A_1012, %get3A_1110 : vector<16xf32>
        %add3A_1112 = arith.addf %scan3A_997, %mul3A_1111 : vector<16xf32>
        %mul3A_1113 = arith.constant 16 : i32
        %mul3A_1114 = arith.muli %scan3A_987, %mul3A_1113 : i32
        %get3A_1115 = arith.constant 0 : i32
        %get3A_1116 = arith.constant 10 : i32
        %get3A_1117 = arith.index_cast %get3A_1115 : i32 to index
        %get3A_1118 = arith.index_cast %get3A_1116 : i32 to index
        %get3A_1119 = arith.index_cast %mul3A_1114 : i32 to index
        %get3A_1120 = tpu.vector_load %arg8[%get3A_1117, %get3A_1118, %get3A_1119] {strides = array<i32>} : memref<4x16x1024xf32, #tpu.memory_space<vmem>>, vector<16xf32>,
        %mul3A_1121 = arith.mulf %get3A_1012, %get3A_1120 : vector<16xf32>
        %add3A_1122 = arith.addf %scan3A_998, %mul3A_1121 : vector<16xf32>
        %mul3A_1123 = arith.constant 16 : i32
        %mul3A_1124 = arith.muli %scan3A_987, %mul3A_1123 : i32
        %get3A_1125 = arith.constant 0 : i32
        %get3A_1126 = arith.constant 11 : i32
        %get3A_1127 = arith.index_cast %get3A_1125 : i32 to index
        %get3A_1128 = arith.index_cast %get3A_1126 : i32 to index
        %get3A_1129 = arith.index_cast %mul3A_1124 : i32 to index
        %get3A_1130 = tpu.vector_load %arg8[%get3A_1127, %get3A_1128, %get3A_1129] {strides = array<i32>} : memref<4x16x1024xf32, #tpu.memory_space<vmem>>, vector<16xf32>,
        %mul3A_1131 = arith.mulf %get3A_1012, %get3A_1130 : vector<16xf32>
        %add3A_1132 = arith.addf %scan3A_999, %mul3A_1131 : vector<16xf32>
        %mul3A_1133 = arith.constant 16 : i32
        %mul3A_1134 = arith.muli %scan3A_987, %mul3A_1133 : i32
        %get3A_1135 = arith.constant 0 : i32
        %get3A_1136 = arith.constant 12 : i32
        %get3A_1137 = arith.index_cast %get3A_1135 : i32 to index
        %get3A_1138 = arith.index_cast %get3A_1136 : i32 to index
        %get3A_1139 = arith.index_cast %mul3A_1134 : i32 to index
        %get3A_1140 = tpu.vector_load %arg8[%get3A_1137, %get3A_1138, %get3A_1139] {strides = array<i32>} : memref<4x16x1024xf32, #tpu.memory_space<vmem>>, vector<16xf32>,
        %mul3A_1141 = arith.mulf %get3A_1012, %get3A_1140 : vector<16xf32>
        %add3A_1142 = arith.addf %scan3A_1000, %mul3A_1141 : vector<16xf32>
        %mul3A_1143 = arith.constant 16 : i32
        %mul3A_1144 = arith.muli %scan3A_987, %mul3A_1143 : i32
        %get3A_1145 = arith.constant 0 : i32
        %get3A_1146 = arith.constant 13 : i32
        %get3A_1147 = arith.index_cast %get3A_1145 : i32 to index
        %get3A_1148 = arith.index_cast %get3A_1146 : i32 to index
        %get3A_1149 = arith.index_cast %mul3A_1144 : i32 to index
        %get3A_1150 = tpu.vector_load %arg8[%get3A_1147, %get3A_1148, %get3A_1149] {strides = array<i32>} : memref<4x16x1024xf32, #tpu.memory_space<vmem>>, vector<16xf32>,
        %mul3A_1151 = arith.mulf %get3A_1012, %get3A_1150 : vector<16xf32>
        %add3A_1152 = arith.addf %scan3A_1001, %mul3A_1151 : vector<16xf32>
        %mul3A_1153 = arith.constant 16 : i32
        %mul3A_1154 = arith.muli %scan3A_987, %mul3A_1153 : i32
        %get3A_1155 = arith.constant 0 : i32
        %get3A_1156 = arith.constant 14 : i32
        %get3A_1157 = arith.index_cast %get3A_1155 : i32 to index
        %get3A_1158 = arith.index_cast %get3A_1156 : i32 to index
        %get3A_1159 = arith.index_cast %mul3A_1154 : i32 to index
        %get3A_1160 = tpu.vector_load %arg8[%get3A_1157, %get3A_1158, %get3A_1159] {strides = array<i32>} : memref<4x16x1024xf32, #tpu.memory_space<vmem>>, vector<16xf32>,
        %mul3A_1161 = arith.mulf %get3A_1012, %get3A_1160 : vector<16xf32>
        %add3A_1162 = arith.addf %scan3A_1002, %mul3A_1161 : vector<16xf32>
        %mul3A_1163 = arith.constant 16 : i32
        %mul3A_1164 = arith.muli %scan3A_987, %mul3A_1163 : i32
        %get3A_1165 = arith.constant 0 : i32
        %get3A_1166 = arith.constant 15 : i32
        %get3A_1167 = arith.index_cast %get3A_1165 : i32 to index
        %get3A_1168 = arith.index_cast %get3A_1166 : i32 to index
        %get3A_1169 = arith.index_cast %mul3A_1164 : i32 to index
        %get3A_1170 = tpu.vector_load %arg8[%get3A_1167, %get3A_1168, %get3A_1169] {strides = array<i32>} : memref<4x16x1024xf32, #tpu.memory_space<vmem>>, vector<16xf32>,
        %mul3A_1171 = arith.mulf %get3A_1012, %get3A_1170 : vector<16xf32>
        %add3A_1172 = arith.addf %scan3A_1003, %mul3A_1171 : vector<16xf32>
        %scan3A_1173 = arith.constant 1 : i32
        %scan3A_1174 = arith.addi %scan3A_987, %scan3A_1173 : i32
        %add3A_1175 = arith.constant 0 : i32
        %add3A_1176 = arith.addi %add3A_118, %add3A_1175 : i32
        %rem3A_1177 = arith.constant 32 : i32
        %rem3A_1178 = arith.remsi %add3A_1176, %rem3A_1177 : i32
        %mul3A_1179 = arith.constant 16 : i32
        %mul3A_1180 = arith.muli %scan3A_1174, %mul3A_1179 : i32
        %get3A_1181 = arith.index_cast %rem3A_1178 : i32 to index
        %get3A_1182 = arith.index_cast %mul3A_1180 : i32 to index
        %get3A_1183 = tpu.vector_load %arg7[%get3A_1181, %get3A_1182] {strides = array<i32>} : memref<32x1024xf32, #tpu.memory_space<vmem>>, vector<16xf32>,
        %mul3A_1184 = arith.constant 16 : i32
        %mul3A_1185 = arith.muli %scan3A_1174, %mul3A_1184 : i32
        %get3A_1186 = arith.constant 0 : i32
        %get3A_1187 = arith.constant 0 : i32
        %get3A_1188 = arith.index_cast %get3A_1186 : i32 to index
        %get3A_1189 = arith.index_cast %get3A_1187 : i32 to index
        %get3A_1190 = arith.index_cast %mul3A_1185 : i32 to index
        %get3A_1191 = tpu.vector_load %arg8[%get3A_1188, %get3A_1189, %get3A_1190] {strides = array<i32>} : memref<4x16x1024xf32, #tpu.memory_space<vmem>>, vector<16xf32>,
        %mul3A_1192 = arith.mulf %get3A_1183, %get3A_1191 : vector<16xf32>
        %add3A_1193 = arith.addf %add3A_1022, %mul3A_1192 : vector<16xf32>
        %mul3A_1194 = arith.constant 16 : i32
        %mul3A_1195 = arith.muli %scan3A_1174, %mul3A_1194 : i32
        %get3A_1196 = arith.constant 0 : i32
        %get3A_1197 = arith.constant 1 : i32
        %get3A_1198 = arith.index_cast %get3A_1196 : i32 to index
        %get3A_1199 = arith.index_cast %get3A_1197 : i32 to index
        %get3A_1200 = arith.index_cast %mul3A_1195 : i32 to index
        %get3A_1201 = tpu.vector_load %arg8[%get3A_1198, %get3A_1199, %get3A_1200] {strides = array<i32>} : memref<4x16x1024xf32, #tpu.memory_space<vmem>>, vector<16xf32>,
        %mul3A_1202 = arith.mulf %get3A_1183, %get3A_1201 : vector<16xf32>
        %add3A_1203 = arith.addf %add3A_1032, %mul3A_1202 : vector<16xf32>
        %mul3A_1204 = arith.constant 16 : i32
        %mul3A_1205 = arith.muli %scan3A_1174, %mul3A_1204 : i32
        %get3A_1206 = arith.constant 0 : i32
        %get3A_1207 = arith.constant 2 : i32
        %get3A_1208 = arith.index_cast %get3A_1206 : i32 to index
        %get3A_1209 = arith.index_cast %get3A_1207 : i32 to index
        %get3A_1210 = arith.index_cast %mul3A_1205 : i32 to index
        %get3A_1211 = tpu.vector_load %arg8[%get3A_1208, %get3A_1209, %get3A_1210] {strides = array<i32>} : memref<4x16x1024xf32, #tpu.memory_space<vmem>>, vector<16xf32>,
        %mul3A_1212 = arith.mulf %get3A_1183, %get3A_1211 : vector<16xf32>
        %add3A_1213 = arith.addf %add3A_1042, %mul3A_1212 : vector<16xf32>
        %mul3A_1214 = arith.constant 16 : i32
        %mul3A_1215 = arith.muli %scan3A_1174, %mul3A_1214 : i32
        %get3A_1216 = arith.constant 0 : i32
        %get3A_1217 = arith.constant 3 : i32
        %get3A_1218 = arith.index_cast %get3A_1216 : i32 to index
        %get3A_1219 = arith.index_cast %get3A_1217 : i32 to index
        %get3A_1220 = arith.index_cast %mul3A_1215 : i32 to index
        %get3A_1221 = tpu.vector_load %arg8[%get3A_1218, %get3A_1219, %get3A_1220] {strides = array<i32>} : memref<4x16x1024xf32, #tpu.memory_space<vmem>>, vector<16xf32>,
        %mul3A_1222 = arith.mulf %get3A_1183, %get3A_1221 : vector<16xf32>
        %add3A_1223 = arith.addf %add3A_1052, %mul3A_1222 : vector<16xf32>
        %mul3A_1224 = arith.constant 16 : i32
        %mul3A_1225 = arith.muli %scan3A_1174, %mul3A_1224 : i32
        %get3A_1226 = arith.constant 0 : i32
        %get3A_1227 = arith.constant 4 : i32
        %get3A_1228 = arith.index_cast %get3A_1226 : i32 to index
        %get3A_1229 = arith.index_cast %get3A_1227 : i32 to index
        %get3A_1230 = arith.index_cast %mul3A_1225 : i32 to index
        %get3A_1231 = tpu.vector_load %arg8[%get3A_1228, %get3A_1229, %get3A_1230] {strides = array<i32>} : memref<4x16x1024xf32, #tpu.memory_space<vmem>>, vector<16xf32>,
        %mul3A_1232 = arith.mulf %get3A_1183, %get3A_1231 : vector<16xf32>
        %add3A_1233 = arith.addf %add3A_1062, %mul3A_1232 : vector<16xf32>
        %mul3A_1234 = arith.constant 16 : i32
        %mul3A_1235 = arith.muli %scan3A_1174, %mul3A_1234 : i32
        %get3A_1236 = arith.constant 0 : i32
        %get3A_1237 = arith.constant 5 : i32
        %get3A_1238 = arith.index_cast %get3A_1236 : i32 to index
        %get3A_1239 = arith.index_cast %get3A_1237 : i32 to index
        %get3A_1240 = arith.index_cast %mul3A_1235 : i32 to index
        %get3A_1241 = tpu.vector_load %arg8[%get3A_1238, %get3A_1239, %get3A_1240] {strides = array<i32>} : memref<4x16x1024xf32, #tpu.memory_space<vmem>>, vector<16xf32>,
        %mul3A_1242 = arith.mulf %get3A_1183, %get3A_1241 : vector<16xf32>
        %add3A_1243 = arith.addf %add3A_1072, %mul3A_1242 : vector<16xf32>
        %mul3A_1244 = arith.constant 16 : i32
        %mul3A_1245 = arith.muli %scan3A_1174, %mul3A_1244 : i32
        %get3A_1246 = arith.constant 0 : i32
        %get3A_1247 = arith.constant 6 : i32
        %get3A_1248 = arith.index_cast %get3A_1246 : i32 to index
        %get3A_1249 = arith.index_cast %get3A_1247 : i32 to index
        %get3A_1250 = arith.index_cast %mul3A_1245 : i32 to index
        %get3A_1251 = tpu.vector_load %arg8[%get3A_1248, %get3A_1249, %get3A_1250] {strides = array<i32>} : memref<4x16x1024xf32, #tpu.memory_space<vmem>>, vector<16xf32>,
        %mul3A_1252 = arith.mulf %get3A_1183, %get3A_1251 : vector<16xf32>
        %add3A_1253 = arith.addf %add3A_1082, %mul3A_1252 : vector<16xf32>
        %mul3A_1254 = arith.constant 16 : i32
        %mul3A_1255 = arith.muli %scan3A_1174, %mul3A_1254 : i32
        %get3A_1256 = arith.constant 0 : i32
        %get3A_1257 = arith.constant 7 : i32
        %get3A_1258 = arith.index_cast %get3A_1256 : i32 to index
        %get3A_1259 = arith.index_cast %get3A_1257 : i32 to index
        %get3A_1260 = arith.index_cast %mul3A_1255 : i32 to index
        %get3A_1261 = tpu.vector_load %arg8[%get3A_1258, %get3A_1259, %get3A_1260] {strides = array<i32>} : memref<4x16x1024xf32, #tpu.memory_space<vmem>>, vector<16xf32>,
        %mul3A_1262 = arith.mulf %get3A_1183, %get3A_1261 : vector<16xf32>
        %add3A_1263 = arith.addf %add3A_1092, %mul3A_1262 : vector<16xf32>
        %mul3A_1264 = arith.constant 16 : i32
        %mul3A_1265 = arith.muli %scan3A_1174, %mul3A_1264 : i32
        %get3A_1266 = arith.constant 0 : i32
        %get3A_1267 = arith.constant 8 : i32
        %get3A_1268 = arith.index_cast %get3A_1266 : i32 to index
        %get3A_1269 = arith.index_cast %get3A_1267 : i32 to index
        %get3A_1270 = arith.index_cast %mul3A_1265 : i32 to index
        %get3A_1271 = tpu.vector_load %arg8[%get3A_1268, %get3A_1269, %get3A_1270] {strides = array<i32>} : memref<4x16x1024xf32, #tpu.memory_space<vmem>>, vector<16xf32>,
        %mul3A_1272 = arith.mulf %get3A_1183, %get3A_1271 : vector<16xf32>
        %add3A_1273 = arith.addf %add3A_1102, %mul3A_1272 : vector<16xf32>
        %mul3A_1274 = arith.constant 16 : i32
        %mul3A_1275 = arith.muli %scan3A_1174, %mul3A_1274 : i32
        %get3A_1276 = arith.constant 0 : i32
        %get3A_1277 = arith.constant 9 : i32
        %get3A_1278 = arith.index_cast %get3A_1276 : i32 to index
        %get3A_1279 = arith.index_cast %get3A_1277 : i32 to index
        %get3A_1280 = arith.index_cast %mul3A_1275 : i32 to index
        %get3A_1281 = tpu.vector_load %arg8[%get3A_1278, %get3A_1279, %get3A_1280] {strides = array<i32>} : memref<4x16x1024xf32, #tpu.memory_space<vmem>>, vector<16xf32>,
        %mul3A_1282 = arith.mulf %get3A_1183, %get3A_1281 : vector<16xf32>
        %add3A_1283 = arith.addf %add3A_1112, %mul3A_1282 : vector<16xf32>
        %mul3A_1284 = arith.constant 16 : i32
        %mul3A_1285 = arith.muli %scan3A_1174, %mul3A_1284 : i32
        %get3A_1286 = arith.constant 0 : i32
        %get3A_1287 = arith.constant 10 : i32
        %get3A_1288 = arith.index_cast %get3A_1286 : i32 to index
        %get3A_1289 = arith.index_cast %get3A_1287 : i32 to index
        %get3A_1290 = arith.index_cast %mul3A_1285 : i32 to index
        %get3A_1291 = tpu.vector_load %arg8[%get3A_1288, %get3A_1289, %get3A_1290] {strides = array<i32>} : memref<4x16x1024xf32, #tpu.memory_space<vmem>>, vector<16xf32>,
        %mul3A_1292 = arith.mulf %get3A_1183, %get3A_1291 : vector<16xf32>
        %add3A_1293 = arith.addf %add3A_1122, %mul3A_1292 : vector<16xf32>
        %mul3A_1294 = arith.constant 16 : i32
        %mul3A_1295 = arith.muli %scan3A_1174, %mul3A_1294 : i32
        %get3A_1296 = arith.constant 0 : i32
        %get3A_1297 = arith.constant 11 : i32
        %get3A_1298 = arith.index_cast %get3A_1296 : i32 to index
        %get3A_1299 = arith.index_cast %get3A_1297 : i32 to index
        %get3A_1300 = arith.index_cast %mul3A_1295 : i32 to index
        %get3A_1301 = tpu.vector_load %arg8[%get3A_1298, %get3A_1299, %get3A_1300] {strides = array<i32>} : memref<4x16x1024xf32, #tpu.memory_space<vmem>>, vector<16xf32>,
        %mul3A_1302 = arith.mulf %get3A_1183, %get3A_1301 : vector<16xf32>
        %add3A_1303 = arith.addf %add3A_1132, %mul3A_1302 : vector<16xf32>
        %mul3A_1304 = arith.constant 16 : i32
        %mul3A_1305 = arith.muli %scan3A_1174, %mul3A_1304 : i32
        %get3A_1306 = arith.constant 0 : i32
        %get3A_1307 = arith.constant 12 : i32
        %get3A_1308 = arith.index_cast %get3A_1306 : i32 to index
        %get3A_1309 = arith.index_cast %get3A_1307 : i32 to index
        %get3A_1310 = arith.index_cast %mul3A_1305 : i32 to index
        %get3A_1311 = tpu.vector_load %arg8[%get3A_1308, %get3A_1309, %get3A_1310] {strides = array<i32>} : memref<4x16x1024xf32, #tpu.memory_space<vmem>>, vector<16xf32>,
        %mul3A_1312 = arith.mulf %get3A_1183, %get3A_1311 : vector<16xf32>
        %add3A_1313 = arith.addf %add3A_1142, %mul3A_1312 : vector<16xf32>
        %mul3A_1314 = arith.constant 16 : i32
        %mul3A_1315 = arith.muli %scan3A_1174, %mul3A_1314 : i32
        %get3A_1316 = arith.constant 0 : i32
        %get3A_1317 = arith.constant 13 : i32
        %get3A_1318 = arith.index_cast %get3A_1316 : i32 to index
        %get3A_1319 = arith.index_cast %get3A_1317 : i32 to index
        %get3A_1320 = arith.index_cast %mul3A_1315 : i32 to index
        %get3A_1321 = tpu.vector_load %arg8[%get3A_1318, %get3A_1319, %get3A_1320] {strides = array<i32>} : memref<4x16x1024xf32, #tpu.memory_space<vmem>>, vector<16xf32>,
        %mul3A_1322 = arith.mulf %get3A_1183, %get3A_1321 : vector<16xf32>
        %add3A_1323 = arith.addf %add3A_1152, %mul3A_1322 : vector<16xf32>
        %mul3A_1324 = arith.constant 16 : i32
        %mul3A_1325 = arith.muli %scan3A_1174, %mul3A_1324 : i32
        %get3A_1326 = arith.constant 0 : i32
        %get3A_1327 = arith.constant 14 : i32
        %get3A_1328 = arith.index_cast %get3A_1326 : i32 to index
        %get3A_1329 = arith.index_cast %get3A_1327 : i32 to index
        %get3A_1330 = arith.index_cast %mul3A_1325 : i32 to index
        %get3A_1331 = tpu.vector_load %arg8[%get3A_1328, %get3A_1329, %get3A_1330] {strides = array<i32>} : memref<4x16x1024xf32, #tpu.memory_space<vmem>>, vector<16xf32>,
        %mul3A_1332 = arith.mulf %get3A_1183, %get3A_1331 : vector<16xf32>
        %add3A_1333 = arith.addf %add3A_1162, %mul3A_1332 : vector<16xf32>
        %mul3A_1334 = arith.constant 16 : i32
        %mul3A_1335 = arith.muli %scan3A_1174, %mul3A_1334 : i32
        %get3A_1336 = arith.constant 0 : i32
        %get3A_1337 = arith.constant 15 : i32
        %get3A_1338 = arith.index_cast %get3A_1336 : i32 to index
        %get3A_1339 = arith.index_cast %get3A_1337 : i32 to index
        %get3A_1340 = arith.index_cast %mul3A_1335 : i32 to index
        %get3A_1341 = tpu.vector_load %arg8[%get3A_1338, %get3A_1339, %get3A_1340] {strides = array<i32>} : memref<4x16x1024xf32, #tpu.memory_space<vmem>>, vector<16xf32>,
        %mul3A_1342 = arith.mulf %get3A_1183, %get3A_1341 : vector<16xf32>
        %add3A_1343 = arith.addf %add3A_1172, %mul3A_1342 : vector<16xf32>
        scf.yield %add3A_1193, %add3A_1203, %add3A_1213, %add3A_1223, %add3A_1233, %add3A_1243, %add3A_1253, %add3A_1263, %add3A_1273, %add3A_1283, %add3A_1293, %add3A_1303, %add3A_1313, %add3A_1323, %add3A_1333, %add3A_1343 : vector<16xf32>, vector<16xf32>, vector<16xf32>, vector<16xf32>, vector<16xf32>, vector<16xf32>, vector<16xf32>, vector<16xf32>, vector<16xf32>, vector<16xf32>, vector<16xf32>, vector<16xf32>, vector<16xf32>, vector<16xf32>, vector<16xf32>, vector<16xf32>
      }
      %scan3A_140 = arith.constant 64 : i32
      %eq3A_141 = arith.constant 0 : i32
      %eq3A_142 = vector.broadcast %eq3A_141 : i32 to vector<16xi32>
      %eq3A_143 = arith.cmpi eq, %iota3A, %eq3A_142 : vector<16xi32>
      %reduce_sum3A = arith.constant true
      %reduce_sum3A_144 = vector.broadcast %reduce_sum3A : i1 to vector<16xi1>
      %reduce_sum3A_145 = tpu.scan <sum>, %scan3A_139#0 masked %reduce_sum3A_144 : vector<16xf32>, vector<16xi1> -> vector<16xf32>
      %reduce_sum3A_146 = vector.extract %reduce_sum3A_145[15] : f32 from vector<16xf32>
      %broadcast_in_dim3A_147 = vector.broadcast %reduce_sum3A_146 : f32 to vector<16xf32>
      %select_n3A = arith.select %eq3A_143, %broadcast_in_dim3A_147, %broadcast_in_dim3A_3 : vector<16xi1>, vector<16xf32>
      %eq3A_148 = arith.constant 1 : i32
      %eq3A_149 = vector.broadcast %eq3A_148 : i32 to vector<16xi32>
      %eq3A_150 = arith.cmpi eq, %iota3A, %eq3A_149 : vector<16xi32>
      %reduce_sum3A_151 = arith.constant true
      %reduce_sum3A_152 = vector.broadcast %reduce_sum3A_151 : i1 to vector<16xi1>
      %reduce_sum3A_153 = tpu.scan <sum>, %scan3A_139#1 masked %reduce_sum3A_152 : vector<16xf32>, vector<16xi1> -> vector<16xf32>
      %reduce_sum3A_154 = vector.extract %reduce_sum3A_153[15] : f32 from vector<16xf32>
      %broadcast_in_dim3A_155 = vector.broadcast %reduce_sum3A_154 : f32 to vector<16xf32>
      %select_n3A_156 = arith.select %eq3A_150, %broadcast_in_dim3A_155, %select_n3A : vector<16xi1>, vector<16xf32>
      %eq3A_157 = arith.constant 2 : i32
      %eq3A_158 = vector.broadcast %eq3A_157 : i32 to vector<16xi32>
      %eq3A_159 = arith.cmpi eq, %iota3A, %eq3A_158 : vector<16xi32>
      %reduce_sum3A_160 = arith.constant true
      %reduce_sum3A_161 = vector.broadcast %reduce_sum3A_160 : i1 to vector<16xi1>
      %reduce_sum3A_162 = tpu.scan <sum>, %scan3A_139#2 masked %reduce_sum3A_161 : vector<16xf32>, vector<16xi1> -> vector<16xf32>
      %reduce_sum3A_163 = vector.extract %reduce_sum3A_162[15] : f32 from vector<16xf32>
      %broadcast_in_dim3A_164 = vector.broadcast %reduce_sum3A_163 : f32 to vector<16xf32>
      %select_n3A_165 = arith.select %eq3A_159, %broadcast_in_dim3A_164, %select_n3A_156 : vector<16xi1>, vector<16xf32>
      %eq3A_166 = arith.constant 3 : i32
      %eq3A_167 = vector.broadcast %eq3A_166 : i32 to vector<16xi32>
      %eq3A_168 = arith.cmpi eq, %iota3A, %eq3A_167 : vector<16xi32>
      %reduce_sum3A_169 = arith.constant true
      %reduce_sum3A_170 = vector.broadcast %reduce_sum3A_169 : i1 to vector<16xi1>
      %reduce_sum3A_171 = tpu.scan <sum>, %scan3A_139#3 masked %reduce_sum3A_170 : vector<16xf32>, vector<16xi1> -> vector<16xf32>
      %reduce_sum3A_172 = vector.extract %reduce_sum3A_171[15] : f32 from vector<16xf32>
      %broadcast_in_dim3A_173 = vector.broadcast %reduce_sum3A_172 : f32 to vector<16xf32>
      %select_n3A_174 = arith.select %eq3A_168, %broadcast_in_dim3A_173, %select_n3A_165 : vector<16xi1>, vector<16xf32>
      %eq3A_175 = arith.constant 4 : i32
      %eq3A_176 = vector.broadcast %eq3A_175 : i32 to vector<16xi32>
      %eq3A_177 = arith.cmpi eq, %iota3A, %eq3A_176 : vector<16xi32>
      %reduce_sum3A_178 = arith.constant true
      %reduce_sum3A_179 = vector.broadcast %reduce_sum3A_178 : i1 to vector<16xi1>
      %reduce_sum3A_180 = tpu.scan <sum>, %scan3A_139#4 masked %reduce_sum3A_179 : vector<16xf32>, vector<16xi1> -> vector<16xf32>
      %reduce_sum3A_181 = vector.extract %reduce_sum3A_180[15] : f32 from vector<16xf32>
      %broadcast_in_dim3A_182 = vector.broadcast %reduce_sum3A_181 : f32 to vector<16xf32>
      %select_n3A_183 = arith.select %eq3A_177, %broadcast_in_dim3A_182, %select_n3A_174 : vector<16xi1>, vector<16xf32>
      %eq3A_184 = arith.constant 5 : i32
      %eq3A_185 = vector.broadcast %eq3A_184 : i32 to vector<16xi32>
      %eq3A_186 = arith.cmpi eq, %iota3A, %eq3A_185 : vector<16xi32>
      %reduce_sum3A_187 = arith.constant true
      %reduce_sum3A_188 = vector.broadcast %reduce_sum3A_187 : i1 to vector<16xi1>
      %reduce_sum3A_189 = tpu.scan <sum>, %scan3A_139#5 masked %reduce_sum3A_188 : vector<16xf32>, vector<16xi1> -> vector<16xf32>
      %reduce_sum3A_190 = vector.extract %reduce_sum3A_189[15] : f32 from vector<16xf32>
      %broadcast_in_dim3A_191 = vector.broadcast %reduce_sum3A_190 : f32 to vector<16xf32>
      %select_n3A_192 = arith.select %eq3A_186, %broadcast_in_dim3A_191, %select_n3A_183 : vector<16xi1>, vector<16xf32>
      %eq3A_193 = arith.constant 6 : i32
      %eq3A_194 = vector.broadcast %eq3A_193 : i32 to vector<16xi32>
      %eq3A_195 = arith.cmpi eq, %iota3A, %eq3A_194 : vector<16xi32>
      %reduce_sum3A_196 = arith.constant true
      %reduce_sum3A_197 = vector.broadcast %reduce_sum3A_196 : i1 to vector<16xi1>
      %reduce_sum3A_198 = tpu.scan <sum>, %scan3A_139#6 masked %reduce_sum3A_197 : vector<16xf32>, vector<16xi1> -> vector<16xf32>
      %reduce_sum3A_199 = vector.extract %reduce_sum3A_198[15] : f32 from vector<16xf32>
      %broadcast_in_dim3A_200 = vector.broadcast %reduce_sum3A_199 : f32 to vector<16xf32>
      %select_n3A_201 = arith.select %eq3A_195, %broadcast_in_dim3A_200, %select_n3A_192 : vector<16xi1>, vector<16xf32>
      %eq3A_202 = arith.constant 7 : i32
      %eq3A_203 = vector.broadcast %eq3A_202 : i32 to vector<16xi32>
      %eq3A_204 = arith.cmpi eq, %iota3A, %eq3A_203 : vector<16xi32>
      %reduce_sum3A_205 = arith.constant true
      %reduce_sum3A_206 = vector.broadcast %reduce_sum3A_205 : i1 to vector<16xi1>
      %reduce_sum3A_207 = tpu.scan <sum>, %scan3A_139#7 masked %reduce_sum3A_206 : vector<16xf32>, vector<16xi1> -> vector<16xf32>
      %reduce_sum3A_208 = vector.extract %reduce_sum3A_207[15] : f32 from vector<16xf32>
      %broadcast_in_dim3A_209 = vector.broadcast %reduce_sum3A_208 : f32 to vector<16xf32>
      %select_n3A_210 = arith.select %eq3A_204, %broadcast_in_dim3A_209, %select_n3A_201 : vector<16xi1>, vector<16xf32>
      %eq3A_211 = arith.constant 8 : i32
      %eq3A_212 = vector.broadcast %eq3A_211 : i32 to vector<16xi32>
      %eq3A_213 = arith.cmpi eq, %iota3A, %eq3A_212 : vector<16xi32>
      %reduce_sum3A_214 = arith.constant true
      %reduce_sum3A_215 = vector.broadcast %reduce_sum3A_214 : i1 to vector<16xi1>
      %reduce_sum3A_216 = tpu.scan <sum>, %scan3A_139#8 masked %reduce_sum3A_215 : vector<16xf32>, vector<16xi1> -> vector<16xf32>
      %reduce_sum3A_217 = vector.extract %reduce_sum3A_216[15] : f32 from vector<16xf32>
      %broadcast_in_dim3A_218 = vector.broadcast %reduce_sum3A_217 : f32 to vector<16xf32>
      %select_n3A_219 = arith.select %eq3A_213, %broadcast_in_dim3A_218, %select_n3A_210 : vector<16xi1>, vector<16xf32>
      %eq3A_220 = arith.constant 9 : i32
      %eq3A_221 = vector.broadcast %eq3A_220 : i32 to vector<16xi32>
      %eq3A_222 = arith.cmpi eq, %iota3A, %eq3A_221 : vector<16xi32>
      %reduce_sum3A_223 = arith.constant true
      %reduce_sum3A_224 = vector.broadcast %reduce_sum3A_223 : i1 to vector<16xi1>
      %reduce_sum3A_225 = tpu.scan <sum>, %scan3A_139#9 masked %reduce_sum3A_224 : vector<16xf32>, vector<16xi1> -> vector<16xf32>
      %reduce_sum3A_226 = vector.extract %reduce_sum3A_225[15] : f32 from vector<16xf32>
      %broadcast_in_dim3A_227 = vector.broadcast %reduce_sum3A_226 : f32 to vector<16xf32>
      %select_n3A_228 = arith.select %eq3A_222, %broadcast_in_dim3A_227, %select_n3A_219 : vector<16xi1>, vector<16xf32>
      %eq3A_229 = arith.constant 10 : i32
      %eq3A_230 = vector.broadcast %eq3A_229 : i32 to vector<16xi32>
      %eq3A_231 = arith.cmpi eq, %iota3A, %eq3A_230 : vector<16xi32>
      %reduce_sum3A_232 = arith.constant true
      %reduce_sum3A_233 = vector.broadcast %reduce_sum3A_232 : i1 to vector<16xi1>
      %reduce_sum3A_234 = tpu.scan <sum>, %scan3A_139#10 masked %reduce_sum3A_233 : vector<16xf32>, vector<16xi1> -> vector<16xf32>
      %reduce_sum3A_235 = vector.extract %reduce_sum3A_234[15] : f32 from vector<16xf32>
      %broadcast_in_dim3A_236 = vector.broadcast %reduce_sum3A_235 : f32 to vector<16xf32>
      %select_n3A_237 = arith.select %eq3A_231, %broadcast_in_dim3A_236, %select_n3A_228 : vector<16xi1>, vector<16xf32>
      %eq3A_238 = arith.constant 11 : i32
      %eq3A_239 = vector.broadcast %eq3A_238 : i32 to vector<16xi32>
      %eq3A_240 = arith.cmpi eq, %iota3A, %eq3A_239 : vector<16xi32>
      %reduce_sum3A_241 = arith.constant true
      %reduce_sum3A_242 = vector.broadcast %reduce_sum3A_241 : i1 to vector<16xi1>
      %reduce_sum3A_243 = tpu.scan <sum>, %scan3A_139#11 masked %reduce_sum3A_242 : vector<16xf32>, vector<16xi1> -> vector<16xf32>
      %reduce_sum3A_244 = vector.extract %reduce_sum3A_243[15] : f32 from vector<16xf32>
      %broadcast_in_dim3A_245 = vector.broadcast %reduce_sum3A_244 : f32 to vector<16xf32>
      %select_n3A_246 = arith.select %eq3A_240, %broadcast_in_dim3A_245, %select_n3A_237 : vector<16xi1>, vector<16xf32>
      %eq3A_247 = arith.constant 12 : i32
      %eq3A_248 = vector.broadcast %eq3A_247 : i32 to vector<16xi32>
      %eq3A_249 = arith.cmpi eq, %iota3A, %eq3A_248 : vector<16xi32>
      %reduce_sum3A_250 = arith.constant true
      %reduce_sum3A_251 = vector.broadcast %reduce_sum3A_250 : i1 to vector<16xi1>
      %reduce_sum3A_252 = tpu.scan <sum>, %scan3A_139#12 masked %reduce_sum3A_251 : vector<16xf32>, vector<16xi1> -> vector<16xf32>
      %reduce_sum3A_253 = vector.extract %reduce_sum3A_252[15] : f32 from vector<16xf32>
      %broadcast_in_dim3A_254 = vector.broadcast %reduce_sum3A_253 : f32 to vector<16xf32>
      %select_n3A_255 = arith.select %eq3A_249, %broadcast_in_dim3A_254, %select_n3A_246 : vector<16xi1>, vector<16xf32>
      %eq3A_256 = arith.constant 13 : i32
      %eq3A_257 = vector.broadcast %eq3A_256 : i32 to vector<16xi32>
      %eq3A_258 = arith.cmpi eq, %iota3A, %eq3A_257 : vector<16xi32>
      %reduce_sum3A_259 = arith.constant true
      %reduce_sum3A_260 = vector.broadcast %reduce_sum3A_259 : i1 to vector<16xi1>
      %reduce_sum3A_261 = tpu.scan <sum>, %scan3A_139#13 masked %reduce_sum3A_260 : vector<16xf32>, vector<16xi1> -> vector<16xf32>
      %reduce_sum3A_262 = vector.extract %reduce_sum3A_261[15] : f32 from vector<16xf32>
      %broadcast_in_dim3A_263 = vector.broadcast %reduce_sum3A_262 : f32 to vector<16xf32>
      %select_n3A_264 = arith.select %eq3A_258, %broadcast_in_dim3A_263, %select_n3A_255 : vector<16xi1>, vector<16xf32>
      %eq3A_265 = arith.constant 14 : i32
      %eq3A_266 = vector.broadcast %eq3A_265 : i32 to vector<16xi32>
      %eq3A_267 = arith.cmpi eq, %iota3A, %eq3A_266 : vector<16xi32>
      %reduce_sum3A_268 = arith.constant true
      %reduce_sum3A_269 = vector.broadcast %reduce_sum3A_268 : i1 to vector<16xi1>
      %reduce_sum3A_270 = tpu.scan <sum>, %scan3A_139#14 masked %reduce_sum3A_269 : vector<16xf32>, vector<16xi1> -> vector<16xf32>
      %reduce_sum3A_271 = vector.extract %reduce_sum3A_270[15] : f32 from vector<16xf32>
      %broadcast_in_dim3A_272 = vector.broadcast %reduce_sum3A_271 : f32 to vector<16xf32>
      %select_n3A_273 = arith.select %eq3A_267, %broadcast_in_dim3A_272, %select_n3A_264 : vector<16xi1>, vector<16xf32>
      %eq3A_274 = arith.constant 15 : i32
      %eq3A_275 = vector.broadcast %eq3A_274 : i32 to vector<16xi32>
      %eq3A_276 = arith.cmpi eq, %iota3A, %eq3A_275 : vector<16xi32>
      %reduce_sum3A_277 = arith.constant true
      %reduce_sum3A_278 = vector.broadcast %reduce_sum3A_277 : i1 to vector<16xi1>
      %reduce_sum3A_279 = tpu.scan <sum>, %scan3A_139#15 masked %reduce_sum3A_278 : vector<16xf32>, vector<16xi1> -> vector<16xf32>
      %reduce_sum3A_280 = vector.extract %reduce_sum3A_279[15] : f32 from vector<16xf32>
      %broadcast_in_dim3A_281 = vector.broadcast %reduce_sum3A_280 : f32 to vector<16xf32>
      %select_n3A_282 = arith.select %eq3A_276, %broadcast_in_dim3A_281, %select_n3A_273 : vector<16xi1>, vector<16xf32>
      %add3A_283 = arith.constant 0 : i32
      %add3A_284 = arith.addi %add3A_118, %add3A_283 : i32
      %get3A = arith.index_cast %add3A_284 : i32 to index
      %get3A_285 = arith.constant 0 : index
      %get3A_286 = tpu.vector_load %arg6[%get3A, %get3A_285] {strides = array<i32>} : memref<128x16xi32, #tpu.memory_space<vmem>>, vector<16xi32>,
      %masked_sort3A = arith.constant dense<true> : vector<16xi1>
      %masked_sort3A_287, %masked_sort3A_288, %masked_sort3A_289 = tpu.sort %select_n3A_282, %get3A_286 masked %masked_sort3A {descending = true} : (vector<16xf32>, vector<16xi32>, vector<16xi1>) -> (vector<16xi1>, vector<16xf32>, vector<16xi32>)
      %add3A_290 = arith.constant 0 : i32
      %add3A_291 = arith.addi %add3A_118, %add3A_290 : i32
      %jit3A = arith.constant 4 : i32
      %div3A = arith.divsi %add3A_291, %jit3A : i32
      %sign3A = arith.constant 0 : i32
      %sign3A_292 = arith.cmpi sgt, %add3A_291, %sign3A : i32
      %sign3A_293 = arith.extui %sign3A_292 : i1 to i32
      %sign3A_294 = arith.constant 0 : i32
      %sign3A_295 = arith.cmpi slt, %add3A_291, %sign3A_294 : i32
      %sign3A_296 = arith.extui %sign3A_295 : i1 to i32
      %sign3A_297 = arith.subi %sign3A_293, %sign3A_296 : i32
      %sign3A_298 = arith.constant 0 : i32
      %sign3A_299 = arith.cmpi sgt, %jit3A, %sign3A_298 : i32
      %sign3A_300 = arith.extui %sign3A_299 : i1 to i32
      %sign3A_301 = arith.constant 0 : i32
      %sign3A_302 = arith.cmpi slt, %jit3A, %sign3A_301 : i32
      %sign3A_303 = arith.extui %sign3A_302 : i1 to i32
      %sign3A_304 = arith.subi %sign3A_300, %sign3A_303 : i32
      %ne3A = arith.cmpi ne, %sign3A_297, %sign3A_304 : i32
      %rem3A_305 = arith.remsi %add3A_291, %jit3A : i32
      %ne3A_306 = arith.constant 0 : i32
      %ne3A_307 = arith.cmpi ne, %rem3A_305, %ne3A_306 : i32
      %and3A = arith.andi %ne3A, %ne3A_307 : i1
      %sub3A = arith.constant 1 : i32
      %sub3A_308 = arith.subi %div3A, %sub3A : i32
      %select_n3A_309 = arith.select %and3A, %sub3A_308, %div3A : i32
      %broadcast_in_dim3A_310 = vector.broadcast %select_n3A_309 : i32 to vector<16xi32>
      %add3A_311 = arith.constant 0 : i32
      %add3A_312 = arith.addi %add3A_118, %add3A_311 : i32
      %rem3A_313 = arith.constant 4 : i32
      %rem3A_314 = arith.remsi %add3A_312, %rem3A_313 : i32
      %mul3A_315 = arith.constant 4 : i32
      %mul3A_316 = arith.muli %rem3A_314, %mul3A_315 : i32
      %add3A_317 = vector.broadcast %mul3A_316 : i32 to vector<16xi32>
      %add3A_318 = arith.addi %add3A_317, %iota3A : vector<16xi32>
      %lt3A = arith.constant 4 : i32
      %lt3A_319 = vector.broadcast %lt3A : i32 to vector<16xi32>
      %lt3A_320 = arith.cmpi slt, %iota3A, %lt3A_319 : vector<16xi32>
      tpu.vector_store_idx %arg9[%broadcast_in_dim3A_310, %add3A_318], %masked_sort3A_289 masked %lt3A_320 : memref<32x16xi32, #tpu.memory_space<vmem>>[vector<16xi32>, vector<16xi32>], vector<16xi32>, vector<16xi1>
      %add3A_321 = arith.constant 0 : i32
      %add3A_322 = arith.addi %add3A_118, %add3A_321 : i32
      %add3A_323 = arith.constant 4 : i32
      %add3A_324 = arith.addi %add3A_322, %add3A_323 : i32
      %lt3A_325 = arith.constant 128 : i32
      %lt3A_326 = arith.cmpi slt, %add3A_324, %lt3A_325 : i32
      %convert_element_type3A_327 = arith.extui %lt3A_326 : i1 to i32
      %cond3A_328 = arith.constant 0 : i32
      %cond3A_329 = arith.cmpi ne, %convert_element_type3A_327, %cond3A_328 : i32
      scf.if %cond3A_329 {
        %add3A_987 = arith.constant 0 : i32
        %add3A_988 = arith.addi %add3A_118, %add3A_987 : i32
        %add3A_989 = arith.constant 4 : i32
        %add3A_990 = arith.addi %add3A_988, %add3A_989 : i32
        %dma_start3A_991 = arith.constant 0 : i32
        %dma_start3A_992 = arith.constant 0 : i32
        %dma_start3A_993 = arith.constant 0 : i32
        %dma_start3A_994 = tpu.memref_slice %arg8[%dma_start3A_991, %dma_start3A_992, %dma_start3A_993] : memref<4x16x1024xf32, #tpu.memory_space<vmem>> -> memref<1x16x1024xf32, #tpu.memory_space<vmem>>
        %dma_start3A_995 = tpu.memref_squeeze %dma_start3A_994 : memref<1x16x1024xf32, #tpu.memory_space<vmem>> -> memref<16x1024xf32, #tpu.memory_space<vmem>>
        %dma_start3A_996 = arith.constant 0 : i32
        %dma_start3A_997 = tpu.memref_slice %arg6[%add3A_990, %dma_start3A_996] : memref<128x16xi32, #tpu.memory_space<vmem>> -> memref<1x16xi32, #tpu.memory_space<vmem>>
        %dma_start3A_998 = tpu.memref_squeeze %dma_start3A_997 : memref<1x16xi32, #tpu.memory_space<vmem>> -> memref<16xi32, #tpu.memory_space<vmem>>
        %dma_start3A_999 = arith.constant 0 : i32
        %dma_start3A_1000 = arith.constant 0 : i32
        %dma_start3A_1001 = tpu.memref_slice %arg2[%dma_start3A_999, %dma_start3A_1000] : memref<4096x1024xf32, #tpu.memory_space<hbm>> -> memref<4096x1024xf32, #tpu.memory_space<hbm>>
        tpu.enqueue_indirect_dma source(%dma_start3A_1001 : memref<4096x1024xf32, #tpu.memory_space<hbm>>) target(%dma_start3A_995 : memref<16x1024xf32, #tpu.memory_space<vmem>>) offsets(%dma_start3A_998 : memref<16xi32, #tpu.memory_space<vmem>>) semaphore(%arg10 : memref<!tpu.dma_semaphore, #tpu.memory_space<semaphore_mem>>)
      } else {
      }
      %add3A_330 = arith.constant 1 : i32
      %add3A_331 = arith.addi %add3A_118, %add3A_330 : i32
      %dma_wait3A_332 = arith.constant 1 : i32
      %dma_wait3A_333 = arith.constant 0 : i32
      %dma_wait3A_334 = arith.constant 0 : i32
      %dma_wait3A_335 = tpu.memref_slice %arg8[%dma_wait3A_332, %dma_wait3A_333, %dma_wait3A_334] : memref<4x16x1024xf32, #tpu.memory_space<vmem>> -> memref<1x16x1024xf32, #tpu.memory_space<vmem>>
      %dma_wait3A_336 = tpu.memref_squeeze %dma_wait3A_335 : memref<1x16x1024xf32, #tpu.memory_space<vmem>> -> memref<16x1024xf32, #tpu.memory_space<vmem>>
      %dma_wait3A_337 = arith.constant 0 : i32
      %dma_wait3A_338 = tpu.memref_slice %arg6[%add3A_331, %dma_wait3A_337] : memref<128x16xi32, #tpu.memory_space<vmem>> -> memref<1x16xi32, #tpu.memory_space<vmem>>
      %dma_wait3A_339 = tpu.memref_squeeze %dma_wait3A_338 : memref<1x16xi32, #tpu.memory_space<vmem>> -> memref<16xi32, #tpu.memory_space<vmem>>
      %dma_wait3A_340 = arith.constant 0 : i32
      %dma_wait3A_341 = arith.constant 0 : i32
      %dma_wait3A_342 = tpu.memref_slice %arg2[%dma_wait3A_340, %dma_wait3A_341] : memref<4096x1024xf32, #tpu.memory_space<hbm>> -> memref<4096x1024xf32, #tpu.memory_space<hbm>>
      tpu.wait_indirect_dma semaphore(%arg11 : memref<!tpu.dma_semaphore, #tpu.memory_space<semaphore_mem>>) src(%dma_wait3A_342 : memref<4096x1024xf32, #tpu.memory_space<hbm>>) dst(%dma_wait3A_336 : memref<16x1024xf32, #tpu.memory_space<vmem>>)
      %scan3A_343 = arith.constant 0 : i32
      %scan3A_344 = arith.constant 64 : i32
      %scan3A_345 = arith.addi %scan3A_343, %scan3A_344 : i32
      %scan3A_346 = arith.constant 2 : i32
      %scan3A_347:16 = scf.for %scan3A_987 = %scan3A_343 to %scan3A_345 step %scan3A_346 iter_args(%scan3A_988 = %broadcast_in_dim3A_3, %scan3A_989 = %broadcast_in_dim3A_3, %scan3A_990 = %broadcast_in_dim3A_3, %scan3A_991 = %broadcast_in_dim3A_3, %scan3A_992 = %broadcast_in_dim3A_3, %scan3A_993 = %broadcast_in_dim3A_3, %scan3A_994 = %broadcast_in_dim3A_3, %scan3A_995 = %broadcast_in_dim3A_3, %scan3A_996 = %broadcast_in_dim3A_3, %scan3A_997 = %broadcast_in_dim3A_3, %scan3A_998 = %broadcast_in_dim3A_3, %scan3A_999 = %broadcast_in_dim3A_3, %scan3A_1000 = %broadcast_in_dim3A_3, %scan3A_1001 = %broadcast_in_dim3A_3, %scan3A_1002 = %broadcast_in_dim3A_3, %scan3A_1003 = %broadcast_in_dim3A_3) -> (vector<16xf32>, vector<16xf32>, vector<16xf32>, vector<16xf32>, vector<16xf32>, vector<16xf32>, vector<16xf32>, vector<16xf32>, vector<16xf32>, vector<16xf32>, vector<16xf32>, vector<16xf32>, vector<16xf32>, vector<16xf32>, vector<16xf32>, vector<16xf32>)  : i32 {
        %add3A_1004 = arith.constant 1 : i32
        %add3A_1005 = arith.addi %add3A_118, %add3A_1004 : i32
        %rem3A_1006 = arith.constant 32 : i32
        %rem3A_1007 = arith.remsi %add3A_1005, %rem3A_1006 : i32
        %mul3A_1008 = arith.constant 16 : i32
        %mul3A_1009 = arith.muli %scan3A_987, %mul3A_1008 : i32
        %get3A_1010 = arith.index_cast %rem3A_1007 : i32 to index
        %get3A_1011 = arith.index_cast %mul3A_1009 : i32 to index
        %get3A_1012 = tpu.vector_load %arg7[%get3A_1010, %get3A_1011] {strides = array<i32>} : memref<32x1024xf32, #tpu.memory_space<vmem>>, vector<16xf32>,
        %mul3A_1013 = arith.constant 16 : i32
        %mul3A_1014 = arith.muli %scan3A_987, %mul3A_1013 : i32
        %get3A_1015 = arith.constant 1 : i32
        %get3A_1016 = arith.constant 0 : i32
        %get3A_1017 = arith.index_cast %get3A_1015 : i32 to index
        %get3A_1018 = arith.index_cast %get3A_1016 : i32 to index
        %get3A_1019 = arith.index_cast %mul3A_1014 : i32 to index
        %get3A_1020 = tpu.vector_load %arg8[%get3A_1017, %get3A_1018, %get3A_1019] {strides = array<i32>} : memref<4x16x1024xf32, #tpu.memory_space<vmem>>, vector<16xf32>,
        %mul3A_1021 = arith.mulf %get3A_1012, %get3A_1020 : vector<16xf32>
        %add3A_1022 = arith.addf %scan3A_988, %mul3A_1021 : vector<16xf32>
        %mul3A_1023 = arith.constant 16 : i32
        %mul3A_1024 = arith.muli %scan3A_987, %mul3A_1023 : i32
        %get3A_1025 = arith.constant 1 : i32
        %get3A_1026 = arith.constant 1 : i32
        %get3A_1027 = arith.index_cast %get3A_1025 : i32 to index
        %get3A_1028 = arith.index_cast %get3A_1026 : i32 to index
        %get3A_1029 = arith.index_cast %mul3A_1024 : i32 to index
        %get3A_1030 = tpu.vector_load %arg8[%get3A_1027, %get3A_1028, %get3A_1029] {strides = array<i32>} : memref<4x16x1024xf32, #tpu.memory_space<vmem>>, vector<16xf32>,
        %mul3A_1031 = arith.mulf %get3A_1012, %get3A_1030 : vector<16xf32>
        %add3A_1032 = arith.addf %scan3A_989, %mul3A_1031 : vector<16xf32>
        %mul3A_1033 = arith.constant 16 : i32
        %mul3A_1034 = arith.muli %scan3A_987, %mul3A_1033 : i32
        %get3A_1035 = arith.constant 1 : i32
        %get3A_1036 = arith.constant 2 : i32
        %get3A_1037 = arith.index_cast %get3A_1035 : i32 to index
        %get3A_1038 = arith.index_cast %get3A_1036 : i32 to index
        %get3A_1039 = arith.index_cast %mul3A_1034 : i32 to index
        %get3A_1040 = tpu.vector_load %arg8[%get3A_1037, %get3A_1038, %get3A_1039] {strides = array<i32>} : memref<4x16x1024xf32, #tpu.memory_space<vmem>>, vector<16xf32>,
        %mul3A_1041 = arith.mulf %get3A_1012, %get3A_1040 : vector<16xf32>
        %add3A_1042 = arith.addf %scan3A_990, %mul3A_1041 : vector<16xf32>
        %mul3A_1043 = arith.constant 16 : i32
        %mul3A_1044 = arith.muli %scan3A_987, %mul3A_1043 : i32
        %get3A_1045 = arith.constant 1 : i32
        %get3A_1046 = arith.constant 3 : i32
        %get3A_1047 = arith.index_cast %get3A_1045 : i32 to index
        %get3A_1048 = arith.index_cast %get3A_1046 : i32 to index
        %get3A_1049 = arith.index_cast %mul3A_1044 : i32 to index
        %get3A_1050 = tpu.vector_load %arg8[%get3A_1047, %get3A_1048, %get3A_1049] {strides = array<i32>} : memref<4x16x1024xf32, #tpu.memory_space<vmem>>, vector<16xf32>,
        %mul3A_1051 = arith.mulf %get3A_1012, %get3A_1050 : vector<16xf32>
        %add3A_1052 = arith.addf %scan3A_991, %mul3A_1051 : vector<16xf32>
        %mul3A_1053 = arith.constant 16 : i32
        %mul3A_1054 = arith.muli %scan3A_987, %mul3A_1053 : i32
        %get3A_1055 = arith.constant 1 : i32
        %get3A_1056 = arith.constant 4 : i32
        %get3A_1057 = arith.index_cast %get3A_1055 : i32 to index
        %get3A_1058 = arith.index_cast %get3A_1056 : i32 to index
        %get3A_1059 = arith.index_cast %mul3A_1054 : i32 to index
        %get3A_1060 = tpu.vector_load %arg8[%get3A_1057, %get3A_1058, %get3A_1059] {strides = array<i32>} : memref<4x16x1024xf32, #tpu.memory_space<vmem>>, vector<16xf32>,
        %mul3A_1061 = arith.mulf %get3A_1012, %get3A_1060 : vector<16xf32>
        %add3A_1062 = arith.addf %scan3A_992, %mul3A_1061 : vector<16xf32>
        %mul3A_1063 = arith.constant 16 : i32
        %mul3A_1064 = arith.muli %scan3A_987, %mul3A_1063 : i32
        %get3A_1065 = arith.constant 1 : i32
        %get3A_1066 = arith.constant 5 : i32
        %get3A_1067 = arith.index_cast %get3A_1065 : i32 to index
        %get3A_1068 = arith.index_cast %get3A_1066 : i32 to index
        %get3A_1069 = arith.index_cast %mul3A_1064 : i32 to index
        %get3A_1070 = tpu.vector_load %arg8[%get3A_1067, %get3A_1068, %get3A_1069] {strides = array<i32>} : memref<4x16x1024xf32, #tpu.memory_space<vmem>>, vector<16xf32>,
        %mul3A_1071 = arith.mulf %get3A_1012, %get3A_1070 : vector<16xf32>
        %add3A_1072 = arith.addf %scan3A_993, %mul3A_1071 : vector<16xf32>
        %mul3A_1073 = arith.constant 16 : i32
        %mul3A_1074 = arith.muli %scan3A_987, %mul3A_1073 : i32
        %get3A_1075 = arith.constant 1 : i32
        %get3A_1076 = arith.constant 6 : i32
        %get3A_1077 = arith.index_cast %get3A_1075 : i32 to index
        %get3A_1078 = arith.index_cast %get3A_1076 : i32 to index
        %get3A_1079 = arith.index_cast %mul3A_1074 : i32 to index
        %get3A_1080 = tpu.vector_load %arg8[%get3A_1077, %get3A_1078, %get3A_1079] {strides = array<i32>} : memref<4x16x1024xf32, #tpu.memory_space<vmem>>, vector<16xf32>,
        %mul3A_1081 = arith.mulf %get3A_1012, %get3A_1080 : vector<16xf32>
        %add3A_1082 = arith.addf %scan3A_994, %mul3A_1081 : vector<16xf32>
        %mul3A_1083 = arith.constant 16 : i32
        %mul3A_1084 = arith.muli %scan3A_987, %mul3A_1083 : i32
        %get3A_1085 = arith.constant 1 : i32
        %get3A_1086 = arith.constant 7 : i32
        %get3A_1087 = arith.index_cast %get3A_1085 : i32 to index
        %get3A_1088 = arith.index_cast %get3A_1086 : i32 to index
        %get3A_1089 = arith.index_cast %mul3A_1084 : i32 to index
        %get3A_1090 = tpu.vector_load %arg8[%get3A_1087, %get3A_1088, %get3A_1089] {strides = array<i32>} : memref<4x16x1024xf32, #tpu.memory_space<vmem>>, vector<16xf32>,
        %mul3A_1091 = arith.mulf %get3A_1012, %get3A_1090 : vector<16xf32>
        %add3A_1092 = arith.addf %scan3A_995, %mul3A_1091 : vector<16xf32>
        %mul3A_1093 = arith.constant 16 : i32
        %mul3A_1094 = arith.muli %scan3A_987, %mul3A_1093 : i32
        %get3A_1095 = arith.constant 1 : i32
        %get3A_1096 = arith.constant 8 : i32
        %get3A_1097 = arith.index_cast %get3A_1095 : i32 to index
        %get3A_1098 = arith.index_cast %get3A_1096 : i32 to index
        %get3A_1099 = arith.index_cast %mul3A_1094 : i32 to index
        %get3A_1100 = tpu.vector_load %arg8[%get3A_1097, %get3A_1098, %get3A_1099] {strides = array<i32>} : memref<4x16x1024xf32, #tpu.memory_space<vmem>>, vector<16xf32>,
        %mul3A_1101 = arith.mulf %get3A_1012, %get3A_1100 : vector<16xf32>
        %add3A_1102 = arith.addf %scan3A_996, %mul3A_1101 : vector<16xf32>
        %mul3A_1103 = arith.constant 16 : i32
        %mul3A_1104 = arith.muli %scan3A_987, %mul3A_1103 : i32
        %get3A_1105 = arith.constant 1 : i32
        %get3A_1106 = arith.constant 9 : i32
        %get3A_1107 = arith.index_cast %get3A_1105 : i32 to index
        %get3A_1108 = arith.index_cast %get3A_1106 : i32 to index
        %get3A_1109 = arith.index_cast %mul3A_1104 : i32 to index
        %get3A_1110 = tpu.vector_load %arg8[%get3A_1107, %get3A_1108, %get3A_1109] {strides = array<i32>} : memref<4x16x1024xf32, #tpu.memory_space<vmem>>, vector<16xf32>,
        %mul3A_1111 = arith.mulf %get3A_1012, %get3A_1110 : vector<16xf32>
        %add3A_1112 = arith.addf %scan3A_997, %mul3A_1111 : vector<16xf32>
        %mul3A_1113 = arith.constant 16 : i32
        %mul3A_1114 = arith.muli %scan3A_987, %mul3A_1113 : i32
        %get3A_1115 = arith.constant 1 : i32
        %get3A_1116 = arith.constant 10 : i32
        %get3A_1117 = arith.index_cast %get3A_1115 : i32 to index
        %get3A_1118 = arith.index_cast %get3A_1116 : i32 to index
        %get3A_1119 = arith.index_cast %mul3A_1114 : i32 to index
        %get3A_1120 = tpu.vector_load %arg8[%get3A_1117, %get3A_1118, %get3A_1119] {strides = array<i32>} : memref<4x16x1024xf32, #tpu.memory_space<vmem>>, vector<16xf32>,
        %mul3A_1121 = arith.mulf %get3A_1012, %get3A_1120 : vector<16xf32>
        %add3A_1122 = arith.addf %scan3A_998, %mul3A_1121 : vector<16xf32>
        %mul3A_1123 = arith.constant 16 : i32
        %mul3A_1124 = arith.muli %scan3A_987, %mul3A_1123 : i32
        %get3A_1125 = arith.constant 1 : i32
        %get3A_1126 = arith.constant 11 : i32
        %get3A_1127 = arith.index_cast %get3A_1125 : i32 to index
        %get3A_1128 = arith.index_cast %get3A_1126 : i32 to index
        %get3A_1129 = arith.index_cast %mul3A_1124 : i32 to index
        %get3A_1130 = tpu.vector_load %arg8[%get3A_1127, %get3A_1128, %get3A_1129] {strides = array<i32>} : memref<4x16x1024xf32, #tpu.memory_space<vmem>>, vector<16xf32>,
        %mul3A_1131 = arith.mulf %get3A_1012, %get3A_1130 : vector<16xf32>
        %add3A_1132 = arith.addf %scan3A_999, %mul3A_1131 : vector<16xf32>
        %mul3A_1133 = arith.constant 16 : i32
        %mul3A_1134 = arith.muli %scan3A_987, %mul3A_1133 : i32
        %get3A_1135 = arith.constant 1 : i32
        %get3A_1136 = arith.constant 12 : i32
        %get3A_1137 = arith.index_cast %get3A_1135 : i32 to index
        %get3A_1138 = arith.index_cast %get3A_1136 : i32 to index
        %get3A_1139 = arith.index_cast %mul3A_1134 : i32 to index
        %get3A_1140 = tpu.vector_load %arg8[%get3A_1137, %get3A_1138, %get3A_1139] {strides = array<i32>} : memref<4x16x1024xf32, #tpu.memory_space<vmem>>, vector<16xf32>,
        %mul3A_1141 = arith.mulf %get3A_1012, %get3A_1140 : vector<16xf32>
        %add3A_1142 = arith.addf %scan3A_1000, %mul3A_1141 : vector<16xf32>
        %mul3A_1143 = arith.constant 16 : i32
        %mul3A_1144 = arith.muli %scan3A_987, %mul3A_1143 : i32
        %get3A_1145 = arith.constant 1 : i32
        %get3A_1146 = arith.constant 13 : i32
        %get3A_1147 = arith.index_cast %get3A_1145 : i32 to index
        %get3A_1148 = arith.index_cast %get3A_1146 : i32 to index
        %get3A_1149 = arith.index_cast %mul3A_1144 : i32 to index
        %get3A_1150 = tpu.vector_load %arg8[%get3A_1147, %get3A_1148, %get3A_1149] {strides = array<i32>} : memref<4x16x1024xf32, #tpu.memory_space<vmem>>, vector<16xf32>,
        %mul3A_1151 = arith.mulf %get3A_1012, %get3A_1150 : vector<16xf32>
        %add3A_1152 = arith.addf %scan3A_1001, %mul3A_1151 : vector<16xf32>
        %mul3A_1153 = arith.constant 16 : i32
        %mul3A_1154 = arith.muli %scan3A_987, %mul3A_1153 : i32
        %get3A_1155 = arith.constant 1 : i32
        %get3A_1156 = arith.constant 14 : i32
        %get3A_1157 = arith.index_cast %get3A_1155 : i32 to index
        %get3A_1158 = arith.index_cast %get3A_1156 : i32 to index
        %get3A_1159 = arith.index_cast %mul3A_1154 : i32 to index
        %get3A_1160 = tpu.vector_load %arg8[%get3A_1157, %get3A_1158, %get3A_1159] {strides = array<i32>} : memref<4x16x1024xf32, #tpu.memory_space<vmem>>, vector<16xf32>,
        %mul3A_1161 = arith.mulf %get3A_1012, %get3A_1160 : vector<16xf32>
        %add3A_1162 = arith.addf %scan3A_1002, %mul3A_1161 : vector<16xf32>
        %mul3A_1163 = arith.constant 16 : i32
        %mul3A_1164 = arith.muli %scan3A_987, %mul3A_1163 : i32
        %get3A_1165 = arith.constant 1 : i32
        %get3A_1166 = arith.constant 15 : i32
        %get3A_1167 = arith.index_cast %get3A_1165 : i32 to index
        %get3A_1168 = arith.index_cast %get3A_1166 : i32 to index
        %get3A_1169 = arith.index_cast %mul3A_1164 : i32 to index
        %get3A_1170 = tpu.vector_load %arg8[%get3A_1167, %get3A_1168, %get3A_1169] {strides = array<i32>} : memref<4x16x1024xf32, #tpu.memory_space<vmem>>, vector<16xf32>,
        %mul3A_1171 = arith.mulf %get3A_1012, %get3A_1170 : vector<16xf32>
        %add3A_1172 = arith.addf %scan3A_1003, %mul3A_1171 : vector<16xf32>
        %scan3A_1173 = arith.constant 1 : i32
        %scan3A_1174 = arith.addi %scan3A_987, %scan3A_1173 : i32
        %add3A_1175 = arith.constant 1 : i32
        %add3A_1176 = arith.addi %add3A_118, %add3A_1175 : i32
        %rem3A_1177 = arith.constant 32 : i32
        %rem3A_1178 = arith.remsi %add3A_1176, %rem3A_1177 : i32
        %mul3A_1179 = arith.constant 16 : i32
        %mul3A_1180 = arith.muli %scan3A_1174, %mul3A_1179 : i32
        %get3A_1181 = arith.index_cast %rem3A_1178 : i32 to index
        %get3A_1182 = arith.index_cast %mul3A_1180 : i32 to index
        %get3A_1183 = tpu.vector_load %arg7[%get3A_1181, %get3A_1182] {strides = array<i32>} : memref<32x1024xf32, #tpu.memory_space<vmem>>, vector<16xf32>,
        %mul3A_1184 = arith.constant 16 : i32
        %mul3A_1185 = arith.muli %scan3A_1174, %mul3A_1184 : i32
        %get3A_1186 = arith.constant 1 : i32
        %get3A_1187 = arith.constant 0 : i32
        %get3A_1188 = arith.index_cast %get3A_1186 : i32 to index
        %get3A_1189 = arith.index_cast %get3A_1187 : i32 to index
        %get3A_1190 = arith.index_cast %mul3A_1185 : i32 to index
        %get3A_1191 = tpu.vector_load %arg8[%get3A_1188, %get3A_1189, %get3A_1190] {strides = array<i32>} : memref<4x16x1024xf32, #tpu.memory_space<vmem>>, vector<16xf32>,
        %mul3A_1192 = arith.mulf %get3A_1183, %get3A_1191 : vector<16xf32>
        %add3A_1193 = arith.addf %add3A_1022, %mul3A_1192 : vector<16xf32>
        %mul3A_1194 = arith.constant 16 : i32
        %mul3A_1195 = arith.muli %scan3A_1174, %mul3A_1194 : i32
        %get3A_1196 = arith.constant 1 : i32
        %get3A_1197 = arith.constant 1 : i32
        %get3A_1198 = arith.index_cast %get3A_1196 : i32 to index
        %get3A_1199 = arith.index_cast %get3A_1197 : i32 to index
        %get3A_1200 = arith.index_cast %mul3A_1195 : i32 to index
        %get3A_1201 = tpu.vector_load %arg8[%get3A_1198, %get3A_1199, %get3A_1200] {strides = array<i32>} : memref<4x16x1024xf32, #tpu.memory_space<vmem>>, vector<16xf32>,
        %mul3A_1202 = arith.mulf %get3A_1183, %get3A_1201 : vector<16xf32>
        %add3A_1203 = arith.addf %add3A_1032, %mul3A_1202 : vector<16xf32>
        %mul3A_1204 = arith.constant 16 : i32
        %mul3A_1205 = arith.muli %scan3A_1174, %mul3A_1204 : i32
        %get3A_1206 = arith.constant 1 : i32
        %get3A_1207 = arith.constant 2 : i32
        %get3A_1208 = arith.index_cast %get3A_1206 : i32 to index
        %get3A_1209 = arith.index_cast %get3A_1207 : i32 to index
        %get3A_1210 = arith.index_cast %mul3A_1205 : i32 to index
        %get3A_1211 = tpu.vector_load %arg8[%get3A_1208, %get3A_1209, %get3A_1210] {strides = array<i32>} : memref<4x16x1024xf32, #tpu.memory_space<vmem>>, vector<16xf32>,
        %mul3A_1212 = arith.mulf %get3A_1183, %get3A_1211 : vector<16xf32>
        %add3A_1213 = arith.addf %add3A_1042, %mul3A_1212 : vector<16xf32>
        %mul3A_1214 = arith.constant 16 : i32
        %mul3A_1215 = arith.muli %scan3A_1174, %mul3A_1214 : i32
        %get3A_1216 = arith.constant 1 : i32
        %get3A_1217 = arith.constant 3 : i32
        %get3A_1218 = arith.index_cast %get3A_1216 : i32 to index
        %get3A_1219 = arith.index_cast %get3A_1217 : i32 to index
        %get3A_1220 = arith.index_cast %mul3A_1215 : i32 to index
        %get3A_1221 = tpu.vector_load %arg8[%get3A_1218, %get3A_1219, %get3A_1220] {strides = array<i32>} : memref<4x16x1024xf32, #tpu.memory_space<vmem>>, vector<16xf32>,
        %mul3A_1222 = arith.mulf %get3A_1183, %get3A_1221 : vector<16xf32>
        %add3A_1223 = arith.addf %add3A_1052, %mul3A_1222 : vector<16xf32>
        %mul3A_1224 = arith.constant 16 : i32
        %mul3A_1225 = arith.muli %scan3A_1174, %mul3A_1224 : i32
        %get3A_1226 = arith.constant 1 : i32
        %get3A_1227 = arith.constant 4 : i32
        %get3A_1228 = arith.index_cast %get3A_1226 : i32 to index
        %get3A_1229 = arith.index_cast %get3A_1227 : i32 to index
        %get3A_1230 = arith.index_cast %mul3A_1225 : i32 to index
        %get3A_1231 = tpu.vector_load %arg8[%get3A_1228, %get3A_1229, %get3A_1230] {strides = array<i32>} : memref<4x16x1024xf32, #tpu.memory_space<vmem>>, vector<16xf32>,
        %mul3A_1232 = arith.mulf %get3A_1183, %get3A_1231 : vector<16xf32>
        %add3A_1233 = arith.addf %add3A_1062, %mul3A_1232 : vector<16xf32>
        %mul3A_1234 = arith.constant 16 : i32
        %mul3A_1235 = arith.muli %scan3A_1174, %mul3A_1234 : i32
        %get3A_1236 = arith.constant 1 : i32
        %get3A_1237 = arith.constant 5 : i32
        %get3A_1238 = arith.index_cast %get3A_1236 : i32 to index
        %get3A_1239 = arith.index_cast %get3A_1237 : i32 to index
        %get3A_1240 = arith.index_cast %mul3A_1235 : i32 to index
        %get3A_1241 = tpu.vector_load %arg8[%get3A_1238, %get3A_1239, %get3A_1240] {strides = array<i32>} : memref<4x16x1024xf32, #tpu.memory_space<vmem>>, vector<16xf32>,
        %mul3A_1242 = arith.mulf %get3A_1183, %get3A_1241 : vector<16xf32>
        %add3A_1243 = arith.addf %add3A_1072, %mul3A_1242 : vector<16xf32>
        %mul3A_1244 = arith.constant 16 : i32
        %mul3A_1245 = arith.muli %scan3A_1174, %mul3A_1244 : i32
        %get3A_1246 = arith.constant 1 : i32
        %get3A_1247 = arith.constant 6 : i32
        %get3A_1248 = arith.index_cast %get3A_1246 : i32 to index
        %get3A_1249 = arith.index_cast %get3A_1247 : i32 to index
        %get3A_1250 = arith.index_cast %mul3A_1245 : i32 to index
        %get3A_1251 = tpu.vector_load %arg8[%get3A_1248, %get3A_1249, %get3A_1250] {strides = array<i32>} : memref<4x16x1024xf32, #tpu.memory_space<vmem>>, vector<16xf32>,
        %mul3A_1252 = arith.mulf %get3A_1183, %get3A_1251 : vector<16xf32>
        %add3A_1253 = arith.addf %add3A_1082, %mul3A_1252 : vector<16xf32>
        %mul3A_1254 = arith.constant 16 : i32
        %mul3A_1255 = arith.muli %scan3A_1174, %mul3A_1254 : i32
        %get3A_1256 = arith.constant 1 : i32
        %get3A_1257 = arith.constant 7 : i32
        %get3A_1258 = arith.index_cast %get3A_1256 : i32 to index
        %get3A_1259 = arith.index_cast %get3A_1257 : i32 to index
        %get3A_1260 = arith.index_cast %mul3A_1255 : i32 to index
        %get3A_1261 = tpu.vector_load %arg8[%get3A_1258, %get3A_1259, %get3A_1260] {strides = array<i32>} : memref<4x16x1024xf32, #tpu.memory_space<vmem>>, vector<16xf32>,
        %mul3A_1262 = arith.mulf %get3A_1183, %get3A_1261 : vector<16xf32>
        %add3A_1263 = arith.addf %add3A_1092, %mul3A_1262 : vector<16xf32>
        %mul3A_1264 = arith.constant 16 : i32
        %mul3A_1265 = arith.muli %scan3A_1174, %mul3A_1264 : i32
        %get3A_1266 = arith.constant 1 : i32
        %get3A_1267 = arith.constant 8 : i32
        %get3A_1268 = arith.index_cast %get3A_1266 : i32 to index
        %get3A_1269 = arith.index_cast %get3A_1267 : i32 to index
        %get3A_1270 = arith.index_cast %mul3A_1265 : i32 to index
        %get3A_1271 = tpu.vector_load %arg8[%get3A_1268, %get3A_1269, %get3A_1270] {strides = array<i32>} : memref<4x16x1024xf32, #tpu.memory_space<vmem>>, vector<16xf32>,
        %mul3A_1272 = arith.mulf %get3A_1183, %get3A_1271 : vector<16xf32>
        %add3A_1273 = arith.addf %add3A_1102, %mul3A_1272 : vector<16xf32>
        %mul3A_1274 = arith.constant 16 : i32
        %mul3A_1275 = arith.muli %scan3A_1174, %mul3A_1274 : i32
        %get3A_1276 = arith.constant 1 : i32
        %get3A_1277 = arith.constant 9 : i32
        %get3A_1278 = arith.index_cast %get3A_1276 : i32 to index
        %get3A_1279 = arith.index_cast %get3A_1277 : i32 to index
        %get3A_1280 = arith.index_cast %mul3A_1275 : i32 to index
        %get3A_1281 = tpu.vector_load %arg8[%get3A_1278, %get3A_1279, %get3A_1280] {strides = array<i32>} : memref<4x16x1024xf32, #tpu.memory_space<vmem>>, vector<16xf32>,
        %mul3A_1282 = arith.mulf %get3A_1183, %get3A_1281 : vector<16xf32>
        %add3A_1283 = arith.addf %add3A_1112, %mul3A_1282 : vector<16xf32>
        %mul3A_1284 = arith.constant 16 : i32
        %mul3A_1285 = arith.muli %scan3A_1174, %mul3A_1284 : i32
        %get3A_1286 = arith.constant 1 : i32
        %get3A_1287 = arith.constant 10 : i32
        %get3A_1288 = arith.index_cast %get3A_1286 : i32 to index
        %get3A_1289 = arith.index_cast %get3A_1287 : i32 to index
        %get3A_1290 = arith.index_cast %mul3A_1285 : i32 to index
        %get3A_1291 = tpu.vector_load %arg8[%get3A_1288, %get3A_1289, %get3A_1290] {strides = array<i32>} : memref<4x16x1024xf32, #tpu.memory_space<vmem>>, vector<16xf32>,
        %mul3A_1292 = arith.mulf %get3A_1183, %get3A_1291 : vector<16xf32>
        %add3A_1293 = arith.addf %add3A_1122, %mul3A_1292 : vector<16xf32>
        %mul3A_1294 = arith.constant 16 : i32
        %mul3A_1295 = arith.muli %scan3A_1174, %mul3A_1294 : i32
        %get3A_1296 = arith.constant 1 : i32
        %get3A_1297 = arith.constant 11 : i32
        %get3A_1298 = arith.index_cast %get3A_1296 : i32 to index
        %get3A_1299 = arith.index_cast %get3A_1297 : i32 to index
        %get3A_1300 = arith.index_cast %mul3A_1295 : i32 to index
        %get3A_1301 = tpu.vector_load %arg8[%get3A_1298, %get3A_1299, %get3A_1300] {strides = array<i32>} : memref<4x16x1024xf32, #tpu.memory_space<vmem>>, vector<16xf32>,
        %mul3A_1302 = arith.mulf %get3A_1183, %get3A_1301 : vector<16xf32>
        %add3A_1303 = arith.addf %add3A_1132, %mul3A_1302 : vector<16xf32>
        %mul3A_1304 = arith.constant 16 : i32
        %mul3A_1305 = arith.muli %scan3A_1174, %mul3A_1304 : i32
        %get3A_1306 = arith.constant 1 : i32
        %get3A_1307 = arith.constant 12 : i32
        %get3A_1308 = arith.index_cast %get3A_1306 : i32 to index
        %get3A_1309 = arith.index_cast %get3A_1307 : i32 to index
        %get3A_1310 = arith.index_cast %mul3A_1305 : i32 to index
        %get3A_1311 = tpu.vector_load %arg8[%get3A_1308, %get3A_1309, %get3A_1310] {strides = array<i32>} : memref<4x16x1024xf32, #tpu.memory_space<vmem>>, vector<16xf32>,
        %mul3A_1312 = arith.mulf %get3A_1183, %get3A_1311 : vector<16xf32>
        %add3A_1313 = arith.addf %add3A_1142, %mul3A_1312 : vector<16xf32>
        %mul3A_1314 = arith.constant 16 : i32
        %mul3A_1315 = arith.muli %scan3A_1174, %mul3A_1314 : i32
        %get3A_1316 = arith.constant 1 : i32
        %get3A_1317 = arith.constant 13 : i32
        %get3A_1318 = arith.index_cast %get3A_1316 : i32 to index
        %get3A_1319 = arith.index_cast %get3A_1317 : i32 to index
        %get3A_1320 = arith.index_cast %mul3A_1315 : i32 to index
        %get3A_1321 = tpu.vector_load %arg8[%get3A_1318, %get3A_1319, %get3A_1320] {strides = array<i32>} : memref<4x16x1024xf32, #tpu.memory_space<vmem>>, vector<16xf32>,
        %mul3A_1322 = arith.mulf %get3A_1183, %get3A_1321 : vector<16xf32>
        %add3A_1323 = arith.addf %add3A_1152, %mul3A_1322 : vector<16xf32>
        %mul3A_1324 = arith.constant 16 : i32
        %mul3A_1325 = arith.muli %scan3A_1174, %mul3A_1324 : i32
        %get3A_1326 = arith.constant 1 : i32
        %get3A_1327 = arith.constant 14 : i32
        %get3A_1328 = arith.index_cast %get3A_1326 : i32 to index
        %get3A_1329 = arith.index_cast %get3A_1327 : i32 to index
        %get3A_1330 = arith.index_cast %mul3A_1325 : i32 to index
        %get3A_1331 = tpu.vector_load %arg8[%get3A_1328, %get3A_1329, %get3A_1330] {strides = array<i32>} : memref<4x16x1024xf32, #tpu.memory_space<vmem>>, vector<16xf32>,
        %mul3A_1332 = arith.mulf %get3A_1183, %get3A_1331 : vector<16xf32>
        %add3A_1333 = arith.addf %add3A_1162, %mul3A_1332 : vector<16xf32>
        %mul3A_1334 = arith.constant 16 : i32
        %mul3A_1335 = arith.muli %scan3A_1174, %mul3A_1334 : i32
        %get3A_1336 = arith.constant 1 : i32
        %get3A_1337 = arith.constant 15 : i32
        %get3A_1338 = arith.index_cast %get3A_1336 : i32 to index
        %get3A_1339 = arith.index_cast %get3A_1337 : i32 to index
        %get3A_1340 = arith.index_cast %mul3A_1335 : i32 to index
        %get3A_1341 = tpu.vector_load %arg8[%get3A_1338, %get3A_1339, %get3A_1340] {strides = array<i32>} : memref<4x16x1024xf32, #tpu.memory_space<vmem>>, vector<16xf32>,
        %mul3A_1342 = arith.mulf %get3A_1183, %get3A_1341 : vector<16xf32>
        %add3A_1343 = arith.addf %add3A_1172, %mul3A_1342 : vector<16xf32>
        scf.yield %add3A_1193, %add3A_1203, %add3A_1213, %add3A_1223, %add3A_1233, %add3A_1243, %add3A_1253, %add3A_1263, %add3A_1273, %add3A_1283, %add3A_1293, %add3A_1303, %add3A_1313, %add3A_1323, %add3A_1333, %add3A_1343 : vector<16xf32>, vector<16xf32>, vector<16xf32>, vector<16xf32>, vector<16xf32>, vector<16xf32>, vector<16xf32>, vector<16xf32>, vector<16xf32>, vector<16xf32>, vector<16xf32>, vector<16xf32>, vector<16xf32>, vector<16xf32>, vector<16xf32>, vector<16xf32>
      }
      %scan3A_348 = arith.constant 64 : i32
      %eq3A_349 = arith.constant 0 : i32
      %eq3A_350 = vector.broadcast %eq3A_349 : i32 to vector<16xi32>
      %eq3A_351 = arith.cmpi eq, %iota3A, %eq3A_350 : vector<16xi32>
      %reduce_sum3A_352 = arith.constant true
      %reduce_sum3A_353 = vector.broadcast %reduce_sum3A_352 : i1 to vector<16xi1>
      %reduce_sum3A_354 = tpu.scan <sum>, %scan3A_347#0 masked %reduce_sum3A_353 : vector<16xf32>, vector<16xi1> -> vector<16xf32>
      %reduce_sum3A_355 = vector.extract %reduce_sum3A_354[15] : f32 from vector<16xf32>
      %broadcast_in_dim3A_356 = vector.broadcast %reduce_sum3A_355 : f32 to vector<16xf32>
      %select_n3A_357 = arith.select %eq3A_351, %broadcast_in_dim3A_356, %broadcast_in_dim3A_3 : vector<16xi1>, vector<16xf32>
      %eq3A_358 = arith.constant 1 : i32
      %eq3A_359 = vector.broadcast %eq3A_358 : i32 to vector<16xi32>
      %eq3A_360 = arith.cmpi eq, %iota3A, %eq3A_359 : vector<16xi32>
      %reduce_sum3A_361 = arith.constant true
      %reduce_sum3A_362 = vector.broadcast %reduce_sum3A_361 : i1 to vector<16xi1>
      %reduce_sum3A_363 = tpu.scan <sum>, %scan3A_347#1 masked %reduce_sum3A_362 : vector<16xf32>, vector<16xi1> -> vector<16xf32>
      %reduce_sum3A_364 = vector.extract %reduce_sum3A_363[15] : f32 from vector<16xf32>
      %broadcast_in_dim3A_365 = vector.broadcast %reduce_sum3A_364 : f32 to vector<16xf32>
      %select_n3A_366 = arith.select %eq3A_360, %broadcast_in_dim3A_365, %select_n3A_357 : vector<16xi1>, vector<16xf32>
      %eq3A_367 = arith.constant 2 : i32
      %eq3A_368 = vector.broadcast %eq3A_367 : i32 to vector<16xi32>
      %eq3A_369 = arith.cmpi eq, %iota3A, %eq3A_368 : vector<16xi32>
      %reduce_sum3A_370 = arith.constant true
      %reduce_sum3A_371 = vector.broadcast %reduce_sum3A_370 : i1 to vector<16xi1>
      %reduce_sum3A_372 = tpu.scan <sum>, %scan3A_347#2 masked %reduce_sum3A_371 : vector<16xf32>, vector<16xi1> -> vector<16xf32>
      %reduce_sum3A_373 = vector.extract %reduce_sum3A_372[15] : f32 from vector<16xf32>
      %broadcast_in_dim3A_374 = vector.broadcast %reduce_sum3A_373 : f32 to vector<16xf32>
      %select_n3A_375 = arith.select %eq3A_369, %broadcast_in_dim3A_374, %select_n3A_366 : vector<16xi1>, vector<16xf32>
      %eq3A_376 = arith.constant 3 : i32
      %eq3A_377 = vector.broadcast %eq3A_376 : i32 to vector<16xi32>
      %eq3A_378 = arith.cmpi eq, %iota3A, %eq3A_377 : vector<16xi32>
      %reduce_sum3A_379 = arith.constant true
      %reduce_sum3A_380 = vector.broadcast %reduce_sum3A_379 : i1 to vector<16xi1>
      %reduce_sum3A_381 = tpu.scan <sum>, %scan3A_347#3 masked %reduce_sum3A_380 : vector<16xf32>, vector<16xi1> -> vector<16xf32>
      %reduce_sum3A_382 = vector.extract %reduce_sum3A_381[15] : f32 from vector<16xf32>
      %broadcast_in_dim3A_383 = vector.broadcast %reduce_sum3A_382 : f32 to vector<16xf32>
      %select_n3A_384 = arith.select %eq3A_378, %broadcast_in_dim3A_383, %select_n3A_375 : vector<16xi1>, vector<16xf32>
      %eq3A_385 = arith.constant 4 : i32
      %eq3A_386 = vector.broadcast %eq3A_385 : i32 to vector<16xi32>
      %eq3A_387 = arith.cmpi eq, %iota3A, %eq3A_386 : vector<16xi32>
      %reduce_sum3A_388 = arith.constant true
      %reduce_sum3A_389 = vector.broadcast %reduce_sum3A_388 : i1 to vector<16xi1>
      %reduce_sum3A_390 = tpu.scan <sum>, %scan3A_347#4 masked %reduce_sum3A_389 : vector<16xf32>, vector<16xi1> -> vector<16xf32>
      %reduce_sum3A_391 = vector.extract %reduce_sum3A_390[15] : f32 from vector<16xf32>
      %broadcast_in_dim3A_392 = vector.broadcast %reduce_sum3A_391 : f32 to vector<16xf32>
      %select_n3A_393 = arith.select %eq3A_387, %broadcast_in_dim3A_392, %select_n3A_384 : vector<16xi1>, vector<16xf32>
      %eq3A_394 = arith.constant 5 : i32
      %eq3A_395 = vector.broadcast %eq3A_394 : i32 to vector<16xi32>
      %eq3A_396 = arith.cmpi eq, %iota3A, %eq3A_395 : vector<16xi32>
      %reduce_sum3A_397 = arith.constant true
      %reduce_sum3A_398 = vector.broadcast %reduce_sum3A_397 : i1 to vector<16xi1>
      %reduce_sum3A_399 = tpu.scan <sum>, %scan3A_347#5 masked %reduce_sum3A_398 : vector<16xf32>, vector<16xi1> -> vector<16xf32>
      %reduce_sum3A_400 = vector.extract %reduce_sum3A_399[15] : f32 from vector<16xf32>
      %broadcast_in_dim3A_401 = vector.broadcast %reduce_sum3A_400 : f32 to vector<16xf32>
      %select_n3A_402 = arith.select %eq3A_396, %broadcast_in_dim3A_401, %select_n3A_393 : vector<16xi1>, vector<16xf32>
      %eq3A_403 = arith.constant 6 : i32
      %eq3A_404 = vector.broadcast %eq3A_403 : i32 to vector<16xi32>
      %eq3A_405 = arith.cmpi eq, %iota3A, %eq3A_404 : vector<16xi32>
      %reduce_sum3A_406 = arith.constant true
      %reduce_sum3A_407 = vector.broadcast %reduce_sum3A_406 : i1 to vector<16xi1>
      %reduce_sum3A_408 = tpu.scan <sum>, %scan3A_347#6 masked %reduce_sum3A_407 : vector<16xf32>, vector<16xi1> -> vector<16xf32>
      %reduce_sum3A_409 = vector.extract %reduce_sum3A_408[15] : f32 from vector<16xf32>
      %broadcast_in_dim3A_410 = vector.broadcast %reduce_sum3A_409 : f32 to vector<16xf32>
      %select_n3A_411 = arith.select %eq3A_405, %broadcast_in_dim3A_410, %select_n3A_402 : vector<16xi1>, vector<16xf32>
      %eq3A_412 = arith.constant 7 : i32
      %eq3A_413 = vector.broadcast %eq3A_412 : i32 to vector<16xi32>
      %eq3A_414 = arith.cmpi eq, %iota3A, %eq3A_413 : vector<16xi32>
      %reduce_sum3A_415 = arith.constant true
      %reduce_sum3A_416 = vector.broadcast %reduce_sum3A_415 : i1 to vector<16xi1>
      %reduce_sum3A_417 = tpu.scan <sum>, %scan3A_347#7 masked %reduce_sum3A_416 : vector<16xf32>, vector<16xi1> -> vector<16xf32>
      %reduce_sum3A_418 = vector.extract %reduce_sum3A_417[15] : f32 from vector<16xf32>
      %broadcast_in_dim3A_419 = vector.broadcast %reduce_sum3A_418 : f32 to vector<16xf32>
      %select_n3A_420 = arith.select %eq3A_414, %broadcast_in_dim3A_419, %select_n3A_411 : vector<16xi1>, vector<16xf32>
      %eq3A_421 = arith.constant 8 : i32
      %eq3A_422 = vector.broadcast %eq3A_421 : i32 to vector<16xi32>
      %eq3A_423 = arith.cmpi eq, %iota3A, %eq3A_422 : vector<16xi32>
      %reduce_sum3A_424 = arith.constant true
      %reduce_sum3A_425 = vector.broadcast %reduce_sum3A_424 : i1 to vector<16xi1>
      %reduce_sum3A_426 = tpu.scan <sum>, %scan3A_347#8 masked %reduce_sum3A_425 : vector<16xf32>, vector<16xi1> -> vector<16xf32>
      %reduce_sum3A_427 = vector.extract %reduce_sum3A_426[15] : f32 from vector<16xf32>
      %broadcast_in_dim3A_428 = vector.broadcast %reduce_sum3A_427 : f32 to vector<16xf32>
      %select_n3A_429 = arith.select %eq3A_423, %broadcast_in_dim3A_428, %select_n3A_420 : vector<16xi1>, vector<16xf32>
      %eq3A_430 = arith.constant 9 : i32
      %eq3A_431 = vector.broadcast %eq3A_430 : i32 to vector<16xi32>
      %eq3A_432 = arith.cmpi eq, %iota3A, %eq3A_431 : vector<16xi32>
      %reduce_sum3A_433 = arith.constant true
      %reduce_sum3A_434 = vector.broadcast %reduce_sum3A_433 : i1 to vector<16xi1>
      %reduce_sum3A_435 = tpu.scan <sum>, %scan3A_347#9 masked %reduce_sum3A_434 : vector<16xf32>, vector<16xi1> -> vector<16xf32>
      %reduce_sum3A_436 = vector.extract %reduce_sum3A_435[15] : f32 from vector<16xf32>
      %broadcast_in_dim3A_437 = vector.broadcast %reduce_sum3A_436 : f32 to vector<16xf32>
      %select_n3A_438 = arith.select %eq3A_432, %broadcast_in_dim3A_437, %select_n3A_429 : vector<16xi1>, vector<16xf32>
      %eq3A_439 = arith.constant 10 : i32
      %eq3A_440 = vector.broadcast %eq3A_439 : i32 to vector<16xi32>
      %eq3A_441 = arith.cmpi eq, %iota3A, %eq3A_440 : vector<16xi32>
      %reduce_sum3A_442 = arith.constant true
      %reduce_sum3A_443 = vector.broadcast %reduce_sum3A_442 : i1 to vector<16xi1>
      %reduce_sum3A_444 = tpu.scan <sum>, %scan3A_347#10 masked %reduce_sum3A_443 : vector<16xf32>, vector<16xi1> -> vector<16xf32>
      %reduce_sum3A_445 = vector.extract %reduce_sum3A_444[15] : f32 from vector<16xf32>
      %broadcast_in_dim3A_446 = vector.broadcast %reduce_sum3A_445 : f32 to vector<16xf32>
      %select_n3A_447 = arith.select %eq3A_441, %broadcast_in_dim3A_446, %select_n3A_438 : vector<16xi1>, vector<16xf32>
      %eq3A_448 = arith.constant 11 : i32
      %eq3A_449 = vector.broadcast %eq3A_448 : i32 to vector<16xi32>
      %eq3A_450 = arith.cmpi eq, %iota3A, %eq3A_449 : vector<16xi32>
      %reduce_sum3A_451 = arith.constant true
      %reduce_sum3A_452 = vector.broadcast %reduce_sum3A_451 : i1 to vector<16xi1>
      %reduce_sum3A_453 = tpu.scan <sum>, %scan3A_347#11 masked %reduce_sum3A_452 : vector<16xf32>, vector<16xi1> -> vector<16xf32>
      %reduce_sum3A_454 = vector.extract %reduce_sum3A_453[15] : f32 from vector<16xf32>
      %broadcast_in_dim3A_455 = vector.broadcast %reduce_sum3A_454 : f32 to vector<16xf32>
      %select_n3A_456 = arith.select %eq3A_450, %broadcast_in_dim3A_455, %select_n3A_447 : vector<16xi1>, vector<16xf32>
      %eq3A_457 = arith.constant 12 : i32
      %eq3A_458 = vector.broadcast %eq3A_457 : i32 to vector<16xi32>
      %eq3A_459 = arith.cmpi eq, %iota3A, %eq3A_458 : vector<16xi32>
      %reduce_sum3A_460 = arith.constant true
      %reduce_sum3A_461 = vector.broadcast %reduce_sum3A_460 : i1 to vector<16xi1>
      %reduce_sum3A_462 = tpu.scan <sum>, %scan3A_347#12 masked %reduce_sum3A_461 : vector<16xf32>, vector<16xi1> -> vector<16xf32>
      %reduce_sum3A_463 = vector.extract %reduce_sum3A_462[15] : f32 from vector<16xf32>
      %broadcast_in_dim3A_464 = vector.broadcast %reduce_sum3A_463 : f32 to vector<16xf32>
      %select_n3A_465 = arith.select %eq3A_459, %broadcast_in_dim3A_464, %select_n3A_456 : vector<16xi1>, vector<16xf32>
      %eq3A_466 = arith.constant 13 : i32
      %eq3A_467 = vector.broadcast %eq3A_466 : i32 to vector<16xi32>
      %eq3A_468 = arith.cmpi eq, %iota3A, %eq3A_467 : vector<16xi32>
      %reduce_sum3A_469 = arith.constant true
      %reduce_sum3A_470 = vector.broadcast %reduce_sum3A_469 : i1 to vector<16xi1>
      %reduce_sum3A_471 = tpu.scan <sum>, %scan3A_347#13 masked %reduce_sum3A_470 : vector<16xf32>, vector<16xi1> -> vector<16xf32>
      %reduce_sum3A_472 = vector.extract %reduce_sum3A_471[15] : f32 from vector<16xf32>
      %broadcast_in_dim3A_473 = vector.broadcast %reduce_sum3A_472 : f32 to vector<16xf32>
      %select_n3A_474 = arith.select %eq3A_468, %broadcast_in_dim3A_473, %select_n3A_465 : vector<16xi1>, vector<16xf32>
      %eq3A_475 = arith.constant 14 : i32
      %eq3A_476 = vector.broadcast %eq3A_475 : i32 to vector<16xi32>
      %eq3A_477 = arith.cmpi eq, %iota3A, %eq3A_476 : vector<16xi32>
      %reduce_sum3A_478 = arith.constant true
      %reduce_sum3A_479 = vector.broadcast %reduce_sum3A_478 : i1 to vector<16xi1>
      %reduce_sum3A_480 = tpu.scan <sum>, %scan3A_347#14 masked %reduce_sum3A_479 : vector<16xf32>, vector<16xi1> -> vector<16xf32>
      %reduce_sum3A_481 = vector.extract %reduce_sum3A_480[15] : f32 from vector<16xf32>
      %broadcast_in_dim3A_482 = vector.broadcast %reduce_sum3A_481 : f32 to vector<16xf32>
      %select_n3A_483 = arith.select %eq3A_477, %broadcast_in_dim3A_482, %select_n3A_474 : vector<16xi1>, vector<16xf32>
      %eq3A_484 = arith.constant 15 : i32
      %eq3A_485 = vector.broadcast %eq3A_484 : i32 to vector<16xi32>
      %eq3A_486 = arith.cmpi eq, %iota3A, %eq3A_485 : vector<16xi32>
      %reduce_sum3A_487 = arith.constant true
      %reduce_sum3A_488 = vector.broadcast %reduce_sum3A_487 : i1 to vector<16xi1>
      %reduce_sum3A_489 = tpu.scan <sum>, %scan3A_347#15 masked %reduce_sum3A_488 : vector<16xf32>, vector<16xi1> -> vector<16xf32>
      %reduce_sum3A_490 = vector.extract %reduce_sum3A_489[15] : f32 from vector<16xf32>
      %broadcast_in_dim3A_491 = vector.broadcast %reduce_sum3A_490 : f32 to vector<16xf32>
      %select_n3A_492 = arith.select %eq3A_486, %broadcast_in_dim3A_491, %select_n3A_483 : vector<16xi1>, vector<16xf32>
      %add3A_493 = arith.constant 1 : i32
      %add3A_494 = arith.addi %add3A_118, %add3A_493 : i32
      %get3A_495 = arith.index_cast %add3A_494 : i32 to index
      %get3A_496 = arith.constant 0 : index
      %get3A_497 = tpu.vector_load %arg6[%get3A_495, %get3A_496] {strides = array<i32>} : memref<128x16xi32, #tpu.memory_space<vmem>>, vector<16xi32>,
      %masked_sort3A_498 = arith.constant dense<true> : vector<16xi1>
      %masked_sort3A_499, %masked_sort3A_500, %masked_sort3A_501 = tpu.sort %select_n3A_492, %get3A_497 masked %masked_sort3A_498 {descending = true} : (vector<16xf32>, vector<16xi32>, vector<16xi1>) -> (vector<16xi1>, vector<16xf32>, vector<16xi32>)
      %add3A_502 = arith.constant 1 : i32
      %add3A_503 = arith.addi %add3A_118, %add3A_502 : i32
      %jit3A_504 = arith.constant 4 : i32
      %div3A_505 = arith.divsi %add3A_503, %jit3A_504 : i32
      %sign3A_506 = arith.constant 0 : i32
      %sign3A_507 = arith.cmpi sgt, %add3A_503, %sign3A_506 : i32
      %sign3A_508 = arith.extui %sign3A_507 : i1 to i32
      %sign3A_509 = arith.constant 0 : i32
      %sign3A_510 = arith.cmpi slt, %add3A_503, %sign3A_509 : i32
      %sign3A_511 = arith.extui %sign3A_510 : i1 to i32
      %sign3A_512 = arith.subi %sign3A_508, %sign3A_511 : i32
      %sign3A_513 = arith.constant 0 : i32
      %sign3A_514 = arith.cmpi sgt, %jit3A_504, %sign3A_513 : i32
      %sign3A_515 = arith.extui %sign3A_514 : i1 to i32
      %sign3A_516 = arith.constant 0 : i32
      %sign3A_517 = arith.cmpi slt, %jit3A_504, %sign3A_516 : i32
      %sign3A_518 = arith.extui %sign3A_517 : i1 to i32
      %sign3A_519 = arith.subi %sign3A_515, %sign3A_518 : i32
      %ne3A_520 = arith.cmpi ne, %sign3A_512, %sign3A_519 : i32
      %rem3A_521 = arith.remsi %add3A_503, %jit3A_504 : i32
      %ne3A_522 = arith.constant 0 : i32
      %ne3A_523 = arith.cmpi ne, %rem3A_521, %ne3A_522 : i32
      %and3A_524 = arith.andi %ne3A_520, %ne3A_523 : i1
      %sub3A_525 = arith.constant 1 : i32
      %sub3A_526 = arith.subi %div3A_505, %sub3A_525 : i32
      %select_n3A_527 = arith.select %and3A_524, %sub3A_526, %div3A_505 : i32
      %broadcast_in_dim3A_528 = vector.broadcast %select_n3A_527 : i32 to vector<16xi32>
      %add3A_529 = arith.constant 1 : i32
      %add3A_530 = arith.addi %add3A_118, %add3A_529 : i32
      %rem3A_531 = arith.constant 4 : i32
      %rem3A_532 = arith.remsi %add3A_530, %rem3A_531 : i32
      %mul3A_533 = arith.constant 4 : i32
      %mul3A_534 = arith.muli %rem3A_532, %mul3A_533 : i32
      %add3A_535 = vector.broadcast %mul3A_534 : i32 to vector<16xi32>
      %add3A_536 = arith.addi %add3A_535, %iota3A : vector<16xi32>
      %lt3A_537 = arith.constant 4 : i32
      %lt3A_538 = vector.broadcast %lt3A_537 : i32 to vector<16xi32>
      %lt3A_539 = arith.cmpi slt, %iota3A, %lt3A_538 : vector<16xi32>
      tpu.vector_store_idx %arg9[%broadcast_in_dim3A_528, %add3A_536], %masked_sort3A_501 masked %lt3A_539 : memref<32x16xi32, #tpu.memory_space<vmem>>[vector<16xi32>, vector<16xi32>], vector<16xi32>, vector<16xi1>
      %add3A_540 = arith.constant 1 : i32
      %add3A_541 = arith.addi %add3A_118, %add3A_540 : i32
      %add3A_542 = arith.constant 4 : i32
      %add3A_543 = arith.addi %add3A_541, %add3A_542 : i32
      %lt3A_544 = arith.constant 128 : i32
      %lt3A_545 = arith.cmpi slt, %add3A_543, %lt3A_544 : i32
      %convert_element_type3A_546 = arith.extui %lt3A_545 : i1 to i32
      %cond3A_547 = arith.constant 0 : i32
      %cond3A_548 = arith.cmpi ne, %convert_element_type3A_546, %cond3A_547 : i32
      scf.if %cond3A_548 {
        %add3A_987 = arith.constant 1 : i32
        %add3A_988 = arith.addi %add3A_118, %add3A_987 : i32
        %add3A_989 = arith.constant 4 : i32
        %add3A_990 = arith.addi %add3A_988, %add3A_989 : i32
        %dma_start3A_991 = arith.constant 1 : i32
        %dma_start3A_992 = arith.constant 0 : i32
        %dma_start3A_993 = arith.constant 0 : i32
        %dma_start3A_994 = tpu.memref_slice %arg8[%dma_start3A_991, %dma_start3A_992, %dma_start3A_993] : memref<4x16x1024xf32, #tpu.memory_space<vmem>> -> memref<1x16x1024xf32, #tpu.memory_space<vmem>>
        %dma_start3A_995 = tpu.memref_squeeze %dma_start3A_994 : memref<1x16x1024xf32, #tpu.memory_space<vmem>> -> memref<16x1024xf32, #tpu.memory_space<vmem>>
        %dma_start3A_996 = arith.constant 0 : i32
        %dma_start3A_997 = tpu.memref_slice %arg6[%add3A_990, %dma_start3A_996] : memref<128x16xi32, #tpu.memory_space<vmem>> -> memref<1x16xi32, #tpu.memory_space<vmem>>
        %dma_start3A_998 = tpu.memref_squeeze %dma_start3A_997 : memref<1x16xi32, #tpu.memory_space<vmem>> -> memref<16xi32, #tpu.memory_space<vmem>>
        %dma_start3A_999 = arith.constant 0 : i32
        %dma_start3A_1000 = arith.constant 0 : i32
        %dma_start3A_1001 = tpu.memref_slice %arg2[%dma_start3A_999, %dma_start3A_1000] : memref<4096x1024xf32, #tpu.memory_space<hbm>> -> memref<4096x1024xf32, #tpu.memory_space<hbm>>
        tpu.enqueue_indirect_dma source(%dma_start3A_1001 : memref<4096x1024xf32, #tpu.memory_space<hbm>>) target(%dma_start3A_995 : memref<16x1024xf32, #tpu.memory_space<vmem>>) offsets(%dma_start3A_998 : memref<16xi32, #tpu.memory_space<vmem>>) semaphore(%arg11 : memref<!tpu.dma_semaphore, #tpu.memory_space<semaphore_mem>>)
      } else {
      }
      %add3A_549 = arith.constant 2 : i32
      %add3A_550 = arith.addi %add3A_118, %add3A_549 : i32
      %dma_wait3A_551 = arith.constant 2 : i32
      %dma_wait3A_552 = arith.constant 0 : i32
      %dma_wait3A_553 = arith.constant 0 : i32
      %dma_wait3A_554 = tpu.memref_slice %arg8[%dma_wait3A_551, %dma_wait3A_552, %dma_wait3A_553] : memref<4x16x1024xf32, #tpu.memory_space<vmem>> -> memref<1x16x1024xf32, #tpu.memory_space<vmem>>
      %dma_wait3A_555 = tpu.memref_squeeze %dma_wait3A_554 : memref<1x16x1024xf32, #tpu.memory_space<vmem>> -> memref<16x1024xf32, #tpu.memory_space<vmem>>
      %dma_wait3A_556 = arith.constant 0 : i32
      %dma_wait3A_557 = tpu.memref_slice %arg6[%add3A_550, %dma_wait3A_556] : memref<128x16xi32, #tpu.memory_space<vmem>> -> memref<1x16xi32, #tpu.memory_space<vmem>>
      %dma_wait3A_558 = tpu.memref_squeeze %dma_wait3A_557 : memref<1x16xi32, #tpu.memory_space<vmem>> -> memref<16xi32, #tpu.memory_space<vmem>>
      %dma_wait3A_559 = arith.constant 0 : i32
      %dma_wait3A_560 = arith.constant 0 : i32
      %dma_wait3A_561 = tpu.memref_slice %arg2[%dma_wait3A_559, %dma_wait3A_560] : memref<4096x1024xf32, #tpu.memory_space<hbm>> -> memref<4096x1024xf32, #tpu.memory_space<hbm>>
      tpu.wait_indirect_dma semaphore(%arg12 : memref<!tpu.dma_semaphore, #tpu.memory_space<semaphore_mem>>) src(%dma_wait3A_561 : memref<4096x1024xf32, #tpu.memory_space<hbm>>) dst(%dma_wait3A_555 : memref<16x1024xf32, #tpu.memory_space<vmem>>)
      %scan3A_562 = arith.constant 0 : i32
      %scan3A_563 = arith.constant 64 : i32
      %scan3A_564 = arith.addi %scan3A_562, %scan3A_563 : i32
      %scan3A_565 = arith.constant 2 : i32
      %scan3A_566:16 = scf.for %scan3A_987 = %scan3A_562 to %scan3A_564 step %scan3A_565 iter_args(%scan3A_988 = %broadcast_in_dim3A_3, %scan3A_989 = %broadcast_in_dim3A_3, %scan3A_990 = %broadcast_in_dim3A_3, %scan3A_991 = %broadcast_in_dim3A_3, %scan3A_992 = %broadcast_in_dim3A_3, %scan3A_993 = %broadcast_in_dim3A_3, %scan3A_994 = %broadcast_in_dim3A_3, %scan3A_995 = %broadcast_in_dim3A_3, %scan3A_996 = %broadcast_in_dim3A_3, %scan3A_997 = %broadcast_in_dim3A_3, %scan3A_998 = %broadcast_in_dim3A_3, %scan3A_999 = %broadcast_in_dim3A_3, %scan3A_1000 = %broadcast_in_dim3A_3, %scan3A_1001 = %broadcast_in_dim3A_3, %scan3A_1002 = %broadcast_in_dim3A_3, %scan3A_1003 = %broadcast_in_dim3A_3) -> (vector<16xf32>, vector<16xf32>, vector<16xf32>, vector<16xf32>, vector<16xf32>, vector<16xf32>, vector<16xf32>, vector<16xf32>, vector<16xf32>, vector<16xf32>, vector<16xf32>, vector<16xf32>, vector<16xf32>, vector<16xf32>, vector<16xf32>, vector<16xf32>)  : i32 {
        %add3A_1004 = arith.constant 2 : i32
        %add3A_1005 = arith.addi %add3A_118, %add3A_1004 : i32
        %rem3A_1006 = arith.constant 32 : i32
        %rem3A_1007 = arith.remsi %add3A_1005, %rem3A_1006 : i32
        %mul3A_1008 = arith.constant 16 : i32
        %mul3A_1009 = arith.muli %scan3A_987, %mul3A_1008 : i32
        %get3A_1010 = arith.index_cast %rem3A_1007 : i32 to index
        %get3A_1011 = arith.index_cast %mul3A_1009 : i32 to index
        %get3A_1012 = tpu.vector_load %arg7[%get3A_1010, %get3A_1011] {strides = array<i32>} : memref<32x1024xf32, #tpu.memory_space<vmem>>, vector<16xf32>,
        %mul3A_1013 = arith.constant 16 : i32
        %mul3A_1014 = arith.muli %scan3A_987, %mul3A_1013 : i32
        %get3A_1015 = arith.constant 2 : i32
        %get3A_1016 = arith.constant 0 : i32
        %get3A_1017 = arith.index_cast %get3A_1015 : i32 to index
        %get3A_1018 = arith.index_cast %get3A_1016 : i32 to index
        %get3A_1019 = arith.index_cast %mul3A_1014 : i32 to index
        %get3A_1020 = tpu.vector_load %arg8[%get3A_1017, %get3A_1018, %get3A_1019] {strides = array<i32>} : memref<4x16x1024xf32, #tpu.memory_space<vmem>>, vector<16xf32>,
        %mul3A_1021 = arith.mulf %get3A_1012, %get3A_1020 : vector<16xf32>
        %add3A_1022 = arith.addf %scan3A_988, %mul3A_1021 : vector<16xf32>
        %mul3A_1023 = arith.constant 16 : i32
        %mul3A_1024 = arith.muli %scan3A_987, %mul3A_1023 : i32
        %get3A_1025 = arith.constant 2 : i32
        %get3A_1026 = arith.constant 1 : i32
        %get3A_1027 = arith.index_cast %get3A_1025 : i32 to index
        %get3A_1028 = arith.index_cast %get3A_1026 : i32 to index
        %get3A_1029 = arith.index_cast %mul3A_1024 : i32 to index
        %get3A_1030 = tpu.vector_load %arg8[%get3A_1027, %get3A_1028, %get3A_1029] {strides = array<i32>} : memref<4x16x1024xf32, #tpu.memory_space<vmem>>, vector<16xf32>,
        %mul3A_1031 = arith.mulf %get3A_1012, %get3A_1030 : vector<16xf32>
        %add3A_1032 = arith.addf %scan3A_989, %mul3A_1031 : vector<16xf32>
        %mul3A_1033 = arith.constant 16 : i32
        %mul3A_1034 = arith.muli %scan3A_987, %mul3A_1033 : i32
        %get3A_1035 = arith.constant 2 : i32
        %get3A_1036 = arith.constant 2 : i32
        %get3A_1037 = arith.index_cast %get3A_1035 : i32 to index
        %get3A_1038 = arith.index_cast %get3A_1036 : i32 to index
        %get3A_1039 = arith.index_cast %mul3A_1034 : i32 to index
        %get3A_1040 = tpu.vector_load %arg8[%get3A_1037, %get3A_1038, %get3A_1039] {strides = array<i32>} : memref<4x16x1024xf32, #tpu.memory_space<vmem>>, vector<16xf32>,
        %mul3A_1041 = arith.mulf %get3A_1012, %get3A_1040 : vector<16xf32>
        %add3A_1042 = arith.addf %scan3A_990, %mul3A_1041 : vector<16xf32>
        %mul3A_1043 = arith.constant 16 : i32
        %mul3A_1044 = arith.muli %scan3A_987, %mul3A_1043 : i32
        %get3A_1045 = arith.constant 2 : i32
        %get3A_1046 = arith.constant 3 : i32
        %get3A_1047 = arith.index_cast %get3A_1045 : i32 to index
        %get3A_1048 = arith.index_cast %get3A_1046 : i32 to index
        %get3A_1049 = arith.index_cast %mul3A_1044 : i32 to index
        %get3A_1050 = tpu.vector_load %arg8[%get3A_1047, %get3A_1048, %get3A_1049] {strides = array<i32>} : memref<4x16x1024xf32, #tpu.memory_space<vmem>>, vector<16xf32>,
        %mul3A_1051 = arith.mulf %get3A_1012, %get3A_1050 : vector<16xf32>
        %add3A_1052 = arith.addf %scan3A_991, %mul3A_1051 : vector<16xf32>
        %mul3A_1053 = arith.constant 16 : i32
        %mul3A_1054 = arith.muli %scan3A_987, %mul3A_1053 : i32
        %get3A_1055 = arith.constant 2 : i32
        %get3A_1056 = arith.constant 4 : i32
        %get3A_1057 = arith.index_cast %get3A_1055 : i32 to index
        %get3A_1058 = arith.index_cast %get3A_1056 : i32 to index
        %get3A_1059 = arith.index_cast %mul3A_1054 : i32 to index
        %get3A_1060 = tpu.vector_load %arg8[%get3A_1057, %get3A_1058, %get3A_1059] {strides = array<i32>} : memref<4x16x1024xf32, #tpu.memory_space<vmem>>, vector<16xf32>,
        %mul3A_1061 = arith.mulf %get3A_1012, %get3A_1060 : vector<16xf32>
        %add3A_1062 = arith.addf %scan3A_992, %mul3A_1061 : vector<16xf32>
        %mul3A_1063 = arith.constant 16 : i32
        %mul3A_1064 = arith.muli %scan3A_987, %mul3A_1063 : i32
        %get3A_1065 = arith.constant 2 : i32
        %get3A_1066 = arith.constant 5 : i32
        %get3A_1067 = arith.index_cast %get3A_1065 : i32 to index
        %get3A_1068 = arith.index_cast %get3A_1066 : i32 to index
        %get3A_1069 = arith.index_cast %mul3A_1064 : i32 to index
        %get3A_1070 = tpu.vector_load %arg8[%get3A_1067, %get3A_1068, %get3A_1069] {strides = array<i32>} : memref<4x16x1024xf32, #tpu.memory_space<vmem>>, vector<16xf32>,
        %mul3A_1071 = arith.mulf %get3A_1012, %get3A_1070 : vector<16xf32>
        %add3A_1072 = arith.addf %scan3A_993, %mul3A_1071 : vector<16xf32>
        %mul3A_1073 = arith.constant 16 : i32
        %mul3A_1074 = arith.muli %scan3A_987, %mul3A_1073 : i32
        %get3A_1075 = arith.constant 2 : i32
        %get3A_1076 = arith.constant 6 : i32
        %get3A_1077 = arith.index_cast %get3A_1075 : i32 to index
        %get3A_1078 = arith.index_cast %get3A_1076 : i32 to index
        %get3A_1079 = arith.index_cast %mul3A_1074 : i32 to index
        %get3A_1080 = tpu.vector_load %arg8[%get3A_1077, %get3A_1078, %get3A_1079] {strides = array<i32>} : memref<4x16x1024xf32, #tpu.memory_space<vmem>>, vector<16xf32>,
        %mul3A_1081 = arith.mulf %get3A_1012, %get3A_1080 : vector<16xf32>
        %add3A_1082 = arith.addf %scan3A_994, %mul3A_1081 : vector<16xf32>
        %mul3A_1083 = arith.constant 16 : i32
        %mul3A_1084 = arith.muli %scan3A_987, %mul3A_1083 : i32
        %get3A_1085 = arith.constant 2 : i32
        %get3A_1086 = arith.constant 7 : i32
        %get3A_1087 = arith.index_cast %get3A_1085 : i32 to index
        %get3A_1088 = arith.index_cast %get3A_1086 : i32 to index
        %get3A_1089 = arith.index_cast %mul3A_1084 : i32 to index
        %get3A_1090 = tpu.vector_load %arg8[%get3A_1087, %get3A_1088, %get3A_1089] {strides = array<i32>} : memref<4x16x1024xf32, #tpu.memory_space<vmem>>, vector<16xf32>,
        %mul3A_1091 = arith.mulf %get3A_1012, %get3A_1090 : vector<16xf32>
        %add3A_1092 = arith.addf %scan3A_995, %mul3A_1091 : vector<16xf32>
        %mul3A_1093 = arith.constant 16 : i32
        %mul3A_1094 = arith.muli %scan3A_987, %mul3A_1093 : i32
        %get3A_1095 = arith.constant 2 : i32
        %get3A_1096 = arith.constant 8 : i32
        %get3A_1097 = arith.index_cast %get3A_1095 : i32 to index
        %get3A_1098 = arith.index_cast %get3A_1096 : i32 to index
        %get3A_1099 = arith.index_cast %mul3A_1094 : i32 to index
        %get3A_1100 = tpu.vector_load %arg8[%get3A_1097, %get3A_1098, %get3A_1099] {strides = array<i32>} : memref<4x16x1024xf32, #tpu.memory_space<vmem>>, vector<16xf32>,
        %mul3A_1101 = arith.mulf %get3A_1012, %get3A_1100 : vector<16xf32>
        %add3A_1102 = arith.addf %scan3A_996, %mul3A_1101 : vector<16xf32>
        %mul3A_1103 = arith.constant 16 : i32
        %mul3A_1104 = arith.muli %scan3A_987, %mul3A_1103 : i32
        %get3A_1105 = arith.constant 2 : i32
        %get3A_1106 = arith.constant 9 : i32
        %get3A_1107 = arith.index_cast %get3A_1105 : i32 to index
        %get3A_1108 = arith.index_cast %get3A_1106 : i32 to index
        %get3A_1109 = arith.index_cast %mul3A_1104 : i32 to index
        %get3A_1110 = tpu.vector_load %arg8[%get3A_1107, %get3A_1108, %get3A_1109] {strides = array<i32>} : memref<4x16x1024xf32, #tpu.memory_space<vmem>>, vector<16xf32>,
        %mul3A_1111 = arith.mulf %get3A_1012, %get3A_1110 : vector<16xf32>
        %add3A_1112 = arith.addf %scan3A_997, %mul3A_1111 : vector<16xf32>
        %mul3A_1113 = arith.constant 16 : i32
        %mul3A_1114 = arith.muli %scan3A_987, %mul3A_1113 : i32
        %get3A_1115 = arith.constant 2 : i32
        %get3A_1116 = arith.constant 10 : i32
        %get3A_1117 = arith.index_cast %get3A_1115 : i32 to index
        %get3A_1118 = arith.index_cast %get3A_1116 : i32 to index
        %get3A_1119 = arith.index_cast %mul3A_1114 : i32 to index
        %get3A_1120 = tpu.vector_load %arg8[%get3A_1117, %get3A_1118, %get3A_1119] {strides = array<i32>} : memref<4x16x1024xf32, #tpu.memory_space<vmem>>, vector<16xf32>,
        %mul3A_1121 = arith.mulf %get3A_1012, %get3A_1120 : vector<16xf32>
        %add3A_1122 = arith.addf %scan3A_998, %mul3A_1121 : vector<16xf32>
        %mul3A_1123 = arith.constant 16 : i32
        %mul3A_1124 = arith.muli %scan3A_987, %mul3A_1123 : i32
        %get3A_1125 = arith.constant 2 : i32
        %get3A_1126 = arith.constant 11 : i32
        %get3A_1127 = arith.index_cast %get3A_1125 : i32 to index
        %get3A_1128 = arith.index_cast %get3A_1126 : i32 to index
        %get3A_1129 = arith.index_cast %mul3A_1124 : i32 to index
        %get3A_1130 = tpu.vector_load %arg8[%get3A_1127, %get3A_1128, %get3A_1129] {strides = array<i32>} : memref<4x16x1024xf32, #tpu.memory_space<vmem>>, vector<16xf32>,
        %mul3A_1131 = arith.mulf %get3A_1012, %get3A_1130 : vector<16xf32>
        %add3A_1132 = arith.addf %scan3A_999, %mul3A_1131 : vector<16xf32>
        %mul3A_1133 = arith.constant 16 : i32
        %mul3A_1134 = arith.muli %scan3A_987, %mul3A_1133 : i32
        %get3A_1135 = arith.constant 2 : i32
        %get3A_1136 = arith.constant 12 : i32
        %get3A_1137 = arith.index_cast %get3A_1135 : i32 to index
        %get3A_1138 = arith.index_cast %get3A_1136 : i32 to index
        %get3A_1139 = arith.index_cast %mul3A_1134 : i32 to index
        %get3A_1140 = tpu.vector_load %arg8[%get3A_1137, %get3A_1138, %get3A_1139] {strides = array<i32>} : memref<4x16x1024xf32, #tpu.memory_space<vmem>>, vector<16xf32>,
        %mul3A_1141 = arith.mulf %get3A_1012, %get3A_1140 : vector<16xf32>
        %add3A_1142 = arith.addf %scan3A_1000, %mul3A_1141 : vector<16xf32>
        %mul3A_1143 = arith.constant 16 : i32
        %mul3A_1144 = arith.muli %scan3A_987, %mul3A_1143 : i32
        %get3A_1145 = arith.constant 2 : i32
        %get3A_1146 = arith.constant 13 : i32
        %get3A_1147 = arith.index_cast %get3A_1145 : i32 to index
        %get3A_1148 = arith.index_cast %get3A_1146 : i32 to index
        %get3A_1149 = arith.index_cast %mul3A_1144 : i32 to index
        %get3A_1150 = tpu.vector_load %arg8[%get3A_1147, %get3A_1148, %get3A_1149] {strides = array<i32>} : memref<4x16x1024xf32, #tpu.memory_space<vmem>>, vector<16xf32>,
        %mul3A_1151 = arith.mulf %get3A_1012, %get3A_1150 : vector<16xf32>
        %add3A_1152 = arith.addf %scan3A_1001, %mul3A_1151 : vector<16xf32>
        %mul3A_1153 = arith.constant 16 : i32
        %mul3A_1154 = arith.muli %scan3A_987, %mul3A_1153 : i32
        %get3A_1155 = arith.constant 2 : i32
        %get3A_1156 = arith.constant 14 : i32
        %get3A_1157 = arith.index_cast %get3A_1155 : i32 to index
        %get3A_1158 = arith.index_cast %get3A_1156 : i32 to index
        %get3A_1159 = arith.index_cast %mul3A_1154 : i32 to index
        %get3A_1160 = tpu.vector_load %arg8[%get3A_1157, %get3A_1158, %get3A_1159] {strides = array<i32>} : memref<4x16x1024xf32, #tpu.memory_space<vmem>>, vector<16xf32>,
        %mul3A_1161 = arith.mulf %get3A_1012, %get3A_1160 : vector<16xf32>
        %add3A_1162 = arith.addf %scan3A_1002, %mul3A_1161 : vector<16xf32>
        %mul3A_1163 = arith.constant 16 : i32
        %mul3A_1164 = arith.muli %scan3A_987, %mul3A_1163 : i32
        %get3A_1165 = arith.constant 2 : i32
        %get3A_1166 = arith.constant 15 : i32
        %get3A_1167 = arith.index_cast %get3A_1165 : i32 to index
        %get3A_1168 = arith.index_cast %get3A_1166 : i32 to index
        %get3A_1169 = arith.index_cast %mul3A_1164 : i32 to index
        %get3A_1170 = tpu.vector_load %arg8[%get3A_1167, %get3A_1168, %get3A_1169] {strides = array<i32>} : memref<4x16x1024xf32, #tpu.memory_space<vmem>>, vector<16xf32>,
        %mul3A_1171 = arith.mulf %get3A_1012, %get3A_1170 : vector<16xf32>
        %add3A_1172 = arith.addf %scan3A_1003, %mul3A_1171 : vector<16xf32>
        %scan3A_1173 = arith.constant 1 : i32
        %scan3A_1174 = arith.addi %scan3A_987, %scan3A_1173 : i32
        %add3A_1175 = arith.constant 2 : i32
        %add3A_1176 = arith.addi %add3A_118, %add3A_1175 : i32
        %rem3A_1177 = arith.constant 32 : i32
        %rem3A_1178 = arith.remsi %add3A_1176, %rem3A_1177 : i32
        %mul3A_1179 = arith.constant 16 : i32
        %mul3A_1180 = arith.muli %scan3A_1174, %mul3A_1179 : i32
        %get3A_1181 = arith.index_cast %rem3A_1178 : i32 to index
        %get3A_1182 = arith.index_cast %mul3A_1180 : i32 to index
        %get3A_1183 = tpu.vector_load %arg7[%get3A_1181, %get3A_1182] {strides = array<i32>} : memref<32x1024xf32, #tpu.memory_space<vmem>>, vector<16xf32>,
        %mul3A_1184 = arith.constant 16 : i32
        %mul3A_1185 = arith.muli %scan3A_1174, %mul3A_1184 : i32
        %get3A_1186 = arith.constant 2 : i32
        %get3A_1187 = arith.constant 0 : i32
        %get3A_1188 = arith.index_cast %get3A_1186 : i32 to index
        %get3A_1189 = arith.index_cast %get3A_1187 : i32 to index
        %get3A_1190 = arith.index_cast %mul3A_1185 : i32 to index
        %get3A_1191 = tpu.vector_load %arg8[%get3A_1188, %get3A_1189, %get3A_1190] {strides = array<i32>} : memref<4x16x1024xf32, #tpu.memory_space<vmem>>, vector<16xf32>,
        %mul3A_1192 = arith.mulf %get3A_1183, %get3A_1191 : vector<16xf32>
        %add3A_1193 = arith.addf %add3A_1022, %mul3A_1192 : vector<16xf32>
        %mul3A_1194 = arith.constant 16 : i32
        %mul3A_1195 = arith.muli %scan3A_1174, %mul3A_1194 : i32
        %get3A_1196 = arith.constant 2 : i32
        %get3A_1197 = arith.constant 1 : i32
        %get3A_1198 = arith.index_cast %get3A_1196 : i32 to index
        %get3A_1199 = arith.index_cast %get3A_1197 : i32 to index
        %get3A_1200 = arith.index_cast %mul3A_1195 : i32 to index
        %get3A_1201 = tpu.vector_load %arg8[%get3A_1198, %get3A_1199, %get3A_1200] {strides = array<i32>} : memref<4x16x1024xf32, #tpu.memory_space<vmem>>, vector<16xf32>,
        %mul3A_1202 = arith.mulf %get3A_1183, %get3A_1201 : vector<16xf32>
        %add3A_1203 = arith.addf %add3A_1032, %mul3A_1202 : vector<16xf32>
        %mul3A_1204 = arith.constant 16 : i32
        %mul3A_1205 = arith.muli %scan3A_1174, %mul3A_1204 : i32
        %get3A_1206 = arith.constant 2 : i32
        %get3A_1207 = arith.constant 2 : i32
        %get3A_1208 = arith.index_cast %get3A_1206 : i32 to index
        %get3A_1209 = arith.index_cast %get3A_1207 : i32 to index
        %get3A_1210 = arith.index_cast %mul3A_1205 : i32 to index
        %get3A_1211 = tpu.vector_load %arg8[%get3A_1208, %get3A_1209, %get3A_1210] {strides = array<i32>} : memref<4x16x1024xf32, #tpu.memory_space<vmem>>, vector<16xf32>,
        %mul3A_1212 = arith.mulf %get3A_1183, %get3A_1211 : vector<16xf32>
        %add3A_1213 = arith.addf %add3A_1042, %mul3A_1212 : vector<16xf32>
        %mul3A_1214 = arith.constant 16 : i32
        %mul3A_1215 = arith.muli %scan3A_1174, %mul3A_1214 : i32
        %get3A_1216 = arith.constant 2 : i32
        %get3A_1217 = arith.constant 3 : i32
        %get3A_1218 = arith.index_cast %get3A_1216 : i32 to index
        %get3A_1219 = arith.index_cast %get3A_1217 : i32 to index
        %get3A_1220 = arith.index_cast %mul3A_1215 : i32 to index
        %get3A_1221 = tpu.vector_load %arg8[%get3A_1218, %get3A_1219, %get3A_1220] {strides = array<i32>} : memref<4x16x1024xf32, #tpu.memory_space<vmem>>, vector<16xf32>,
        %mul3A_1222 = arith.mulf %get3A_1183, %get3A_1221 : vector<16xf32>
        %add3A_1223 = arith.addf %add3A_1052, %mul3A_1222 : vector<16xf32>
        %mul3A_1224 = arith.constant 16 : i32
        %mul3A_1225 = arith.muli %scan3A_1174, %mul3A_1224 : i32
        %get3A_1226 = arith.constant 2 : i32
        %get3A_1227 = arith.constant 4 : i32
        %get3A_1228 = arith.index_cast %get3A_1226 : i32 to index
        %get3A_1229 = arith.index_cast %get3A_1227 : i32 to index
        %get3A_1230 = arith.index_cast %mul3A_1225 : i32 to index
        %get3A_1231 = tpu.vector_load %arg8[%get3A_1228, %get3A_1229, %get3A_1230] {strides = array<i32>} : memref<4x16x1024xf32, #tpu.memory_space<vmem>>, vector<16xf32>,
        %mul3A_1232 = arith.mulf %get3A_1183, %get3A_1231 : vector<16xf32>
        %add3A_1233 = arith.addf %add3A_1062, %mul3A_1232 : vector<16xf32>
        %mul3A_1234 = arith.constant 16 : i32
        %mul3A_1235 = arith.muli %scan3A_1174, %mul3A_1234 : i32
        %get3A_1236 = arith.constant 2 : i32
        %get3A_1237 = arith.constant 5 : i32
        %get3A_1238 = arith.index_cast %get3A_1236 : i32 to index
        %get3A_1239 = arith.index_cast %get3A_1237 : i32 to index
        %get3A_1240 = arith.index_cast %mul3A_1235 : i32 to index
        %get3A_1241 = tpu.vector_load %arg8[%get3A_1238, %get3A_1239, %get3A_1240] {strides = array<i32>} : memref<4x16x1024xf32, #tpu.memory_space<vmem>>, vector<16xf32>,
        %mul3A_1242 = arith.mulf %get3A_1183, %get3A_1241 : vector<16xf32>
        %add3A_1243 = arith.addf %add3A_1072, %mul3A_1242 : vector<16xf32>
        %mul3A_1244 = arith.constant 16 : i32
        %mul3A_1245 = arith.muli %scan3A_1174, %mul3A_1244 : i32
        %get3A_1246 = arith.constant 2 : i32
        %get3A_1247 = arith.constant 6 : i32
        %get3A_1248 = arith.index_cast %get3A_1246 : i32 to index
        %get3A_1249 = arith.index_cast %get3A_1247 : i32 to index
        %get3A_1250 = arith.index_cast %mul3A_1245 : i32 to index
        %get3A_1251 = tpu.vector_load %arg8[%get3A_1248, %get3A_1249, %get3A_1250] {strides = array<i32>} : memref<4x16x1024xf32, #tpu.memory_space<vmem>>, vector<16xf32>,
        %mul3A_1252 = arith.mulf %get3A_1183, %get3A_1251 : vector<16xf32>
        %add3A_1253 = arith.addf %add3A_1082, %mul3A_1252 : vector<16xf32>
        %mul3A_1254 = arith.constant 16 : i32
        %mul3A_1255 = arith.muli %scan3A_1174, %mul3A_1254 : i32
        %get3A_1256 = arith.constant 2 : i32
        %get3A_1257 = arith.constant 7 : i32
        %get3A_1258 = arith.index_cast %get3A_1256 : i32 to index
        %get3A_1259 = arith.index_cast %get3A_1257 : i32 to index
        %get3A_1260 = arith.index_cast %mul3A_1255 : i32 to index
        %get3A_1261 = tpu.vector_load %arg8[%get3A_1258, %get3A_1259, %get3A_1260] {strides = array<i32>} : memref<4x16x1024xf32, #tpu.memory_space<vmem>>, vector<16xf32>,
        %mul3A_1262 = arith.mulf %get3A_1183, %get3A_1261 : vector<16xf32>
        %add3A_1263 = arith.addf %add3A_1092, %mul3A_1262 : vector<16xf32>
        %mul3A_1264 = arith.constant 16 : i32
        %mul3A_1265 = arith.muli %scan3A_1174, %mul3A_1264 : i32
        %get3A_1266 = arith.constant 2 : i32
        %get3A_1267 = arith.constant 8 : i32
        %get3A_1268 = arith.index_cast %get3A_1266 : i32 to index
        %get3A_1269 = arith.index_cast %get3A_1267 : i32 to index
        %get3A_1270 = arith.index_cast %mul3A_1265 : i32 to index
        %get3A_1271 = tpu.vector_load %arg8[%get3A_1268, %get3A_1269, %get3A_1270] {strides = array<i32>} : memref<4x16x1024xf32, #tpu.memory_space<vmem>>, vector<16xf32>,
        %mul3A_1272 = arith.mulf %get3A_1183, %get3A_1271 : vector<16xf32>
        %add3A_1273 = arith.addf %add3A_1102, %mul3A_1272 : vector<16xf32>
        %mul3A_1274 = arith.constant 16 : i32
        %mul3A_1275 = arith.muli %scan3A_1174, %mul3A_1274 : i32
        %get3A_1276 = arith.constant 2 : i32
        %get3A_1277 = arith.constant 9 : i32
        %get3A_1278 = arith.index_cast %get3A_1276 : i32 to index
        %get3A_1279 = arith.index_cast %get3A_1277 : i32 to index
        %get3A_1280 = arith.index_cast %mul3A_1275 : i32 to index
        %get3A_1281 = tpu.vector_load %arg8[%get3A_1278, %get3A_1279, %get3A_1280] {strides = array<i32>} : memref<4x16x1024xf32, #tpu.memory_space<vmem>>, vector<16xf32>,
        %mul3A_1282 = arith.mulf %get3A_1183, %get3A_1281 : vector<16xf32>
        %add3A_1283 = arith.addf %add3A_1112, %mul3A_1282 : vector<16xf32>
        %mul3A_1284 = arith.constant 16 : i32
        %mul3A_1285 = arith.muli %scan3A_1174, %mul3A_1284 : i32
        %get3A_1286 = arith.constant 2 : i32
        %get3A_1287 = arith.constant 10 : i32
        %get3A_1288 = arith.index_cast %get3A_1286 : i32 to index
        %get3A_1289 = arith.index_cast %get3A_1287 : i32 to index
        %get3A_1290 = arith.index_cast %mul3A_1285 : i32 to index
        %get3A_1291 = tpu.vector_load %arg8[%get3A_1288, %get3A_1289, %get3A_1290] {strides = array<i32>} : memref<4x16x1024xf32, #tpu.memory_space<vmem>>, vector<16xf32>,
        %mul3A_1292 = arith.mulf %get3A_1183, %get3A_1291 : vector<16xf32>
        %add3A_1293 = arith.addf %add3A_1122, %mul3A_1292 : vector<16xf32>
        %mul3A_1294 = arith.constant 16 : i32
        %mul3A_1295 = arith.muli %scan3A_1174, %mul3A_1294 : i32
        %get3A_1296 = arith.constant 2 : i32
        %get3A_1297 = arith.constant 11 : i32
        %get3A_1298 = arith.index_cast %get3A_1296 : i32 to index
        %get3A_1299 = arith.index_cast %get3A_1297 : i32 to index
        %get3A_1300 = arith.index_cast %mul3A_1295 : i32 to index
        %get3A_1301 = tpu.vector_load %arg8[%get3A_1298, %get3A_1299, %get3A_1300] {strides = array<i32>} : memref<4x16x1024xf32, #tpu.memory_space<vmem>>, vector<16xf32>,
        %mul3A_1302 = arith.mulf %get3A_1183, %get3A_1301 : vector<16xf32>
        %add3A_1303 = arith.addf %add3A_1132, %mul3A_1302 : vector<16xf32>
        %mul3A_1304 = arith.constant 16 : i32
        %mul3A_1305 = arith.muli %scan3A_1174, %mul3A_1304 : i32
        %get3A_1306 = arith.constant 2 : i32
        %get3A_1307 = arith.constant 12 : i32
        %get3A_1308 = arith.index_cast %get3A_1306 : i32 to index
        %get3A_1309 = arith.index_cast %get3A_1307 : i32 to index
        %get3A_1310 = arith.index_cast %mul3A_1305 : i32 to index
        %get3A_1311 = tpu.vector_load %arg8[%get3A_1308, %get3A_1309, %get3A_1310] {strides = array<i32>} : memref<4x16x1024xf32, #tpu.memory_space<vmem>>, vector<16xf32>,
        %mul3A_1312 = arith.mulf %get3A_1183, %get3A_1311 : vector<16xf32>
        %add3A_1313 = arith.addf %add3A_1142, %mul3A_1312 : vector<16xf32>
        %mul3A_1314 = arith.constant 16 : i32
        %mul3A_1315 = arith.muli %scan3A_1174, %mul3A_1314 : i32
        %get3A_1316 = arith.constant 2 : i32
        %get3A_1317 = arith.constant 13 : i32
        %get3A_1318 = arith.index_cast %get3A_1316 : i32 to index
        %get3A_1319 = arith.index_cast %get3A_1317 : i32 to index
        %get3A_1320 = arith.index_cast %mul3A_1315 : i32 to index
        %get3A_1321 = tpu.vector_load %arg8[%get3A_1318, %get3A_1319, %get3A_1320] {strides = array<i32>} : memref<4x16x1024xf32, #tpu.memory_space<vmem>>, vector<16xf32>,
        %mul3A_1322 = arith.mulf %get3A_1183, %get3A_1321 : vector<16xf32>
        %add3A_1323 = arith.addf %add3A_1152, %mul3A_1322 : vector<16xf32>
        %mul3A_1324 = arith.constant 16 : i32
        %mul3A_1325 = arith.muli %scan3A_1174, %mul3A_1324 : i32
        %get3A_1326 = arith.constant 2 : i32
        %get3A_1327 = arith.constant 14 : i32
        %get3A_1328 = arith.index_cast %get3A_1326 : i32 to index
        %get3A_1329 = arith.index_cast %get3A_1327 : i32 to index
        %get3A_1330 = arith.index_cast %mul3A_1325 : i32 to index
        %get3A_1331 = tpu.vector_load %arg8[%get3A_1328, %get3A_1329, %get3A_1330] {strides = array<i32>} : memref<4x16x1024xf32, #tpu.memory_space<vmem>>, vector<16xf32>,
        %mul3A_1332 = arith.mulf %get3A_1183, %get3A_1331 : vector<16xf32>
        %add3A_1333 = arith.addf %add3A_1162, %mul3A_1332 : vector<16xf32>
        %mul3A_1334 = arith.constant 16 : i32
        %mul3A_1335 = arith.muli %scan3A_1174, %mul3A_1334 : i32
        %get3A_1336 = arith.constant 2 : i32
        %get3A_1337 = arith.constant 15 : i32
        %get3A_1338 = arith.index_cast %get3A_1336 : i32 to index
        %get3A_1339 = arith.index_cast %get3A_1337 : i32 to index
        %get3A_1340 = arith.index_cast %mul3A_1335 : i32 to index
        %get3A_1341 = tpu.vector_load %arg8[%get3A_1338, %get3A_1339, %get3A_1340] {strides = array<i32>} : memref<4x16x1024xf32, #tpu.memory_space<vmem>>, vector<16xf32>,
        %mul3A_1342 = arith.mulf %get3A_1183, %get3A_1341 : vector<16xf32>
        %add3A_1343 = arith.addf %add3A_1172, %mul3A_1342 : vector<16xf32>
        scf.yield %add3A_1193, %add3A_1203, %add3A_1213, %add3A_1223, %add3A_1233, %add3A_1243, %add3A_1253, %add3A_1263, %add3A_1273, %add3A_1283, %add3A_1293, %add3A_1303, %add3A_1313, %add3A_1323, %add3A_1333, %add3A_1343 : vector<16xf32>, vector<16xf32>, vector<16xf32>, vector<16xf32>, vector<16xf32>, vector<16xf32>, vector<16xf32>, vector<16xf32>, vector<16xf32>, vector<16xf32>, vector<16xf32>, vector<16xf32>, vector<16xf32>, vector<16xf32>, vector<16xf32>, vector<16xf32>
      }
      %scan3A_567 = arith.constant 64 : i32
      %eq3A_568 = arith.constant 0 : i32
      %eq3A_569 = vector.broadcast %eq3A_568 : i32 to vector<16xi32>
      %eq3A_570 = arith.cmpi eq, %iota3A, %eq3A_569 : vector<16xi32>
      %reduce_sum3A_571 = arith.constant true
      %reduce_sum3A_572 = vector.broadcast %reduce_sum3A_571 : i1 to vector<16xi1>
      %reduce_sum3A_573 = tpu.scan <sum>, %scan3A_566#0 masked %reduce_sum3A_572 : vector<16xf32>, vector<16xi1> -> vector<16xf32>
      %reduce_sum3A_574 = vector.extract %reduce_sum3A_573[15] : f32 from vector<16xf32>
      %broadcast_in_dim3A_575 = vector.broadcast %reduce_sum3A_574 : f32 to vector<16xf32>
      %select_n3A_576 = arith.select %eq3A_570, %broadcast_in_dim3A_575, %broadcast_in_dim3A_3 : vector<16xi1>, vector<16xf32>
      %eq3A_577 = arith.constant 1 : i32
      %eq3A_578 = vector.broadcast %eq3A_577 : i32 to vector<16xi32>
      %eq3A_579 = arith.cmpi eq, %iota3A, %eq3A_578 : vector<16xi32>
      %reduce_sum3A_580 = arith.constant true
      %reduce_sum3A_581 = vector.broadcast %reduce_sum3A_580 : i1 to vector<16xi1>
      %reduce_sum3A_582 = tpu.scan <sum>, %scan3A_566#1 masked %reduce_sum3A_581 : vector<16xf32>, vector<16xi1> -> vector<16xf32>
      %reduce_sum3A_583 = vector.extract %reduce_sum3A_582[15] : f32 from vector<16xf32>
      %broadcast_in_dim3A_584 = vector.broadcast %reduce_sum3A_583 : f32 to vector<16xf32>
      %select_n3A_585 = arith.select %eq3A_579, %broadcast_in_dim3A_584, %select_n3A_576 : vector<16xi1>, vector<16xf32>
      %eq3A_586 = arith.constant 2 : i32
      %eq3A_587 = vector.broadcast %eq3A_586 : i32 to vector<16xi32>
      %eq3A_588 = arith.cmpi eq, %iota3A, %eq3A_587 : vector<16xi32>
      %reduce_sum3A_589 = arith.constant true
      %reduce_sum3A_590 = vector.broadcast %reduce_sum3A_589 : i1 to vector<16xi1>
      %reduce_sum3A_591 = tpu.scan <sum>, %scan3A_566#2 masked %reduce_sum3A_590 : vector<16xf32>, vector<16xi1> -> vector<16xf32>
      %reduce_sum3A_592 = vector.extract %reduce_sum3A_591[15] : f32 from vector<16xf32>
      %broadcast_in_dim3A_593 = vector.broadcast %reduce_sum3A_592 : f32 to vector<16xf32>
      %select_n3A_594 = arith.select %eq3A_588, %broadcast_in_dim3A_593, %select_n3A_585 : vector<16xi1>, vector<16xf32>
      %eq3A_595 = arith.constant 3 : i32
      %eq3A_596 = vector.broadcast %eq3A_595 : i32 to vector<16xi32>
      %eq3A_597 = arith.cmpi eq, %iota3A, %eq3A_596 : vector<16xi32>
      %reduce_sum3A_598 = arith.constant true
      %reduce_sum3A_599 = vector.broadcast %reduce_sum3A_598 : i1 to vector<16xi1>
      %reduce_sum3A_600 = tpu.scan <sum>, %scan3A_566#3 masked %reduce_sum3A_599 : vector<16xf32>, vector<16xi1> -> vector<16xf32>
      %reduce_sum3A_601 = vector.extract %reduce_sum3A_600[15] : f32 from vector<16xf32>
      %broadcast_in_dim3A_602 = vector.broadcast %reduce_sum3A_601 : f32 to vector<16xf32>
      %select_n3A_603 = arith.select %eq3A_597, %broadcast_in_dim3A_602, %select_n3A_594 : vector<16xi1>, vector<16xf32>
      %eq3A_604 = arith.constant 4 : i32
      %eq3A_605 = vector.broadcast %eq3A_604 : i32 to vector<16xi32>
      %eq3A_606 = arith.cmpi eq, %iota3A, %eq3A_605 : vector<16xi32>
      %reduce_sum3A_607 = arith.constant true
      %reduce_sum3A_608 = vector.broadcast %reduce_sum3A_607 : i1 to vector<16xi1>
      %reduce_sum3A_609 = tpu.scan <sum>, %scan3A_566#4 masked %reduce_sum3A_608 : vector<16xf32>, vector<16xi1> -> vector<16xf32>
      %reduce_sum3A_610 = vector.extract %reduce_sum3A_609[15] : f32 from vector<16xf32>
      %broadcast_in_dim3A_611 = vector.broadcast %reduce_sum3A_610 : f32 to vector<16xf32>
      %select_n3A_612 = arith.select %eq3A_606, %broadcast_in_dim3A_611, %select_n3A_603 : vector<16xi1>, vector<16xf32>
      %eq3A_613 = arith.constant 5 : i32
      %eq3A_614 = vector.broadcast %eq3A_613 : i32 to vector<16xi32>
      %eq3A_615 = arith.cmpi eq, %iota3A, %eq3A_614 : vector<16xi32>
      %reduce_sum3A_616 = arith.constant true
      %reduce_sum3A_617 = vector.broadcast %reduce_sum3A_616 : i1 to vector<16xi1>
      %reduce_sum3A_618 = tpu.scan <sum>, %scan3A_566#5 masked %reduce_sum3A_617 : vector<16xf32>, vector<16xi1> -> vector<16xf32>
      %reduce_sum3A_619 = vector.extract %reduce_sum3A_618[15] : f32 from vector<16xf32>
      %broadcast_in_dim3A_620 = vector.broadcast %reduce_sum3A_619 : f32 to vector<16xf32>
      %select_n3A_621 = arith.select %eq3A_615, %broadcast_in_dim3A_620, %select_n3A_612 : vector<16xi1>, vector<16xf32>
      %eq3A_622 = arith.constant 6 : i32
      %eq3A_623 = vector.broadcast %eq3A_622 : i32 to vector<16xi32>
      %eq3A_624 = arith.cmpi eq, %iota3A, %eq3A_623 : vector<16xi32>
      %reduce_sum3A_625 = arith.constant true
      %reduce_sum3A_626 = vector.broadcast %reduce_sum3A_625 : i1 to vector<16xi1>
      %reduce_sum3A_627 = tpu.scan <sum>, %scan3A_566#6 masked %reduce_sum3A_626 : vector<16xf32>, vector<16xi1> -> vector<16xf32>
      %reduce_sum3A_628 = vector.extract %reduce_sum3A_627[15] : f32 from vector<16xf32>
      %broadcast_in_dim3A_629 = vector.broadcast %reduce_sum3A_628 : f32 to vector<16xf32>
      %select_n3A_630 = arith.select %eq3A_624, %broadcast_in_dim3A_629, %select_n3A_621 : vector<16xi1>, vector<16xf32>
      %eq3A_631 = arith.constant 7 : i32
      %eq3A_632 = vector.broadcast %eq3A_631 : i32 to vector<16xi32>
      %eq3A_633 = arith.cmpi eq, %iota3A, %eq3A_632 : vector<16xi32>
      %reduce_sum3A_634 = arith.constant true
      %reduce_sum3A_635 = vector.broadcast %reduce_sum3A_634 : i1 to vector<16xi1>
      %reduce_sum3A_636 = tpu.scan <sum>, %scan3A_566#7 masked %reduce_sum3A_635 : vector<16xf32>, vector<16xi1> -> vector<16xf32>
      %reduce_sum3A_637 = vector.extract %reduce_sum3A_636[15] : f32 from vector<16xf32>
      %broadcast_in_dim3A_638 = vector.broadcast %reduce_sum3A_637 : f32 to vector<16xf32>
      %select_n3A_639 = arith.select %eq3A_633, %broadcast_in_dim3A_638, %select_n3A_630 : vector<16xi1>, vector<16xf32>
      %eq3A_640 = arith.constant 8 : i32
      %eq3A_641 = vector.broadcast %eq3A_640 : i32 to vector<16xi32>
      %eq3A_642 = arith.cmpi eq, %iota3A, %eq3A_641 : vector<16xi32>
      %reduce_sum3A_643 = arith.constant true
      %reduce_sum3A_644 = vector.broadcast %reduce_sum3A_643 : i1 to vector<16xi1>
      %reduce_sum3A_645 = tpu.scan <sum>, %scan3A_566#8 masked %reduce_sum3A_644 : vector<16xf32>, vector<16xi1> -> vector<16xf32>
      %reduce_sum3A_646 = vector.extract %reduce_sum3A_645[15] : f32 from vector<16xf32>
      %broadcast_in_dim3A_647 = vector.broadcast %reduce_sum3A_646 : f32 to vector<16xf32>
      %select_n3A_648 = arith.select %eq3A_642, %broadcast_in_dim3A_647, %select_n3A_639 : vector<16xi1>, vector<16xf32>
      %eq3A_649 = arith.constant 9 : i32
      %eq3A_650 = vector.broadcast %eq3A_649 : i32 to vector<16xi32>
      %eq3A_651 = arith.cmpi eq, %iota3A, %eq3A_650 : vector<16xi32>
      %reduce_sum3A_652 = arith.constant true
      %reduce_sum3A_653 = vector.broadcast %reduce_sum3A_652 : i1 to vector<16xi1>
      %reduce_sum3A_654 = tpu.scan <sum>, %scan3A_566#9 masked %reduce_sum3A_653 : vector<16xf32>, vector<16xi1> -> vector<16xf32>
      %reduce_sum3A_655 = vector.extract %reduce_sum3A_654[15] : f32 from vector<16xf32>
      %broadcast_in_dim3A_656 = vector.broadcast %reduce_sum3A_655 : f32 to vector<16xf32>
      %select_n3A_657 = arith.select %eq3A_651, %broadcast_in_dim3A_656, %select_n3A_648 : vector<16xi1>, vector<16xf32>
      %eq3A_658 = arith.constant 10 : i32
      %eq3A_659 = vector.broadcast %eq3A_658 : i32 to vector<16xi32>
      %eq3A_660 = arith.cmpi eq, %iota3A, %eq3A_659 : vector<16xi32>
      %reduce_sum3A_661 = arith.constant true
      %reduce_sum3A_662 = vector.broadcast %reduce_sum3A_661 : i1 to vector<16xi1>
      %reduce_sum3A_663 = tpu.scan <sum>, %scan3A_566#10 masked %reduce_sum3A_662 : vector<16xf32>, vector<16xi1> -> vector<16xf32>
      %reduce_sum3A_664 = vector.extract %reduce_sum3A_663[15] : f32 from vector<16xf32>
      %broadcast_in_dim3A_665 = vector.broadcast %reduce_sum3A_664 : f32 to vector<16xf32>
      %select_n3A_666 = arith.select %eq3A_660, %broadcast_in_dim3A_665, %select_n3A_657 : vector<16xi1>, vector<16xf32>
      %eq3A_667 = arith.constant 11 : i32
      %eq3A_668 = vector.broadcast %eq3A_667 : i32 to vector<16xi32>
      %eq3A_669 = arith.cmpi eq, %iota3A, %eq3A_668 : vector<16xi32>
      %reduce_sum3A_670 = arith.constant true
      %reduce_sum3A_671 = vector.broadcast %reduce_sum3A_670 : i1 to vector<16xi1>
      %reduce_sum3A_672 = tpu.scan <sum>, %scan3A_566#11 masked %reduce_sum3A_671 : vector<16xf32>, vector<16xi1> -> vector<16xf32>
      %reduce_sum3A_673 = vector.extract %reduce_sum3A_672[15] : f32 from vector<16xf32>
      %broadcast_in_dim3A_674 = vector.broadcast %reduce_sum3A_673 : f32 to vector<16xf32>
      %select_n3A_675 = arith.select %eq3A_669, %broadcast_in_dim3A_674, %select_n3A_666 : vector<16xi1>, vector<16xf32>
      %eq3A_676 = arith.constant 12 : i32
      %eq3A_677 = vector.broadcast %eq3A_676 : i32 to vector<16xi32>
      %eq3A_678 = arith.cmpi eq, %iota3A, %eq3A_677 : vector<16xi32>
      %reduce_sum3A_679 = arith.constant true
      %reduce_sum3A_680 = vector.broadcast %reduce_sum3A_679 : i1 to vector<16xi1>
      %reduce_sum3A_681 = tpu.scan <sum>, %scan3A_566#12 masked %reduce_sum3A_680 : vector<16xf32>, vector<16xi1> -> vector<16xf32>
      %reduce_sum3A_682 = vector.extract %reduce_sum3A_681[15] : f32 from vector<16xf32>
      %broadcast_in_dim3A_683 = vector.broadcast %reduce_sum3A_682 : f32 to vector<16xf32>
      %select_n3A_684 = arith.select %eq3A_678, %broadcast_in_dim3A_683, %select_n3A_675 : vector<16xi1>, vector<16xf32>
      %eq3A_685 = arith.constant 13 : i32
      %eq3A_686 = vector.broadcast %eq3A_685 : i32 to vector<16xi32>
      %eq3A_687 = arith.cmpi eq, %iota3A, %eq3A_686 : vector<16xi32>
      %reduce_sum3A_688 = arith.constant true
      %reduce_sum3A_689 = vector.broadcast %reduce_sum3A_688 : i1 to vector<16xi1>
      %reduce_sum3A_690 = tpu.scan <sum>, %scan3A_566#13 masked %reduce_sum3A_689 : vector<16xf32>, vector<16xi1> -> vector<16xf32>
      %reduce_sum3A_691 = vector.extract %reduce_sum3A_690[15] : f32 from vector<16xf32>
      %broadcast_in_dim3A_692 = vector.broadcast %reduce_sum3A_691 : f32 to vector<16xf32>
      %select_n3A_693 = arith.select %eq3A_687, %broadcast_in_dim3A_692, %select_n3A_684 : vector<16xi1>, vector<16xf32>
      %eq3A_694 = arith.constant 14 : i32
      %eq3A_695 = vector.broadcast %eq3A_694 : i32 to vector<16xi32>
      %eq3A_696 = arith.cmpi eq, %iota3A, %eq3A_695 : vector<16xi32>
      %reduce_sum3A_697 = arith.constant true
      %reduce_sum3A_698 = vector.broadcast %reduce_sum3A_697 : i1 to vector<16xi1>
      %reduce_sum3A_699 = tpu.scan <sum>, %scan3A_566#14 masked %reduce_sum3A_698 : vector<16xf32>, vector<16xi1> -> vector<16xf32>
      %reduce_sum3A_700 = vector.extract %reduce_sum3A_699[15] : f32 from vector<16xf32>
      %broadcast_in_dim3A_701 = vector.broadcast %reduce_sum3A_700 : f32 to vector<16xf32>
      %select_n3A_702 = arith.select %eq3A_696, %broadcast_in_dim3A_701, %select_n3A_693 : vector<16xi1>, vector<16xf32>
      %eq3A_703 = arith.constant 15 : i32
      %eq3A_704 = vector.broadcast %eq3A_703 : i32 to vector<16xi32>
      %eq3A_705 = arith.cmpi eq, %iota3A, %eq3A_704 : vector<16xi32>
      %reduce_sum3A_706 = arith.constant true
      %reduce_sum3A_707 = vector.broadcast %reduce_sum3A_706 : i1 to vector<16xi1>
      %reduce_sum3A_708 = tpu.scan <sum>, %scan3A_566#15 masked %reduce_sum3A_707 : vector<16xf32>, vector<16xi1> -> vector<16xf32>
      %reduce_sum3A_709 = vector.extract %reduce_sum3A_708[15] : f32 from vector<16xf32>
      %broadcast_in_dim3A_710 = vector.broadcast %reduce_sum3A_709 : f32 to vector<16xf32>
      %select_n3A_711 = arith.select %eq3A_705, %broadcast_in_dim3A_710, %select_n3A_702 : vector<16xi1>, vector<16xf32>
      %add3A_712 = arith.constant 2 : i32
      %add3A_713 = arith.addi %add3A_118, %add3A_712 : i32
      %get3A_714 = arith.index_cast %add3A_713 : i32 to index
      %get3A_715 = arith.constant 0 : index
      %get3A_716 = tpu.vector_load %arg6[%get3A_714, %get3A_715] {strides = array<i32>} : memref<128x16xi32, #tpu.memory_space<vmem>>, vector<16xi32>,
      %masked_sort3A_717 = arith.constant dense<true> : vector<16xi1>
      %masked_sort3A_718, %masked_sort3A_719, %masked_sort3A_720 = tpu.sort %select_n3A_711, %get3A_716 masked %masked_sort3A_717 {descending = true} : (vector<16xf32>, vector<16xi32>, vector<16xi1>) -> (vector<16xi1>, vector<16xf32>, vector<16xi32>)
      %add3A_721 = arith.constant 2 : i32
      %add3A_722 = arith.addi %add3A_118, %add3A_721 : i32
      %jit3A_723 = arith.constant 4 : i32
      %div3A_724 = arith.divsi %add3A_722, %jit3A_723 : i32
      %sign3A_725 = arith.constant 0 : i32
      %sign3A_726 = arith.cmpi sgt, %add3A_722, %sign3A_725 : i32
      %sign3A_727 = arith.extui %sign3A_726 : i1 to i32
      %sign3A_728 = arith.constant 0 : i32
      %sign3A_729 = arith.cmpi slt, %add3A_722, %sign3A_728 : i32
      %sign3A_730 = arith.extui %sign3A_729 : i1 to i32
      %sign3A_731 = arith.subi %sign3A_727, %sign3A_730 : i32
      %sign3A_732 = arith.constant 0 : i32
      %sign3A_733 = arith.cmpi sgt, %jit3A_723, %sign3A_732 : i32
      %sign3A_734 = arith.extui %sign3A_733 : i1 to i32
      %sign3A_735 = arith.constant 0 : i32
      %sign3A_736 = arith.cmpi slt, %jit3A_723, %sign3A_735 : i32
      %sign3A_737 = arith.extui %sign3A_736 : i1 to i32
      %sign3A_738 = arith.subi %sign3A_734, %sign3A_737 : i32
      %ne3A_739 = arith.cmpi ne, %sign3A_731, %sign3A_738 : i32
      %rem3A_740 = arith.remsi %add3A_722, %jit3A_723 : i32
      %ne3A_741 = arith.constant 0 : i32
      %ne3A_742 = arith.cmpi ne, %rem3A_740, %ne3A_741 : i32
      %and3A_743 = arith.andi %ne3A_739, %ne3A_742 : i1
      %sub3A_744 = arith.constant 1 : i32
      %sub3A_745 = arith.subi %div3A_724, %sub3A_744 : i32
      %select_n3A_746 = arith.select %and3A_743, %sub3A_745, %div3A_724 : i32
      %broadcast_in_dim3A_747 = vector.broadcast %select_n3A_746 : i32 to vector<16xi32>
      %add3A_748 = arith.constant 2 : i32
      %add3A_749 = arith.addi %add3A_118, %add3A_748 : i32
      %rem3A_750 = arith.constant 4 : i32
      %rem3A_751 = arith.remsi %add3A_749, %rem3A_750 : i32
      %mul3A_752 = arith.constant 4 : i32
      %mul3A_753 = arith.muli %rem3A_751, %mul3A_752 : i32
      %add3A_754 = vector.broadcast %mul3A_753 : i32 to vector<16xi32>
      %add3A_755 = arith.addi %add3A_754, %iota3A : vector<16xi32>
      %lt3A_756 = arith.constant 4 : i32
      %lt3A_757 = vector.broadcast %lt3A_756 : i32 to vector<16xi32>
      %lt3A_758 = arith.cmpi slt, %iota3A, %lt3A_757 : vector<16xi32>
      tpu.vector_store_idx %arg9[%broadcast_in_dim3A_747, %add3A_755], %masked_sort3A_720 masked %lt3A_758 : memref<32x16xi32, #tpu.memory_space<vmem>>[vector<16xi32>, vector<16xi32>], vector<16xi32>, vector<16xi1>
      %add3A_759 = arith.constant 2 : i32
      %add3A_760 = arith.addi %add3A_118, %add3A_759 : i32
      %add3A_761 = arith.constant 4 : i32
      %add3A_762 = arith.addi %add3A_760, %add3A_761 : i32
      %lt3A_763 = arith.constant 128 : i32
      %lt3A_764 = arith.cmpi slt, %add3A_762, %lt3A_763 : i32
      %convert_element_type3A_765 = arith.extui %lt3A_764 : i1 to i32
      %cond3A_766 = arith.constant 0 : i32
      %cond3A_767 = arith.cmpi ne, %convert_element_type3A_765, %cond3A_766 : i32
      scf.if %cond3A_767 {
        %add3A_987 = arith.constant 2 : i32
        %add3A_988 = arith.addi %add3A_118, %add3A_987 : i32
        %add3A_989 = arith.constant 4 : i32
        %add3A_990 = arith.addi %add3A_988, %add3A_989 : i32
        %dma_start3A_991 = arith.constant 2 : i32
        %dma_start3A_992 = arith.constant 0 : i32
        %dma_start3A_993 = arith.constant 0 : i32
        %dma_start3A_994 = tpu.memref_slice %arg8[%dma_start3A_991, %dma_start3A_992, %dma_start3A_993] : memref<4x16x1024xf32, #tpu.memory_space<vmem>> -> memref<1x16x1024xf32, #tpu.memory_space<vmem>>
        %dma_start3A_995 = tpu.memref_squeeze %dma_start3A_994 : memref<1x16x1024xf32, #tpu.memory_space<vmem>> -> memref<16x1024xf32, #tpu.memory_space<vmem>>
        %dma_start3A_996 = arith.constant 0 : i32
        %dma_start3A_997 = tpu.memref_slice %arg6[%add3A_990, %dma_start3A_996] : memref<128x16xi32, #tpu.memory_space<vmem>> -> memref<1x16xi32, #tpu.memory_space<vmem>>
        %dma_start3A_998 = tpu.memref_squeeze %dma_start3A_997 : memref<1x16xi32, #tpu.memory_space<vmem>> -> memref<16xi32, #tpu.memory_space<vmem>>
        %dma_start3A_999 = arith.constant 0 : i32
        %dma_start3A_1000 = arith.constant 0 : i32
        %dma_start3A_1001 = tpu.memref_slice %arg2[%dma_start3A_999, %dma_start3A_1000] : memref<4096x1024xf32, #tpu.memory_space<hbm>> -> memref<4096x1024xf32, #tpu.memory_space<hbm>>
        tpu.enqueue_indirect_dma source(%dma_start3A_1001 : memref<4096x1024xf32, #tpu.memory_space<hbm>>) target(%dma_start3A_995 : memref<16x1024xf32, #tpu.memory_space<vmem>>) offsets(%dma_start3A_998 : memref<16xi32, #tpu.memory_space<vmem>>) semaphore(%arg12 : memref<!tpu.dma_semaphore, #tpu.memory_space<semaphore_mem>>)
      } else {
      }
      %add3A_768 = arith.constant 3 : i32
      %add3A_769 = arith.addi %add3A_118, %add3A_768 : i32
      %dma_wait3A_770 = arith.constant 3 : i32
      %dma_wait3A_771 = arith.constant 0 : i32
      %dma_wait3A_772 = arith.constant 0 : i32
      %dma_wait3A_773 = tpu.memref_slice %arg8[%dma_wait3A_770, %dma_wait3A_771, %dma_wait3A_772] : memref<4x16x1024xf32, #tpu.memory_space<vmem>> -> memref<1x16x1024xf32, #tpu.memory_space<vmem>>
      %dma_wait3A_774 = tpu.memref_squeeze %dma_wait3A_773 : memref<1x16x1024xf32, #tpu.memory_space<vmem>> -> memref<16x1024xf32, #tpu.memory_space<vmem>>
      %dma_wait3A_775 = arith.constant 0 : i32
      %dma_wait3A_776 = tpu.memref_slice %arg6[%add3A_769, %dma_wait3A_775] : memref<128x16xi32, #tpu.memory_space<vmem>> -> memref<1x16xi32, #tpu.memory_space<vmem>>
      %dma_wait3A_777 = tpu.memref_squeeze %dma_wait3A_776 : memref<1x16xi32, #tpu.memory_space<vmem>> -> memref<16xi32, #tpu.memory_space<vmem>>
      %dma_wait3A_778 = arith.constant 0 : i32
      %dma_wait3A_779 = arith.constant 0 : i32
      %dma_wait3A_780 = tpu.memref_slice %arg2[%dma_wait3A_778, %dma_wait3A_779] : memref<4096x1024xf32, #tpu.memory_space<hbm>> -> memref<4096x1024xf32, #tpu.memory_space<hbm>>
      tpu.wait_indirect_dma semaphore(%arg13 : memref<!tpu.dma_semaphore, #tpu.memory_space<semaphore_mem>>) src(%dma_wait3A_780 : memref<4096x1024xf32, #tpu.memory_space<hbm>>) dst(%dma_wait3A_774 : memref<16x1024xf32, #tpu.memory_space<vmem>>)
      %scan3A_781 = arith.constant 0 : i32
      %scan3A_782 = arith.constant 64 : i32
      %scan3A_783 = arith.addi %scan3A_781, %scan3A_782 : i32
      %scan3A_784 = arith.constant 2 : i32
      %scan3A_785:16 = scf.for %scan3A_987 = %scan3A_781 to %scan3A_783 step %scan3A_784 iter_args(%scan3A_988 = %broadcast_in_dim3A_3, %scan3A_989 = %broadcast_in_dim3A_3, %scan3A_990 = %broadcast_in_dim3A_3, %scan3A_991 = %broadcast_in_dim3A_3, %scan3A_992 = %broadcast_in_dim3A_3, %scan3A_993 = %broadcast_in_dim3A_3, %scan3A_994 = %broadcast_in_dim3A_3, %scan3A_995 = %broadcast_in_dim3A_3, %scan3A_996 = %broadcast_in_dim3A_3, %scan3A_997 = %broadcast_in_dim3A_3, %scan3A_998 = %broadcast_in_dim3A_3, %scan3A_999 = %broadcast_in_dim3A_3, %scan3A_1000 = %broadcast_in_dim3A_3, %scan3A_1001 = %broadcast_in_dim3A_3, %scan3A_1002 = %broadcast_in_dim3A_3, %scan3A_1003 = %broadcast_in_dim3A_3) -> (vector<16xf32>, vector<16xf32>, vector<16xf32>, vector<16xf32>, vector<16xf32>, vector<16xf32>, vector<16xf32>, vector<16xf32>, vector<16xf32>, vector<16xf32>, vector<16xf32>, vector<16xf32>, vector<16xf32>, vector<16xf32>, vector<16xf32>, vector<16xf32>)  : i32 {
        %add3A_1004 = arith.constant 3 : i32
        %add3A_1005 = arith.addi %add3A_118, %add3A_1004 : i32
        %rem3A_1006 = arith.constant 32 : i32
        %rem3A_1007 = arith.remsi %add3A_1005, %rem3A_1006 : i32
        %mul3A_1008 = arith.constant 16 : i32
        %mul3A_1009 = arith.muli %scan3A_987, %mul3A_1008 : i32
        %get3A_1010 = arith.index_cast %rem3A_1007 : i32 to index
        %get3A_1011 = arith.index_cast %mul3A_1009 : i32 to index
        %get3A_1012 = tpu.vector_load %arg7[%get3A_1010, %get3A_1011] {strides = array<i32>} : memref<32x1024xf32, #tpu.memory_space<vmem>>, vector<16xf32>,
        %mul3A_1013 = arith.constant 16 : i32
        %mul3A_1014 = arith.muli %scan3A_987, %mul3A_1013 : i32
        %get3A_1015 = arith.constant 3 : i32
        %get3A_1016 = arith.constant 0 : i32
        %get3A_1017 = arith.index_cast %get3A_1015 : i32 to index
        %get3A_1018 = arith.index_cast %get3A_1016 : i32 to index
        %get3A_1019 = arith.index_cast %mul3A_1014 : i32 to index
        %get3A_1020 = tpu.vector_load %arg8[%get3A_1017, %get3A_1018, %get3A_1019] {strides = array<i32>} : memref<4x16x1024xf32, #tpu.memory_space<vmem>>, vector<16xf32>,
        %mul3A_1021 = arith.mulf %get3A_1012, %get3A_1020 : vector<16xf32>
        %add3A_1022 = arith.addf %scan3A_988, %mul3A_1021 : vector<16xf32>
        %mul3A_1023 = arith.constant 16 : i32
        %mul3A_1024 = arith.muli %scan3A_987, %mul3A_1023 : i32
        %get3A_1025 = arith.constant 3 : i32
        %get3A_1026 = arith.constant 1 : i32
        %get3A_1027 = arith.index_cast %get3A_1025 : i32 to index
        %get3A_1028 = arith.index_cast %get3A_1026 : i32 to index
        %get3A_1029 = arith.index_cast %mul3A_1024 : i32 to index
        %get3A_1030 = tpu.vector_load %arg8[%get3A_1027, %get3A_1028, %get3A_1029] {strides = array<i32>} : memref<4x16x1024xf32, #tpu.memory_space<vmem>>, vector<16xf32>,
        %mul3A_1031 = arith.mulf %get3A_1012, %get3A_1030 : vector<16xf32>
        %add3A_1032 = arith.addf %scan3A_989, %mul3A_1031 : vector<16xf32>
        %mul3A_1033 = arith.constant 16 : i32
        %mul3A_1034 = arith.muli %scan3A_987, %mul3A_1033 : i32
        %get3A_1035 = arith.constant 3 : i32
        %get3A_1036 = arith.constant 2 : i32
        %get3A_1037 = arith.index_cast %get3A_1035 : i32 to index
        %get3A_1038 = arith.index_cast %get3A_1036 : i32 to index
        %get3A_1039 = arith.index_cast %mul3A_1034 : i32 to index
        %get3A_1040 = tpu.vector_load %arg8[%get3A_1037, %get3A_1038, %get3A_1039] {strides = array<i32>} : memref<4x16x1024xf32, #tpu.memory_space<vmem>>, vector<16xf32>,
        %mul3A_1041 = arith.mulf %get3A_1012, %get3A_1040 : vector<16xf32>
        %add3A_1042 = arith.addf %scan3A_990, %mul3A_1041 : vector<16xf32>
        %mul3A_1043 = arith.constant 16 : i32
        %mul3A_1044 = arith.muli %scan3A_987, %mul3A_1043 : i32
        %get3A_1045 = arith.constant 3 : i32
        %get3A_1046 = arith.constant 3 : i32
        %get3A_1047 = arith.index_cast %get3A_1045 : i32 to index
        %get3A_1048 = arith.index_cast %get3A_1046 : i32 to index
        %get3A_1049 = arith.index_cast %mul3A_1044 : i32 to index
        %get3A_1050 = tpu.vector_load %arg8[%get3A_1047, %get3A_1048, %get3A_1049] {strides = array<i32>} : memref<4x16x1024xf32, #tpu.memory_space<vmem>>, vector<16xf32>,
        %mul3A_1051 = arith.mulf %get3A_1012, %get3A_1050 : vector<16xf32>
        %add3A_1052 = arith.addf %scan3A_991, %mul3A_1051 : vector<16xf32>
        %mul3A_1053 = arith.constant 16 : i32
        %mul3A_1054 = arith.muli %scan3A_987, %mul3A_1053 : i32
        %get3A_1055 = arith.constant 3 : i32
        %get3A_1056 = arith.constant 4 : i32
        %get3A_1057 = arith.index_cast %get3A_1055 : i32 to index
        %get3A_1058 = arith.index_cast %get3A_1056 : i32 to index
        %get3A_1059 = arith.index_cast %mul3A_1054 : i32 to index
        %get3A_1060 = tpu.vector_load %arg8[%get3A_1057, %get3A_1058, %get3A_1059] {strides = array<i32>} : memref<4x16x1024xf32, #tpu.memory_space<vmem>>, vector<16xf32>,
        %mul3A_1061 = arith.mulf %get3A_1012, %get3A_1060 : vector<16xf32>
        %add3A_1062 = arith.addf %scan3A_992, %mul3A_1061 : vector<16xf32>
        %mul3A_1063 = arith.constant 16 : i32
        %mul3A_1064 = arith.muli %scan3A_987, %mul3A_1063 : i32
        %get3A_1065 = arith.constant 3 : i32
        %get3A_1066 = arith.constant 5 : i32
        %get3A_1067 = arith.index_cast %get3A_1065 : i32 to index
        %get3A_1068 = arith.index_cast %get3A_1066 : i32 to index
        %get3A_1069 = arith.index_cast %mul3A_1064 : i32 to index
        %get3A_1070 = tpu.vector_load %arg8[%get3A_1067, %get3A_1068, %get3A_1069] {strides = array<i32>} : memref<4x16x1024xf32, #tpu.memory_space<vmem>>, vector<16xf32>,
        %mul3A_1071 = arith.mulf %get3A_1012, %get3A_1070 : vector<16xf32>
        %add3A_1072 = arith.addf %scan3A_993, %mul3A_1071 : vector<16xf32>
        %mul3A_1073 = arith.constant 16 : i32
        %mul3A_1074 = arith.muli %scan3A_987, %mul3A_1073 : i32
        %get3A_1075 = arith.constant 3 : i32
        %get3A_1076 = arith.constant 6 : i32
        %get3A_1077 = arith.index_cast %get3A_1075 : i32 to index
        %get3A_1078 = arith.index_cast %get3A_1076 : i32 to index
        %get3A_1079 = arith.index_cast %mul3A_1074 : i32 to index
        %get3A_1080 = tpu.vector_load %arg8[%get3A_1077, %get3A_1078, %get3A_1079] {strides = array<i32>} : memref<4x16x1024xf32, #tpu.memory_space<vmem>>, vector<16xf32>,
        %mul3A_1081 = arith.mulf %get3A_1012, %get3A_1080 : vector<16xf32>
        %add3A_1082 = arith.addf %scan3A_994, %mul3A_1081 : vector<16xf32>
        %mul3A_1083 = arith.constant 16 : i32
        %mul3A_1084 = arith.muli %scan3A_987, %mul3A_1083 : i32
        %get3A_1085 = arith.constant 3 : i32
        %get3A_1086 = arith.constant 7 : i32
        %get3A_1087 = arith.index_cast %get3A_1085 : i32 to index
        %get3A_1088 = arith.index_cast %get3A_1086 : i32 to index
        %get3A_1089 = arith.index_cast %mul3A_1084 : i32 to index
        %get3A_1090 = tpu.vector_load %arg8[%get3A_1087, %get3A_1088, %get3A_1089] {strides = array<i32>} : memref<4x16x1024xf32, #tpu.memory_space<vmem>>, vector<16xf32>,
        %mul3A_1091 = arith.mulf %get3A_1012, %get3A_1090 : vector<16xf32>
        %add3A_1092 = arith.addf %scan3A_995, %mul3A_1091 : vector<16xf32>
        %mul3A_1093 = arith.constant 16 : i32
        %mul3A_1094 = arith.muli %scan3A_987, %mul3A_1093 : i32
        %get3A_1095 = arith.constant 3 : i32
        %get3A_1096 = arith.constant 8 : i32
        %get3A_1097 = arith.index_cast %get3A_1095 : i32 to index
        %get3A_1098 = arith.index_cast %get3A_1096 : i32 to index
        %get3A_1099 = arith.index_cast %mul3A_1094 : i32 to index
        %get3A_1100 = tpu.vector_load %arg8[%get3A_1097, %get3A_1098, %get3A_1099] {strides = array<i32>} : memref<4x16x1024xf32, #tpu.memory_space<vmem>>, vector<16xf32>,
        %mul3A_1101 = arith.mulf %get3A_1012, %get3A_1100 : vector<16xf32>
        %add3A_1102 = arith.addf %scan3A_996, %mul3A_1101 : vector<16xf32>
        %mul3A_1103 = arith.constant 16 : i32
        %mul3A_1104 = arith.muli %scan3A_987, %mul3A_1103 : i32
        %get3A_1105 = arith.constant 3 : i32
        %get3A_1106 = arith.constant 9 : i32
        %get3A_1107 = arith.index_cast %get3A_1105 : i32 to index
        %get3A_1108 = arith.index_cast %get3A_1106 : i32 to index
        %get3A_1109 = arith.index_cast %mul3A_1104 : i32 to index
        %get3A_1110 = tpu.vector_load %arg8[%get3A_1107, %get3A_1108, %get3A_1109] {strides = array<i32>} : memref<4x16x1024xf32, #tpu.memory_space<vmem>>, vector<16xf32>,
        %mul3A_1111 = arith.mulf %get3A_1012, %get3A_1110 : vector<16xf32>
        %add3A_1112 = arith.addf %scan3A_997, %mul3A_1111 : vector<16xf32>
        %mul3A_1113 = arith.constant 16 : i32
        %mul3A_1114 = arith.muli %scan3A_987, %mul3A_1113 : i32
        %get3A_1115 = arith.constant 3 : i32
        %get3A_1116 = arith.constant 10 : i32
        %get3A_1117 = arith.index_cast %get3A_1115 : i32 to index
        %get3A_1118 = arith.index_cast %get3A_1116 : i32 to index
        %get3A_1119 = arith.index_cast %mul3A_1114 : i32 to index
        %get3A_1120 = tpu.vector_load %arg8[%get3A_1117, %get3A_1118, %get3A_1119] {strides = array<i32>} : memref<4x16x1024xf32, #tpu.memory_space<vmem>>, vector<16xf32>,
        %mul3A_1121 = arith.mulf %get3A_1012, %get3A_1120 : vector<16xf32>
        %add3A_1122 = arith.addf %scan3A_998, %mul3A_1121 : vector<16xf32>
        %mul3A_1123 = arith.constant 16 : i32
        %mul3A_1124 = arith.muli %scan3A_987, %mul3A_1123 : i32
        %get3A_1125 = arith.constant 3 : i32
        %get3A_1126 = arith.constant 11 : i32
        %get3A_1127 = arith.index_cast %get3A_1125 : i32 to index
        %get3A_1128 = arith.index_cast %get3A_1126 : i32 to index
        %get3A_1129 = arith.index_cast %mul3A_1124 : i32 to index
        %get3A_1130 = tpu.vector_load %arg8[%get3A_1127, %get3A_1128, %get3A_1129] {strides = array<i32>} : memref<4x16x1024xf32, #tpu.memory_space<vmem>>, vector<16xf32>,
        %mul3A_1131 = arith.mulf %get3A_1012, %get3A_1130 : vector<16xf32>
        %add3A_1132 = arith.addf %scan3A_999, %mul3A_1131 : vector<16xf32>
        %mul3A_1133 = arith.constant 16 : i32
        %mul3A_1134 = arith.muli %scan3A_987, %mul3A_1133 : i32
        %get3A_1135 = arith.constant 3 : i32
        %get3A_1136 = arith.constant 12 : i32
        %get3A_1137 = arith.index_cast %get3A_1135 : i32 to index
        %get3A_1138 = arith.index_cast %get3A_1136 : i32 to index
        %get3A_1139 = arith.index_cast %mul3A_1134 : i32 to index
        %get3A_1140 = tpu.vector_load %arg8[%get3A_1137, %get3A_1138, %get3A_1139] {strides = array<i32>} : memref<4x16x1024xf32, #tpu.memory_space<vmem>>, vector<16xf32>,
        %mul3A_1141 = arith.mulf %get3A_1012, %get3A_1140 : vector<16xf32>
        %add3A_1142 = arith.addf %scan3A_1000, %mul3A_1141 : vector<16xf32>
        %mul3A_1143 = arith.constant 16 : i32
        %mul3A_1144 = arith.muli %scan3A_987, %mul3A_1143 : i32
        %get3A_1145 = arith.constant 3 : i32
        %get3A_1146 = arith.constant 13 : i32
        %get3A_1147 = arith.index_cast %get3A_1145 : i32 to index
        %get3A_1148 = arith.index_cast %get3A_1146 : i32 to index
        %get3A_1149 = arith.index_cast %mul3A_1144 : i32 to index
        %get3A_1150 = tpu.vector_load %arg8[%get3A_1147, %get3A_1148, %get3A_1149] {strides = array<i32>} : memref<4x16x1024xf32, #tpu.memory_space<vmem>>, vector<16xf32>,
        %mul3A_1151 = arith.mulf %get3A_1012, %get3A_1150 : vector<16xf32>
        %add3A_1152 = arith.addf %scan3A_1001, %mul3A_1151 : vector<16xf32>
        %mul3A_1153 = arith.constant 16 : i32
        %mul3A_1154 = arith.muli %scan3A_987, %mul3A_1153 : i32
        %get3A_1155 = arith.constant 3 : i32
        %get3A_1156 = arith.constant 14 : i32
        %get3A_1157 = arith.index_cast %get3A_1155 : i32 to index
        %get3A_1158 = arith.index_cast %get3A_1156 : i32 to index
        %get3A_1159 = arith.index_cast %mul3A_1154 : i32 to index
        %get3A_1160 = tpu.vector_load %arg8[%get3A_1157, %get3A_1158, %get3A_1159] {strides = array<i32>} : memref<4x16x1024xf32, #tpu.memory_space<vmem>>, vector<16xf32>,
        %mul3A_1161 = arith.mulf %get3A_1012, %get3A_1160 : vector<16xf32>
        %add3A_1162 = arith.addf %scan3A_1002, %mul3A_1161 : vector<16xf32>
        %mul3A_1163 = arith.constant 16 : i32
        %mul3A_1164 = arith.muli %scan3A_987, %mul3A_1163 : i32
        %get3A_1165 = arith.constant 3 : i32
        %get3A_1166 = arith.constant 15 : i32
        %get3A_1167 = arith.index_cast %get3A_1165 : i32 to index
        %get3A_1168 = arith.index_cast %get3A_1166 : i32 to index
        %get3A_1169 = arith.index_cast %mul3A_1164 : i32 to index
        %get3A_1170 = tpu.vector_load %arg8[%get3A_1167, %get3A_1168, %get3A_1169] {strides = array<i32>} : memref<4x16x1024xf32, #tpu.memory_space<vmem>>, vector<16xf32>,
        %mul3A_1171 = arith.mulf %get3A_1012, %get3A_1170 : vector<16xf32>
        %add3A_1172 = arith.addf %scan3A_1003, %mul3A_1171 : vector<16xf32>
        %scan3A_1173 = arith.constant 1 : i32
        %scan3A_1174 = arith.addi %scan3A_987, %scan3A_1173 : i32
        %add3A_1175 = arith.constant 3 : i32
        %add3A_1176 = arith.addi %add3A_118, %add3A_1175 : i32
        %rem3A_1177 = arith.constant 32 : i32
        %rem3A_1178 = arith.remsi %add3A_1176, %rem3A_1177 : i32
        %mul3A_1179 = arith.constant 16 : i32
        %mul3A_1180 = arith.muli %scan3A_1174, %mul3A_1179 : i32
        %get3A_1181 = arith.index_cast %rem3A_1178 : i32 to index
        %get3A_1182 = arith.index_cast %mul3A_1180 : i32 to index
        %get3A_1183 = tpu.vector_load %arg7[%get3A_1181, %get3A_1182] {strides = array<i32>} : memref<32x1024xf32, #tpu.memory_space<vmem>>, vector<16xf32>,
        %mul3A_1184 = arith.constant 16 : i32
        %mul3A_1185 = arith.muli %scan3A_1174, %mul3A_1184 : i32
        %get3A_1186 = arith.constant 3 : i32
        %get3A_1187 = arith.constant 0 : i32
        %get3A_1188 = arith.index_cast %get3A_1186 : i32 to index
        %get3A_1189 = arith.index_cast %get3A_1187 : i32 to index
        %get3A_1190 = arith.index_cast %mul3A_1185 : i32 to index
        %get3A_1191 = tpu.vector_load %arg8[%get3A_1188, %get3A_1189, %get3A_1190] {strides = array<i32>} : memref<4x16x1024xf32, #tpu.memory_space<vmem>>, vector<16xf32>,
        %mul3A_1192 = arith.mulf %get3A_1183, %get3A_1191 : vector<16xf32>
        %add3A_1193 = arith.addf %add3A_1022, %mul3A_1192 : vector<16xf32>
        %mul3A_1194 = arith.constant 16 : i32
        %mul3A_1195 = arith.muli %scan3A_1174, %mul3A_1194 : i32
        %get3A_1196 = arith.constant 3 : i32
        %get3A_1197 = arith.constant 1 : i32
        %get3A_1198 = arith.index_cast %get3A_1196 : i32 to index
        %get3A_1199 = arith.index_cast %get3A_1197 : i32 to index
        %get3A_1200 = arith.index_cast %mul3A_1195 : i32 to index
        %get3A_1201 = tpu.vector_load %arg8[%get3A_1198, %get3A_1199, %get3A_1200] {strides = array<i32>} : memref<4x16x1024xf32, #tpu.memory_space<vmem>>, vector<16xf32>,
        %mul3A_1202 = arith.mulf %get3A_1183, %get3A_1201 : vector<16xf32>
        %add3A_1203 = arith.addf %add3A_1032, %mul3A_1202 : vector<16xf32>
        %mul3A_1204 = arith.constant 16 : i32
        %mul3A_1205 = arith.muli %scan3A_1174, %mul3A_1204 : i32
        %get3A_1206 = arith.constant 3 : i32
        %get3A_1207 = arith.constant 2 : i32
        %get3A_1208 = arith.index_cast %get3A_1206 : i32 to index
        %get3A_1209 = arith.index_cast %get3A_1207 : i32 to index
        %get3A_1210 = arith.index_cast %mul3A_1205 : i32 to index
        %get3A_1211 = tpu.vector_load %arg8[%get3A_1208, %get3A_1209, %get3A_1210] {strides = array<i32>} : memref<4x16x1024xf32, #tpu.memory_space<vmem>>, vector<16xf32>,
        %mul3A_1212 = arith.mulf %get3A_1183, %get3A_1211 : vector<16xf32>
        %add3A_1213 = arith.addf %add3A_1042, %mul3A_1212 : vector<16xf32>
        %mul3A_1214 = arith.constant 16 : i32
        %mul3A_1215 = arith.muli %scan3A_1174, %mul3A_1214 : i32
        %get3A_1216 = arith.constant 3 : i32
        %get3A_1217 = arith.constant 3 : i32
        %get3A_1218 = arith.index_cast %get3A_1216 : i32 to index
        %get3A_1219 = arith.index_cast %get3A_1217 : i32 to index
        %get3A_1220 = arith.index_cast %mul3A_1215 : i32 to index
        %get3A_1221 = tpu.vector_load %arg8[%get3A_1218, %get3A_1219, %get3A_1220] {strides = array<i32>} : memref<4x16x1024xf32, #tpu.memory_space<vmem>>, vector<16xf32>,
        %mul3A_1222 = arith.mulf %get3A_1183, %get3A_1221 : vector<16xf32>
        %add3A_1223 = arith.addf %add3A_1052, %mul3A_1222 : vector<16xf32>
        %mul3A_1224 = arith.constant 16 : i32
        %mul3A_1225 = arith.muli %scan3A_1174, %mul3A_1224 : i32
        %get3A_1226 = arith.constant 3 : i32
        %get3A_1227 = arith.constant 4 : i32
        %get3A_1228 = arith.index_cast %get3A_1226 : i32 to index
        %get3A_1229 = arith.index_cast %get3A_1227 : i32 to index
        %get3A_1230 = arith.index_cast %mul3A_1225 : i32 to index
        %get3A_1231 = tpu.vector_load %arg8[%get3A_1228, %get3A_1229, %get3A_1230] {strides = array<i32>} : memref<4x16x1024xf32, #tpu.memory_space<vmem>>, vector<16xf32>,
        %mul3A_1232 = arith.mulf %get3A_1183, %get3A_1231 : vector<16xf32>
        %add3A_1233 = arith.addf %add3A_1062, %mul3A_1232 : vector<16xf32>
        %mul3A_1234 = arith.constant 16 : i32
        %mul3A_1235 = arith.muli %scan3A_1174, %mul3A_1234 : i32
        %get3A_1236 = arith.constant 3 : i32
        %get3A_1237 = arith.constant 5 : i32
        %get3A_1238 = arith.index_cast %get3A_1236 : i32 to index
        %get3A_1239 = arith.index_cast %get3A_1237 : i32 to index
        %get3A_1240 = arith.index_cast %mul3A_1235 : i32 to index
        %get3A_1241 = tpu.vector_load %arg8[%get3A_1238, %get3A_1239, %get3A_1240] {strides = array<i32>} : memref<4x16x1024xf32, #tpu.memory_space<vmem>>, vector<16xf32>,
        %mul3A_1242 = arith.mulf %get3A_1183, %get3A_1241 : vector<16xf32>
        %add3A_1243 = arith.addf %add3A_1072, %mul3A_1242 : vector<16xf32>
        %mul3A_1244 = arith.constant 16 : i32
        %mul3A_1245 = arith.muli %scan3A_1174, %mul3A_1244 : i32
        %get3A_1246 = arith.constant 3 : i32
        %get3A_1247 = arith.constant 6 : i32
        %get3A_1248 = arith.index_cast %get3A_1246 : i32 to index
        %get3A_1249 = arith.index_cast %get3A_1247 : i32 to index
        %get3A_1250 = arith.index_cast %mul3A_1245 : i32 to index
        %get3A_1251 = tpu.vector_load %arg8[%get3A_1248, %get3A_1249, %get3A_1250] {strides = array<i32>} : memref<4x16x1024xf32, #tpu.memory_space<vmem>>, vector<16xf32>,
        %mul3A_1252 = arith.mulf %get3A_1183, %get3A_1251 : vector<16xf32>
        %add3A_1253 = arith.addf %add3A_1082, %mul3A_1252 : vector<16xf32>
        %mul3A_1254 = arith.constant 16 : i32
        %mul3A_1255 = arith.muli %scan3A_1174, %mul3A_1254 : i32
        %get3A_1256 = arith.constant 3 : i32
        %get3A_1257 = arith.constant 7 : i32
        %get3A_1258 = arith.index_cast %get3A_1256 : i32 to index
        %get3A_1259 = arith.index_cast %get3A_1257 : i32 to index
        %get3A_1260 = arith.index_cast %mul3A_1255 : i32 to index
        %get3A_1261 = tpu.vector_load %arg8[%get3A_1258, %get3A_1259, %get3A_1260] {strides = array<i32>} : memref<4x16x1024xf32, #tpu.memory_space<vmem>>, vector<16xf32>,
        %mul3A_1262 = arith.mulf %get3A_1183, %get3A_1261 : vector<16xf32>
        %add3A_1263 = arith.addf %add3A_1092, %mul3A_1262 : vector<16xf32>
        %mul3A_1264 = arith.constant 16 : i32
        %mul3A_1265 = arith.muli %scan3A_1174, %mul3A_1264 : i32
        %get3A_1266 = arith.constant 3 : i32
        %get3A_1267 = arith.constant 8 : i32
        %get3A_1268 = arith.index_cast %get3A_1266 : i32 to index
        %get3A_1269 = arith.index_cast %get3A_1267 : i32 to index
        %get3A_1270 = arith.index_cast %mul3A_1265 : i32 to index
        %get3A_1271 = tpu.vector_load %arg8[%get3A_1268, %get3A_1269, %get3A_1270] {strides = array<i32>} : memref<4x16x1024xf32, #tpu.memory_space<vmem>>, vector<16xf32>,
        %mul3A_1272 = arith.mulf %get3A_1183, %get3A_1271 : vector<16xf32>
        %add3A_1273 = arith.addf %add3A_1102, %mul3A_1272 : vector<16xf32>
        %mul3A_1274 = arith.constant 16 : i32
        %mul3A_1275 = arith.muli %scan3A_1174, %mul3A_1274 : i32
        %get3A_1276 = arith.constant 3 : i32
        %get3A_1277 = arith.constant 9 : i32
        %get3A_1278 = arith.index_cast %get3A_1276 : i32 to index
        %get3A_1279 = arith.index_cast %get3A_1277 : i32 to index
        %get3A_1280 = arith.index_cast %mul3A_1275 : i32 to index
        %get3A_1281 = tpu.vector_load %arg8[%get3A_1278, %get3A_1279, %get3A_1280] {strides = array<i32>} : memref<4x16x1024xf32, #tpu.memory_space<vmem>>, vector<16xf32>,
        %mul3A_1282 = arith.mulf %get3A_1183, %get3A_1281 : vector<16xf32>
        %add3A_1283 = arith.addf %add3A_1112, %mul3A_1282 : vector<16xf32>
        %mul3A_1284 = arith.constant 16 : i32
        %mul3A_1285 = arith.muli %scan3A_1174, %mul3A_1284 : i32
        %get3A_1286 = arith.constant 3 : i32
        %get3A_1287 = arith.constant 10 : i32
        %get3A_1288 = arith.index_cast %get3A_1286 : i32 to index
        %get3A_1289 = arith.index_cast %get3A_1287 : i32 to index
        %get3A_1290 = arith.index_cast %mul3A_1285 : i32 to index
        %get3A_1291 = tpu.vector_load %arg8[%get3A_1288, %get3A_1289, %get3A_1290] {strides = array<i32>} : memref<4x16x1024xf32, #tpu.memory_space<vmem>>, vector<16xf32>,
        %mul3A_1292 = arith.mulf %get3A_1183, %get3A_1291 : vector<16xf32>
        %add3A_1293 = arith.addf %add3A_1122, %mul3A_1292 : vector<16xf32>
        %mul3A_1294 = arith.constant 16 : i32
        %mul3A_1295 = arith.muli %scan3A_1174, %mul3A_1294 : i32
        %get3A_1296 = arith.constant 3 : i32
        %get3A_1297 = arith.constant 11 : i32
        %get3A_1298 = arith.index_cast %get3A_1296 : i32 to index
        %get3A_1299 = arith.index_cast %get3A_1297 : i32 to index
        %get3A_1300 = arith.index_cast %mul3A_1295 : i32 to index
        %get3A_1301 = tpu.vector_load %arg8[%get3A_1298, %get3A_1299, %get3A_1300] {strides = array<i32>} : memref<4x16x1024xf32, #tpu.memory_space<vmem>>, vector<16xf32>,
        %mul3A_1302 = arith.mulf %get3A_1183, %get3A_1301 : vector<16xf32>
        %add3A_1303 = arith.addf %add3A_1132, %mul3A_1302 : vector<16xf32>
        %mul3A_1304 = arith.constant 16 : i32
        %mul3A_1305 = arith.muli %scan3A_1174, %mul3A_1304 : i32
        %get3A_1306 = arith.constant 3 : i32
        %get3A_1307 = arith.constant 12 : i32
        %get3A_1308 = arith.index_cast %get3A_1306 : i32 to index
        %get3A_1309 = arith.index_cast %get3A_1307 : i32 to index
        %get3A_1310 = arith.index_cast %mul3A_1305 : i32 to index
        %get3A_1311 = tpu.vector_load %arg8[%get3A_1308, %get3A_1309, %get3A_1310] {strides = array<i32>} : memref<4x16x1024xf32, #tpu.memory_space<vmem>>, vector<16xf32>,
        %mul3A_1312 = arith.mulf %get3A_1183, %get3A_1311 : vector<16xf32>
        %add3A_1313 = arith.addf %add3A_1142, %mul3A_1312 : vector<16xf32>
        %mul3A_1314 = arith.constant 16 : i32
        %mul3A_1315 = arith.muli %scan3A_1174, %mul3A_1314 : i32
        %get3A_1316 = arith.constant 3 : i32
        %get3A_1317 = arith.constant 13 : i32
        %get3A_1318 = arith.index_cast %get3A_1316 : i32 to index
        %get3A_1319 = arith.index_cast %get3A_1317 : i32 to index
        %get3A_1320 = arith.index_cast %mul3A_1315 : i32 to index
        %get3A_1321 = tpu.vector_load %arg8[%get3A_1318, %get3A_1319, %get3A_1320] {strides = array<i32>} : memref<4x16x1024xf32, #tpu.memory_space<vmem>>, vector<16xf32>,
        %mul3A_1322 = arith.mulf %get3A_1183, %get3A_1321 : vector<16xf32>
        %add3A_1323 = arith.addf %add3A_1152, %mul3A_1322 : vector<16xf32>
        %mul3A_1324 = arith.constant 16 : i32
        %mul3A_1325 = arith.muli %scan3A_1174, %mul3A_1324 : i32
        %get3A_1326 = arith.constant 3 : i32
        %get3A_1327 = arith.constant 14 : i32
        %get3A_1328 = arith.index_cast %get3A_1326 : i32 to index
        %get3A_1329 = arith.index_cast %get3A_1327 : i32 to index
        %get3A_1330 = arith.index_cast %mul3A_1325 : i32 to index
        %get3A_1331 = tpu.vector_load %arg8[%get3A_1328, %get3A_1329, %get3A_1330] {strides = array<i32>} : memref<4x16x1024xf32, #tpu.memory_space<vmem>>, vector<16xf32>,
        %mul3A_1332 = arith.mulf %get3A_1183, %get3A_1331 : vector<16xf32>
        %add3A_1333 = arith.addf %add3A_1162, %mul3A_1332 : vector<16xf32>
        %mul3A_1334 = arith.constant 16 : i32
        %mul3A_1335 = arith.muli %scan3A_1174, %mul3A_1334 : i32
        %get3A_1336 = arith.constant 3 : i32
        %get3A_1337 = arith.constant 15 : i32
        %get3A_1338 = arith.index_cast %get3A_1336 : i32 to index
        %get3A_1339 = arith.index_cast %get3A_1337 : i32 to index
        %get3A_1340 = arith.index_cast %mul3A_1335 : i32 to index
        %get3A_1341 = tpu.vector_load %arg8[%get3A_1338, %get3A_1339, %get3A_1340] {strides = array<i32>} : memref<4x16x1024xf32, #tpu.memory_space<vmem>>, vector<16xf32>,
        %mul3A_1342 = arith.mulf %get3A_1183, %get3A_1341 : vector<16xf32>
        %add3A_1343 = arith.addf %add3A_1172, %mul3A_1342 : vector<16xf32>
        scf.yield %add3A_1193, %add3A_1203, %add3A_1213, %add3A_1223, %add3A_1233, %add3A_1243, %add3A_1253, %add3A_1263, %add3A_1273, %add3A_1283, %add3A_1293, %add3A_1303, %add3A_1313, %add3A_1323, %add3A_1333, %add3A_1343 : vector<16xf32>, vector<16xf32>, vector<16xf32>, vector<16xf32>, vector<16xf32>, vector<16xf32>, vector<16xf32>, vector<16xf32>, vector<16xf32>, vector<16xf32>, vector<16xf32>, vector<16xf32>, vector<16xf32>, vector<16xf32>, vector<16xf32>, vector<16xf32>
      }
      %scan3A_786 = arith.constant 64 : i32
      %eq3A_787 = arith.constant 0 : i32
      %eq3A_788 = vector.broadcast %eq3A_787 : i32 to vector<16xi32>
      %eq3A_789 = arith.cmpi eq, %iota3A, %eq3A_788 : vector<16xi32>
      %reduce_sum3A_790 = arith.constant true
      %reduce_sum3A_791 = vector.broadcast %reduce_sum3A_790 : i1 to vector<16xi1>
      %reduce_sum3A_792 = tpu.scan <sum>, %scan3A_785#0 masked %reduce_sum3A_791 : vector<16xf32>, vector<16xi1> -> vector<16xf32>
      %reduce_sum3A_793 = vector.extract %reduce_sum3A_792[15] : f32 from vector<16xf32>
      %broadcast_in_dim3A_794 = vector.broadcast %reduce_sum3A_793 : f32 to vector<16xf32>
      %select_n3A_795 = arith.select %eq3A_789, %broadcast_in_dim3A_794, %broadcast_in_dim3A_3 : vector<16xi1>, vector<16xf32>
      %eq3A_796 = arith.constant 1 : i32
      %eq3A_797 = vector.broadcast %eq3A_796 : i32 to vector<16xi32>
      %eq3A_798 = arith.cmpi eq, %iota3A, %eq3A_797 : vector<16xi32>
      %reduce_sum3A_799 = arith.constant true
      %reduce_sum3A_800 = vector.broadcast %reduce_sum3A_799 : i1 to vector<16xi1>
      %reduce_sum3A_801 = tpu.scan <sum>, %scan3A_785#1 masked %reduce_sum3A_800 : vector<16xf32>, vector<16xi1> -> vector<16xf32>
      %reduce_sum3A_802 = vector.extract %reduce_sum3A_801[15] : f32 from vector<16xf32>
      %broadcast_in_dim3A_803 = vector.broadcast %reduce_sum3A_802 : f32 to vector<16xf32>
      %select_n3A_804 = arith.select %eq3A_798, %broadcast_in_dim3A_803, %select_n3A_795 : vector<16xi1>, vector<16xf32>
      %eq3A_805 = arith.constant 2 : i32
      %eq3A_806 = vector.broadcast %eq3A_805 : i32 to vector<16xi32>
      %eq3A_807 = arith.cmpi eq, %iota3A, %eq3A_806 : vector<16xi32>
      %reduce_sum3A_808 = arith.constant true
      %reduce_sum3A_809 = vector.broadcast %reduce_sum3A_808 : i1 to vector<16xi1>
      %reduce_sum3A_810 = tpu.scan <sum>, %scan3A_785#2 masked %reduce_sum3A_809 : vector<16xf32>, vector<16xi1> -> vector<16xf32>
      %reduce_sum3A_811 = vector.extract %reduce_sum3A_810[15] : f32 from vector<16xf32>
      %broadcast_in_dim3A_812 = vector.broadcast %reduce_sum3A_811 : f32 to vector<16xf32>
      %select_n3A_813 = arith.select %eq3A_807, %broadcast_in_dim3A_812, %select_n3A_804 : vector<16xi1>, vector<16xf32>
      %eq3A_814 = arith.constant 3 : i32
      %eq3A_815 = vector.broadcast %eq3A_814 : i32 to vector<16xi32>
      %eq3A_816 = arith.cmpi eq, %iota3A, %eq3A_815 : vector<16xi32>
      %reduce_sum3A_817 = arith.constant true
      %reduce_sum3A_818 = vector.broadcast %reduce_sum3A_817 : i1 to vector<16xi1>
      %reduce_sum3A_819 = tpu.scan <sum>, %scan3A_785#3 masked %reduce_sum3A_818 : vector<16xf32>, vector<16xi1> -> vector<16xf32>
      %reduce_sum3A_820 = vector.extract %reduce_sum3A_819[15] : f32 from vector<16xf32>
      %broadcast_in_dim3A_821 = vector.broadcast %reduce_sum3A_820 : f32 to vector<16xf32>
      %select_n3A_822 = arith.select %eq3A_816, %broadcast_in_dim3A_821, %select_n3A_813 : vector<16xi1>, vector<16xf32>
      %eq3A_823 = arith.constant 4 : i32
      %eq3A_824 = vector.broadcast %eq3A_823 : i32 to vector<16xi32>
      %eq3A_825 = arith.cmpi eq, %iota3A, %eq3A_824 : vector<16xi32>
      %reduce_sum3A_826 = arith.constant true
      %reduce_sum3A_827 = vector.broadcast %reduce_sum3A_826 : i1 to vector<16xi1>
      %reduce_sum3A_828 = tpu.scan <sum>, %scan3A_785#4 masked %reduce_sum3A_827 : vector<16xf32>, vector<16xi1> -> vector<16xf32>
      %reduce_sum3A_829 = vector.extract %reduce_sum3A_828[15] : f32 from vector<16xf32>
      %broadcast_in_dim3A_830 = vector.broadcast %reduce_sum3A_829 : f32 to vector<16xf32>
      %select_n3A_831 = arith.select %eq3A_825, %broadcast_in_dim3A_830, %select_n3A_822 : vector<16xi1>, vector<16xf32>
      %eq3A_832 = arith.constant 5 : i32
      %eq3A_833 = vector.broadcast %eq3A_832 : i32 to vector<16xi32>
      %eq3A_834 = arith.cmpi eq, %iota3A, %eq3A_833 : vector<16xi32>
      %reduce_sum3A_835 = arith.constant true
      %reduce_sum3A_836 = vector.broadcast %reduce_sum3A_835 : i1 to vector<16xi1>
      %reduce_sum3A_837 = tpu.scan <sum>, %scan3A_785#5 masked %reduce_sum3A_836 : vector<16xf32>, vector<16xi1> -> vector<16xf32>
      %reduce_sum3A_838 = vector.extract %reduce_sum3A_837[15] : f32 from vector<16xf32>
      %broadcast_in_dim3A_839 = vector.broadcast %reduce_sum3A_838 : f32 to vector<16xf32>
      %select_n3A_840 = arith.select %eq3A_834, %broadcast_in_dim3A_839, %select_n3A_831 : vector<16xi1>, vector<16xf32>
      %eq3A_841 = arith.constant 6 : i32
      %eq3A_842 = vector.broadcast %eq3A_841 : i32 to vector<16xi32>
      %eq3A_843 = arith.cmpi eq, %iota3A, %eq3A_842 : vector<16xi32>
      %reduce_sum3A_844 = arith.constant true
      %reduce_sum3A_845 = vector.broadcast %reduce_sum3A_844 : i1 to vector<16xi1>
      %reduce_sum3A_846 = tpu.scan <sum>, %scan3A_785#6 masked %reduce_sum3A_845 : vector<16xf32>, vector<16xi1> -> vector<16xf32>
      %reduce_sum3A_847 = vector.extract %reduce_sum3A_846[15] : f32 from vector<16xf32>
      %broadcast_in_dim3A_848 = vector.broadcast %reduce_sum3A_847 : f32 to vector<16xf32>
      %select_n3A_849 = arith.select %eq3A_843, %broadcast_in_dim3A_848, %select_n3A_840 : vector<16xi1>, vector<16xf32>
      %eq3A_850 = arith.constant 7 : i32
      %eq3A_851 = vector.broadcast %eq3A_850 : i32 to vector<16xi32>
      %eq3A_852 = arith.cmpi eq, %iota3A, %eq3A_851 : vector<16xi32>
      %reduce_sum3A_853 = arith.constant true
      %reduce_sum3A_854 = vector.broadcast %reduce_sum3A_853 : i1 to vector<16xi1>
      %reduce_sum3A_855 = tpu.scan <sum>, %scan3A_785#7 masked %reduce_sum3A_854 : vector<16xf32>, vector<16xi1> -> vector<16xf32>
      %reduce_sum3A_856 = vector.extract %reduce_sum3A_855[15] : f32 from vector<16xf32>
      %broadcast_in_dim3A_857 = vector.broadcast %reduce_sum3A_856 : f32 to vector<16xf32>
      %select_n3A_858 = arith.select %eq3A_852, %broadcast_in_dim3A_857, %select_n3A_849 : vector<16xi1>, vector<16xf32>
      %eq3A_859 = arith.constant 8 : i32
      %eq3A_860 = vector.broadcast %eq3A_859 : i32 to vector<16xi32>
      %eq3A_861 = arith.cmpi eq, %iota3A, %eq3A_860 : vector<16xi32>
      %reduce_sum3A_862 = arith.constant true
      %reduce_sum3A_863 = vector.broadcast %reduce_sum3A_862 : i1 to vector<16xi1>
      %reduce_sum3A_864 = tpu.scan <sum>, %scan3A_785#8 masked %reduce_sum3A_863 : vector<16xf32>, vector<16xi1> -> vector<16xf32>
      %reduce_sum3A_865 = vector.extract %reduce_sum3A_864[15] : f32 from vector<16xf32>
      %broadcast_in_dim3A_866 = vector.broadcast %reduce_sum3A_865 : f32 to vector<16xf32>
      %select_n3A_867 = arith.select %eq3A_861, %broadcast_in_dim3A_866, %select_n3A_858 : vector<16xi1>, vector<16xf32>
      %eq3A_868 = arith.constant 9 : i32
      %eq3A_869 = vector.broadcast %eq3A_868 : i32 to vector<16xi32>
      %eq3A_870 = arith.cmpi eq, %iota3A, %eq3A_869 : vector<16xi32>
      %reduce_sum3A_871 = arith.constant true
      %reduce_sum3A_872 = vector.broadcast %reduce_sum3A_871 : i1 to vector<16xi1>
      %reduce_sum3A_873 = tpu.scan <sum>, %scan3A_785#9 masked %reduce_sum3A_872 : vector<16xf32>, vector<16xi1> -> vector<16xf32>
      %reduce_sum3A_874 = vector.extract %reduce_sum3A_873[15] : f32 from vector<16xf32>
      %broadcast_in_dim3A_875 = vector.broadcast %reduce_sum3A_874 : f32 to vector<16xf32>
      %select_n3A_876 = arith.select %eq3A_870, %broadcast_in_dim3A_875, %select_n3A_867 : vector<16xi1>, vector<16xf32>
      %eq3A_877 = arith.constant 10 : i32
      %eq3A_878 = vector.broadcast %eq3A_877 : i32 to vector<16xi32>
      %eq3A_879 = arith.cmpi eq, %iota3A, %eq3A_878 : vector<16xi32>
      %reduce_sum3A_880 = arith.constant true
      %reduce_sum3A_881 = vector.broadcast %reduce_sum3A_880 : i1 to vector<16xi1>
      %reduce_sum3A_882 = tpu.scan <sum>, %scan3A_785#10 masked %reduce_sum3A_881 : vector<16xf32>, vector<16xi1> -> vector<16xf32>
      %reduce_sum3A_883 = vector.extract %reduce_sum3A_882[15] : f32 from vector<16xf32>
      %broadcast_in_dim3A_884 = vector.broadcast %reduce_sum3A_883 : f32 to vector<16xf32>
      %select_n3A_885 = arith.select %eq3A_879, %broadcast_in_dim3A_884, %select_n3A_876 : vector<16xi1>, vector<16xf32>
      %eq3A_886 = arith.constant 11 : i32
      %eq3A_887 = vector.broadcast %eq3A_886 : i32 to vector<16xi32>
      %eq3A_888 = arith.cmpi eq, %iota3A, %eq3A_887 : vector<16xi32>
      %reduce_sum3A_889 = arith.constant true
      %reduce_sum3A_890 = vector.broadcast %reduce_sum3A_889 : i1 to vector<16xi1>
      %reduce_sum3A_891 = tpu.scan <sum>, %scan3A_785#11 masked %reduce_sum3A_890 : vector<16xf32>, vector<16xi1> -> vector<16xf32>
      %reduce_sum3A_892 = vector.extract %reduce_sum3A_891[15] : f32 from vector<16xf32>
      %broadcast_in_dim3A_893 = vector.broadcast %reduce_sum3A_892 : f32 to vector<16xf32>
      %select_n3A_894 = arith.select %eq3A_888, %broadcast_in_dim3A_893, %select_n3A_885 : vector<16xi1>, vector<16xf32>
      %eq3A_895 = arith.constant 12 : i32
      %eq3A_896 = vector.broadcast %eq3A_895 : i32 to vector<16xi32>
      %eq3A_897 = arith.cmpi eq, %iota3A, %eq3A_896 : vector<16xi32>
      %reduce_sum3A_898 = arith.constant true
      %reduce_sum3A_899 = vector.broadcast %reduce_sum3A_898 : i1 to vector<16xi1>
      %reduce_sum3A_900 = tpu.scan <sum>, %scan3A_785#12 masked %reduce_sum3A_899 : vector<16xf32>, vector<16xi1> -> vector<16xf32>
      %reduce_sum3A_901 = vector.extract %reduce_sum3A_900[15] : f32 from vector<16xf32>
      %broadcast_in_dim3A_902 = vector.broadcast %reduce_sum3A_901 : f32 to vector<16xf32>
      %select_n3A_903 = arith.select %eq3A_897, %broadcast_in_dim3A_902, %select_n3A_894 : vector<16xi1>, vector<16xf32>
      %eq3A_904 = arith.constant 13 : i32
      %eq3A_905 = vector.broadcast %eq3A_904 : i32 to vector<16xi32>
      %eq3A_906 = arith.cmpi eq, %iota3A, %eq3A_905 : vector<16xi32>
      %reduce_sum3A_907 = arith.constant true
      %reduce_sum3A_908 = vector.broadcast %reduce_sum3A_907 : i1 to vector<16xi1>
      %reduce_sum3A_909 = tpu.scan <sum>, %scan3A_785#13 masked %reduce_sum3A_908 : vector<16xf32>, vector<16xi1> -> vector<16xf32>
      %reduce_sum3A_910 = vector.extract %reduce_sum3A_909[15] : f32 from vector<16xf32>
      %broadcast_in_dim3A_911 = vector.broadcast %reduce_sum3A_910 : f32 to vector<16xf32>
      %select_n3A_912 = arith.select %eq3A_906, %broadcast_in_dim3A_911, %select_n3A_903 : vector<16xi1>, vector<16xf32>
      %eq3A_913 = arith.constant 14 : i32
      %eq3A_914 = vector.broadcast %eq3A_913 : i32 to vector<16xi32>
      %eq3A_915 = arith.cmpi eq, %iota3A, %eq3A_914 : vector<16xi32>
      %reduce_sum3A_916 = arith.constant true
      %reduce_sum3A_917 = vector.broadcast %reduce_sum3A_916 : i1 to vector<16xi1>
      %reduce_sum3A_918 = tpu.scan <sum>, %scan3A_785#14 masked %reduce_sum3A_917 : vector<16xf32>, vector<16xi1> -> vector<16xf32>
      %reduce_sum3A_919 = vector.extract %reduce_sum3A_918[15] : f32 from vector<16xf32>
      %broadcast_in_dim3A_920 = vector.broadcast %reduce_sum3A_919 : f32 to vector<16xf32>
      %select_n3A_921 = arith.select %eq3A_915, %broadcast_in_dim3A_920, %select_n3A_912 : vector<16xi1>, vector<16xf32>
      %eq3A_922 = arith.constant 15 : i32
      %eq3A_923 = vector.broadcast %eq3A_922 : i32 to vector<16xi32>
      %eq3A_924 = arith.cmpi eq, %iota3A, %eq3A_923 : vector<16xi32>
      %reduce_sum3A_925 = arith.constant true
      %reduce_sum3A_926 = vector.broadcast %reduce_sum3A_925 : i1 to vector<16xi1>
      %reduce_sum3A_927 = tpu.scan <sum>, %scan3A_785#15 masked %reduce_sum3A_926 : vector<16xf32>, vector<16xi1> -> vector<16xf32>
      %reduce_sum3A_928 = vector.extract %reduce_sum3A_927[15] : f32 from vector<16xf32>
      %broadcast_in_dim3A_929 = vector.broadcast %reduce_sum3A_928 : f32 to vector<16xf32>
      %select_n3A_930 = arith.select %eq3A_924, %broadcast_in_dim3A_929, %select_n3A_921 : vector<16xi1>, vector<16xf32>
      %add3A_931 = arith.constant 3 : i32
      %add3A_932 = arith.addi %add3A_118, %add3A_931 : i32
      %get3A_933 = arith.index_cast %add3A_932 : i32 to index
      %get3A_934 = arith.constant 0 : index
      %get3A_935 = tpu.vector_load %arg6[%get3A_933, %get3A_934] {strides = array<i32>} : memref<128x16xi32, #tpu.memory_space<vmem>>, vector<16xi32>,
      %masked_sort3A_936 = arith.constant dense<true> : vector<16xi1>
      %masked_sort3A_937, %masked_sort3A_938, %masked_sort3A_939 = tpu.sort %select_n3A_930, %get3A_935 masked %masked_sort3A_936 {descending = true} : (vector<16xf32>, vector<16xi32>, vector<16xi1>) -> (vector<16xi1>, vector<16xf32>, vector<16xi32>)
      %add3A_940 = arith.constant 3 : i32
      %add3A_941 = arith.addi %add3A_118, %add3A_940 : i32
      %jit3A_942 = arith.constant 4 : i32
      %div3A_943 = arith.divsi %add3A_941, %jit3A_942 : i32
      %sign3A_944 = arith.constant 0 : i32
      %sign3A_945 = arith.cmpi sgt, %add3A_941, %sign3A_944 : i32
      %sign3A_946 = arith.extui %sign3A_945 : i1 to i32
      %sign3A_947 = arith.constant 0 : i32
      %sign3A_948 = arith.cmpi slt, %add3A_941, %sign3A_947 : i32
      %sign3A_949 = arith.extui %sign3A_948 : i1 to i32
      %sign3A_950 = arith.subi %sign3A_946, %sign3A_949 : i32
      %sign3A_951 = arith.constant 0 : i32
      %sign3A_952 = arith.cmpi sgt, %jit3A_942, %sign3A_951 : i32
      %sign3A_953 = arith.extui %sign3A_952 : i1 to i32
      %sign3A_954 = arith.constant 0 : i32
      %sign3A_955 = arith.cmpi slt, %jit3A_942, %sign3A_954 : i32
      %sign3A_956 = arith.extui %sign3A_955 : i1 to i32
      %sign3A_957 = arith.subi %sign3A_953, %sign3A_956 : i32
      %ne3A_958 = arith.cmpi ne, %sign3A_950, %sign3A_957 : i32
      %rem3A_959 = arith.remsi %add3A_941, %jit3A_942 : i32
      %ne3A_960 = arith.constant 0 : i32
      %ne3A_961 = arith.cmpi ne, %rem3A_959, %ne3A_960 : i32
      %and3A_962 = arith.andi %ne3A_958, %ne3A_961 : i1
      %sub3A_963 = arith.constant 1 : i32
      %sub3A_964 = arith.subi %div3A_943, %sub3A_963 : i32
      %select_n3A_965 = arith.select %and3A_962, %sub3A_964, %div3A_943 : i32
      %broadcast_in_dim3A_966 = vector.broadcast %select_n3A_965 : i32 to vector<16xi32>
      %add3A_967 = arith.constant 3 : i32
      %add3A_968 = arith.addi %add3A_118, %add3A_967 : i32
      %rem3A_969 = arith.constant 4 : i32
      %rem3A_970 = arith.remsi %add3A_968, %rem3A_969 : i32
      %mul3A_971 = arith.constant 4 : i32
      %mul3A_972 = arith.muli %rem3A_970, %mul3A_971 : i32
      %add3A_973 = vector.broadcast %mul3A_972 : i32 to vector<16xi32>
      %add3A_974 = arith.addi %add3A_973, %iota3A : vector<16xi32>
      %lt3A_975 = arith.constant 4 : i32
      %lt3A_976 = vector.broadcast %lt3A_975 : i32 to vector<16xi32>
      %lt3A_977 = arith.cmpi slt, %iota3A, %lt3A_976 : vector<16xi32>
      tpu.vector_store_idx %arg9[%broadcast_in_dim3A_966, %add3A_974], %masked_sort3A_939 masked %lt3A_977 : memref<32x16xi32, #tpu.memory_space<vmem>>[vector<16xi32>, vector<16xi32>], vector<16xi32>, vector<16xi1>
      %add3A_978 = arith.constant 3 : i32
      %add3A_979 = arith.addi %add3A_118, %add3A_978 : i32
      %add3A_980 = arith.constant 4 : i32
      %add3A_981 = arith.addi %add3A_979, %add3A_980 : i32
      %lt3A_982 = arith.constant 128 : i32
      %lt3A_983 = arith.cmpi slt, %add3A_981, %lt3A_982 : i32
      %convert_element_type3A_984 = arith.extui %lt3A_983 : i1 to i32
      %cond3A_985 = arith.constant 0 : i32
      %cond3A_986 = arith.cmpi ne, %convert_element_type3A_984, %cond3A_985 : i32
      scf.if %cond3A_986 {
        %add3A_987 = arith.constant 3 : i32
        %add3A_988 = arith.addi %add3A_118, %add3A_987 : i32
        %add3A_989 = arith.constant 4 : i32
        %add3A_990 = arith.addi %add3A_988, %add3A_989 : i32
        %dma_start3A_991 = arith.constant 3 : i32
        %dma_start3A_992 = arith.constant 0 : i32
        %dma_start3A_993 = arith.constant 0 : i32
        %dma_start3A_994 = tpu.memref_slice %arg8[%dma_start3A_991, %dma_start3A_992, %dma_start3A_993] : memref<4x16x1024xf32, #tpu.memory_space<vmem>> -> memref<1x16x1024xf32, #tpu.memory_space<vmem>>
        %dma_start3A_995 = tpu.memref_squeeze %dma_start3A_994 : memref<1x16x1024xf32, #tpu.memory_space<vmem>> -> memref<16x1024xf32, #tpu.memory_space<vmem>>
        %dma_start3A_996 = arith.constant 0 : i32
        %dma_start3A_997 = tpu.memref_slice %arg6[%add3A_990, %dma_start3A_996] : memref<128x16xi32, #tpu.memory_space<vmem>> -> memref<1x16xi32, #tpu.memory_space<vmem>>
        %dma_start3A_998 = tpu.memref_squeeze %dma_start3A_997 : memref<1x16xi32, #tpu.memory_space<vmem>> -> memref<16xi32, #tpu.memory_space<vmem>>
        %dma_start3A_999 = arith.constant 0 : i32
        %dma_start3A_1000 = arith.constant 0 : i32
        %dma_start3A_1001 = tpu.memref_slice %arg2[%dma_start3A_999, %dma_start3A_1000] : memref<4096x1024xf32, #tpu.memory_space<hbm>> -> memref<4096x1024xf32, #tpu.memory_space<hbm>>
        tpu.enqueue_indirect_dma source(%dma_start3A_1001 : memref<4096x1024xf32, #tpu.memory_space<hbm>>) target(%dma_start3A_995 : memref<16x1024xf32, #tpu.memory_space<vmem>>) offsets(%dma_start3A_998 : memref<16xi32, #tpu.memory_space<vmem>>) semaphore(%arg13 : memref<!tpu.dma_semaphore, #tpu.memory_space<semaphore_mem>>)
      } else {
      }
    }
    %scan3A_54 = arith.constant 32 : i32
    %dma_start3A_55 = arith.constant 0 : i32
    %dma_start3A_56 = arith.constant 0 : i32
    %dma_start3A_57 = arith.constant 0 : i32
    %dma_start3A_58 = arith.constant 0 : i32
    %dma_start3A_59 = tpu.memref_slice %arg8[%dma_start3A_56, %dma_start3A_57, %dma_start3A_58] : memref<4x16x1024xf32, #tpu.memory_space<vmem>> -> memref<1x16x1024xf32, #tpu.memory_space<vmem>>
    %dma_start3A_60 = tpu.memref_squeeze %dma_start3A_59 : memref<1x16x1024xf32, #tpu.memory_space<vmem>> -> memref<16x1024xf32, #tpu.memory_space<vmem>>
    %dma_start3A_61 = arith.constant 0 : i32
    %dma_start3A_62 = tpu.memref_slice %arg9[%dma_start3A_55, %dma_start3A_61] : memref<32x16xi32, #tpu.memory_space<vmem>> -> memref<1x16xi32, #tpu.memory_space<vmem>>
    %dma_start3A_63 = tpu.memref_squeeze %dma_start3A_62 : memref<1x16xi32, #tpu.memory_space<vmem>> -> memref<16xi32, #tpu.memory_space<vmem>>
    %dma_start3A_64 = arith.constant 0 : i32
    %dma_start3A_65 = arith.constant 0 : i32
    %dma_start3A_66 = tpu.memref_slice %arg3[%dma_start3A_64, %dma_start3A_65] : memref<4096x1024xf32, #tpu.memory_space<hbm>> -> memref<4096x1024xf32, #tpu.memory_space<hbm>>
    tpu.enqueue_indirect_dma source(%dma_start3A_66 : memref<4096x1024xf32, #tpu.memory_space<hbm>>) target(%dma_start3A_60 : memref<16x1024xf32, #tpu.memory_space<vmem>>) offsets(%dma_start3A_63 : memref<16xi32, #tpu.memory_space<vmem>>) semaphore(%arg14 : memref<!tpu.dma_semaphore, #tpu.memory_space<semaphore_mem>>)
    %dma_start3A_67 = arith.constant 1 : i32
    %dma_start3A_68 = arith.constant 1 : i32
    %dma_start3A_69 = arith.constant 0 : i32
    %dma_start3A_70 = arith.constant 0 : i32
    %dma_start3A_71 = tpu.memref_slice %arg8[%dma_start3A_68, %dma_start3A_69, %dma_start3A_70] : memref<4x16x1024xf32, #tpu.memory_space<vmem>> -> memref<1x16x1024xf32, #tpu.memory_space<vmem>>
    %dma_start3A_72 = tpu.memref_squeeze %dma_start3A_71 : memref<1x16x1024xf32, #tpu.memory_space<vmem>> -> memref<16x1024xf32, #tpu.memory_space<vmem>>
    %dma_start3A_73 = arith.constant 0 : i32
    %dma_start3A_74 = tpu.memref_slice %arg9[%dma_start3A_67, %dma_start3A_73] : memref<32x16xi32, #tpu.memory_space<vmem>> -> memref<1x16xi32, #tpu.memory_space<vmem>>
    %dma_start3A_75 = tpu.memref_squeeze %dma_start3A_74 : memref<1x16xi32, #tpu.memory_space<vmem>> -> memref<16xi32, #tpu.memory_space<vmem>>
    %dma_start3A_76 = arith.constant 0 : i32
    %dma_start3A_77 = arith.constant 0 : i32
    %dma_start3A_78 = tpu.memref_slice %arg3[%dma_start3A_76, %dma_start3A_77] : memref<4096x1024xf32, #tpu.memory_space<hbm>> -> memref<4096x1024xf32, #tpu.memory_space<hbm>>
    tpu.enqueue_indirect_dma source(%dma_start3A_78 : memref<4096x1024xf32, #tpu.memory_space<hbm>>) target(%dma_start3A_72 : memref<16x1024xf32, #tpu.memory_space<vmem>>) offsets(%dma_start3A_75 : memref<16xi32, #tpu.memory_space<vmem>>) semaphore(%arg15 : memref<!tpu.dma_semaphore, #tpu.memory_space<semaphore_mem>>)
    %scan3A_79 = arith.constant 0 : i32
    %scan3A_80 = arith.constant 8 : i32
    %scan3A_81 = arith.addi %scan3A_79, %scan3A_80 : i32
    %scan3A_82 = arith.constant 1 : i32
    scf.for %scan3A_114 = %scan3A_79 to %scan3A_81 step %scan3A_82  : i32 {
      %mul3A_115 = arith.constant 4 : i32
      %mul3A_116 = arith.muli %scan3A_114, %mul3A_115 : i32
      %add3A_117 = arith.constant 0 : i32
      %add3A_118 = arith.addi %add3A_117, %mul3A_116 : i32
      %ge3A = arith.constant 4 : i32
      %ge3A_119 = arith.cmpi sge, %add3A_118, %ge3A : i32
      %convert_element_type3A = arith.extui %ge3A_119 : i1 to i32
      %cond3A = arith.constant 0 : i32
      %cond3A_120 = arith.cmpi ne, %convert_element_type3A, %cond3A : i32
      scf.if %cond3A_120 {
        %sub3A_269 = arith.constant 4 : i32
        %sub3A_270 = arith.subi %add3A_118, %sub3A_269 : i32
        %mul3A_271 = arith.constant 4 : i32
        %mul3A_272 = arith.muli %sub3A_270, %mul3A_271 : i32
        %add3A_273 = arith.addi %mul3A_2, %mul3A_272 : i32
        %multiple_of3A_274 = tpu.assume_multiple %add3A_273, 8 : i32
        %dma_wait3A_275 = arith.constant 2 : i32
        %dma_wait3A_276 = arith.constant 0 : i32
        %dma_wait3A_277 = arith.constant 0 : i32
        %dma_wait3A_278 = tpu.memref_slice %arg8[%dma_wait3A_275, %dma_wait3A_276, %dma_wait3A_277] : memref<4x16x1024xf32, #tpu.memory_space<vmem>> -> memref<1x8x1024xf32, #tpu.memory_space<vmem>>
        %dma_wait3A_279 = tpu.memref_squeeze %dma_wait3A_278 : memref<1x8x1024xf32, #tpu.memory_space<vmem>> -> memref<8x1024xf32, #tpu.memory_space<vmem>>
        %dma_wait3A_280 = arith.constant 0 : i32
        %dma_wait3A_281 = tpu.memref_slice %arg5[%multiple_of3A_274, %dma_wait3A_280] : memref<4096x1024xf32, #tpu.memory_space<hbm>> -> memref<8x1024xf32, #tpu.memory_space<hbm>>
        %dma_wait3A_282 = arith.constant 0 : i32
        %dma_wait3A_283 = tpu.memref_slice %arg5[%multiple_of3A_274, %dma_wait3A_282] : memref<4096x1024xf32, #tpu.memory_space<hbm>> -> memref<8x1024xf32, #tpu.memory_space<hbm>>
        %dma_wait3A_284 = arith.constant 0 : i32
        %dma_wait3A_285 = arith.constant 0 : i32
        %dma_wait3A_286 = tpu.memref_slice %arg8[%dma_wait3A_275, %dma_wait3A_284, %dma_wait3A_285] : memref<4x16x1024xf32, #tpu.memory_space<vmem>> -> memref<1x8x1024xf32, #tpu.memory_space<vmem>>
        %dma_wait3A_287 = tpu.memref_squeeze %dma_wait3A_286 : memref<1x8x1024xf32, #tpu.memory_space<vmem>> -> memref<8x1024xf32, #tpu.memory_space<vmem>>
        tpu.wait_dma2 semaphore(%arg16 : memref<!tpu.dma_semaphore, #tpu.memory_space<semaphore_mem>>) src(%dma_wait3A_287 : memref<8x1024xf32, #tpu.memory_space<vmem>>) dst(%dma_wait3A_283 : memref<8x1024xf32, #tpu.memory_space<hbm>>)
        %sub3A_288 = arith.constant 2 : i32
        %sub3A_289 = arith.subi %add3A_118, %sub3A_288 : i32
        %mul3A_290 = arith.constant 4 : i32
        %mul3A_291 = arith.muli %sub3A_289, %mul3A_290 : i32
        %add3A_292 = arith.addi %mul3A_2, %mul3A_291 : i32
        %multiple_of3A_293 = tpu.assume_multiple %add3A_292, 8 : i32
        %dma_wait3A_294 = arith.constant 3 : i32
        %dma_wait3A_295 = arith.constant 0 : i32
        %dma_wait3A_296 = arith.constant 0 : i32
        %dma_wait3A_297 = tpu.memref_slice %arg8[%dma_wait3A_294, %dma_wait3A_295, %dma_wait3A_296] : memref<4x16x1024xf32, #tpu.memory_space<vmem>> -> memref<1x8x1024xf32, #tpu.memory_space<vmem>>
        %dma_wait3A_298 = tpu.memref_squeeze %dma_wait3A_297 : memref<1x8x1024xf32, #tpu.memory_space<vmem>> -> memref<8x1024xf32, #tpu.memory_space<vmem>>
        %dma_wait3A_299 = arith.constant 0 : i32
        %dma_wait3A_300 = tpu.memref_slice %arg5[%multiple_of3A_293, %dma_wait3A_299] : memref<4096x1024xf32, #tpu.memory_space<hbm>> -> memref<8x1024xf32, #tpu.memory_space<hbm>>
        %dma_wait3A_301 = arith.constant 0 : i32
        %dma_wait3A_302 = tpu.memref_slice %arg5[%multiple_of3A_293, %dma_wait3A_301] : memref<4096x1024xf32, #tpu.memory_space<hbm>> -> memref<8x1024xf32, #tpu.memory_space<hbm>>
        %dma_wait3A_303 = arith.constant 0 : i32
        %dma_wait3A_304 = arith.constant 0 : i32
        %dma_wait3A_305 = tpu.memref_slice %arg8[%dma_wait3A_294, %dma_wait3A_303, %dma_wait3A_304] : memref<4x16x1024xf32, #tpu.memory_space<vmem>> -> memref<1x8x1024xf32, #tpu.memory_space<vmem>>
        %dma_wait3A_306 = tpu.memref_squeeze %dma_wait3A_305 : memref<1x8x1024xf32, #tpu.memory_space<vmem>> -> memref<8x1024xf32, #tpu.memory_space<vmem>>
        tpu.wait_dma2 semaphore(%arg17 : memref<!tpu.dma_semaphore, #tpu.memory_space<semaphore_mem>>) src(%dma_wait3A_306 : memref<8x1024xf32, #tpu.memory_space<vmem>>) dst(%dma_wait3A_302 : memref<8x1024xf32, #tpu.memory_space<hbm>>)
      } else {
      }
      %add3A_121 = arith.constant 0 : i32
      %add3A_122 = arith.addi %add3A_118, %add3A_121 : i32
      %dma_wait3A_123 = arith.constant 0 : i32
      %dma_wait3A_124 = arith.constant 0 : i32
      %dma_wait3A_125 = arith.constant 0 : i32
      %dma_wait3A_126 = tpu.memref_slice %arg8[%dma_wait3A_123, %dma_wait3A_124, %dma_wait3A_125] : memref<4x16x1024xf32, #tpu.memory_space<vmem>> -> memref<1x16x1024xf32, #tpu.memory_space<vmem>>
      %dma_wait3A_127 = tpu.memref_squeeze %dma_wait3A_126 : memref<1x16x1024xf32, #tpu.memory_space<vmem>> -> memref<16x1024xf32, #tpu.memory_space<vmem>>
      %dma_wait3A_128 = arith.constant 0 : i32
      %dma_wait3A_129 = tpu.memref_slice %arg9[%add3A_122, %dma_wait3A_128] : memref<32x16xi32, #tpu.memory_space<vmem>> -> memref<1x16xi32, #tpu.memory_space<vmem>>
      %dma_wait3A_130 = tpu.memref_squeeze %dma_wait3A_129 : memref<1x16xi32, #tpu.memory_space<vmem>> -> memref<16xi32, #tpu.memory_space<vmem>>
      %dma_wait3A_131 = arith.constant 0 : i32
      %dma_wait3A_132 = arith.constant 0 : i32
      %dma_wait3A_133 = tpu.memref_slice %arg3[%dma_wait3A_131, %dma_wait3A_132] : memref<4096x1024xf32, #tpu.memory_space<hbm>> -> memref<4096x1024xf32, #tpu.memory_space<hbm>>
      tpu.wait_indirect_dma semaphore(%arg14 : memref<!tpu.dma_semaphore, #tpu.memory_space<semaphore_mem>>) src(%dma_wait3A_133 : memref<4096x1024xf32, #tpu.memory_space<hbm>>) dst(%dma_wait3A_127 : memref<16x1024xf32, #tpu.memory_space<vmem>>)
      %scan3A_134 = arith.constant 0 : i32
      %scan3A_135 = arith.constant 64 : i32
      %scan3A_136 = arith.addi %scan3A_134, %scan3A_135 : i32
      %scan3A_137 = arith.constant 1 : i32
      scf.for %scan3A_269 = %scan3A_134 to %scan3A_136 step %scan3A_137  : i32 {
        %mul3A_270 = arith.constant 16 : i32
        %mul3A_271 = arith.muli %scan3A_269, %mul3A_270 : i32
        %add3A_272 = arith.constant 0 : i32
        %add3A_273 = arith.addi %add3A_272, %mul3A_271 : i32
        %get3A = arith.constant 0 : i32
        %get3A_274 = arith.constant 0 : i32
        %get3A_275 = arith.index_cast %get3A : i32 to index
        %get3A_276 = arith.index_cast %get3A_274 : i32 to index
        %get3A_277 = arith.index_cast %add3A_273 : i32 to index
        %get3A_278 = tpu.vector_load %arg8[%get3A_275, %get3A_276, %get3A_277] {strides = array<i32>} : memref<4x16x1024xf32, #tpu.memory_space<vmem>>, vector<16xf32>,
        %get3A_279 = arith.constant 0 : i32
        %get3A_280 = arith.constant 1 : i32
        %get3A_281 = arith.index_cast %get3A_279 : i32 to index
        %get3A_282 = arith.index_cast %get3A_280 : i32 to index
        %get3A_283 = arith.index_cast %add3A_273 : i32 to index
        %get3A_284 = tpu.vector_load %arg8[%get3A_281, %get3A_282, %get3A_283] {strides = array<i32>} : memref<4x16x1024xf32, #tpu.memory_space<vmem>>, vector<16xf32>,
        %add3A_285 = arith.addf %get3A_278, %get3A_284 : vector<16xf32>
        %get3A_286 = arith.constant 0 : i32
        %get3A_287 = arith.constant 2 : i32
        %get3A_288 = arith.index_cast %get3A_286 : i32 to index
        %get3A_289 = arith.index_cast %get3A_287 : i32 to index
        %get3A_290 = arith.index_cast %add3A_273 : i32 to index
        %get3A_291 = tpu.vector_load %arg8[%get3A_288, %get3A_289, %get3A_290] {strides = array<i32>} : memref<4x16x1024xf32, #tpu.memory_space<vmem>>, vector<16xf32>,
        %get3A_292 = arith.constant 0 : i32
        %get3A_293 = arith.constant 3 : i32
        %get3A_294 = arith.index_cast %get3A_292 : i32 to index
        %get3A_295 = arith.index_cast %get3A_293 : i32 to index
        %get3A_296 = arith.index_cast %add3A_273 : i32 to index
        %get3A_297 = tpu.vector_load %arg8[%get3A_294, %get3A_295, %get3A_296] {strides = array<i32>} : memref<4x16x1024xf32, #tpu.memory_space<vmem>>, vector<16xf32>,
        %add3A_298 = arith.addf %get3A_291, %get3A_297 : vector<16xf32>
        %add3A_299 = arith.addf %add3A_285, %add3A_298 : vector<16xf32>
        %swap3A = arith.constant 2 : i32
        %swap3A_300 = arith.constant 0 : i32
        %swap3A_301 = arith.index_cast %swap3A : i32 to index
        %swap3A_302 = arith.index_cast %swap3A_300 : i32 to index
        %swap3A_303 = arith.index_cast %add3A_273 : i32 to index
        %swap3A_304 = tpu.vector_load %arg8[%swap3A_301, %swap3A_302, %swap3A_303] {strides = array<i32>} : memref<4x16x1024xf32, #tpu.memory_space<vmem>>, vector<16xf32>,
        tpu.vector_store %arg8[%swap3A_301, %swap3A_302, %swap3A_303], %add3A_299 {strides = array<i32>} : memref<4x16x1024xf32, #tpu.memory_space<vmem>>, vector<16xf32>,
        %get3A_305 = arith.constant 0 : i32
        %get3A_306 = arith.constant 4 : i32
        %get3A_307 = arith.index_cast %get3A_305 : i32 to index
        %get3A_308 = arith.index_cast %get3A_306 : i32 to index
        %get3A_309 = arith.index_cast %add3A_273 : i32 to index
        %get3A_310 = tpu.vector_load %arg8[%get3A_307, %get3A_308, %get3A_309] {strides = array<i32>} : memref<4x16x1024xf32, #tpu.memory_space<vmem>>, vector<16xf32>,
        %get3A_311 = arith.constant 0 : i32
        %get3A_312 = arith.constant 5 : i32
        %get3A_313 = arith.index_cast %get3A_311 : i32 to index
        %get3A_314 = arith.index_cast %get3A_312 : i32 to index
        %get3A_315 = arith.index_cast %add3A_273 : i32 to index
        %get3A_316 = tpu.vector_load %arg8[%get3A_313, %get3A_314, %get3A_315] {strides = array<i32>} : memref<4x16x1024xf32, #tpu.memory_space<vmem>>, vector<16xf32>,
        %add3A_317 = arith.addf %get3A_310, %get3A_316 : vector<16xf32>
        %get3A_318 = arith.constant 0 : i32
        %get3A_319 = arith.constant 6 : i32
        %get3A_320 = arith.index_cast %get3A_318 : i32 to index
        %get3A_321 = arith.index_cast %get3A_319 : i32 to index
        %get3A_322 = arith.index_cast %add3A_273 : i32 to index
        %get3A_323 = tpu.vector_load %arg8[%get3A_320, %get3A_321, %get3A_322] {strides = array<i32>} : memref<4x16x1024xf32, #tpu.memory_space<vmem>>, vector<16xf32>,
        %get3A_324 = arith.constant 0 : i32
        %get3A_325 = arith.constant 7 : i32
        %get3A_326 = arith.index_cast %get3A_324 : i32 to index
        %get3A_327 = arith.index_cast %get3A_325 : i32 to index
        %get3A_328 = arith.index_cast %add3A_273 : i32 to index
        %get3A_329 = tpu.vector_load %arg8[%get3A_326, %get3A_327, %get3A_328] {strides = array<i32>} : memref<4x16x1024xf32, #tpu.memory_space<vmem>>, vector<16xf32>,
        %add3A_330 = arith.addf %get3A_323, %get3A_329 : vector<16xf32>
        %add3A_331 = arith.addf %add3A_317, %add3A_330 : vector<16xf32>
        %swap3A_332 = arith.constant 2 : i32
        %swap3A_333 = arith.constant 1 : i32
        %swap3A_334 = arith.index_cast %swap3A_332 : i32 to index
        %swap3A_335 = arith.index_cast %swap3A_333 : i32 to index
        %swap3A_336 = arith.index_cast %add3A_273 : i32 to index
        %swap3A_337 = tpu.vector_load %arg8[%swap3A_334, %swap3A_335, %swap3A_336] {strides = array<i32>} : memref<4x16x1024xf32, #tpu.memory_space<vmem>>, vector<16xf32>,
        tpu.vector_store %arg8[%swap3A_334, %swap3A_335, %swap3A_336], %add3A_331 {strides = array<i32>} : memref<4x16x1024xf32, #tpu.memory_space<vmem>>, vector<16xf32>,
        %get3A_338 = arith.constant 0 : i32
        %get3A_339 = arith.constant 8 : i32
        %get3A_340 = arith.index_cast %get3A_338 : i32 to index
        %get3A_341 = arith.index_cast %get3A_339 : i32 to index
        %get3A_342 = arith.index_cast %add3A_273 : i32 to index
        %get3A_343 = tpu.vector_load %arg8[%get3A_340, %get3A_341, %get3A_342] {strides = array<i32>} : memref<4x16x1024xf32, #tpu.memory_space<vmem>>, vector<16xf32>,
        %get3A_344 = arith.constant 0 : i32
        %get3A_345 = arith.constant 9 : i32
        %get3A_346 = arith.index_cast %get3A_344 : i32 to index
        %get3A_347 = arith.index_cast %get3A_345 : i32 to index
        %get3A_348 = arith.index_cast %add3A_273 : i32 to index
        %get3A_349 = tpu.vector_load %arg8[%get3A_346, %get3A_347, %get3A_348] {strides = array<i32>} : memref<4x16x1024xf32, #tpu.memory_space<vmem>>, vector<16xf32>,
        %add3A_350 = arith.addf %get3A_343, %get3A_349 : vector<16xf32>
        %get3A_351 = arith.constant 0 : i32
        %get3A_352 = arith.constant 10 : i32
        %get3A_353 = arith.index_cast %get3A_351 : i32 to index
        %get3A_354 = arith.index_cast %get3A_352 : i32 to index
        %get3A_355 = arith.index_cast %add3A_273 : i32 to index
        %get3A_356 = tpu.vector_load %arg8[%get3A_353, %get3A_354, %get3A_355] {strides = array<i32>} : memref<4x16x1024xf32, #tpu.memory_space<vmem>>, vector<16xf32>,
        %get3A_357 = arith.constant 0 : i32
        %get3A_358 = arith.constant 11 : i32
        %get3A_359 = arith.index_cast %get3A_357 : i32 to index
        %get3A_360 = arith.index_cast %get3A_358 : i32 to index
        %get3A_361 = arith.index_cast %add3A_273 : i32 to index
        %get3A_362 = tpu.vector_load %arg8[%get3A_359, %get3A_360, %get3A_361] {strides = array<i32>} : memref<4x16x1024xf32, #tpu.memory_space<vmem>>, vector<16xf32>,
        %add3A_363 = arith.addf %get3A_356, %get3A_362 : vector<16xf32>
        %add3A_364 = arith.addf %add3A_350, %add3A_363 : vector<16xf32>
        %swap3A_365 = arith.constant 2 : i32
        %swap3A_366 = arith.constant 2 : i32
        %swap3A_367 = arith.index_cast %swap3A_365 : i32 to index
        %swap3A_368 = arith.index_cast %swap3A_366 : i32 to index
        %swap3A_369 = arith.index_cast %add3A_273 : i32 to index
        %swap3A_370 = tpu.vector_load %arg8[%swap3A_367, %swap3A_368, %swap3A_369] {strides = array<i32>} : memref<4x16x1024xf32, #tpu.memory_space<vmem>>, vector<16xf32>,
        tpu.vector_store %arg8[%swap3A_367, %swap3A_368, %swap3A_369], %add3A_364 {strides = array<i32>} : memref<4x16x1024xf32, #tpu.memory_space<vmem>>, vector<16xf32>,
        %get3A_371 = arith.constant 0 : i32
        %get3A_372 = arith.constant 12 : i32
        %get3A_373 = arith.index_cast %get3A_371 : i32 to index
        %get3A_374 = arith.index_cast %get3A_372 : i32 to index
        %get3A_375 = arith.index_cast %add3A_273 : i32 to index
        %get3A_376 = tpu.vector_load %arg8[%get3A_373, %get3A_374, %get3A_375] {strides = array<i32>} : memref<4x16x1024xf32, #tpu.memory_space<vmem>>, vector<16xf32>,
        %get3A_377 = arith.constant 0 : i32
        %get3A_378 = arith.constant 13 : i32
        %get3A_379 = arith.index_cast %get3A_377 : i32 to index
        %get3A_380 = arith.index_cast %get3A_378 : i32 to index
        %get3A_381 = arith.index_cast %add3A_273 : i32 to index
        %get3A_382 = tpu.vector_load %arg8[%get3A_379, %get3A_380, %get3A_381] {strides = array<i32>} : memref<4x16x1024xf32, #tpu.memory_space<vmem>>, vector<16xf32>,
        %add3A_383 = arith.addf %get3A_376, %get3A_382 : vector<16xf32>
        %get3A_384 = arith.constant 0 : i32
        %get3A_385 = arith.constant 14 : i32
        %get3A_386 = arith.index_cast %get3A_384 : i32 to index
        %get3A_387 = arith.index_cast %get3A_385 : i32 to index
        %get3A_388 = arith.index_cast %add3A_273 : i32 to index
        %get3A_389 = tpu.vector_load %arg8[%get3A_386, %get3A_387, %get3A_388] {strides = array<i32>} : memref<4x16x1024xf32, #tpu.memory_space<vmem>>, vector<16xf32>,
        %get3A_390 = arith.constant 0 : i32
        %get3A_391 = arith.constant 15 : i32
        %get3A_392 = arith.index_cast %get3A_390 : i32 to index
        %get3A_393 = arith.index_cast %get3A_391 : i32 to index
        %get3A_394 = arith.index_cast %add3A_273 : i32 to index
        %get3A_395 = tpu.vector_load %arg8[%get3A_392, %get3A_393, %get3A_394] {strides = array<i32>} : memref<4x16x1024xf32, #tpu.memory_space<vmem>>, vector<16xf32>,
        %add3A_396 = arith.addf %get3A_389, %get3A_395 : vector<16xf32>
        %add3A_397 = arith.addf %add3A_383, %add3A_396 : vector<16xf32>
        %swap3A_398 = arith.constant 2 : i32
        %swap3A_399 = arith.constant 3 : i32
        %swap3A_400 = arith.index_cast %swap3A_398 : i32 to index
        %swap3A_401 = arith.index_cast %swap3A_399 : i32 to index
        %swap3A_402 = arith.index_cast %add3A_273 : i32 to index
        %swap3A_403 = tpu.vector_load %arg8[%swap3A_400, %swap3A_401, %swap3A_402] {strides = array<i32>} : memref<4x16x1024xf32, #tpu.memory_space<vmem>>, vector<16xf32>,
        tpu.vector_store %arg8[%swap3A_400, %swap3A_401, %swap3A_402], %add3A_397 {strides = array<i32>} : memref<4x16x1024xf32, #tpu.memory_space<vmem>>, vector<16xf32>,
      }
      %scan3A_138 = arith.constant 64 : i32
      %add3A_139 = arith.constant 0 : i32
      %add3A_140 = arith.addi %add3A_118, %add3A_139 : i32
      %add3A_141 = arith.constant 2 : i32
      %add3A_142 = arith.addi %add3A_140, %add3A_141 : i32
      %lt3A = arith.constant 32 : i32
      %lt3A_143 = arith.cmpi slt, %add3A_142, %lt3A : i32
      %convert_element_type3A_144 = arith.extui %lt3A_143 : i1 to i32
      %cond3A_145 = arith.constant 0 : i32
      %cond3A_146 = arith.cmpi ne, %convert_element_type3A_144, %cond3A_145 : i32
      scf.if %cond3A_146 {
        %add3A_269 = arith.constant 0 : i32
        %add3A_270 = arith.addi %add3A_118, %add3A_269 : i32
        %add3A_271 = arith.constant 2 : i32
        %add3A_272 = arith.addi %add3A_270, %add3A_271 : i32
        %dma_start3A_273 = arith.constant 0 : i32
        %dma_start3A_274 = arith.constant 0 : i32
        %dma_start3A_275 = arith.constant 0 : i32
        %dma_start3A_276 = tpu.memref_slice %arg8[%dma_start3A_273, %dma_start3A_274, %dma_start3A_275] : memref<4x16x1024xf32, #tpu.memory_space<vmem>> -> memref<1x16x1024xf32, #tpu.memory_space<vmem>>
        %dma_start3A_277 = tpu.memref_squeeze %dma_start3A_276 : memref<1x16x1024xf32, #tpu.memory_space<vmem>> -> memref<16x1024xf32, #tpu.memory_space<vmem>>
        %dma_start3A_278 = arith.constant 0 : i32
        %dma_start3A_279 = tpu.memref_slice %arg9[%add3A_272, %dma_start3A_278] : memref<32x16xi32, #tpu.memory_space<vmem>> -> memref<1x16xi32, #tpu.memory_space<vmem>>
        %dma_start3A_280 = tpu.memref_squeeze %dma_start3A_279 : memref<1x16xi32, #tpu.memory_space<vmem>> -> memref<16xi32, #tpu.memory_space<vmem>>
        %dma_start3A_281 = arith.constant 0 : i32
        %dma_start3A_282 = arith.constant 0 : i32
        %dma_start3A_283 = tpu.memref_slice %arg3[%dma_start3A_281, %dma_start3A_282] : memref<4096x1024xf32, #tpu.memory_space<hbm>> -> memref<4096x1024xf32, #tpu.memory_space<hbm>>
        tpu.enqueue_indirect_dma source(%dma_start3A_283 : memref<4096x1024xf32, #tpu.memory_space<hbm>>) target(%dma_start3A_277 : memref<16x1024xf32, #tpu.memory_space<vmem>>) offsets(%dma_start3A_280 : memref<16xi32, #tpu.memory_space<vmem>>) semaphore(%arg14 : memref<!tpu.dma_semaphore, #tpu.memory_space<semaphore_mem>>)
      } else {
      }
      %add3A_147 = arith.constant 1 : i32
      %add3A_148 = arith.addi %add3A_118, %add3A_147 : i32
      %dma_wait3A_149 = arith.constant 1 : i32
      %dma_wait3A_150 = arith.constant 0 : i32
      %dma_wait3A_151 = arith.constant 0 : i32
      %dma_wait3A_152 = tpu.memref_slice %arg8[%dma_wait3A_149, %dma_wait3A_150, %dma_wait3A_151] : memref<4x16x1024xf32, #tpu.memory_space<vmem>> -> memref<1x16x1024xf32, #tpu.memory_space<vmem>>
      %dma_wait3A_153 = tpu.memref_squeeze %dma_wait3A_152 : memref<1x16x1024xf32, #tpu.memory_space<vmem>> -> memref<16x1024xf32, #tpu.memory_space<vmem>>
      %dma_wait3A_154 = arith.constant 0 : i32
      %dma_wait3A_155 = tpu.memref_slice %arg9[%add3A_148, %dma_wait3A_154] : memref<32x16xi32, #tpu.memory_space<vmem>> -> memref<1x16xi32, #tpu.memory_space<vmem>>
      %dma_wait3A_156 = tpu.memref_squeeze %dma_wait3A_155 : memref<1x16xi32, #tpu.memory_space<vmem>> -> memref<16xi32, #tpu.memory_space<vmem>>
      %dma_wait3A_157 = arith.constant 0 : i32
      %dma_wait3A_158 = arith.constant 0 : i32
      %dma_wait3A_159 = tpu.memref_slice %arg3[%dma_wait3A_157, %dma_wait3A_158] : memref<4096x1024xf32, #tpu.memory_space<hbm>> -> memref<4096x1024xf32, #tpu.memory_space<hbm>>
      tpu.wait_indirect_dma semaphore(%arg15 : memref<!tpu.dma_semaphore, #tpu.memory_space<semaphore_mem>>) src(%dma_wait3A_159 : memref<4096x1024xf32, #tpu.memory_space<hbm>>) dst(%dma_wait3A_153 : memref<16x1024xf32, #tpu.memory_space<vmem>>)
      %scan3A_160 = arith.constant 0 : i32
      %scan3A_161 = arith.constant 64 : i32
      %scan3A_162 = arith.addi %scan3A_160, %scan3A_161 : i32
      %scan3A_163 = arith.constant 1 : i32
      scf.for %scan3A_269 = %scan3A_160 to %scan3A_162 step %scan3A_163  : i32 {
        %mul3A_270 = arith.constant 16 : i32
        %mul3A_271 = arith.muli %scan3A_269, %mul3A_270 : i32
        %add3A_272 = arith.constant 0 : i32
        %add3A_273 = arith.addi %add3A_272, %mul3A_271 : i32
        %get3A = arith.constant 1 : i32
        %get3A_274 = arith.constant 0 : i32
        %get3A_275 = arith.index_cast %get3A : i32 to index
        %get3A_276 = arith.index_cast %get3A_274 : i32 to index
        %get3A_277 = arith.index_cast %add3A_273 : i32 to index
        %get3A_278 = tpu.vector_load %arg8[%get3A_275, %get3A_276, %get3A_277] {strides = array<i32>} : memref<4x16x1024xf32, #tpu.memory_space<vmem>>, vector<16xf32>,
        %get3A_279 = arith.constant 1 : i32
        %get3A_280 = arith.constant 1 : i32
        %get3A_281 = arith.index_cast %get3A_279 : i32 to index
        %get3A_282 = arith.index_cast %get3A_280 : i32 to index
        %get3A_283 = arith.index_cast %add3A_273 : i32 to index
        %get3A_284 = tpu.vector_load %arg8[%get3A_281, %get3A_282, %get3A_283] {strides = array<i32>} : memref<4x16x1024xf32, #tpu.memory_space<vmem>>, vector<16xf32>,
        %add3A_285 = arith.addf %get3A_278, %get3A_284 : vector<16xf32>
        %get3A_286 = arith.constant 1 : i32
        %get3A_287 = arith.constant 2 : i32
        %get3A_288 = arith.index_cast %get3A_286 : i32 to index
        %get3A_289 = arith.index_cast %get3A_287 : i32 to index
        %get3A_290 = arith.index_cast %add3A_273 : i32 to index
        %get3A_291 = tpu.vector_load %arg8[%get3A_288, %get3A_289, %get3A_290] {strides = array<i32>} : memref<4x16x1024xf32, #tpu.memory_space<vmem>>, vector<16xf32>,
        %get3A_292 = arith.constant 1 : i32
        %get3A_293 = arith.constant 3 : i32
        %get3A_294 = arith.index_cast %get3A_292 : i32 to index
        %get3A_295 = arith.index_cast %get3A_293 : i32 to index
        %get3A_296 = arith.index_cast %add3A_273 : i32 to index
        %get3A_297 = tpu.vector_load %arg8[%get3A_294, %get3A_295, %get3A_296] {strides = array<i32>} : memref<4x16x1024xf32, #tpu.memory_space<vmem>>, vector<16xf32>,
        %add3A_298 = arith.addf %get3A_291, %get3A_297 : vector<16xf32>
        %add3A_299 = arith.addf %add3A_285, %add3A_298 : vector<16xf32>
        %swap3A = arith.constant 2 : i32
        %swap3A_300 = arith.constant 4 : i32
        %swap3A_301 = arith.index_cast %swap3A : i32 to index
        %swap3A_302 = arith.index_cast %swap3A_300 : i32 to index
        %swap3A_303 = arith.index_cast %add3A_273 : i32 to index
        %swap3A_304 = tpu.vector_load %arg8[%swap3A_301, %swap3A_302, %swap3A_303] {strides = array<i32>} : memref<4x16x1024xf32, #tpu.memory_space<vmem>>, vector<16xf32>,
        tpu.vector_store %arg8[%swap3A_301, %swap3A_302, %swap3A_303], %add3A_299 {strides = array<i32>} : memref<4x16x1024xf32, #tpu.memory_space<vmem>>, vector<16xf32>,
        %get3A_305 = arith.constant 1 : i32
        %get3A_306 = arith.constant 4 : i32
        %get3A_307 = arith.index_cast %get3A_305 : i32 to index
        %get3A_308 = arith.index_cast %get3A_306 : i32 to index
        %get3A_309 = arith.index_cast %add3A_273 : i32 to index
        %get3A_310 = tpu.vector_load %arg8[%get3A_307, %get3A_308, %get3A_309] {strides = array<i32>} : memref<4x16x1024xf32, #tpu.memory_space<vmem>>, vector<16xf32>,
        %get3A_311 = arith.constant 1 : i32
        %get3A_312 = arith.constant 5 : i32
        %get3A_313 = arith.index_cast %get3A_311 : i32 to index
        %get3A_314 = arith.index_cast %get3A_312 : i32 to index
        %get3A_315 = arith.index_cast %add3A_273 : i32 to index
        %get3A_316 = tpu.vector_load %arg8[%get3A_313, %get3A_314, %get3A_315] {strides = array<i32>} : memref<4x16x1024xf32, #tpu.memory_space<vmem>>, vector<16xf32>,
        %add3A_317 = arith.addf %get3A_310, %get3A_316 : vector<16xf32>
        %get3A_318 = arith.constant 1 : i32
        %get3A_319 = arith.constant 6 : i32
        %get3A_320 = arith.index_cast %get3A_318 : i32 to index
        %get3A_321 = arith.index_cast %get3A_319 : i32 to index
        %get3A_322 = arith.index_cast %add3A_273 : i32 to index
        %get3A_323 = tpu.vector_load %arg8[%get3A_320, %get3A_321, %get3A_322] {strides = array<i32>} : memref<4x16x1024xf32, #tpu.memory_space<vmem>>, vector<16xf32>,
        %get3A_324 = arith.constant 1 : i32
        %get3A_325 = arith.constant 7 : i32
        %get3A_326 = arith.index_cast %get3A_324 : i32 to index
        %get3A_327 = arith.index_cast %get3A_325 : i32 to index
        %get3A_328 = arith.index_cast %add3A_273 : i32 to index
        %get3A_329 = tpu.vector_load %arg8[%get3A_326, %get3A_327, %get3A_328] {strides = array<i32>} : memref<4x16x1024xf32, #tpu.memory_space<vmem>>, vector<16xf32>,
        %add3A_330 = arith.addf %get3A_323, %get3A_329 : vector<16xf32>
        %add3A_331 = arith.addf %add3A_317, %add3A_330 : vector<16xf32>
        %swap3A_332 = arith.constant 2 : i32
        %swap3A_333 = arith.constant 5 : i32
        %swap3A_334 = arith.index_cast %swap3A_332 : i32 to index
        %swap3A_335 = arith.index_cast %swap3A_333 : i32 to index
        %swap3A_336 = arith.index_cast %add3A_273 : i32 to index
        %swap3A_337 = tpu.vector_load %arg8[%swap3A_334, %swap3A_335, %swap3A_336] {strides = array<i32>} : memref<4x16x1024xf32, #tpu.memory_space<vmem>>, vector<16xf32>,
        tpu.vector_store %arg8[%swap3A_334, %swap3A_335, %swap3A_336], %add3A_331 {strides = array<i32>} : memref<4x16x1024xf32, #tpu.memory_space<vmem>>, vector<16xf32>,
        %get3A_338 = arith.constant 1 : i32
        %get3A_339 = arith.constant 8 : i32
        %get3A_340 = arith.index_cast %get3A_338 : i32 to index
        %get3A_341 = arith.index_cast %get3A_339 : i32 to index
        %get3A_342 = arith.index_cast %add3A_273 : i32 to index
        %get3A_343 = tpu.vector_load %arg8[%get3A_340, %get3A_341, %get3A_342] {strides = array<i32>} : memref<4x16x1024xf32, #tpu.memory_space<vmem>>, vector<16xf32>,
        %get3A_344 = arith.constant 1 : i32
        %get3A_345 = arith.constant 9 : i32
        %get3A_346 = arith.index_cast %get3A_344 : i32 to index
        %get3A_347 = arith.index_cast %get3A_345 : i32 to index
        %get3A_348 = arith.index_cast %add3A_273 : i32 to index
        %get3A_349 = tpu.vector_load %arg8[%get3A_346, %get3A_347, %get3A_348] {strides = array<i32>} : memref<4x16x1024xf32, #tpu.memory_space<vmem>>, vector<16xf32>,
        %add3A_350 = arith.addf %get3A_343, %get3A_349 : vector<16xf32>
        %get3A_351 = arith.constant 1 : i32
        %get3A_352 = arith.constant 10 : i32
        %get3A_353 = arith.index_cast %get3A_351 : i32 to index
        %get3A_354 = arith.index_cast %get3A_352 : i32 to index
        %get3A_355 = arith.index_cast %add3A_273 : i32 to index
        %get3A_356 = tpu.vector_load %arg8[%get3A_353, %get3A_354, %get3A_355] {strides = array<i32>} : memref<4x16x1024xf32, #tpu.memory_space<vmem>>, vector<16xf32>,
        %get3A_357 = arith.constant 1 : i32
        %get3A_358 = arith.constant 11 : i32
        %get3A_359 = arith.index_cast %get3A_357 : i32 to index
        %get3A_360 = arith.index_cast %get3A_358 : i32 to index
        %get3A_361 = arith.index_cast %add3A_273 : i32 to index
        %get3A_362 = tpu.vector_load %arg8[%get3A_359, %get3A_360, %get3A_361] {strides = array<i32>} : memref<4x16x1024xf32, #tpu.memory_space<vmem>>, vector<16xf32>,
        %add3A_363 = arith.addf %get3A_356, %get3A_362 : vector<16xf32>
        %add3A_364 = arith.addf %add3A_350, %add3A_363 : vector<16xf32>
        %swap3A_365 = arith.constant 2 : i32
        %swap3A_366 = arith.constant 6 : i32
        %swap3A_367 = arith.index_cast %swap3A_365 : i32 to index
        %swap3A_368 = arith.index_cast %swap3A_366 : i32 to index
        %swap3A_369 = arith.index_cast %add3A_273 : i32 to index
        %swap3A_370 = tpu.vector_load %arg8[%swap3A_367, %swap3A_368, %swap3A_369] {strides = array<i32>} : memref<4x16x1024xf32, #tpu.memory_space<vmem>>, vector<16xf32>,
        tpu.vector_store %arg8[%swap3A_367, %swap3A_368, %swap3A_369], %add3A_364 {strides = array<i32>} : memref<4x16x1024xf32, #tpu.memory_space<vmem>>, vector<16xf32>,
        %get3A_371 = arith.constant 1 : i32
        %get3A_372 = arith.constant 12 : i32
        %get3A_373 = arith.index_cast %get3A_371 : i32 to index
        %get3A_374 = arith.index_cast %get3A_372 : i32 to index
        %get3A_375 = arith.index_cast %add3A_273 : i32 to index
        %get3A_376 = tpu.vector_load %arg8[%get3A_373, %get3A_374, %get3A_375] {strides = array<i32>} : memref<4x16x1024xf32, #tpu.memory_space<vmem>>, vector<16xf32>,
        %get3A_377 = arith.constant 1 : i32
        %get3A_378 = arith.constant 13 : i32
        %get3A_379 = arith.index_cast %get3A_377 : i32 to index
        %get3A_380 = arith.index_cast %get3A_378 : i32 to index
        %get3A_381 = arith.index_cast %add3A_273 : i32 to index
        %get3A_382 = tpu.vector_load %arg8[%get3A_379, %get3A_380, %get3A_381] {strides = array<i32>} : memref<4x16x1024xf32, #tpu.memory_space<vmem>>, vector<16xf32>,
        %add3A_383 = arith.addf %get3A_376, %get3A_382 : vector<16xf32>
        %get3A_384 = arith.constant 1 : i32
        %get3A_385 = arith.constant 14 : i32
        %get3A_386 = arith.index_cast %get3A_384 : i32 to index
        %get3A_387 = arith.index_cast %get3A_385 : i32 to index
        %get3A_388 = arith.index_cast %add3A_273 : i32 to index
        %get3A_389 = tpu.vector_load %arg8[%get3A_386, %get3A_387, %get3A_388] {strides = array<i32>} : memref<4x16x1024xf32, #tpu.memory_space<vmem>>, vector<16xf32>,
        %get3A_390 = arith.constant 1 : i32
        %get3A_391 = arith.constant 15 : i32
        %get3A_392 = arith.index_cast %get3A_390 : i32 to index
        %get3A_393 = arith.index_cast %get3A_391 : i32 to index
        %get3A_394 = arith.index_cast %add3A_273 : i32 to index
        %get3A_395 = tpu.vector_load %arg8[%get3A_392, %get3A_393, %get3A_394] {strides = array<i32>} : memref<4x16x1024xf32, #tpu.memory_space<vmem>>, vector<16xf32>,
        %add3A_396 = arith.addf %get3A_389, %get3A_395 : vector<16xf32>
        %add3A_397 = arith.addf %add3A_383, %add3A_396 : vector<16xf32>
        %swap3A_398 = arith.constant 2 : i32
        %swap3A_399 = arith.constant 7 : i32
        %swap3A_400 = arith.index_cast %swap3A_398 : i32 to index
        %swap3A_401 = arith.index_cast %swap3A_399 : i32 to index
        %swap3A_402 = arith.index_cast %add3A_273 : i32 to index
        %swap3A_403 = tpu.vector_load %arg8[%swap3A_400, %swap3A_401, %swap3A_402] {strides = array<i32>} : memref<4x16x1024xf32, #tpu.memory_space<vmem>>, vector<16xf32>,
        tpu.vector_store %arg8[%swap3A_400, %swap3A_401, %swap3A_402], %add3A_397 {strides = array<i32>} : memref<4x16x1024xf32, #tpu.memory_space<vmem>>, vector<16xf32>,
      }
      %scan3A_164 = arith.constant 64 : i32
      %add3A_165 = arith.constant 1 : i32
      %add3A_166 = arith.addi %add3A_118, %add3A_165 : i32
      %add3A_167 = arith.constant 2 : i32
      %add3A_168 = arith.addi %add3A_166, %add3A_167 : i32
      %lt3A_169 = arith.constant 32 : i32
      %lt3A_170 = arith.cmpi slt, %add3A_168, %lt3A_169 : i32
      %convert_element_type3A_171 = arith.extui %lt3A_170 : i1 to i32
      %cond3A_172 = arith.constant 0 : i32
      %cond3A_173 = arith.cmpi ne, %convert_element_type3A_171, %cond3A_172 : i32
      scf.if %cond3A_173 {
        %add3A_269 = arith.constant 1 : i32
        %add3A_270 = arith.addi %add3A_118, %add3A_269 : i32
        %add3A_271 = arith.constant 2 : i32
        %add3A_272 = arith.addi %add3A_270, %add3A_271 : i32
        %dma_start3A_273 = arith.constant 1 : i32
        %dma_start3A_274 = arith.constant 0 : i32
        %dma_start3A_275 = arith.constant 0 : i32
        %dma_start3A_276 = tpu.memref_slice %arg8[%dma_start3A_273, %dma_start3A_274, %dma_start3A_275] : memref<4x16x1024xf32, #tpu.memory_space<vmem>> -> memref<1x16x1024xf32, #tpu.memory_space<vmem>>
        %dma_start3A_277 = tpu.memref_squeeze %dma_start3A_276 : memref<1x16x1024xf32, #tpu.memory_space<vmem>> -> memref<16x1024xf32, #tpu.memory_space<vmem>>
        %dma_start3A_278 = arith.constant 0 : i32
        %dma_start3A_279 = tpu.memref_slice %arg9[%add3A_272, %dma_start3A_278] : memref<32x16xi32, #tpu.memory_space<vmem>> -> memref<1x16xi32, #tpu.memory_space<vmem>>
        %dma_start3A_280 = tpu.memref_squeeze %dma_start3A_279 : memref<1x16xi32, #tpu.memory_space<vmem>> -> memref<16xi32, #tpu.memory_space<vmem>>
        %dma_start3A_281 = arith.constant 0 : i32
        %dma_start3A_282 = arith.constant 0 : i32
        %dma_start3A_283 = tpu.memref_slice %arg3[%dma_start3A_281, %dma_start3A_282] : memref<4096x1024xf32, #tpu.memory_space<hbm>> -> memref<4096x1024xf32, #tpu.memory_space<hbm>>
        tpu.enqueue_indirect_dma source(%dma_start3A_283 : memref<4096x1024xf32, #tpu.memory_space<hbm>>) target(%dma_start3A_277 : memref<16x1024xf32, #tpu.memory_space<vmem>>) offsets(%dma_start3A_280 : memref<16xi32, #tpu.memory_space<vmem>>) semaphore(%arg15 : memref<!tpu.dma_semaphore, #tpu.memory_space<semaphore_mem>>)
      } else {
      }
      %add3A_174 = arith.constant 1 : i32
      %add3A_175 = arith.addi %add3A_118, %add3A_174 : i32
      %sub3A = arith.constant 1 : i32
      %sub3A_176 = arith.subi %add3A_175, %sub3A : i32
      %mul3A_177 = arith.constant 4 : i32
      %mul3A_178 = arith.muli %sub3A_176, %mul3A_177 : i32
      %add3A_179 = arith.addi %mul3A_2, %mul3A_178 : i32
      %multiple_of3A_180 = tpu.assume_multiple %add3A_179, 8 : i32
      %dma_start3A_181 = arith.constant 2 : i32
      %dma_start3A_182 = arith.constant 0 : i32
      %dma_start3A_183 = arith.constant 0 : i32
      %dma_start3A_184 = tpu.memref_slice %arg8[%dma_start3A_181, %dma_start3A_182, %dma_start3A_183] : memref<4x16x1024xf32, #tpu.memory_space<vmem>> -> memref<1x8x1024xf32, #tpu.memory_space<vmem>>
      %dma_start3A_185 = tpu.memref_squeeze %dma_start3A_184 : memref<1x8x1024xf32, #tpu.memory_space<vmem>> -> memref<8x1024xf32, #tpu.memory_space<vmem>>
      %dma_start3A_186 = arith.constant 0 : i32
      %dma_start3A_187 = tpu.memref_slice %arg5[%multiple_of3A_180, %dma_start3A_186] : memref<4096x1024xf32, #tpu.memory_space<hbm>> -> memref<8x1024xf32, #tpu.memory_space<hbm>>
      %dma_start3A_188 = arith.constant 0 : i32
      %dma_start3A_189 = tpu.memref_slice %arg5[%multiple_of3A_180, %dma_start3A_188] : memref<4096x1024xf32, #tpu.memory_space<hbm>> -> memref<8x1024xf32, #tpu.memory_space<hbm>>
      %dma_start3A_190 = arith.constant 0 : i32
      %dma_start3A_191 = arith.constant 0 : i32
      %dma_start3A_192 = tpu.memref_slice %arg8[%dma_start3A_181, %dma_start3A_190, %dma_start3A_191] : memref<4x16x1024xf32, #tpu.memory_space<vmem>> -> memref<1x8x1024xf32, #tpu.memory_space<vmem>>
      %dma_start3A_193 = tpu.memref_squeeze %dma_start3A_192 : memref<1x8x1024xf32, #tpu.memory_space<vmem>> -> memref<8x1024xf32, #tpu.memory_space<vmem>>
      tpu.enqueue_dma source(%dma_start3A_193 : memref<8x1024xf32, #tpu.memory_space<vmem>>) target(%dma_start3A_189 : memref<8x1024xf32, #tpu.memory_space<hbm>>) target_semaphore(%arg16 : memref<!tpu.dma_semaphore, #tpu.memory_space<semaphore_mem>>)
      %add3A_194 = arith.constant 2 : i32
      %add3A_195 = arith.addi %add3A_118, %add3A_194 : i32
      %dma_wait3A_196 = arith.constant 0 : i32
      %dma_wait3A_197 = arith.constant 0 : i32
      %dma_wait3A_198 = arith.constant 0 : i32
      %dma_wait3A_199 = tpu.memref_slice %arg8[%dma_wait3A_196, %dma_wait3A_197, %dma_wait3A_198] : memref<4x16x1024xf32, #tpu.memory_space<vmem>> -> memref<1x16x1024xf32, #tpu.memory_space<vmem>>
      %dma_wait3A_200 = tpu.memref_squeeze %dma_wait3A_199 : memref<1x16x1024xf32, #tpu.memory_space<vmem>> -> memref<16x1024xf32, #tpu.memory_space<vmem>>
      %dma_wait3A_201 = arith.constant 0 : i32
      %dma_wait3A_202 = tpu.memref_slice %arg9[%add3A_195, %dma_wait3A_201] : memref<32x16xi32, #tpu.memory_space<vmem>> -> memref<1x16xi32, #tpu.memory_space<vmem>>
      %dma_wait3A_203 = tpu.memref_squeeze %dma_wait3A_202 : memref<1x16xi32, #tpu.memory_space<vmem>> -> memref<16xi32, #tpu.memory_space<vmem>>
      %dma_wait3A_204 = arith.constant 0 : i32
      %dma_wait3A_205 = arith.constant 0 : i32
      %dma_wait3A_206 = tpu.memref_slice %arg3[%dma_wait3A_204, %dma_wait3A_205] : memref<4096x1024xf32, #tpu.memory_space<hbm>> -> memref<4096x1024xf32, #tpu.memory_space<hbm>>
      tpu.wait_indirect_dma semaphore(%arg14 : memref<!tpu.dma_semaphore, #tpu.memory_space<semaphore_mem>>) src(%dma_wait3A_206 : memref<4096x1024xf32, #tpu.memory_space<hbm>>) dst(%dma_wait3A_200 : memref<16x1024xf32, #tpu.memory_space<vmem>>)
      %scan3A_207 = arith.constant 0 : i32
      %scan3A_208 = arith.constant 64 : i32
      %scan3A_209 = arith.addi %scan3A_207, %scan3A_208 : i32
      %scan3A_210 = arith.constant 1 : i32
      scf.for %scan3A_269 = %scan3A_207 to %scan3A_209 step %scan3A_210  : i32 {
        %mul3A_270 = arith.constant 16 : i32
        %mul3A_271 = arith.muli %scan3A_269, %mul3A_270 : i32
        %add3A_272 = arith.constant 0 : i32
        %add3A_273 = arith.addi %add3A_272, %mul3A_271 : i32
        %get3A = arith.constant 0 : i32
        %get3A_274 = arith.constant 0 : i32
        %get3A_275 = arith.index_cast %get3A : i32 to index
        %get3A_276 = arith.index_cast %get3A_274 : i32 to index
        %get3A_277 = arith.index_cast %add3A_273 : i32 to index
        %get3A_278 = tpu.vector_load %arg8[%get3A_275, %get3A_276, %get3A_277] {strides = array<i32>} : memref<4x16x1024xf32, #tpu.memory_space<vmem>>, vector<16xf32>,
        %get3A_279 = arith.constant 0 : i32
        %get3A_280 = arith.constant 1 : i32
        %get3A_281 = arith.index_cast %get3A_279 : i32 to index
        %get3A_282 = arith.index_cast %get3A_280 : i32 to index
        %get3A_283 = arith.index_cast %add3A_273 : i32 to index
        %get3A_284 = tpu.vector_load %arg8[%get3A_281, %get3A_282, %get3A_283] {strides = array<i32>} : memref<4x16x1024xf32, #tpu.memory_space<vmem>>, vector<16xf32>,
        %add3A_285 = arith.addf %get3A_278, %get3A_284 : vector<16xf32>
        %get3A_286 = arith.constant 0 : i32
        %get3A_287 = arith.constant 2 : i32
        %get3A_288 = arith.index_cast %get3A_286 : i32 to index
        %get3A_289 = arith.index_cast %get3A_287 : i32 to index
        %get3A_290 = arith.index_cast %add3A_273 : i32 to index
        %get3A_291 = tpu.vector_load %arg8[%get3A_288, %get3A_289, %get3A_290] {strides = array<i32>} : memref<4x16x1024xf32, #tpu.memory_space<vmem>>, vector<16xf32>,
        %get3A_292 = arith.constant 0 : i32
        %get3A_293 = arith.constant 3 : i32
        %get3A_294 = arith.index_cast %get3A_292 : i32 to index
        %get3A_295 = arith.index_cast %get3A_293 : i32 to index
        %get3A_296 = arith.index_cast %add3A_273 : i32 to index
        %get3A_297 = tpu.vector_load %arg8[%get3A_294, %get3A_295, %get3A_296] {strides = array<i32>} : memref<4x16x1024xf32, #tpu.memory_space<vmem>>, vector<16xf32>,
        %add3A_298 = arith.addf %get3A_291, %get3A_297 : vector<16xf32>
        %add3A_299 = arith.addf %add3A_285, %add3A_298 : vector<16xf32>
        %swap3A = arith.constant 3 : i32
        %swap3A_300 = arith.constant 0 : i32
        %swap3A_301 = arith.index_cast %swap3A : i32 to index
        %swap3A_302 = arith.index_cast %swap3A_300 : i32 to index
        %swap3A_303 = arith.index_cast %add3A_273 : i32 to index
        %swap3A_304 = tpu.vector_load %arg8[%swap3A_301, %swap3A_302, %swap3A_303] {strides = array<i32>} : memref<4x16x1024xf32, #tpu.memory_space<vmem>>, vector<16xf32>,
        tpu.vector_store %arg8[%swap3A_301, %swap3A_302, %swap3A_303], %add3A_299 {strides = array<i32>} : memref<4x16x1024xf32, #tpu.memory_space<vmem>>, vector<16xf32>,
        %get3A_305 = arith.constant 0 : i32
        %get3A_306 = arith.constant 4 : i32
        %get3A_307 = arith.index_cast %get3A_305 : i32 to index
        %get3A_308 = arith.index_cast %get3A_306 : i32 to index
        %get3A_309 = arith.index_cast %add3A_273 : i32 to index
        %get3A_310 = tpu.vector_load %arg8[%get3A_307, %get3A_308, %get3A_309] {strides = array<i32>} : memref<4x16x1024xf32, #tpu.memory_space<vmem>>, vector<16xf32>,
        %get3A_311 = arith.constant 0 : i32
        %get3A_312 = arith.constant 5 : i32
        %get3A_313 = arith.index_cast %get3A_311 : i32 to index
        %get3A_314 = arith.index_cast %get3A_312 : i32 to index
        %get3A_315 = arith.index_cast %add3A_273 : i32 to index
        %get3A_316 = tpu.vector_load %arg8[%get3A_313, %get3A_314, %get3A_315] {strides = array<i32>} : memref<4x16x1024xf32, #tpu.memory_space<vmem>>, vector<16xf32>,
        %add3A_317 = arith.addf %get3A_310, %get3A_316 : vector<16xf32>
        %get3A_318 = arith.constant 0 : i32
        %get3A_319 = arith.constant 6 : i32
        %get3A_320 = arith.index_cast %get3A_318 : i32 to index
        %get3A_321 = arith.index_cast %get3A_319 : i32 to index
        %get3A_322 = arith.index_cast %add3A_273 : i32 to index
        %get3A_323 = tpu.vector_load %arg8[%get3A_320, %get3A_321, %get3A_322] {strides = array<i32>} : memref<4x16x1024xf32, #tpu.memory_space<vmem>>, vector<16xf32>,
        %get3A_324 = arith.constant 0 : i32
        %get3A_325 = arith.constant 7 : i32
        %get3A_326 = arith.index_cast %get3A_324 : i32 to index
        %get3A_327 = arith.index_cast %get3A_325 : i32 to index
        %get3A_328 = arith.index_cast %add3A_273 : i32 to index
        %get3A_329 = tpu.vector_load %arg8[%get3A_326, %get3A_327, %get3A_328] {strides = array<i32>} : memref<4x16x1024xf32, #tpu.memory_space<vmem>>, vector<16xf32>,
        %add3A_330 = arith.addf %get3A_323, %get3A_329 : vector<16xf32>
        %add3A_331 = arith.addf %add3A_317, %add3A_330 : vector<16xf32>
        %swap3A_332 = arith.constant 3 : i32
        %swap3A_333 = arith.constant 1 : i32
        %swap3A_334 = arith.index_cast %swap3A_332 : i32 to index
        %swap3A_335 = arith.index_cast %swap3A_333 : i32 to index
        %swap3A_336 = arith.index_cast %add3A_273 : i32 to index
        %swap3A_337 = tpu.vector_load %arg8[%swap3A_334, %swap3A_335, %swap3A_336] {strides = array<i32>} : memref<4x16x1024xf32, #tpu.memory_space<vmem>>, vector<16xf32>,
        tpu.vector_store %arg8[%swap3A_334, %swap3A_335, %swap3A_336], %add3A_331 {strides = array<i32>} : memref<4x16x1024xf32, #tpu.memory_space<vmem>>, vector<16xf32>,
        %get3A_338 = arith.constant 0 : i32
        %get3A_339 = arith.constant 8 : i32
        %get3A_340 = arith.index_cast %get3A_338 : i32 to index
        %get3A_341 = arith.index_cast %get3A_339 : i32 to index
        %get3A_342 = arith.index_cast %add3A_273 : i32 to index
        %get3A_343 = tpu.vector_load %arg8[%get3A_340, %get3A_341, %get3A_342] {strides = array<i32>} : memref<4x16x1024xf32, #tpu.memory_space<vmem>>, vector<16xf32>,
        %get3A_344 = arith.constant 0 : i32
        %get3A_345 = arith.constant 9 : i32
        %get3A_346 = arith.index_cast %get3A_344 : i32 to index
        %get3A_347 = arith.index_cast %get3A_345 : i32 to index
        %get3A_348 = arith.index_cast %add3A_273 : i32 to index
        %get3A_349 = tpu.vector_load %arg8[%get3A_346, %get3A_347, %get3A_348] {strides = array<i32>} : memref<4x16x1024xf32, #tpu.memory_space<vmem>>, vector<16xf32>,
        %add3A_350 = arith.addf %get3A_343, %get3A_349 : vector<16xf32>
        %get3A_351 = arith.constant 0 : i32
        %get3A_352 = arith.constant 10 : i32
        %get3A_353 = arith.index_cast %get3A_351 : i32 to index
        %get3A_354 = arith.index_cast %get3A_352 : i32 to index
        %get3A_355 = arith.index_cast %add3A_273 : i32 to index
        %get3A_356 = tpu.vector_load %arg8[%get3A_353, %get3A_354, %get3A_355] {strides = array<i32>} : memref<4x16x1024xf32, #tpu.memory_space<vmem>>, vector<16xf32>,
        %get3A_357 = arith.constant 0 : i32
        %get3A_358 = arith.constant 11 : i32
        %get3A_359 = arith.index_cast %get3A_357 : i32 to index
        %get3A_360 = arith.index_cast %get3A_358 : i32 to index
        %get3A_361 = arith.index_cast %add3A_273 : i32 to index
        %get3A_362 = tpu.vector_load %arg8[%get3A_359, %get3A_360, %get3A_361] {strides = array<i32>} : memref<4x16x1024xf32, #tpu.memory_space<vmem>>, vector<16xf32>,
        %add3A_363 = arith.addf %get3A_356, %get3A_362 : vector<16xf32>
        %add3A_364 = arith.addf %add3A_350, %add3A_363 : vector<16xf32>
        %swap3A_365 = arith.constant 3 : i32
        %swap3A_366 = arith.constant 2 : i32
        %swap3A_367 = arith.index_cast %swap3A_365 : i32 to index
        %swap3A_368 = arith.index_cast %swap3A_366 : i32 to index
        %swap3A_369 = arith.index_cast %add3A_273 : i32 to index
        %swap3A_370 = tpu.vector_load %arg8[%swap3A_367, %swap3A_368, %swap3A_369] {strides = array<i32>} : memref<4x16x1024xf32, #tpu.memory_space<vmem>>, vector<16xf32>,
        tpu.vector_store %arg8[%swap3A_367, %swap3A_368, %swap3A_369], %add3A_364 {strides = array<i32>} : memref<4x16x1024xf32, #tpu.memory_space<vmem>>, vector<16xf32>,
        %get3A_371 = arith.constant 0 : i32
        %get3A_372 = arith.constant 12 : i32
        %get3A_373 = arith.index_cast %get3A_371 : i32 to index
        %get3A_374 = arith.index_cast %get3A_372 : i32 to index
        %get3A_375 = arith.index_cast %add3A_273 : i32 to index
        %get3A_376 = tpu.vector_load %arg8[%get3A_373, %get3A_374, %get3A_375] {strides = array<i32>} : memref<4x16x1024xf32, #tpu.memory_space<vmem>>, vector<16xf32>,
        %get3A_377 = arith.constant 0 : i32
        %get3A_378 = arith.constant 13 : i32
        %get3A_379 = arith.index_cast %get3A_377 : i32 to index
        %get3A_380 = arith.index_cast %get3A_378 : i32 to index
        %get3A_381 = arith.index_cast %add3A_273 : i32 to index
        %get3A_382 = tpu.vector_load %arg8[%get3A_379, %get3A_380, %get3A_381] {strides = array<i32>} : memref<4x16x1024xf32, #tpu.memory_space<vmem>>, vector<16xf32>,
        %add3A_383 = arith.addf %get3A_376, %get3A_382 : vector<16xf32>
        %get3A_384 = arith.constant 0 : i32
        %get3A_385 = arith.constant 14 : i32
        %get3A_386 = arith.index_cast %get3A_384 : i32 to index
        %get3A_387 = arith.index_cast %get3A_385 : i32 to index
        %get3A_388 = arith.index_cast %add3A_273 : i32 to index
        %get3A_389 = tpu.vector_load %arg8[%get3A_386, %get3A_387, %get3A_388] {strides = array<i32>} : memref<4x16x1024xf32, #tpu.memory_space<vmem>>, vector<16xf32>,
        %get3A_390 = arith.constant 0 : i32
        %get3A_391 = arith.constant 15 : i32
        %get3A_392 = arith.index_cast %get3A_390 : i32 to index
        %get3A_393 = arith.index_cast %get3A_391 : i32 to index
        %get3A_394 = arith.index_cast %add3A_273 : i32 to index
        %get3A_395 = tpu.vector_load %arg8[%get3A_392, %get3A_393, %get3A_394] {strides = array<i32>} : memref<4x16x1024xf32, #tpu.memory_space<vmem>>, vector<16xf32>,
        %add3A_396 = arith.addf %get3A_389, %get3A_395 : vector<16xf32>
        %add3A_397 = arith.addf %add3A_383, %add3A_396 : vector<16xf32>
        %swap3A_398 = arith.constant 3 : i32
        %swap3A_399 = arith.constant 3 : i32
        %swap3A_400 = arith.index_cast %swap3A_398 : i32 to index
        %swap3A_401 = arith.index_cast %swap3A_399 : i32 to index
        %swap3A_402 = arith.index_cast %add3A_273 : i32 to index
        %swap3A_403 = tpu.vector_load %arg8[%swap3A_400, %swap3A_401, %swap3A_402] {strides = array<i32>} : memref<4x16x1024xf32, #tpu.memory_space<vmem>>, vector<16xf32>,
        tpu.vector_store %arg8[%swap3A_400, %swap3A_401, %swap3A_402], %add3A_397 {strides = array<i32>} : memref<4x16x1024xf32, #tpu.memory_space<vmem>>, vector<16xf32>,
      }
      %scan3A_211 = arith.constant 64 : i32
      %add3A_212 = arith.constant 2 : i32
      %add3A_213 = arith.addi %add3A_118, %add3A_212 : i32
      %add3A_214 = arith.constant 2 : i32
      %add3A_215 = arith.addi %add3A_213, %add3A_214 : i32
      %lt3A_216 = arith.constant 32 : i32
      %lt3A_217 = arith.cmpi slt, %add3A_215, %lt3A_216 : i32
      %convert_element_type3A_218 = arith.extui %lt3A_217 : i1 to i32
      %cond3A_219 = arith.constant 0 : i32
      %cond3A_220 = arith.cmpi ne, %convert_element_type3A_218, %cond3A_219 : i32
      scf.if %cond3A_220 {
        %add3A_269 = arith.constant 2 : i32
        %add3A_270 = arith.addi %add3A_118, %add3A_269 : i32
        %add3A_271 = arith.constant 2 : i32
        %add3A_272 = arith.addi %add3A_270, %add3A_271 : i32
        %dma_start3A_273 = arith.constant 0 : i32
        %dma_start3A_274 = arith.constant 0 : i32
        %dma_start3A_275 = arith.constant 0 : i32
        %dma_start3A_276 = tpu.memref_slice %arg8[%dma_start3A_273, %dma_start3A_274, %dma_start3A_275] : memref<4x16x1024xf32, #tpu.memory_space<vmem>> -> memref<1x16x1024xf32, #tpu.memory_space<vmem>>
        %dma_start3A_277 = tpu.memref_squeeze %dma_start3A_276 : memref<1x16x1024xf32, #tpu.memory_space<vmem>> -> memref<16x1024xf32, #tpu.memory_space<vmem>>
        %dma_start3A_278 = arith.constant 0 : i32
        %dma_start3A_279 = tpu.memref_slice %arg9[%add3A_272, %dma_start3A_278] : memref<32x16xi32, #tpu.memory_space<vmem>> -> memref<1x16xi32, #tpu.memory_space<vmem>>
        %dma_start3A_280 = tpu.memref_squeeze %dma_start3A_279 : memref<1x16xi32, #tpu.memory_space<vmem>> -> memref<16xi32, #tpu.memory_space<vmem>>
        %dma_start3A_281 = arith.constant 0 : i32
        %dma_start3A_282 = arith.constant 0 : i32
        %dma_start3A_283 = tpu.memref_slice %arg3[%dma_start3A_281, %dma_start3A_282] : memref<4096x1024xf32, #tpu.memory_space<hbm>> -> memref<4096x1024xf32, #tpu.memory_space<hbm>>
        tpu.enqueue_indirect_dma source(%dma_start3A_283 : memref<4096x1024xf32, #tpu.memory_space<hbm>>) target(%dma_start3A_277 : memref<16x1024xf32, #tpu.memory_space<vmem>>) offsets(%dma_start3A_280 : memref<16xi32, #tpu.memory_space<vmem>>) semaphore(%arg14 : memref<!tpu.dma_semaphore, #tpu.memory_space<semaphore_mem>>)
      } else {
      }
      %add3A_221 = arith.constant 3 : i32
      %add3A_222 = arith.addi %add3A_118, %add3A_221 : i32
      %dma_wait3A_223 = arith.constant 1 : i32
      %dma_wait3A_224 = arith.constant 0 : i32
      %dma_wait3A_225 = arith.constant 0 : i32
      %dma_wait3A_226 = tpu.memref_slice %arg8[%dma_wait3A_223, %dma_wait3A_224, %dma_wait3A_225] : memref<4x16x1024xf32, #tpu.memory_space<vmem>> -> memref<1x16x1024xf32, #tpu.memory_space<vmem>>
      %dma_wait3A_227 = tpu.memref_squeeze %dma_wait3A_226 : memref<1x16x1024xf32, #tpu.memory_space<vmem>> -> memref<16x1024xf32, #tpu.memory_space<vmem>>
      %dma_wait3A_228 = arith.constant 0 : i32
      %dma_wait3A_229 = tpu.memref_slice %arg9[%add3A_222, %dma_wait3A_228] : memref<32x16xi32, #tpu.memory_space<vmem>> -> memref<1x16xi32, #tpu.memory_space<vmem>>
      %dma_wait3A_230 = tpu.memref_squeeze %dma_wait3A_229 : memref<1x16xi32, #tpu.memory_space<vmem>> -> memref<16xi32, #tpu.memory_space<vmem>>
      %dma_wait3A_231 = arith.constant 0 : i32
      %dma_wait3A_232 = arith.constant 0 : i32
      %dma_wait3A_233 = tpu.memref_slice %arg3[%dma_wait3A_231, %dma_wait3A_232] : memref<4096x1024xf32, #tpu.memory_space<hbm>> -> memref<4096x1024xf32, #tpu.memory_space<hbm>>
      tpu.wait_indirect_dma semaphore(%arg15 : memref<!tpu.dma_semaphore, #tpu.memory_space<semaphore_mem>>) src(%dma_wait3A_233 : memref<4096x1024xf32, #tpu.memory_space<hbm>>) dst(%dma_wait3A_227 : memref<16x1024xf32, #tpu.memory_space<vmem>>)
      %scan3A_234 = arith.constant 0 : i32
      %scan3A_235 = arith.constant 64 : i32
      %scan3A_236 = arith.addi %scan3A_234, %scan3A_235 : i32
      %scan3A_237 = arith.constant 1 : i32
      scf.for %scan3A_269 = %scan3A_234 to %scan3A_236 step %scan3A_237  : i32 {
        %mul3A_270 = arith.constant 16 : i32
        %mul3A_271 = arith.muli %scan3A_269, %mul3A_270 : i32
        %add3A_272 = arith.constant 0 : i32
        %add3A_273 = arith.addi %add3A_272, %mul3A_271 : i32
        %get3A = arith.constant 1 : i32
        %get3A_274 = arith.constant 0 : i32
        %get3A_275 = arith.index_cast %get3A : i32 to index
        %get3A_276 = arith.index_cast %get3A_274 : i32 to index
        %get3A_277 = arith.index_cast %add3A_273 : i32 to index
        %get3A_278 = tpu.vector_load %arg8[%get3A_275, %get3A_276, %get3A_277] {strides = array<i32>} : memref<4x16x1024xf32, #tpu.memory_space<vmem>>, vector<16xf32>,
        %get3A_279 = arith.constant 1 : i32
        %get3A_280 = arith.constant 1 : i32
        %get3A_281 = arith.index_cast %get3A_279 : i32 to index
        %get3A_282 = arith.index_cast %get3A_280 : i32 to index
        %get3A_283 = arith.index_cast %add3A_273 : i32 to index
        %get3A_284 = tpu.vector_load %arg8[%get3A_281, %get3A_282, %get3A_283] {strides = array<i32>} : memref<4x16x1024xf32, #tpu.memory_space<vmem>>, vector<16xf32>,
        %add3A_285 = arith.addf %get3A_278, %get3A_284 : vector<16xf32>
        %get3A_286 = arith.constant 1 : i32
        %get3A_287 = arith.constant 2 : i32
        %get3A_288 = arith.index_cast %get3A_286 : i32 to index
        %get3A_289 = arith.index_cast %get3A_287 : i32 to index
        %get3A_290 = arith.index_cast %add3A_273 : i32 to index
        %get3A_291 = tpu.vector_load %arg8[%get3A_288, %get3A_289, %get3A_290] {strides = array<i32>} : memref<4x16x1024xf32, #tpu.memory_space<vmem>>, vector<16xf32>,
        %get3A_292 = arith.constant 1 : i32
        %get3A_293 = arith.constant 3 : i32
        %get3A_294 = arith.index_cast %get3A_292 : i32 to index
        %get3A_295 = arith.index_cast %get3A_293 : i32 to index
        %get3A_296 = arith.index_cast %add3A_273 : i32 to index
        %get3A_297 = tpu.vector_load %arg8[%get3A_294, %get3A_295, %get3A_296] {strides = array<i32>} : memref<4x16x1024xf32, #tpu.memory_space<vmem>>, vector<16xf32>,
        %add3A_298 = arith.addf %get3A_291, %get3A_297 : vector<16xf32>
        %add3A_299 = arith.addf %add3A_285, %add3A_298 : vector<16xf32>
        %swap3A = arith.constant 3 : i32
        %swap3A_300 = arith.constant 4 : i32
        %swap3A_301 = arith.index_cast %swap3A : i32 to index
        %swap3A_302 = arith.index_cast %swap3A_300 : i32 to index
        %swap3A_303 = arith.index_cast %add3A_273 : i32 to index
        %swap3A_304 = tpu.vector_load %arg8[%swap3A_301, %swap3A_302, %swap3A_303] {strides = array<i32>} : memref<4x16x1024xf32, #tpu.memory_space<vmem>>, vector<16xf32>,
        tpu.vector_store %arg8[%swap3A_301, %swap3A_302, %swap3A_303], %add3A_299 {strides = array<i32>} : memref<4x16x1024xf32, #tpu.memory_space<vmem>>, vector<16xf32>,
        %get3A_305 = arith.constant 1 : i32
        %get3A_306 = arith.constant 4 : i32
        %get3A_307 = arith.index_cast %get3A_305 : i32 to index
        %get3A_308 = arith.index_cast %get3A_306 : i32 to index
        %get3A_309 = arith.index_cast %add3A_273 : i32 to index
        %get3A_310 = tpu.vector_load %arg8[%get3A_307, %get3A_308, %get3A_309] {strides = array<i32>} : memref<4x16x1024xf32, #tpu.memory_space<vmem>>, vector<16xf32>,
        %get3A_311 = arith.constant 1 : i32
        %get3A_312 = arith.constant 5 : i32
        %get3A_313 = arith.index_cast %get3A_311 : i32 to index
        %get3A_314 = arith.index_cast %get3A_312 : i32 to index
        %get3A_315 = arith.index_cast %add3A_273 : i32 to index
        %get3A_316 = tpu.vector_load %arg8[%get3A_313, %get3A_314, %get3A_315] {strides = array<i32>} : memref<4x16x1024xf32, #tpu.memory_space<vmem>>, vector<16xf32>,
        %add3A_317 = arith.addf %get3A_310, %get3A_316 : vector<16xf32>
        %get3A_318 = arith.constant 1 : i32
        %get3A_319 = arith.constant 6 : i32
        %get3A_320 = arith.index_cast %get3A_318 : i32 to index
        %get3A_321 = arith.index_cast %get3A_319 : i32 to index
        %get3A_322 = arith.index_cast %add3A_273 : i32 to index
        %get3A_323 = tpu.vector_load %arg8[%get3A_320, %get3A_321, %get3A_322] {strides = array<i32>} : memref<4x16x1024xf32, #tpu.memory_space<vmem>>, vector<16xf32>,
        %get3A_324 = arith.constant 1 : i32
        %get3A_325 = arith.constant 7 : i32
        %get3A_326 = arith.index_cast %get3A_324 : i32 to index
        %get3A_327 = arith.index_cast %get3A_325 : i32 to index
        %get3A_328 = arith.index_cast %add3A_273 : i32 to index
        %get3A_329 = tpu.vector_load %arg8[%get3A_326, %get3A_327, %get3A_328] {strides = array<i32>} : memref<4x16x1024xf32, #tpu.memory_space<vmem>>, vector<16xf32>,
        %add3A_330 = arith.addf %get3A_323, %get3A_329 : vector<16xf32>
        %add3A_331 = arith.addf %add3A_317, %add3A_330 : vector<16xf32>
        %swap3A_332 = arith.constant 3 : i32
        %swap3A_333 = arith.constant 5 : i32
        %swap3A_334 = arith.index_cast %swap3A_332 : i32 to index
        %swap3A_335 = arith.index_cast %swap3A_333 : i32 to index
        %swap3A_336 = arith.index_cast %add3A_273 : i32 to index
        %swap3A_337 = tpu.vector_load %arg8[%swap3A_334, %swap3A_335, %swap3A_336] {strides = array<i32>} : memref<4x16x1024xf32, #tpu.memory_space<vmem>>, vector<16xf32>,
        tpu.vector_store %arg8[%swap3A_334, %swap3A_335, %swap3A_336], %add3A_331 {strides = array<i32>} : memref<4x16x1024xf32, #tpu.memory_space<vmem>>, vector<16xf32>,
        %get3A_338 = arith.constant 1 : i32
        %get3A_339 = arith.constant 8 : i32
        %get3A_340 = arith.index_cast %get3A_338 : i32 to index
        %get3A_341 = arith.index_cast %get3A_339 : i32 to index
        %get3A_342 = arith.index_cast %add3A_273 : i32 to index
        %get3A_343 = tpu.vector_load %arg8[%get3A_340, %get3A_341, %get3A_342] {strides = array<i32>} : memref<4x16x1024xf32, #tpu.memory_space<vmem>>, vector<16xf32>,
        %get3A_344 = arith.constant 1 : i32
        %get3A_345 = arith.constant 9 : i32
        %get3A_346 = arith.index_cast %get3A_344 : i32 to index
        %get3A_347 = arith.index_cast %get3A_345 : i32 to index
        %get3A_348 = arith.index_cast %add3A_273 : i32 to index
        %get3A_349 = tpu.vector_load %arg8[%get3A_346, %get3A_347, %get3A_348] {strides = array<i32>} : memref<4x16x1024xf32, #tpu.memory_space<vmem>>, vector<16xf32>,
        %add3A_350 = arith.addf %get3A_343, %get3A_349 : vector<16xf32>
        %get3A_351 = arith.constant 1 : i32
        %get3A_352 = arith.constant 10 : i32
        %get3A_353 = arith.index_cast %get3A_351 : i32 to index
        %get3A_354 = arith.index_cast %get3A_352 : i32 to index
        %get3A_355 = arith.index_cast %add3A_273 : i32 to index
        %get3A_356 = tpu.vector_load %arg8[%get3A_353, %get3A_354, %get3A_355] {strides = array<i32>} : memref<4x16x1024xf32, #tpu.memory_space<vmem>>, vector<16xf32>,
        %get3A_357 = arith.constant 1 : i32
        %get3A_358 = arith.constant 11 : i32
        %get3A_359 = arith.index_cast %get3A_357 : i32 to index
        %get3A_360 = arith.index_cast %get3A_358 : i32 to index
        %get3A_361 = arith.index_cast %add3A_273 : i32 to index
        %get3A_362 = tpu.vector_load %arg8[%get3A_359, %get3A_360, %get3A_361] {strides = array<i32>} : memref<4x16x1024xf32, #tpu.memory_space<vmem>>, vector<16xf32>,
        %add3A_363 = arith.addf %get3A_356, %get3A_362 : vector<16xf32>
        %add3A_364 = arith.addf %add3A_350, %add3A_363 : vector<16xf32>
        %swap3A_365 = arith.constant 3 : i32
        %swap3A_366 = arith.constant 6 : i32
        %swap3A_367 = arith.index_cast %swap3A_365 : i32 to index
        %swap3A_368 = arith.index_cast %swap3A_366 : i32 to index
        %swap3A_369 = arith.index_cast %add3A_273 : i32 to index
        %swap3A_370 = tpu.vector_load %arg8[%swap3A_367, %swap3A_368, %swap3A_369] {strides = array<i32>} : memref<4x16x1024xf32, #tpu.memory_space<vmem>>, vector<16xf32>,
        tpu.vector_store %arg8[%swap3A_367, %swap3A_368, %swap3A_369], %add3A_364 {strides = array<i32>} : memref<4x16x1024xf32, #tpu.memory_space<vmem>>, vector<16xf32>,
        %get3A_371 = arith.constant 1 : i32
        %get3A_372 = arith.constant 12 : i32
        %get3A_373 = arith.index_cast %get3A_371 : i32 to index
        %get3A_374 = arith.index_cast %get3A_372 : i32 to index
        %get3A_375 = arith.index_cast %add3A_273 : i32 to index
        %get3A_376 = tpu.vector_load %arg8[%get3A_373, %get3A_374, %get3A_375] {strides = array<i32>} : memref<4x16x1024xf32, #tpu.memory_space<vmem>>, vector<16xf32>,
        %get3A_377 = arith.constant 1 : i32
        %get3A_378 = arith.constant 13 : i32
        %get3A_379 = arith.index_cast %get3A_377 : i32 to index
        %get3A_380 = arith.index_cast %get3A_378 : i32 to index
        %get3A_381 = arith.index_cast %add3A_273 : i32 to index
        %get3A_382 = tpu.vector_load %arg8[%get3A_379, %get3A_380, %get3A_381] {strides = array<i32>} : memref<4x16x1024xf32, #tpu.memory_space<vmem>>, vector<16xf32>,
        %add3A_383 = arith.addf %get3A_376, %get3A_382 : vector<16xf32>
        %get3A_384 = arith.constant 1 : i32
        %get3A_385 = arith.constant 14 : i32
        %get3A_386 = arith.index_cast %get3A_384 : i32 to index
        %get3A_387 = arith.index_cast %get3A_385 : i32 to index
        %get3A_388 = arith.index_cast %add3A_273 : i32 to index
        %get3A_389 = tpu.vector_load %arg8[%get3A_386, %get3A_387, %get3A_388] {strides = array<i32>} : memref<4x16x1024xf32, #tpu.memory_space<vmem>>, vector<16xf32>,
        %get3A_390 = arith.constant 1 : i32
        %get3A_391 = arith.constant 15 : i32
        %get3A_392 = arith.index_cast %get3A_390 : i32 to index
        %get3A_393 = arith.index_cast %get3A_391 : i32 to index
        %get3A_394 = arith.index_cast %add3A_273 : i32 to index
        %get3A_395 = tpu.vector_load %arg8[%get3A_392, %get3A_393, %get3A_394] {strides = array<i32>} : memref<4x16x1024xf32, #tpu.memory_space<vmem>>, vector<16xf32>,
        %add3A_396 = arith.addf %get3A_389, %get3A_395 : vector<16xf32>
        %add3A_397 = arith.addf %add3A_383, %add3A_396 : vector<16xf32>
        %swap3A_398 = arith.constant 3 : i32
        %swap3A_399 = arith.constant 7 : i32
        %swap3A_400 = arith.index_cast %swap3A_398 : i32 to index
        %swap3A_401 = arith.index_cast %swap3A_399 : i32 to index
        %swap3A_402 = arith.index_cast %add3A_273 : i32 to index
        %swap3A_403 = tpu.vector_load %arg8[%swap3A_400, %swap3A_401, %swap3A_402] {strides = array<i32>} : memref<4x16x1024xf32, #tpu.memory_space<vmem>>, vector<16xf32>,
        tpu.vector_store %arg8[%swap3A_400, %swap3A_401, %swap3A_402], %add3A_397 {strides = array<i32>} : memref<4x16x1024xf32, #tpu.memory_space<vmem>>, vector<16xf32>,
      }
      %scan3A_238 = arith.constant 64 : i32
      %add3A_239 = arith.constant 3 : i32
      %add3A_240 = arith.addi %add3A_118, %add3A_239 : i32
      %add3A_241 = arith.constant 2 : i32
      %add3A_242 = arith.addi %add3A_240, %add3A_241 : i32
      %lt3A_243 = arith.constant 32 : i32
      %lt3A_244 = arith.cmpi slt, %add3A_242, %lt3A_243 : i32
      %convert_element_type3A_245 = arith.extui %lt3A_244 : i1 to i32
      %cond3A_246 = arith.constant 0 : i32
      %cond3A_247 = arith.cmpi ne, %convert_element_type3A_245, %cond3A_246 : i32
      scf.if %cond3A_247 {
        %add3A_269 = arith.constant 3 : i32
        %add3A_270 = arith.addi %add3A_118, %add3A_269 : i32
        %add3A_271 = arith.constant 2 : i32
        %add3A_272 = arith.addi %add3A_270, %add3A_271 : i32
        %dma_start3A_273 = arith.constant 1 : i32
        %dma_start3A_274 = arith.constant 0 : i32
        %dma_start3A_275 = arith.constant 0 : i32
        %dma_start3A_276 = tpu.memref_slice %arg8[%dma_start3A_273, %dma_start3A_274, %dma_start3A_275] : memref<4x16x1024xf32, #tpu.memory_space<vmem>> -> memref<1x16x1024xf32, #tpu.memory_space<vmem>>
        %dma_start3A_277 = tpu.memref_squeeze %dma_start3A_276 : memref<1x16x1024xf32, #tpu.memory_space<vmem>> -> memref<16x1024xf32, #tpu.memory_space<vmem>>
        %dma_start3A_278 = arith.constant 0 : i32
        %dma_start3A_279 = tpu.memref_slice %arg9[%add3A_272, %dma_start3A_278] : memref<32x16xi32, #tpu.memory_space<vmem>> -> memref<1x16xi32, #tpu.memory_space<vmem>>
        %dma_start3A_280 = tpu.memref_squeeze %dma_start3A_279 : memref<1x16xi32, #tpu.memory_space<vmem>> -> memref<16xi32, #tpu.memory_space<vmem>>
        %dma_start3A_281 = arith.constant 0 : i32
        %dma_start3A_282 = arith.constant 0 : i32
        %dma_start3A_283 = tpu.memref_slice %arg3[%dma_start3A_281, %dma_start3A_282] : memref<4096x1024xf32, #tpu.memory_space<hbm>> -> memref<4096x1024xf32, #tpu.memory_space<hbm>>
        tpu.enqueue_indirect_dma source(%dma_start3A_283 : memref<4096x1024xf32, #tpu.memory_space<hbm>>) target(%dma_start3A_277 : memref<16x1024xf32, #tpu.memory_space<vmem>>) offsets(%dma_start3A_280 : memref<16xi32, #tpu.memory_space<vmem>>) semaphore(%arg15 : memref<!tpu.dma_semaphore, #tpu.memory_space<semaphore_mem>>)
      } else {
      }
      %add3A_248 = arith.constant 3 : i32
      %add3A_249 = arith.addi %add3A_118, %add3A_248 : i32
      %sub3A_250 = arith.constant 1 : i32
      %sub3A_251 = arith.subi %add3A_249, %sub3A_250 : i32
      %mul3A_252 = arith.constant 4 : i32
      %mul3A_253 = arith.muli %sub3A_251, %mul3A_252 : i32
      %add3A_254 = arith.addi %mul3A_2, %mul3A_253 : i32
      %multiple_of3A_255 = tpu.assume_multiple %add3A_254, 8 : i32
      %dma_start3A_256 = arith.constant 3 : i32
      %dma_start3A_257 = arith.constant 0 : i32
      %dma_start3A_258 = arith.constant 0 : i32
      %dma_start3A_259 = tpu.memref_slice %arg8[%dma_start3A_256, %dma_start3A_257, %dma_start3A_258] : memref<4x16x1024xf32, #tpu.memory_space<vmem>> -> memref<1x8x1024xf32, #tpu.memory_space<vmem>>
      %dma_start3A_260 = tpu.memref_squeeze %dma_start3A_259 : memref<1x8x1024xf32, #tpu.memory_space<vmem>> -> memref<8x1024xf32, #tpu.memory_space<vmem>>
      %dma_start3A_261 = arith.constant 0 : i32
      %dma_start3A_262 = tpu.memref_slice %arg5[%multiple_of3A_255, %dma_start3A_261] : memref<4096x1024xf32, #tpu.memory_space<hbm>> -> memref<8x1024xf32, #tpu.memory_space<hbm>>
      %dma_start3A_263 = arith.constant 0 : i32
      %dma_start3A_264 = tpu.memref_slice %arg5[%multiple_of3A_255, %dma_start3A_263] : memref<4096x1024xf32, #tpu.memory_space<hbm>> -> memref<8x1024xf32, #tpu.memory_space<hbm>>
      %dma_start3A_265 = arith.constant 0 : i32
      %dma_start3A_266 = arith.constant 0 : i32
      %dma_start3A_267 = tpu.memref_slice %arg8[%dma_start3A_256, %dma_start3A_265, %dma_start3A_266] : memref<4x16x1024xf32, #tpu.memory_space<vmem>> -> memref<1x8x1024xf32, #tpu.memory_space<vmem>>
      %dma_start3A_268 = tpu.memref_squeeze %dma_start3A_267 : memref<1x8x1024xf32, #tpu.memory_space<vmem>> -> memref<8x1024xf32, #tpu.memory_space<vmem>>
      tpu.enqueue_dma source(%dma_start3A_268 : memref<8x1024xf32, #tpu.memory_space<vmem>>) target(%dma_start3A_264 : memref<8x1024xf32, #tpu.memory_space<hbm>>) target_semaphore(%arg17 : memref<!tpu.dma_semaphore, #tpu.memory_space<semaphore_mem>>)
    }
    %scan3A_83 = arith.constant 8 : i32
    %add3A_84 = arith.constant 112 : i32
    %add3A_85 = arith.addi %mul3A_2, %add3A_84 : i32
    %multiple_of3A = tpu.assume_multiple %add3A_85, 8 : i32
    %dma_wait3A = arith.constant 2 : i32
    %dma_wait3A_86 = arith.constant 0 : i32
    %dma_wait3A_87 = arith.constant 0 : i32
    %dma_wait3A_88 = tpu.memref_slice %arg8[%dma_wait3A, %dma_wait3A_86, %dma_wait3A_87] : memref<4x16x1024xf32, #tpu.memory_space<vmem>> -> memref<1x8x1024xf32, #tpu.memory_space<vmem>>
    %dma_wait3A_89 = tpu.memref_squeeze %dma_wait3A_88 : memref<1x8x1024xf32, #tpu.memory_space<vmem>> -> memref<8x1024xf32, #tpu.memory_space<vmem>>
    %dma_wait3A_90 = arith.constant 0 : i32
    %dma_wait3A_91 = tpu.memref_slice %arg5[%multiple_of3A, %dma_wait3A_90] : memref<4096x1024xf32, #tpu.memory_space<hbm>> -> memref<8x1024xf32, #tpu.memory_space<hbm>>
    %dma_wait3A_92 = arith.constant 0 : i32
    %dma_wait3A_93 = tpu.memref_slice %arg5[%multiple_of3A, %dma_wait3A_92] : memref<4096x1024xf32, #tpu.memory_space<hbm>> -> memref<8x1024xf32, #tpu.memory_space<hbm>>
    %dma_wait3A_94 = arith.constant 0 : i32
    %dma_wait3A_95 = arith.constant 0 : i32
    %dma_wait3A_96 = tpu.memref_slice %arg8[%dma_wait3A, %dma_wait3A_94, %dma_wait3A_95] : memref<4x16x1024xf32, #tpu.memory_space<vmem>> -> memref<1x8x1024xf32, #tpu.memory_space<vmem>>
    %dma_wait3A_97 = tpu.memref_squeeze %dma_wait3A_96 : memref<1x8x1024xf32, #tpu.memory_space<vmem>> -> memref<8x1024xf32, #tpu.memory_space<vmem>>
    tpu.wait_dma2 semaphore(%arg16 : memref<!tpu.dma_semaphore, #tpu.memory_space<semaphore_mem>>) src(%dma_wait3A_97 : memref<8x1024xf32, #tpu.memory_space<vmem>>) dst(%dma_wait3A_93 : memref<8x1024xf32, #tpu.memory_space<hbm>>)
    %add3A_98 = arith.constant 120 : i32
    %add3A_99 = arith.addi %mul3A_2, %add3A_98 : i32
    %multiple_of3A_100 = tpu.assume_multiple %add3A_99, 8 : i32
    %dma_wait3A_101 = arith.constant 3 : i32
    %dma_wait3A_102 = arith.constant 0 : i32
    %dma_wait3A_103 = arith.constant 0 : i32
    %dma_wait3A_104 = tpu.memref_slice %arg8[%dma_wait3A_101, %dma_wait3A_102, %dma_wait3A_103] : memref<4x16x1024xf32, #tpu.memory_space<vmem>> -> memref<1x8x1024xf32, #tpu.memory_space<vmem>>
    %dma_wait3A_105 = tpu.memref_squeeze %dma_wait3A_104 : memref<1x8x1024xf32, #tpu.memory_space<vmem>> -> memref<8x1024xf32, #tpu.memory_space<vmem>>
    %dma_wait3A_106 = arith.constant 0 : i32
    %dma_wait3A_107 = tpu.memref_slice %arg5[%multiple_of3A_100, %dma_wait3A_106] : memref<4096x1024xf32, #tpu.memory_space<hbm>> -> memref<8x1024xf32, #tpu.memory_space<hbm>>
    %dma_wait3A_108 = arith.constant 0 : i32
    %dma_wait3A_109 = tpu.memref_slice %arg5[%multiple_of3A_100, %dma_wait3A_108] : memref<4096x1024xf32, #tpu.memory_space<hbm>> -> memref<8x1024xf32, #tpu.memory_space<hbm>>
    %dma_wait3A_110 = arith.constant 0 : i32
    %dma_wait3A_111 = arith.constant 0 : i32
    %dma_wait3A_112 = tpu.memref_slice %arg8[%dma_wait3A_101, %dma_wait3A_110, %dma_wait3A_111] : memref<4x16x1024xf32, #tpu.memory_space<vmem>> -> memref<1x8x1024xf32, #tpu.memory_space<vmem>>
    %dma_wait3A_113 = tpu.memref_squeeze %dma_wait3A_112 : memref<1x8x1024xf32, #tpu.memory_space<vmem>> -> memref<8x1024xf32, #tpu.memory_space<vmem>>
    tpu.wait_dma2 semaphore(%arg17 : memref<!tpu.dma_semaphore, #tpu.memory_space<semaphore_mem>>) src(%dma_wait3A_113 : memref<8x1024xf32, #tpu.memory_space<vmem>>) dst(%dma_wait3A_109 : memref<8x1024xf32, #tpu.memory_space<hbm>>)
    return
  }
}

module attributes {stable_mosaic.version = 14 : i64} {
  func.func @body(%arg0: i32, %arg1: memref<512x4x256xf32, #tpu.memory_space<vmem>>, %arg2: memref<512x1024xf32, #tpu.memory_space<vmem>>) attributes {dimension_semantics = [#tpu.dimension_semantics<arbitrary>], iteration_bounds = array<i64: 8>, scalar_prefetch = 0 : i64, scratch_operands = 0 : i64, tpu.core_type = #tpu.core_type<tc>, window_params = [{transform_indices = @transform_0, window_bounds = array<i64: 512, 4, 256>}, {transform_indices = @transform_1, window_bounds = array<i64: 512, 1024>}]} {
    %get3A = arith.constant 0 : index
    %get3A_0 = arith.constant 0 : index
    %get3A_1 = arith.constant 0 : index
    %get3A_2 = vector.load %arg1[%get3A, %get3A_0, %get3A_1] : memref<512x4x256xf32, #tpu.memory_space<vmem>>, vector<512x1x256xf32>
    %get3A_3 = vector.shape_cast %get3A_2 : vector<512x1x256xf32> to vector<512x256xf32>
    %swap3A = arith.constant 0 : index
    %swap3A_4 = arith.constant 0 : index
    %swap3A_5 = vector.load %arg2[%swap3A, %swap3A_4] : memref<512x1024xf32, #tpu.memory_space<vmem>>, vector<512x256xf32>
    tpu.vector_store %arg2[%swap3A, %swap3A_4], %get3A_3 {strides = array<i32>} : memref<512x1024xf32, #tpu.memory_space<vmem>>, vector<512x256xf32>,
    %get3A_6 = arith.constant 0 : index
    %get3A_7 = arith.constant 1 : index
    %get3A_8 = arith.constant 0 : index
    %get3A_9 = vector.load %arg1[%get3A_6, %get3A_7, %get3A_8] : memref<512x4x256xf32, #tpu.memory_space<vmem>>, vector<512x1x256xf32>
    %get3A_10 = vector.shape_cast %get3A_9 : vector<512x1x256xf32> to vector<512x256xf32>
    %swap3A_11 = arith.constant 0 : index
    %swap3A_12 = arith.constant 256 : index
    %swap3A_13 = vector.load %arg2[%swap3A_11, %swap3A_12] : memref<512x1024xf32, #tpu.memory_space<vmem>>, vector<512x256xf32>
    tpu.vector_store %arg2[%swap3A_11, %swap3A_12], %get3A_10 {strides = array<i32>} : memref<512x1024xf32, #tpu.memory_space<vmem>>, vector<512x256xf32>,
    %get3A_14 = arith.constant 0 : index
    %get3A_15 = arith.constant 2 : index
    %get3A_16 = arith.constant 0 : index
    %get3A_17 = vector.load %arg1[%get3A_14, %get3A_15, %get3A_16] : memref<512x4x256xf32, #tpu.memory_space<vmem>>, vector<512x1x256xf32>
    %get3A_18 = vector.shape_cast %get3A_17 : vector<512x1x256xf32> to vector<512x256xf32>
    %swap3A_19 = arith.constant 0 : index
    %swap3A_20 = arith.constant 512 : index
    %swap3A_21 = vector.load %arg2[%swap3A_19, %swap3A_20] : memref<512x1024xf32, #tpu.memory_space<vmem>>, vector<512x256xf32>
    tpu.vector_store %arg2[%swap3A_19, %swap3A_20], %get3A_18 {strides = array<i32>} : memref<512x1024xf32, #tpu.memory_space<vmem>>, vector<512x256xf32>,
    %get3A_22 = arith.constant 0 : index
    %get3A_23 = arith.constant 3 : index
    %get3A_24 = arith.constant 0 : index
    %get3A_25 = vector.load %arg1[%get3A_22, %get3A_23, %get3A_24] : memref<512x4x256xf32, #tpu.memory_space<vmem>>, vector<512x1x256xf32>
    %get3A_26 = vector.shape_cast %get3A_25 : vector<512x1x256xf32> to vector<512x256xf32>
    %swap3A_27 = arith.constant 0 : index
    %swap3A_28 = arith.constant 768 : index
    %swap3A_29 = vector.load %arg2[%swap3A_27, %swap3A_28] : memref<512x1024xf32, #tpu.memory_space<vmem>>, vector<512x256xf32>
    tpu.vector_store %arg2[%swap3A_27, %swap3A_28], %get3A_26 {strides = array<i32>} : memref<512x1024xf32, #tpu.memory_space<vmem>>, vector<512x256xf32>,
    return
  }
  func.func @transform_0(%arg0: i32) -> (i32, i32, i32) {
    %c0_i32 = arith.constant 0 : i32
    %c0_i32_0 = arith.constant 0 : i32
    %c0_i32_1 = arith.constant 0 : i32
    return %arg0, %c0_i32, %c0_i32_0 : i32, i32, i32
  }
  func.func @transform_1(%arg0: i32) -> (i32, i32) {
    %c0_i32 = arith.constant 0 : i32
    %c0_i32_0 = arith.constant 0 : i32
    return %arg0, %c0_i32 : i32, i32
  }
}

module attributes {stable_mosaic.version = 14 : i64} {
  func.func @body(%arg0: i32, %arg1: memref<512x1024xf32, #tpu.memory_space<vmem>>, %arg2: memref<512x1024xf32, #tpu.memory_space<vmem>>, %arg3: memref<512x256xf32, #tpu.memory_space<vmem>>, %arg4: memref<1x256xf32, #tpu.memory_space<vmem>>, %arg5: memref<512x4x256xf32, #tpu.memory_space<vmem>>) attributes {dimension_semantics = [#tpu.dimension_semantics<arbitrary>], iteration_bounds = array<i64: 8>, scalar_prefetch = 0 : i64, scratch_operands = 0 : i64, tpu.core_type = #tpu.core_type<tc>, window_params = [{transform_indices = @transform_0, window_bounds = array<i64: 512, 1024>}, {transform_indices = @transform_1, window_bounds = array<i64: 512, 1024>}, {pipeline_mode = #tpu.pipeline_mode<synchronous>, transform_indices = @transform_2, window_bounds = array<i64: 512, 256>}, {pipeline_mode = #tpu.pipeline_mode<synchronous>, transform_indices = @transform_3, window_bounds = array<i64: 1, 256>}, {transform_indices = @transform_4, window_bounds = array<i64: 512, 4, 256>}]} {
    %get3A = arith.constant 0 : index
    %get3A_0 = arith.constant 0 : index
    %get3A_1 = vector.load %arg3[%get3A, %get3A_0] : memref<512x256xf32, #tpu.memory_space<vmem>>, vector<256x256xf32>
    %get3A_2 = arith.constant 256 : index
    %get3A_3 = arith.constant 0 : index
    %get3A_4 = vector.load %arg3[%get3A_2, %get3A_3] : memref<512x256xf32, #tpu.memory_space<vmem>>, vector<256x256xf32>
    %get3A_5 = arith.constant 0 : index
    %get3A_6 = arith.constant 0 : index
    %get3A_7 = vector.load %arg1[%get3A_5, %get3A_6] : memref<512x1024xf32, #tpu.memory_space<vmem>>, vector<512x256xf32>
    %dot_general3A = arith.constant dense<0.000000e+00> : vector<512x256xf32>
    %dot_general3A_8 = tpu.matmul %get3A_7, %get3A_1, %dot_general3A {dimension_numbers = #tpu.dot_dimension_numbers<[1], [0], [0], [1], [0, 0, 1, 1], [], []>, transpose_lhs_hint = false} : vector<512x256xf32>, vector<256x256xf32>, vector<512x256xf32> -> vector<512x256xf32>
    %get3A_9 = arith.constant 0 : index
    %get3A_10 = arith.constant 0 : index
    %get3A_11 = vector.load %arg2[%get3A_9, %get3A_10] : memref<512x1024xf32, #tpu.memory_space<vmem>>, vector<512x256xf32>
    %mul3A = arith.constant 2.500000e-01 : f32
    %mul3A_12 = vector.broadcast %mul3A : f32 to vector<512x256xf32>
    %mul3A_13 = arith.mulf %get3A_11, %mul3A_12 : vector<512x256xf32>
    %dot_general3A_14 = arith.constant dense<0.000000e+00> : vector<512x256xf32>
    %dot_general3A_15 = tpu.matmul %mul3A_13, %get3A_4, %dot_general3A_14 {dimension_numbers = #tpu.dot_dimension_numbers<[1], [0], [0], [1], [0, 0, 1, 1], [], []>, transpose_lhs_hint = false} : vector<512x256xf32>, vector<256x256xf32>, vector<512x256xf32> -> vector<512x256xf32>
    %add3A = arith.addf %dot_general3A_8, %dot_general3A_15 : vector<512x256xf32>
    %get3A_16 = arith.constant 0 : index
    %get3A_17 = arith.constant 0 : index
    %get3A_18 = vector.load %arg4[%get3A_16, %get3A_17] : memref<1x256xf32, #tpu.memory_space<vmem>>, vector<1x256xf32>
    %add3A_19 = vector.broadcast %get3A_18 : vector<1x256xf32> to vector<512x256xf32>
    %add3A_20 = arith.addf %add3A, %add3A_19 : vector<512x256xf32>
    %swap3A = arith.constant 0 : index
    %swap3A_21 = arith.constant 0 : index
    %swap3A_22 = arith.constant 0 : index
    %swap3A_23 = vector.load %arg5[%swap3A, %swap3A_21, %swap3A_22] : memref<512x4x256xf32, #tpu.memory_space<vmem>>, vector<512x1x256xf32>
    %swap3A_24 = vector.shape_cast %swap3A_23 : vector<512x1x256xf32> to vector<512x256xf32>
    %swap3A_25 = vector.shape_cast %add3A_20 : vector<512x256xf32> to vector<512x1x256xf32>
    tpu.vector_store %arg5[%swap3A, %swap3A_21, %swap3A_22], %swap3A_25 {strides = array<i32>} : memref<512x4x256xf32, #tpu.memory_space<vmem>>, vector<512x1x256xf32>,
    %get3A_26 = arith.constant 0 : index
    %get3A_27 = arith.constant 256 : index
    %get3A_28 = vector.load %arg1[%get3A_26, %get3A_27] : memref<512x1024xf32, #tpu.memory_space<vmem>>, vector<512x256xf32>
    %dot_general3A_29 = arith.constant dense<0.000000e+00> : vector<512x256xf32>
    %dot_general3A_30 = tpu.matmul %get3A_28, %get3A_1, %dot_general3A_29 {dimension_numbers = #tpu.dot_dimension_numbers<[1], [0], [0], [1], [0, 0, 1, 1], [], []>, transpose_lhs_hint = false} : vector<512x256xf32>, vector<256x256xf32>, vector<512x256xf32> -> vector<512x256xf32>
    %get3A_31 = arith.constant 0 : index
    %get3A_32 = arith.constant 256 : index
    %get3A_33 = vector.load %arg2[%get3A_31, %get3A_32] : memref<512x1024xf32, #tpu.memory_space<vmem>>, vector<512x256xf32>
    %mul3A_34 = arith.constant 2.500000e-01 : f32
    %mul3A_35 = vector.broadcast %mul3A_34 : f32 to vector<512x256xf32>
    %mul3A_36 = arith.mulf %get3A_33, %mul3A_35 : vector<512x256xf32>
    %dot_general3A_37 = arith.constant dense<0.000000e+00> : vector<512x256xf32>
    %dot_general3A_38 = tpu.matmul %mul3A_36, %get3A_4, %dot_general3A_37 {dimension_numbers = #tpu.dot_dimension_numbers<[1], [0], [0], [1], [0, 0, 1, 1], [], []>, transpose_lhs_hint = false} : vector<512x256xf32>, vector<256x256xf32>, vector<512x256xf32> -> vector<512x256xf32>
    %add3A_39 = arith.addf %dot_general3A_30, %dot_general3A_38 : vector<512x256xf32>
    %get3A_40 = arith.constant 0 : index
    %get3A_41 = arith.constant 0 : index
    %get3A_42 = vector.load %arg4[%get3A_40, %get3A_41] : memref<1x256xf32, #tpu.memory_space<vmem>>, vector<1x256xf32>
    %add3A_43 = vector.broadcast %get3A_42 : vector<1x256xf32> to vector<512x256xf32>
    %add3A_44 = arith.addf %add3A_39, %add3A_43 : vector<512x256xf32>
    %swap3A_45 = arith.constant 0 : index
    %swap3A_46 = arith.constant 1 : index
    %swap3A_47 = arith.constant 0 : index
    %swap3A_48 = vector.load %arg5[%swap3A_45, %swap3A_46, %swap3A_47] : memref<512x4x256xf32, #tpu.memory_space<vmem>>, vector<512x1x256xf32>
    %swap3A_49 = vector.shape_cast %swap3A_48 : vector<512x1x256xf32> to vector<512x256xf32>
    %swap3A_50 = vector.shape_cast %add3A_44 : vector<512x256xf32> to vector<512x1x256xf32>
    tpu.vector_store %arg5[%swap3A_45, %swap3A_46, %swap3A_47], %swap3A_50 {strides = array<i32>} : memref<512x4x256xf32, #tpu.memory_space<vmem>>, vector<512x1x256xf32>,
    %get3A_51 = arith.constant 0 : index
    %get3A_52 = arith.constant 512 : index
    %get3A_53 = vector.load %arg1[%get3A_51, %get3A_52] : memref<512x1024xf32, #tpu.memory_space<vmem>>, vector<512x256xf32>
    %dot_general3A_54 = arith.constant dense<0.000000e+00> : vector<512x256xf32>
    %dot_general3A_55 = tpu.matmul %get3A_53, %get3A_1, %dot_general3A_54 {dimension_numbers = #tpu.dot_dimension_numbers<[1], [0], [0], [1], [0, 0, 1, 1], [], []>, transpose_lhs_hint = false} : vector<512x256xf32>, vector<256x256xf32>, vector<512x256xf32> -> vector<512x256xf32>
    %get3A_56 = arith.constant 0 : index
    %get3A_57 = arith.constant 512 : index
    %get3A_58 = vector.load %arg2[%get3A_56, %get3A_57] : memref<512x1024xf32, #tpu.memory_space<vmem>>, vector<512x256xf32>
    %mul3A_59 = arith.constant 2.500000e-01 : f32
    %mul3A_60 = vector.broadcast %mul3A_59 : f32 to vector<512x256xf32>
    %mul3A_61 = arith.mulf %get3A_58, %mul3A_60 : vector<512x256xf32>
    %dot_general3A_62 = arith.constant dense<0.000000e+00> : vector<512x256xf32>
    %dot_general3A_63 = tpu.matmul %mul3A_61, %get3A_4, %dot_general3A_62 {dimension_numbers = #tpu.dot_dimension_numbers<[1], [0], [0], [1], [0, 0, 1, 1], [], []>, transpose_lhs_hint = false} : vector<512x256xf32>, vector<256x256xf32>, vector<512x256xf32> -> vector<512x256xf32>
    %add3A_64 = arith.addf %dot_general3A_55, %dot_general3A_63 : vector<512x256xf32>
    %get3A_65 = arith.constant 0 : index
    %get3A_66 = arith.constant 0 : index
    %get3A_67 = vector.load %arg4[%get3A_65, %get3A_66] : memref<1x256xf32, #tpu.memory_space<vmem>>, vector<1x256xf32>
    %add3A_68 = vector.broadcast %get3A_67 : vector<1x256xf32> to vector<512x256xf32>
    %add3A_69 = arith.addf %add3A_64, %add3A_68 : vector<512x256xf32>
    %swap3A_70 = arith.constant 0 : index
    %swap3A_71 = arith.constant 2 : index
    %swap3A_72 = arith.constant 0 : index
    %swap3A_73 = vector.load %arg5[%swap3A_70, %swap3A_71, %swap3A_72] : memref<512x4x256xf32, #tpu.memory_space<vmem>>, vector<512x1x256xf32>
    %swap3A_74 = vector.shape_cast %swap3A_73 : vector<512x1x256xf32> to vector<512x256xf32>
    %swap3A_75 = vector.shape_cast %add3A_69 : vector<512x256xf32> to vector<512x1x256xf32>
    tpu.vector_store %arg5[%swap3A_70, %swap3A_71, %swap3A_72], %swap3A_75 {strides = array<i32>} : memref<512x4x256xf32, #tpu.memory_space<vmem>>, vector<512x1x256xf32>,
    %get3A_76 = arith.constant 0 : index
    %get3A_77 = arith.constant 768 : index
    %get3A_78 = vector.load %arg1[%get3A_76, %get3A_77] : memref<512x1024xf32, #tpu.memory_space<vmem>>, vector<512x256xf32>
    %dot_general3A_79 = arith.constant dense<0.000000e+00> : vector<512x256xf32>
    %dot_general3A_80 = tpu.matmul %get3A_78, %get3A_1, %dot_general3A_79 {dimension_numbers = #tpu.dot_dimension_numbers<[1], [0], [0], [1], [0, 0, 1, 1], [], []>, transpose_lhs_hint = false} : vector<512x256xf32>, vector<256x256xf32>, vector<512x256xf32> -> vector<512x256xf32>
    %get3A_81 = arith.constant 0 : index
    %get3A_82 = arith.constant 768 : index
    %get3A_83 = vector.load %arg2[%get3A_81, %get3A_82] : memref<512x1024xf32, #tpu.memory_space<vmem>>, vector<512x256xf32>
    %mul3A_84 = arith.constant 2.500000e-01 : f32
    %mul3A_85 = vector.broadcast %mul3A_84 : f32 to vector<512x256xf32>
    %mul3A_86 = arith.mulf %get3A_83, %mul3A_85 : vector<512x256xf32>
    %dot_general3A_87 = arith.constant dense<0.000000e+00> : vector<512x256xf32>
    %dot_general3A_88 = tpu.matmul %mul3A_86, %get3A_4, %dot_general3A_87 {dimension_numbers = #tpu.dot_dimension_numbers<[1], [0], [0], [1], [0, 0, 1, 1], [], []>, transpose_lhs_hint = false} : vector<512x256xf32>, vector<256x256xf32>, vector<512x256xf32> -> vector<512x256xf32>
    %add3A_89 = arith.addf %dot_general3A_80, %dot_general3A_88 : vector<512x256xf32>
    %get3A_90 = arith.constant 0 : index
    %get3A_91 = arith.constant 0 : index
    %get3A_92 = vector.load %arg4[%get3A_90, %get3A_91] : memref<1x256xf32, #tpu.memory_space<vmem>>, vector<1x256xf32>
    %add3A_93 = vector.broadcast %get3A_92 : vector<1x256xf32> to vector<512x256xf32>
    %add3A_94 = arith.addf %add3A_89, %add3A_93 : vector<512x256xf32>
    %swap3A_95 = arith.constant 0 : index
    %swap3A_96 = arith.constant 3 : index
    %swap3A_97 = arith.constant 0 : index
    %swap3A_98 = vector.load %arg5[%swap3A_95, %swap3A_96, %swap3A_97] : memref<512x4x256xf32, #tpu.memory_space<vmem>>, vector<512x1x256xf32>
    %swap3A_99 = vector.shape_cast %swap3A_98 : vector<512x1x256xf32> to vector<512x256xf32>
    %swap3A_100 = vector.shape_cast %add3A_94 : vector<512x256xf32> to vector<512x1x256xf32>
    tpu.vector_store %arg5[%swap3A_95, %swap3A_96, %swap3A_97], %swap3A_100 {strides = array<i32>} : memref<512x4x256xf32, #tpu.memory_space<vmem>>, vector<512x1x256xf32>,
    return
  }
  func.func @transform_0(%arg0: i32) -> (i32, i32) {
    %c0_i32 = arith.constant 0 : i32
    %c0_i32_0 = arith.constant 0 : i32
    return %arg0, %c0_i32 : i32, i32
  }
  func.func @transform_1(%arg0: i32) -> (i32, i32) {
    %c0_i32 = arith.constant 0 : i32
    %c0_i32_0 = arith.constant 0 : i32
    return %arg0, %c0_i32 : i32, i32
  }
  func.func @transform_2(%arg0: i32) -> (i32, i32) {
    %c0_i32 = arith.constant 0 : i32
    %c0_i32_0 = arith.constant 0 : i32
    %c0_i32_1 = arith.constant 0 : i32
    return %c0_i32, %c0_i32_0 : i32, i32
  }
  func.func @transform_3(%arg0: i32) -> (i32, i32) {
    %c0_i32 = arith.constant 0 : i32
    %c0_i32_0 = arith.constant 0 : i32
    %c0_i32_1 = arith.constant 0 : i32
    return %c0_i32, %c0_i32_0 : i32, i32
  }
  func.func @transform_4(%arg0: i32) -> (i32, i32, i32) {
    %c0_i32 = arith.constant 0 : i32
    %c0_i32_0 = arith.constant 0 : i32
    %c0_i32_1 = arith.constant 0 : i32
    return %arg0, %c0_i32, %c0_i32_0 : i32, i32, i32
  }
}

</mosaic_0001>

<sc_bundles>
// kernel: kernel.5.cloned.1.call-start
scs
__scs_entry_jumppad:
0x0: {  	(pc) =	sbr.rel $0x88, $3  }
0x1: {  	(tag) =	ssettag $0x0;
	lr =	simm.s32 $0x1  }
0x2: {  	[smem:$0x3F9C] =	sst lr;
	_ =	strace $0xD0000000  }
0x3: {  	_ = 	snop  }
0x4: {  	_ = 	snop  }
0x5: {  	_ = 	snop  }
0x6: {  	_ = 	snop  }
0x7: {  	_ = 	snop  }
__scs_overlays_trampoline_lowered:
0x8: {  	[smem:$0x3FAB] =	sst s0  }
0x9: {  	[smem:$0x3FAC] =	sst s1  }
0xa: {  	[smem:$0x3FAD] =	sst s2  }
0xb: {  	[smem:$0x3FAE] =	sst s3  }
0xc: {  	[smem:$0x3FAF] =	sst s4  }
0xd: {  	[smem:$0x3FB0] =	sst s5  }
0xe: {  	[smem:$0x3FB1] =	sst s6  }
0xf: {  	[smem:$0x3FB2] =	sst s7  }
0x10: {  	[smem:$0x3FB3] =	sst s8  }
0x11: {  	[smem:$0x3FB4] =	sst s9;
	s0 =	simm.s32 @!p0 $0x0  }
0x12: {  	s1 =	sld [smem:$0x3F9A];
	s0 =	simm.s32 @p0 $0x1  }
0x13: {  	[smem:$0x3FB5] =	sst s0;
	s0 =	simm.s32 @!p1 $0x0  }
0x14: {  	s2 =	sld [smem:$0x3F99];
	s0 =	simm.s32 @p1 $0x1  }
0x15: {  	[smem:$0x3FB6] =	sst s0;
	s0 =	simm.s32 @!p2 $0x0  }
0x16: {  	s3 =	sld [smem:$0x3FDB];
	s0 =	simm.s32 @p2 $0x1  }
0x17: {  	s4 =	simm.s32 $0x1BF5;
	[smem:$0x3FB8] =	sst s0  }
0x18: {  	s0 =	sld [smem:$0x3F9B];
	_ =	swait.ge [sflag:s4], $0x0  }
0x19: {  	s7 =	sld [smem:$0x3F9C]  }
0x1a: {  	s8 =	sadd.s32 $0xFFFFE003, lr  }
0x1b: {  	s9 =	sadd.s32 $0xFFFFFEF7, lr;
	s5 =	simm.s32 $0xFFFFFFFF;
	p2 =	slt.u32 s8, $0xFFFFF086  }
0x1c: {  	p1 =	slt.u32 s9, $0xF7A;
	s5 =	simm.s32 @!p2 $0x0  }
0x1d: {  	s5 =	simm.s32 @p1 $0x1;
	p0 =	seq.s32 s7, s2  }
0x1e: {  	s7 =	smul.u32 @!p0 $0xF7A, s2;
	p2 =	seq.s32 @!p0 s5, $0x0  }
0x1f: {  	s9 =	smul.u32 $0xF7A, s1;
	s8 =	simm.s32 @!p0 $0x1BF5;
	p2 =	por !p2, p0  }
0x20: {  	[sflag:s8] =	ssyncset.s32 @!p0 $0xFFFFF086;
	s6 =	sadd.s32 @!p0 s3, s7;
	s7 =	simm.s32 @!p0 $0x108  }
0x21: {  	s3 =	sadd.s32 s3, s9;
	s6 =	sadd.s32 @!p0 $0x88, s6;
	s7 =	simm.s32 @p2 $0x1082  }
0x22: {  	[simem:s7], [sflag:s8] =	dma.local @!p0 [hbm:s6], $0xF7A  }
0x23: {  	s9 =	sor.u32 $0xD0000000, s2;
	s6 =	simm.s32 $0x108;
	_ =	swait.ge @!p0 [sflag:s8], $0x0  }
0x24: {  	s3 =	sadd.s32 $0x88, s3;
	s6 =	simm.s32 @!p1 $0x1082;
	[sflag:s4] =	ssyncset.s32 $0xFFFFF086  }
0x25: {  	[simem:s6], [sflag:s4] =	dma.local [hbm:s3], $0xF7A  }
0x26: {  	[smem:$0x3F9C] =	sst s1;
	(tag) =	ssettag s2;
	_ =	strace s9  }
0x27: {  	s1 =	sld [smem:$0x3FAC]  }
0x28: {  	s2 =	sld [smem:$0x3FAD]  }
0x29: {  	s4 =	sld [smem:$0x3FAF]  }
0x2a: {  	p0 =	seq.s32 s5, $0x0;
	s5 =	sld [smem:$0x3FB0]  }
0x2b: {  	s6 =	sld [smem:$0x3FB1]  }
0x2c: {  	s7 =	sld [smem:$0x3FB2]  }
0x2d: {  	s3 =	simm.s32 $0x108;
	s8 =	sld [smem:$0x3FB3]  }
0x2e: {  	s3 =	simm.s32 @!p0 $0x1082;
	s9 =	sld [smem:$0x3FB4]  }
0x2f: {  	lr =	sadd.s32 s0, s3;
	s0 =	sld [smem:$0x3FAB]  }
0x30: {  	s3 =	sld [smem:$0x3FAE]  }
0x31: {  	[smem:$0x3FB7] =	sst s10  }
0x32: {  	s10 =	sld [smem:$0x3FB5];
	_ =	sdelay $0x3  }
0x33: {  	p0 =	seq.s32 s10, $0x1;
	s10 =	sld [smem:$0x3FB7];
	_ =	sdelay $0x3  }
0x34: {  	[smem:$0x3FB7] =	sst s10  }
0x35: {  	s10 =	sld [smem:$0x3FB6];
	_ =	sdelay $0x3  }
0x36: {  	p1 =	seq.s32 s10, $0x1;
	s10 =	sld [smem:$0x3FB7];
	_ =	sdelay $0x3  }
0x37: {  	[smem:$0x3FB7] =	sst s10  }
0x38: {  	s10 =	sld [smem:$0x3FB8]  }
0x39: {  	_ = 	snop;
	(pc) =	sbr.ind lr, $3  }
0x3a: {  	_ = 	snop  }
0x3b: {  	_ = 	snop  }
0x3c: {  	p2 =	seq.s32 s10, $0x1;
	s10 =	sld [smem:$0x3FB7]  }
0x3d: {  	_ =	shalt  }
0x3e: {  	_ =	shalt  }
0x3f: {  	_ =	shalt  }
0x40: {  	_ =	shalt  }
0x41: {  	_ =	shalt  }
0x42: {  	_ =	shalt  }
0x43: {  	_ =	shalt  }
0x44: {  	_ =	shalt  }
0x45: {  	_ =	shalt  }
0x46: {  	_ =	shalt  }
0x47: {  	_ =	shalt  }
0x48: {  	_ =	shalt  }
0x49: {  	_ =	shalt  }
0x4a: {  	_ =	shalt  }
0x4b: {  	_ =	shalt  }
0x4c: {  	_ =	shalt  }
0x4d: {  	_ =	shalt  }
0x4e: {  	_ =	shalt  }
0x4f: {  	_ =	shalt  }
0x50: {  	_ =	shalt  }
0x51: {  	_ =	shalt  }
0x52: {  	_ =	shalt  }
0x53: {  	_ =	shalt  }
0x54: {  	_ =	shalt  }
0x55: {  	_ =	shalt  }
0x56: {  	_ =	shalt  }
0x57: {  	_ =	shalt  }
0x58: {  	_ =	shalt  }
0x59: {  	_ =	shalt  }
0x5a: {  	_ =	shalt  }
0x5b: {  	_ =	shalt  }
0x5c: {  	_ =	shalt  }
0x5d: {  	_ =	shalt  }
0x5e: {  	_ =	shalt  }
0x5f: {  	_ =	shalt  }
0x60: {  	_ =	shalt  }
0x61: {  	_ =	shalt  }
0x62: {  	_ =	shalt  }
0x63: {  	_ =	shalt  }
0x64: {  	_ =	shalt  }
0x65: {  	_ =	shalt  }
0x66: {  	_ =	shalt  }
0x67: {  	_ =	shalt  }
0x68: {  	_ =	shalt  }
0x69: {  	_ =	shalt  }
0x6a: {  	_ =	shalt  }
0x6b: {  	_ =	shalt  }
0x6c: {  	_ =	shalt  }
0x6d: {  	_ =	shalt  }
0x6e: {  	_ =	shalt  }
0x6f: {  	_ =	shalt  }
0x70: {  	_ =	shalt  }
0x71: {  	_ =	shalt  }
0x72: {  	_ =	shalt  }
0x73: {  	_ =	shalt  }
0x74: {  	_ =	shalt  }
0x75: {  	_ =	shalt  }
0x76: {  	_ =	shalt  }
0x77: {  	_ =	shalt  }
0x78: {  	_ =	shalt  }
0x79: {  	_ =	shalt  }
0x7a: {  	_ =	shalt  }
0x7b: {  	_ =	shalt  }
0x7c: {  	_ =	shalt  }
0x7d: {  	_ =	shalt  }
0x7e: {  	_ =	shalt  }
0x7f: {  	_ =	shalt  }
0x80: {  	_ =	shalt  }
0x81: {  	_ =	shalt  }
0x82: {  	_ =	shalt  }
0x83: {  	_ =	shalt  }
0x84: {  	_ =	shalt  }
0x85: {  	_ =	shalt  }
0x86: {  	_ =	shalt  }
0x87: {  	_ =	shalt  }
.Lfunc_end0:
.L_simem_size_0:
called_computation_lowered:
.L_overlay_start_0:
0x88: {  	s2 =	sld [smem:$0x3FD9]  }
0x89: {  	s3 =	sld [smem:$0x3FFE];
	_ =	sdelay $0x1  }
0x8a: {  	s1 =	srdreg.scid  }
0x8b: {  	s0 =	sand.u32 $0x1, s1  }
0x8c: {  	s17 =	sshll.u32 s0, $0xA;
	s2 =	sadd.s32 s3, s2  }
0x8d: {  	s2 =	sadd.s32 s2, s17  }
0x8e: {  	[smem:$0x3FC3] =	sst s2  }
0x8f: {  	_ = 	snop  }
0x90: {  	s2 =	sld [smem:$0x3FD0];
	(tm) =	ssettm $0x1  }
0x91: {  	s18 =	sld [smem:$0x3FFB];
	_ =	sdelay $0x3  }
0x92: {  	_ =	strace s18  }
0x93: {  	s3 =	sld [smem:$0x3FFC];
	_ =	sdelay $0x3  }
0x94: {  	_ =	strace s3  }
0x95: {  	s3 =	sld [smem:$0x3FFD];
	_ =	sdelay $0x3  }
0x96: {  	_ =	strace s3  }
0x97: {  	_ =	strace $0x8FFFFFFF  }
0x98: {  	s19 =	sld [smem:$0x3FDB];
	_ =	sdelay $0x1  }
0x99: {  	s4 =	simm.s32 $_scs_section_size  }
0x9a: {  	s5 =	simm.s32 $_size__tile_overlayer_lowered;
	s6 =	simm.s32 $_tile_overlayer_lowered  }
0x9b: {  	s22 =	simm.s32 $0x1BFF;
	s21 =	sshll.u32 s6, $0x1;
	s3 =	sadd.s32 s4, s19  }
0x9c: {  	s7 =	simm.s32 $0x0;
	s20 =	sshll.u32 s5, $0x1;
	s5 =	sadd.s32 s21, s3  }
0x9d: {  	[timem:s7], [sflag:s22] =	dma.local [hbm:s5], s20  }
0x9e: {  	_ =	swait.ge [sflag:s22], s20  }
0x9f: {  	s4 =	ssub.s32 $0x0, s20;
	[sflag:s22] =	ssyncset.done $0x0  }
0xa0: {  	[sflag:s22] =	ssyncadd.s32 s4;
	_ =	sdelay $0x1  }
0xa1: {  	s23 =	simm.s32 $0x1B8B  }
0xa2: {  	_ =	swait.ge [sflag:s23], $0x1  }
0xa3: {  	[sflag:s23] =	ssyncset.done $0x0  }
0xa4: {  	s25 =	simm.s32 $0x1B8E;
	s24 =	sld [smem:$0x3FFE];
	[sflag:s23] =	ssyncadd.s32 $0xFFFFFFFF  }
0xa5: {  	s26 =	simm.s32 $execute0_lowered;
	[smem:$0x3FD2] =	sst s25  }
0xa6: {  	s5 =	sshll.u32 s26, $0x1;
	_ =	strace $0x80000046;
	[dreg:$0x1] =	wrdreg $0xFFFFFFFF  }
0xa7: {  	s28 =	simm.s32 $_size_execute0_lowered;
	s3 =	sadd.s32 s3, s5;
	[dreg:$0x0] =	wrdreg $0x0  }
0xa8: {  	s5 =	sshll.u32 s28, $0x1;
	[dreg:$0x2] =	wrdreg s3  }
0xa9: {  	[dreg:$0x3] =	wrdreg s5  }
0xaa: {  	[dreg:$0x4] =	wrdreg $0xC0  }
0xab: {  	_ =	task [dreg:s7], $0x5FFFF  }
0xac: {  	[dreg:$0x1] =	wrdreg $0xFFFFFFFF  }
0xad: {  	[dreg:$0x0] =	wrdreg $0x60  }
0xae: {  	[dreg:$0x2] =	wrdreg s24  }
0xaf: {  	[dreg:$0x3] =	wrdreg s2  }
0xb0: {  	[dreg:$0x4] =	wrdreg $0x9  }
0xb1: {  	_ =	task.clear_ibuf [dreg:s7], $0x5FFFF;
	_ =	strace $0x90000046  }
0xb2: {  	s29 =	simm.s32 $0x9;
	_ =	strace $0x80000048  }
0xb3: {  	_ =	swait.ge [sflag:s29], $0x1  }
0xb4: {  	[sflag:s29] =	ssyncadd.s32 $0xFFFFFFFF  }
0xb5: {  	_ =	strace $0x90000048  }
0xb6: {  	_ =	sfence  }
0xb7: {  	s30 =	sld [smem:$0x0];
	_ =	sdelay $0x2  }
0xb8: {  	s31 =	sshll.u32 s1, $0xD;
	s1 =	sshrl.u32 s1, $0x2  }
0xb9: {  	s3 =	sand.u32 $0x4000, s31;
	s1 =	sadd.s32 s1, s30  }
0xba: {  	s0 =	sor.u32 s3, s0;
	s1 =	sshll.u32 s1, $0x11  }
0xbb: {  	s0 =	sor.u32 s1, s0  }
0xbc: {  	s0 =	sadd.s32 $0x8F2B, s0  }
0xbd: {  	[sflag:s0] =	ssyncadd.remote.s32 $0x1  }
0xbe: {  	_ =	sfence.sel $0xFFFF  }
0xbf: {  	[dreg:$0x0] =	wrdreg $0xFFFFFFFF;
	(pc) =	sbr.abs _section_cstart, $3  }
0xc0: {  	[dreg:$0x1] =	wrdreg $0xFFFFFFFF  }
0xc1: {  	_ =	task.clear_ibuf [dreg:s7], $0x2FFFF;
	_ =	strace $0x9FFFFFFF  }
0xc2: {  	(tm) =	ssettm $0x7FFFFFFF  }
0xc3: {  	_ =	shalt  }
tec
execute0_lowered:
.L_overlay_start_1:
0x0: {  	(tag) =	ssettag $0x1  }
0x1: {  	s0 =	rddreg [dreg:$0x0]  }
0x2: {  	s10 =	rddreg [dreg:$0x1]  }
0x3: {  	s1 =	srdreg.scid;
	s13 =	simm.s32 $0x0;
	s3 =	stileid.u32  }
0x4: {  	s15 =	simm.s32 $0xC800;
	s16 =	simm.s32 $0xD000;
	s17 =	simm.s32 $0xD800  }
0x5: {  	s18 =	simm.s32 $0xE000;
	s19 =	simm.s32 $0xE800;
	s29 =	simm.s32 $0xF000  }
0x6: {  	s30 =	simm.s32 $0xF800;
	s31 =	simm.s32 $0x10000;
	s1 =	sand.u32 $0x1, s1  }
0x7: {  	[smem:$0x7FF] =	sst s13;
	s5 =	sshll.u32 s3, $0x7;
	s4 =	sadd.s32 $0xE00, s0  }
0x8: {  	v0 =	vlaneseq.u32;
	s7 =	sadd.s32 $0x1000, s0;
	s8 =	sadd.s32 $0x1100, s0;
	s14 =	sadd.s32 $0x100, s10  }
0x9: {  	vm0 =	vmmov $0xffff;
	vm1 =	vmmov $0x1;
	v4 =	vimm.s32 $0x0;
	s11 =	sadd.s32 $0x200, s10;
	s12 =	sadd.s32 $0x300, s10;
	s2 =	sshll.u32 s1, $0xB  }
0xa: {  	vm2 =	vmmov $0x3;
	vm4 =	vmmov $0xf;
	vm5 =	vmmov $0x1f;
	_ =	strace $0x80000047;
	s1 =	ssub.s32 $0x2, s1;
	s2 =	sor.u32 s5, s2  }
0xb: {  	vm6 =	vmmov $0x3f;
	vm7 =	vmmov $0x7f;
	vm8 =	vmmov $0xff;
	s6 =	sshrl.u32 s1, $0x1;
	s5 =	sshll.u32 s2, $0x4;
	s2 =	sshll.u32 s2, $0x7  }
0xc: {  	vm9 =	vmmov $0x1ff;
	vm10 =	vmmov $0x3ff;
	vm11 =	vmmov $0x7ff;
	[dreg:$0x5] =	wrdreg s14;
	s1 =	ssub.s32 s1, s6;
	s26 =	sadd.s32 s4, s2  }
0xd: {  	vm12 =	vmmov $0xfff;
	vm13 =	vmmov $0x1fff;
	v4 =	vsel vm1, $0xFFFFFFFF, v4;
	s5 =	sadd.s32 s5, s0;
	s28 =	smax.u32 s1, $0x1;
	[dreg:$0x4] =	wrdreg s26  }
0xe: {  	vm14 =	vmmov $0x3fff;
	vm1 =	vmmov $0x7;
	[tilespmem:$0x1FFE0] =	vst v4;
	v4 =	vimm.s32 $0x0;
	s9 =	sadd.s32 s2, s0;
	s25 =	sadd.s32 $0x80E00, s5;
	[dreg:$0x7] =	wrdreg s28  }
0xf: {  	vm15 =	vmmov $0x7fff;
	s10 =	simm.s32 $0xC000;
	v2 =	vshrl.u32 v0, $0x3;
	v4 =	vsel vm1, $0xFFFFFFFF, v4;
	s9 =	sadd.s32 $0x90E00, s9;
	[dreg:$0x3] =	wrdreg s25  }
0x10: {  	v1 =	vand.u32 $0x7, v0;
	v3 =	vor.u32 $0x8, v0;
	v2 =	vmul.u32 $0x8, v2;
	s6 =	sadd.s32 $0xF00, s0;
	[tilespmem:$0x1FFF0] =	vst v4;
	s2 =	simm.s32 $0x0;
	[dreg:$0x6] =	wrdreg s9  }
.LBB2_1:
0x11: {  	[dreg:$0x8] =	wrdreg s2  }
0x12: {  	s0 =	rddreg [dreg:$0x3];
	s28 =	simm.s32 $0x9  }
0x13: {  	[tilespmem:s13], [sflag:$0x9] =	stream.linear.gather [hbm4b:s0+s13], $0x4000, $0x38;
	[tilespmem:$0x1D000] =	vst v63  }
0x14: {  	_ =	swait.ge [sflag:s28], $0x4000  }
0x15: {  	[sflag:s28] =	ssyncset.done $0x0  }
0x16: {  	[sflag:s28] =	ssyncadd.s32 $0xFFFFC000  }
0x17: {  	v4 =	vld [tilespmem:$0x0];
	_ =	sdelay $0x4  }
0x18: {  	v5 =	vshll.u32 v4, $0x3  }
0x19: {  	v4 =	vand.u32 $0x7, v4;
	v5 =	vand.u32 $0xFFFFFFC0, v5  }
0x1a: {  	v4 =	vor.u32 v4, v5  }
0x1b: {  	v5 =	vperm.xlane v4, v1;
	_ =	sdelay $0x1  }
0x1c: {  	v5 =	vadd.s32 v2, v5;
	_ =	sdelay $0x4  }
0x1d: {  	[tilespmem:s10], [sflag:$0x1] =	stream.indirect_vreg.gather [hbm4b:s4+s13], $0x80, v5, vm0, $0xb8;
	[tilespmem:$0x1D000] =	vst v63  }
0x1e: {  	v4 =	vperm.xlane v4, v3  }
0x1f: {  	[tilespmem:s15], [sflag:$0x1] =	stream.indirect_vreg.gather [hbm4b:s6+s13], $0x80, v5, vm0, $0xb8;
	[tilespmem:$0x1D000] =	vst v63  }
0x20: {  	v4 =	vadd.s32 v2, v4  }
0x21: {  	[tilespmem:s16], [sflag:$0x1] =	stream.indirect_vreg.gather [hbm4b:s7+s13], $0x80, v5, vm0, $0xb8;
	[tilespmem:$0x1D000] =	vst v63  }
0x22: {  	_ = 	snop  }
0x23: {  	[tilespmem:s17], [sflag:$0x1] =	stream.indirect_vreg.gather [hbm4b:s8+s13], $0x80, v5, vm0, $0xb8;
	[tilespmem:$0x1D000] =	vst v63  }
0x24: {  	_ = 	snop  }
0x25: {  	[tilespmem:s18], [sflag:$0x1] =	stream.indirect_vreg.gather [hbm4b:s4+s13], $0x80, v4, vm0, $0xb8;
	[tilespmem:$0x1D000] =	vst v63  }
0x26: {  	_ = 	snop  }
0x27: {  	[tilespmem:s19], [sflag:$0x1] =	stream.indirect_vreg.gather [hbm4b:s6+s13], $0x80, v4, vm0, $0xb8;
	[tilespmem:$0x1D000] =	vst v63  }
0x28: {  	_ = 	snop  }
0x29: {  	[tilespmem:s29], [sflag:$0x1] =	stream.indirect_vreg.gather [hbm4b:s7+s13], $0x80, v4, vm0, $0xb8;
	[tilespmem:$0x1D000] =	vst v63  }
0x2a: {  	_ = 	snop  }
0x2b: {  	[tilespmem:s30], [sflag:$0x1] =	stream.indirect_vreg.gather [hbm4b:s8+s13], $0x80, v4, vm0, $0xb8;
	[tilespmem:$0x1D000] =	vst v63  }
0x2c: {  	v4 =	vld [tilespmem:$0x80];
	_ =	sdelay $0x4  }
0x2d: {  	v5 =	vshll.u32 v4, $0x3  }
0x2e: {  	v4 =	vand.u32 $0x7, v4;
	v5 =	vand.u32 $0xFFFFFFC0, v5  }
0x2f: {  	v4 =	vor.u32 v4, v5  }
0x30: {  	v5 =	vperm.xlane v4, v1;
	_ =	sdelay $0x1  }
0x31: {  	v5 =	vadd.s32 v2, v5;
	_ =	sdelay $0x4  }
0x32: {  	[tilespmem:s31], [sflag:$0x2] =	stream.indirect_vreg.gather [hbm4b:s4+s13], $0x80, v5, vm0, $0xb8;
	[tilespmem:$0x1D000] =	vst v63  }
0x33: {  	s1 =	simm.s32 $0x10800;
	v4 =	vperm.xlane v4, v3  }
0x34: {  	[tilespmem:s1], [sflag:$0x2] =	stream.indirect_vreg.gather [hbm4b:s6+s13], $0x80, v5, vm0, $0xb8;
	[tilespmem:$0x1D000] =	vst v63  }
0x35: {  	s2 =	simm.s32 $0x11000;
	v4 =	vadd.s32 v2, v4  }
0x36: {  	[tilespmem:s2], [sflag:$0x2] =	stream.indirect_vreg.gather [hbm4b:s7+s13], $0x80, v5, vm0, $0xb8;
	[tilespmem:$0x1D000] =	vst v63  }
0x37: {  	s3 =	simm.s32 $0x11800  }
0x38: {  	[tilespmem:s3], [sflag:$0x2] =	stream.indirect_vreg.gather [hbm4b:s8+s13], $0x80, v5, vm0, $0xb8;
	[tilespmem:$0x1D000] =	vst v63  }
0x39: {  	s5 =	simm.s32 $0x12000  }
0x3a: {  	[tilespmem:s5], [sflag:$0x2] =	stream.indirect_vreg.gather [hbm4b:s4+s13], $0x80, v4, vm0, $0xb8;
	[tilespmem:$0x1D000] =	vst v63  }
0x3b: {  	s9 =	simm.s32 $0x12800  }
0x3c: {  	[tilespmem:s9], [sflag:$0x2] =	stream.indirect_vreg.gather [hbm4b:s6+s13], $0x80, v4, vm0, $0xb8;
	[tilespmem:$0x1D000] =	vst v63  }
0x3d: {  	s10 =	simm.s32 $0x13000  }
0x3e: {  	[tilespmem:s10], [sflag:$0x2] =	stream.indirect_vreg.gather [hbm4b:s7+s13], $0x80, v4, vm0, $0xb8;
	[tilespmem:$0x1D000] =	vst v63  }
0x3f: {  	s14 =	simm.s32 $0x13800  }
0x40: {  	[tilespmem:s14], [sflag:$0x2] =	stream.indirect_vreg.gather [hbm4b:s8+s13], $0x80, v4, vm0, $0xb8;
	[tilespmem:$0x1D000] =	vst v63  }
0x41: {  	v4 =	vld [tilespmem:$0x100];
	_ =	sdelay $0x4  }
0x42: {  	v5 =	vshll.u32 v4, $0x3  }
0x43: {  	v4 =	vand.u32 $0x7, v4;
	v5 =	vand.u32 $0xFFFFFFC0, v5  }
0x44: {  	v4 =	vor.u32 v4, v5  }
0x45: {  	v5 =	vperm.xlane v4, v1;
	_ =	sdelay $0x1  }
0x46: {  	v5 =	vadd.s32 v2, v5;
	_ =	sdelay $0x3  }
0x47: {  	s15 =	simm.s32 $0x14000  }
0x48: {  	[tilespmem:s15], [sflag:$0x3] =	stream.indirect_vreg.gather [hbm4b:s4+s13], $0x80, v5, vm0, $0xb8;
	[tilespmem:$0x1D000] =	vst v63  }
0x49: {  	s16 =	simm.s32 $0x14800;
	v4 =	vperm.xlane v4, v3  }
0x4a: {  	[tilespmem:s16], [sflag:$0x3] =	stream.indirect_vreg.gather [hbm4b:s6+s13], $0x80, v5, vm0, $0xb8;
	[tilespmem:$0x1D000] =	vst v63  }
0x4b: {  	s17 =	simm.s32 $0x15000;
	v4 =	vadd.s32 v2, v4  }
0x4c: {  	[tilespmem:s17], [sflag:$0x3] =	stream.indirect_vreg.gather [hbm4b:s7+s13], $0x80, v5, vm0, $0xb8;
	[tilespmem:$0x1D000] =	vst v63  }
0x4d: {  	s18 =	simm.s32 $0x15800  }
0x4e: {  	[tilespmem:s18], [sflag:$0x3] =	stream.indirect_vreg.gather [hbm4b:s8+s13], $0x80, v5, vm0, $0xb8;
	[tilespmem:$0x1D000] =	vst v63  }
0x4f: {  	s19 =	simm.s32 $0x16000  }
0x50: {  	[tilespmem:s19], [sflag:$0x3] =	stream.indirect_vreg.gather [hbm4b:s4+s13], $0x80, v4, vm0, $0xb8;
	[tilespmem:$0x1D000] =	vst v63  }
0x51: {  	s20 =	simm.s32 $0x16800  }
0x52: {  	[tilespmem:s20], [sflag:$0x3] =	stream.indirect_vreg.gather [hbm4b:s6+s13], $0x80, v4, vm0, $0xb8;
	[tilespmem:$0x1D000] =	vst v63  }
0x53: {  	s21 =	simm.s32 $0x17000  }
0x54: {  	[tilespmem:s21], [sflag:$0x3] =	stream.indirect_vreg.gather [hbm4b:s7+s13], $0x80, v4, vm0, $0xb8;
	[tilespmem:$0x1D000] =	vst v63  }
0x55: {  	s22 =	simm.s32 $0x17800  }
0x56: {  	[tilespmem:s22], [sflag:$0x3] =	stream.indirect_vreg.gather [hbm4b:s8+s13], $0x80, v4, vm0, $0xb8;
	[tilespmem:$0x1D000] =	vst v63  }
0x57: {  	v4 =	vld [tilespmem:$0x180];
	_ =	sdelay $0x4  }
0x58: {  	v5 =	vshll.u32 v4, $0x3  }
0x59: {  	v4 =	vand.u32 $0x7, v4;
	v5 =	vand.u32 $0xFFFFFFC0, v5  }
0x5a: {  	v4 =	vor.u32 v4, v5  }
0x5b: {  	v5 =	vperm.xlane v4, v1;
	_ =	sdelay $0x1  }
0x5c: {  	v5 =	vadd.s32 v2, v5;
	_ =	sdelay $0x3  }
0x5d: {  	s23 =	simm.s32 $0x18000  }
0x5e: {  	[tilespmem:s23], [sflag:$0x4] =	stream.indirect_vreg.gather [hbm4b:s4+s13], $0x80, v5, vm0, $0xb8;
	[tilespmem:$0x1D000] =	vst v63  }
0x5f: {  	s24 =	simm.s32 $0x18800;
	v4 =	vperm.xlane v4, v3  }
0x60: {  	[tilespmem:s24], [sflag:$0x4] =	stream.indirect_vreg.gather [hbm4b:s6+s13], $0x80, v5, vm0, $0xb8;
	[tilespmem:$0x1D000] =	vst v63  }
0x61: {  	s25 =	simm.s32 $0x19000;
	v4 =	vadd.s32 v2, v4  }
0x62: {  	[tilespmem:s25], [sflag:$0x4] =	stream.indirect_vreg.gather [hbm4b:s7+s13], $0x80, v5, vm0, $0xb8;
	[tilespmem:$0x1D000] =	vst v63  }
0x63: {  	s26 =	simm.s32 $0x19800  }
0x64: {  	[tilespmem:s26], [sflag:$0x4] =	stream.indirect_vreg.gather [hbm4b:s8+s13], $0x80, v5, vm0, $0xb8;
	[tilespmem:$0x1D000] =	vst v63  }
0x65: {  	s28 =	simm.s32 $0x1A000  }
0x66: {  	[tilespmem:s28], [sflag:$0x4] =	stream.indirect_vreg.gather [hbm4b:s4+s13], $0x80, v4, vm0, $0xb8;
	[tilespmem:$0x1D000] =	vst v63  }
0x67: {  	s29 =	simm.s32 $0x1A800  }
0x68: {  	[tilespmem:s29], [sflag:$0x4] =	stream.indirect_vreg.gather [hbm4b:s6+s13], $0x80, v4, vm0, $0xb8;
	[tilespmem:$0x1D000] =	vst v63  }
0x69: {  	s30 =	simm.s32 $0x1B000  }
0x6a: {  	[tilespmem:s30], [sflag:$0x4] =	stream.indirect_vreg.gather [hbm4b:s7+s13], $0x80, v4, vm0, $0xb8;
	[tilespmem:$0x1D000] =	vst v63  }
0x6b: {  	s31 =	simm.s32 $0x1B800;
	s20 =	simm.s32 $0x0  }
0x6c: {  	[tilespmem:s31], [sflag:$0x4] =	stream.indirect_vreg.gather [hbm4b:s8+s13], $0x80, v4, vm0, $0xb8;
	[tilespmem:$0x1D000] =	vst v63  }
.LBB2_2:
0x6d: {  	s0 =	sand.u32 $0x7, s20  }
0x6e: {  	s22 =	sshll.u32 s20, $0x9;
	p0 =	sne.s32 s0, $0x0;
	s0 =	rddreg [dreg:$0x4]  }
0x6f: {  	s0 =	sadd.s32 @!p0 s22, s0;
	s1 =	simm.s32 @!p0 $0x0;
	s2 =	simm.s32 @!p0 $0x4000  }
0x70: {  	[tilespmem:s2], [sflag:$0x9] =	stream.linear.gather @!p0 [hbm4b:s0+s1], $0x8000, $0x38;
	[tilespmem:$0x1D000] =	vst v63  }
0x71: {  	s10 =	sshll.u32 s20, $0xC;
	s0 =	simm.s32 @!p0 $0x9  }
0x72: {  	s15 =	simm.s32 $0x1;
	s24 =	simm.s32 $0x0;
	_ =	swait.ge @!p0 [sflag:s0], $0x8000  }
0x73: {  	s13 =	sand.u32 $0x6000, s10;
	s14 =	sand.u32 $0x200, s22;
	[sflag:s0] =	ssyncset.done @!p0 $0x0  }
0x74: {  	s26 =	sand.u32 $0x60, s24;
	[sflag:s0] =	ssyncadd.s32 @!p0 $0xFFFF8000;
	s0 =	sor.u32 s14, s13  }
0x75: {  	s28 =	sand.u32 $0x1C00, s24;
	_ =	swait.ge [sflag:s15], $0x4000;
	s21 =	sadd.s32 $0x4000, s0  }
0x76: {  	s23 =	sor.u32 $0x10, s26;
	[sflag:s15] =	ssyncset.done $0x0;
	s9 =	sadd.s32 s28, s21  }
0x77: {  	s13 =	sor.u32 $0xC000, s28;
	[sflag:s15] =	ssyncadd.s32 $0xFFFFC000;
	s16 =	sadd.s32 s23, s9  }
0x78: {  	s17 =	sor.u32 s23, s13;
	v4 =	vld [tilespmem:s16+$0x0]  }
0x79: {  	v6 =	vld [tilespmem:s17+$0x0]  }
0x7a: {  	v7 =	vld [tilespmem:s17+$0x80]  }
0x7b: {  	v8 =	vld [tilespmem:s17+$0x100]  }
0x7c: {  	v9 =	vld [tilespmem:s17+$0x180]  }
0x7d: {  	s14 =	sor.u32 $0xE000, s28;
	v10 =	vld [tilespmem:s17+$0x200]  }
0x7e: {  	s5 =	sor.u32 $0xE100, s28;
	s18 =	sor.u32 s23, s14;
	v11 =	vld [tilespmem:s17+$0x280]  }
0x7f: {  	s25 =	sor.u32 s23, s5;
	s1 =	sor.u32 $0xE200, s28;
	v12 =	vld [tilespmem:s18+$0x0]  }
0x80: {  	s29 =	sor.u32 s23, s1;
	s0 =	sor.u32 $0xE280, s28;
	v14 =	vld [tilespmem:s25+$0x0]  }
0x81: {  	s30 =	sor.u32 s23, s0;
	v16 =	vld [tilespmem:s29+$0x0]  }
0x82: {  	s9 =	sadd.s32 s26, s9;
	v17 =	vld [tilespmem:s30+$0x0]  }
0x83: {  	s31 =	sor.u32 s26, s13;
	v5 =	vld [tilespmem:s9+$0x0]  }
0x84: {  	v18 =	vld [tilespmem:s31+$0x0]  }
0x85: {  	v21 =	vld [tilespmem:s31+$0x80]  }
0x86: {  	s15 =	sor.u32 $0xE080, s28;
	v26 =	vld [tilespmem:s31+$0x100]  }
0x87: {  	s2 =	sor.u32 $0xE180, s28;
	s19 =	sor.u32 s23, s15;
	v28 =	vld [tilespmem:s31+$0x180];
	v27 =	vmul.f32 v6, v4  }
0x88: {  	s16 =	sor.u32 s23, s2;
	v13 =	vld [tilespmem:s19+$0x0];
	v7 =	vmul.f32 v7, v4;
	v29 =	vmul.f32 v8, v4  }
0x89: {  	v15 =	vld [tilespmem:s16+$0x0];
	v32 =	vmul.f32 v9, v4;
	v25 =	vmul.f32 v10, v4  }
0x8a: {  	s3 =	sor.u32 s24, s24;
	v30 =	vld [tilespmem:s31+$0x200];
	v24 =	vmul.f32 v11, v4;
	v23 =	vmul.f32 v12, v4  }
0x8b: {  	s10 =	sand.u32 $0x3, s24;
	s13 =	sor.u32 $0x380, s3;
	v10 =	vld [tilespmem:s31+$0x280];
	v22 =	vmul.f32 v14, v4;
	v8 =	vmul.f32 v17, v4  }
0x8c: {  	s17 =	sshll.u32 s10, $0x5;
	s18 =	sor.u32 s26, s14;
	v11 =	vld [tilespmem:s13+$0xC000];
	v14 =	vmul.f32 v21, v5;
	v17 =	vmul.f32 v28, v5  }
0x8d: {  	s25 =	sor.u32 s26, s15;
	s13 =	sadd.s32 $0x0, s17;
	v12 =	vld [tilespmem:s18+$0x0];
	v6 =	vimm.f32 $0.0e+00;
	v20 =	vmul.f32 v13, v4;
	v13 =	vmul.f32 v18, v5  }
0x8e: {  	v19 =	vmul.f32 v15, v4;
	s19 =	sor.u32 $0x300, s13;
	v18 =	vld [tilespmem:s25+$0x0];
	v15 =	vmul.f32 v26, v5;
	v21 =	vadd.f32 v14, v6  }
0x8f: {  	v9 =	vmul.f32 v16, v4;
	s13 =	sadd.s32 $0x10, s13;
	v16 =	vld [tilespmem:s19+$0xC000];
	v34 =	vadd.f32 v17, v6;
	v13 =	vadd.f32 v13, v6  }
0x90: {  	v26 =	vmul.f32 v30, v5;
	s29 =	sor.u32 $0x300, s13;
	v28 =	vadd.f32 v15, v6;
	v15 =	vadd.f32 v7, v21  }
0x91: {  	s30 =	sor.u32 $0x380, s13;
	v33 =	vld [tilespmem:s29+$0xC000];
	v21 =	vadd.f32 v32, v34;
	v10 =	vmul.f32 v10, v5;
	v11 =	vmul.f32 v11, v5  }
0x92: {  	s5 =	sor.u32 s26, s5;
	v36 =	vld [tilespmem:s30+$0xC000];
	v30 =	vmul.f32 v12, v5;
	v14 =	vadd.f32 v27, v13;
	v17 =	vadd.f32 v29, v28  }
0x93: {  	v35 =	vld [tilespmem:s5+$0x0];
	s2 =	sor.u32 s26, s2;
	v28 =	vadd.f32 v26, v6;
	v13 =	vimm.f32 $0.0e+00;
	v12 =	vimm.f32 $0.0e+00  }
0x94: {  	s1 =	sor.u32 s26, s1;
	v34 =	vld [tilespmem:s2+$0x0];
	v31 =	vmul.f32 v18, v5;
	v18 =	vimm.f32 $0.0e+00;
	v7 =	vmul.f32 v16, v5  }
0x95: {  	s0 =	sor.u32 s26, s0;
	v32 =	vld [tilespmem:s1+$0x0];
	s1 =	sor.u32 $0xE300, s28;
	v29 =	vadd.f32 v10, v6;
	v27 =	vadd.f32 v11, v6;
	v16 =	vimm.f32 $0.0e+00  }
0x96: {  	s25 =	simm.s32 $0x0;
	s31 =	sor.u32 s26, s1;
	v10 =	vimm.f32 $0.0e+00;
	v11 =	vimm.f32 $0.0e+00;
	v37 =	vmul.f32 v33, v4;
	v33 =	vld [tilespmem:s0+$0x0];
	s0 =	sor.u32 $0xE380, s28  }
0x97: {  	v38 =	vmul.f32 v36, v4;
	v36 =	vld [tilespmem:s31+$0x0];
	s28 =	simm.s32 $0x20;
	v26 =	vadd.f32 v7, v6;
	s2 =	sor.u32 s26, s0;
	s26 =	simm.s32 $0x100;
	v7 =	vimm.f32 $0.0e+00  }
.LBB2_3:
0x98: {  	s29 =	sand.u32 $0x60, s28;
	s30 =	sand.u32 $0x1C00, s26;
	v35 =	vmul.f32 v35, v5;
	v39 =	vld [tilespmem:s2+$0x0];
	v28 =	vadd.f32 v25, v28;
	v29 =	vadd.f32 v24, v29;
	s2 =	sor.u32 s23, s1  }
0x99: {  	s0 =	sor.u32 s23, s0;
	s1 =	sadd.s32 s30, s21;
	v24 =	vmul.f32 v34, v5;
	v26 =	vadd.f32 v37, v26;
	v27 =	vadd.f32 v38, v27;
	v25 =	vld [tilespmem:s2+$0x0];
	s23 =	sor.u32 $0x10, s29  }
0x9a: {  	v6 =	vadd.f32 v30, v6;
	v18 =	vadd.f32 v31, v18;
	s2 =	sor.u32 $0xC000, s30;
	s5 =	sadd.s32 s23, s1;
	v30 =	vmul.f32 v32, v5;
	v31 =	vld [tilespmem:s0+$0x0]  }
0x9b: {  	s0 =	sor.u32 s23, s2;
	v16 =	vadd.f32 v35, v16;
	v32 =	vld [tilespmem:s5+$0x0];
	v13 =	vadd.f32 v24, v13;
	v24 =	vmul.f32 v33, v5  }
0x9c: {  	v6 =	vadd.f32 v23, v6;
	v18 =	vadd.f32 v20, v18;
	v33 =	vld [tilespmem:s0+$0x0];
	v34 =	vmul.f32 v36, v5  }
0x9d: {  	v16 =	vadd.f32 v22, v16;
	v20 =	vld [tilespmem:s0+$0x80];
	v5 =	vmul.f32 v39, v5;
	v13 =	vadd.f32 v19, v13  }
0x9e: {  	v10 =	vadd.f32 v30, v10;
	v11 =	vadd.f32 v24, v11;
	v19 =	vld [tilespmem:s0+$0x100];
	v22 =	vmul.f32 v25, v4  }
0x9f: {  	v12 =	vadd.f32 v34, v12;
	v23 =	vld [tilespmem:s0+$0x180];
	v5 =	vadd.f32 v5, v7;
	v7 =	vmul.f32 v31, v4  }
0xa0: {  	s13 =	sor.u32 $0xE000, s30;
	v10 =	vadd.f32 v9, v10;
	v11 =	vadd.f32 v8, v11;
	v24 =	vld [tilespmem:s0+$0x200];
	v4 =	vmov v32  }
0xa1: {  	s14 =	sor.u32 $0xE080, s30;
	v12 =	vadd.f32 v22, v12;
	v8 =	vld [tilespmem:s0+$0x280];
	s0 =	sor.u32 s23, s13;
	v7 =	vadd.f32 v7, v5  }
0xa2: {  	s9 =	sor.u32 s23, s14;
	s5 =	sor.u32 $0xE100, s30;
	v9 =	vld [tilespmem:s0+$0x0]  }
0xa3: {  	s15 =	sor.u32 s23, s5;
	s0 =	sor.u32 $0xE180, s30;
	v22 =	vld [tilespmem:s9+$0x0]  }
0xa4: {  	s9 =	sor.u32 $0xE200, s30;
	v30 =	vld [tilespmem:s15+$0x0];
	s15 =	sor.u32 s23, s0  }
0xa5: {  	s31 =	sor.u32 $0xE280, s30;
	v31 =	vld [tilespmem:s15+$0x0];
	s15 =	sor.u32 s23, s9  }
0xa6: {  	v32 =	vld [tilespmem:s15+$0x0];
	s15 =	sor.u32 s23, s31  }
0xa7: {  	s1 =	sadd.s32 s29, s1;
	v34 =	vld [tilespmem:s15+$0x0]  }
0xa8: {  	v5 =	vld [tilespmem:s1+$0x0];
	s1 =	sor.u32 s29, s2  }
0xa9: {  	v35 =	vld [tilespmem:s1+$0x0]  }
0xaa: {  	v36 =	vld [tilespmem:s1+$0x80]  }
0xab: {  	v33 =	vmul.f32 v33, v4;
	v38 =	vmul.f32 v20, v4;
	v37 =	vld [tilespmem:s1+$0x100]  }
0xac: {  	v40 =	vmul.f32 v19, v4;
	v41 =	vmul.f32 v23, v4;
	v39 =	vld [tilespmem:s1+$0x180]  }
0xad: {  	s24 =	sadd.s32 $0x1, s24;
	v25 =	vmul.f32 v24, v4;
	v24 =	vmul.f32 v8, v4;
	s2 =	sor.u32 s26, s28;
	v42 =	vld [tilespmem:s1+$0x200]  }
0xae: {  	s15 =	sand.u32 $0x3, s24;
	v23 =	vmul.f32 v9, v4;
	v20 =	vmul.f32 v22, v4;
	v43 =	vld [tilespmem:s1+$0x280];
	s1 =	sor.u32 $0x380, s2  }
0xaf: {  	v22 =	vmul.f32 v30, v4;
	v19 =	vmul.f32 v31, v4;
	s2 =	sshll.u32 s15, $0x5;
	v44 =	vld [tilespmem:s1+$0xC000];
	s1 =	sor.u32 s29, s13  }
0xb0: {  	v9 =	vmul.f32 v32, v4;
	v8 =	vmul.f32 v34, v4;
	s2 =	sadd.s32 s2, s26;
	v30 =	vld [tilespmem:s1+$0x0];
	s1 =	sor.u32 s29, s14  }
0xb1: {  	v31 =	vmul.f32 v35, v5;
	v32 =	vmul.f32 v36, v5;
	s13 =	sor.u32 $0x300, s2;
	v34 =	vld [tilespmem:s1+$0x0];
	s1 =	sadd.s32 $0x10, s2  }
0xb2: {  	v35 =	vmul.f32 v37, v5;
	v36 =	vmul.f32 v39, v5;
	v37 =	vld [tilespmem:s13+$0xC000];
	s2 =	sor.u32 $0x300, s1  }
0xb3: {  	s25 =	sadd.s32 $0x2, s25;
	v39 =	vmul.f32 v42, v5;
	s1 =	sor.u32 $0x380, s1;
	v42 =	vmul.f32 v43, v5;
	v43 =	vld [tilespmem:s2+$0xC000]  }
0xb4: {  	p0 =	slt.u32 s25, $0x3E;
	v14 =	vadd.f32 v31, v14;
	v15 =	vadd.f32 v32, v15;
	s2 =	sor.u32 s29, s5;
	v44 =	vmul.f32 v44, v5;
	v45 =	vld [tilespmem:s1+$0xC000]  }
.Ltmp0:
0xb5: {  	s0 =	sor.u32 s29, s0;
	v17 =	vadd.f32 v35, v17;
	v21 =	vadd.f32 v36, v21;
	v30 =	vmul.f32 v30, v5;
	v35 =	vld [tilespmem:s2+$0x0];
	(pc) =	sbr.rel @p0 .LBB2_3-.Ltmp0, $4  }
0xb6: {  	v14 =	vadd.f32 v33, v14;
	v15 =	vadd.f32 v38, v15;
	v31 =	vmul.f32 v34, v5;
	v34 =	vld [tilespmem:s0+$0x0];
	s0 =	sor.u32 s29, s9  }
0xb7: {  	s1 =	sor.u32 $0xE300, s30;
	v17 =	vadd.f32 v40, v17;
	v21 =	vadd.f32 v41, v21;
	v36 =	vmul.f32 v37, v5;
	v32 =	vld [tilespmem:s0+$0x0];
	s0 =	sor.u32 s29, s31  }
0xb8: {  	v28 =	vadd.f32 v39, v28;
	v29 =	vadd.f32 v42, v29;
	s2 =	sor.u32 s29, s1;
	v33 =	vld [tilespmem:s0+$0x0];
	s0 =	sor.u32 $0xE380, s30;
	v37 =	vmul.f32 v43, v4  }
0xb9: {  	s28 =	sadd.s32 $0x20, s28;
	s26 =	sadd.s32 $0x100, s26;
	v27 =	vadd.f32 v44, v27;
	v26 =	vadd.f32 v36, v26;
	v36 =	vld [tilespmem:s2+$0x0];
	s2 =	sor.u32 s29, s0;
	v38 =	vmul.f32 v45, v4  }
0xba: {  	(xrf2) =	vadd.scan.msk.f32 $0xffff, v14  }
0xbb: {  	(xrf2) =	vadd.scan.msk.f32 $0xffff, v15  }
0xbc: {  	v14 =	vadd.f32 v25, v28;
	v6 =	vadd.f32 v30, v6;
	(xrf2) =	vadd.scan.msk.f32 $0xffff, v17  }
0xbd: {  	v18 =	vadd.f32 v31, v18;
	v15 =	vadd.f32 v24, v29;
	(xrf2) =	vadd.scan.msk.f32 $0xffff, v21  }
0xbe: {  	v24 =	vadd.f32 v38, v27;
	v17 =	vmul.f32 v35, v5;
	(xrf2) =	vadd.scan.msk.f32 $0xffff, v14;
	v14 =	vmul.f32 v34, v5  }
0xbf: {  	s1 =	sor.u32 s23, s1;
	v6 =	vadd.f32 v23, v6;
	v21 =	vadd.f32 v37, v26;
	v26 =	vmul.f32 v32, v5  }
0xc0: {  	v25 =	vld [tilespmem:s1+$0x0];
	v16 =	vadd.f32 v17, v16;
	(xrf2) =	vadd.scan.msk.f32 $0xffff, v15;
	v13 =	vadd.f32 v14, v13;
	v14 =	vmul.f32 v33, v5  }
0xc1: {  	v17 =	vadd.f32 v20, v18;
	v20 =	vmul.f32 v36, v5;
	v10 =	vadd.f32 v26, v10;
	(xrf2) =	vadd.scan.msk.f32 $0xffff, v21  }
0xc2: {  	(xrf2) =	vadd.scan.msk.f32 $0xffff, v24;
	v11 =	vadd.f32 v14, v11  }
0xc3: {  	v16 =	vadd.f32 v22, v16;
	v12 =	vadd.f32 v20, v12;
	(xrf2) =	vadd.scan.msk.f32 $0xffff, v6  }
0xc4: {  	v9 =	vadd.f32 v9, v10;
	v6 =	vadd.f32 v19, v13;
	(xrf2) =	vadd.scan.msk.f32 $0xffff, v17  }
0xc5: {  	v13 =	vmul.f32 v25, v4;
	v10, _, _ =	vpop (xrf2);
	(xrf2) =	vadd.scan.msk.f32 $0xffff, v16  }
0xc6: {  	s0 =	sor.u32 s23, s0;
	v15 =	vld [tilespmem:s2+$0x0];
	v8 =	vadd.f32 v8, v11;
	v11, _, _ =	vpop (xrf2);
	(xrf2) =	vadd.scan.msk.f32 $0xffff, v6  }
0xc7: {  	v18 =	vld [tilespmem:s0+$0x0];
	v6 =	vadd.f32 v13, v12;
	v12, _, _ =	vpop (xrf2);
	(xrf2) =	vadd.scan.msk.f32 $0xffff, v9  }
0xc8: {  	v9, _, _ =	vpop (xrf2);
	(xrf2) =	vadd.scan.msk.f32 $0xffff, v8;
	v8 =	vld [tilespmem:$0x1FFE0];
	_ =	sdelay $0x1  }
0xc9: {  	v10 =	vbroadcast v10, $0xF  }
0xca: {  	v5 =	vmul.f32 v15, v5  }
0xcb: {  	v4 =	vmul.f32 v18, v4;
	v11 =	vbroadcast v11, $0xF  }
0xcc: {  	v5 =	vadd.f32 v5, v7;
	v7 =	vbroadcast v12, $0xF;
	vm1 =	vnez.u8 v8  }
0xcd: {  	v8 =	vsel vm1, v10, v11;
	v10, _, _ =	vpop (xrf2)  }
0xce: {  	v4 =	vadd.f32 v4, v5;
	v5 =	vsel vm2, v8, v7;
	v7 =	vbroadcast v10, $0xF;
	v10 =	vld [tilespmem:$0x1FFF0];
	_ =	sdelay $0x3  }
0xcf: {  	v9 =	vbroadcast v9, $0xF  }
0xd0: {  	(xrf2) =	vadd.scan.msk.f32 $0xffff, v6;
	v6, _, _ =	vpop (xrf2);
	vm1 =	vnez.u8 v10  }
0xd1: {  	v8, _, _ =	vpop (xrf2);
	v5 =	vsel vm1, v5, v9  }
0xd2: {  	v6 =	vbroadcast v6, $0xF;
	v5 =	vsel vm4, v5, v7;
	v7 =	vbroadcast v8, $0xF  }
0xd3: {  	v8, _, _ =	vpop (xrf2)  }
0xd4: {  	(xrf2) =	vadd.scan.msk.f32 $0xffff, v4;
	v4, _, _ =	vpop (xrf2);
	v5 =	vsel vm5, v5, v6;
	v6 =	vbroadcast v8, $0xF  }
0xd5: {  	v8, _, _ =	vpop (xrf2);
	v5 =	vsel vm6, v5, v7;
	v4 =	vbroadcast v4, $0xF  }
0xd6: {  	v5 =	vsel vm7, v5, v6;
	v6 =	vbroadcast v8, $0xF;
	v7, _, _ =	vpop (xrf2)  }
0xd7: {  	v4 =	vsel vm8, v5, v4;
	v8, _, _ =	vpop (xrf2);
	v5 =	vbroadcast v7, $0xF  }
0xd8: {  	v4 =	vsel vm9, v4, v6;
	v7, _, _ =	vpop (xrf2);
	v6 =	vbroadcast v8, $0xF  }
0xd9: {  	v8, _, _ =	vpop (xrf2);
	v4 =	vsel vm10, v4, v5;
	v5 =	vbroadcast v7, $0xF  }
0xda: {  	v7, _, _ =	vpop (xrf2);
	v4 =	vsel vm11, v4, v6  }
0xdb: {  	s22 =	sand.u32 $0x3FFFFE00, s22;
	v4 =	vsel vm12, v4, v5;
	v5 =	vbroadcast v7, $0xF  }
0xdc: {  	v6 =	vbroadcast v8, $0xF;
	v8 =	vld [tilespmem:s22+$0x0];
	_ =	sdelay $0x1  }
0xdd: {  	v4 =	vsel vm13, v4, v6  }
0xde: {  	v4 =	vsel vm14, v4, v5;
	v5, _, _ =	vpop (xrf2)  }
0xdf: {  	v4 =	vsel vm15, v4, v5  }
0xe0: {  	(xrf1) =	vsort.dscd.msk.f32 $0xffff, v4, v8;
	_ =	sdelay $0x8  }
0xe1: {  	s24 =	sshll.u32 s20, $0x7  }
0xe2: {  	v4 =	vor.u32 s24, v0;
	_ =	sdelay $0x3  }
0xe3: {  	s17 =	simm.s32 $0x1C000;
	_, v5, _ =	vpop (xrf1)  }
0xe4: {  	p0 =	seq.s32 s20, $0x1F;
	[tilespmem:v4+s17+$0x0] =	vst.idx.msk $0xf, v5  }
0xe5: {  	v4 =	vld @!p0 [tilespmem:s22+$0x200];
	_ =	sdelay $0x4  }
0xe6: {  	v5 =	vshll.u32 @!p0 v4, $0x3  }
0xe7: {  	v6 =	vlaneseq.u32 @!p0;
	v4 =	vand.u32 @!p0 $0x7, v4;
	v5 =	vand.u32 @!p0 $0xFFFFFFC0, v5  }
0xe8: {  	v7 =	vshrl.u32 @!p0 v6, $0x3;
	v4 =	vor.u32 @!p0 v4, v5;
	v5 =	vand.u32 @!p0 $0x7, v6  }
0xe9: {  	v7 =	vmul.u32 @!p0 $0x8, v7;
	v5 =	vperm.xlane @!p0 v4, v5;
	_ =	sdelay $0x1  }
0xea: {  	v5 =	vadd.s32 @!p0 v7, v5;
	_ =	sdelay $0x3  }
0xeb: {  	s1 =	simm.s32 @!p0 $0xC000;
	s0 =	simm.s32 @!p0 $0x0;
	vm1 =	vmmov @!p0 $0xffff  }
0xec: {  	v6 =	vor.u32 @!p0 $0x8, v6;
	[tilespmem:s1], [sflag:$0x1] =	stream.indirect_vreg.gather @!p0 [hbm4b:s4+s0], $0x80, v5, vm1, $0xb8;
	[tilespmem:$0x1D000] =	vst v63  }
0xed: {  	v4 =	vperm.xlane @!p0 v4, v6;
	s1 =	simm.s32 @!p0 $0xC800  }
0xee: {  	[tilespmem:s1], [sflag:$0x1] =	stream.indirect_vreg.gather @!p0 [hbm4b:s6+s0], $0x80, v5, vm1, $0xb8;
	[tilespmem:$0x1D000] =	vst v63  }
0xef: {  	v4 =	vadd.s32 @!p0 v7, v4;
	s1 =	simm.s32 @!p0 $0xD000  }
0xf0: {  	[tilespmem:s1], [sflag:$0x1] =	stream.indirect_vreg.gather @!p0 [hbm4b:s7+s0], $0x80, v5, vm1, $0xb8;
	[tilespmem:$0x1D000] =	vst v63  }
0xf1: {  	s1 =	simm.s32 @!p0 $0xD800  }
0xf2: {  	[tilespmem:s1], [sflag:$0x1] =	stream.indirect_vreg.gather @!p0 [hbm4b:s8+s0], $0x80, v5, vm1, $0xb8;
	[tilespmem:$0x1D000] =	vst v63  }
0xf3: {  	s1 =	simm.s32 @!p0 $0xE000  }
0xf4: {  	[tilespmem:s1], [sflag:$0x1] =	stream.indirect_vreg.gather @!p0 [hbm4b:s4+s0], $0x80, v4, vm1, $0xb8;
	[tilespmem:$0x1D000] =	vst v63  }
0xf5: {  	s1 =	simm.s32 @!p0 $0xE800  }
0xf6: {  	[tilespmem:s1], [sflag:$0x1] =	stream.indirect_vreg.gather @!p0 [hbm4b:s6+s0], $0x80, v4, vm1, $0xb8;
	[tilespmem:$0x1D000] =	vst v63  }
0xf7: {  	s1 =	simm.s32 @!p0 $0xF000  }
0xf8: {  	[tilespmem:s1], [sflag:$0x1] =	stream.indirect_vreg.gather @!p0 [hbm4b:s7+s0], $0x80, v4, vm1, $0xb8;
	[tilespmem:$0x1D000] =	vst v63  }
0xf9: {  	s18 =	simm.s32 $0x0;
	s19 =	simm.s32 $0x2;
	s1 =	simm.s32 @!p0 $0xF800  }
0xfa: {  	[tilespmem:s1], [sflag:$0x1] =	stream.indirect_vreg.gather @!p0 [hbm4b:s8+s0], $0x80, v4, vm1, $0xb8;
	[tilespmem:$0x1D000] =	vst v63  }
0xfb: {  	s25 =	sand.u32 $0x60, s18;
	s26 =	sand.u32 $0x1C00, s18;
	_ =	swait.ge [sflag:s19], $0x4000  }
0xfc: {  	s9 =	sor.u32 $0x10000, s26;
	s23 =	sor.u32 $0x10, s25;
	[sflag:s19] =	ssyncset.done $0x0  }
0xfd: {  	s13 =	sor.u32 $0x10080, s26;
	s28 =	sor.u32 s23, s9;
	[sflag:s19] =	ssyncadd.s32 $0xFFFFC000  }
0xfe: {  	s14 =	sor.u32 $0x10100, s26;
	s29 =	sor.u32 s23, s13;
	v4 =	vld [tilespmem:s28+$0x0]  }
0xff: {  	s15 =	sor.u32 $0x10180, s26;
	s30 =	sor.u32 s23, s14;
	v6 =	vld [tilespmem:s29+$0x0]  }
0x100: {  	s16 =	sor.u32 $0x10200, s26;
	s31 =	sor.u32 s23, s15;
	v8 =	vld [tilespmem:s30+$0x0]  }
0x101: {  	s17 =	sor.u32 $0x10280, s26;
	s1 =	sor.u32 s23, s16;
	v9 =	vld [tilespmem:s31+$0x0]  }
0x102: {  	s18 =	sor.u32 $0x10300, s26;
	s2 =	sor.u32 s23, s17;
	v10 =	vld [tilespmem:s1+$0x0]  }
0x103: {  	s3 =	sor.u32 s23, s18;
	v11 =	vld [tilespmem:s2+$0x0]  }
0x104: {  	s9 =	sor.u32 s25, s9;
	v12 =	vld [tilespmem:s3+$0x0]  }
0x105: {  	s14 =	sor.u32 s25, s14;
	s19 =	sor.u32 $0x10380, s26;
	v20 =	vld [tilespmem:s9+$0x0]  }
0x106: {  	s28 =	sor.u32 $0x12000, s26;
	s5 =	sor.u32 s23, s19;
	v28 =	vld [tilespmem:s14+$0x0]  }
0x107: {  	s29 =	sor.u32 $0x12080, s26;
	s30 =	sadd.s32 s26, s21;
	v13 =	vld [tilespmem:s5+$0x0];
	s10 =	sor.u32 s23, s28  }
0x108: {  	s31 =	sor.u32 s23, s29;
	s30 =	sadd.s32 $0x80, s30;
	v14 =	vld [tilespmem:s10+$0x0]  }
0x109: {  	s2 =	sor.u32 $0x12100, s26;
	v15 =	vld [tilespmem:s31+$0x0];
	s31 =	sadd.s32 s23, s30  }
0x10a: {  	s1 =	sor.u32 s23, s2;
	s5 =	sor.u32 $0x12180, s26;
	v5 =	vld [tilespmem:s31+$0x0]  }
0x10b: {  	v16 =	vld [tilespmem:s1+$0x0];
	s1 =	sor.u32 $0x12200, s26;
	s3 =	sor.u32 s23, s5  }
0x10c: {  	s0 =	sor.u32 $0x12280, s26;
	v17 =	vld [tilespmem:s3+$0x0];
	s10 =	sor.u32 s23, s1  }
0x10d: {  	s3 =	sor.u32 s23, s0;
	v18 =	vld [tilespmem:s10+$0x0]  }
0x10e: {  	v19 =	vld [tilespmem:s3+$0x0];
	s10 =	sor.u32 s25, s13  }
0x10f: {  	s13 =	sadd.s32 s25, s30;
	v25 =	vld [tilespmem:s10+$0x0];
	v26 =	vmul.f32 v4, v5;
	v27 =	vmul.f32 v6, v5  }
0x110: {  	s15 =	sor.u32 s25, s15;
	v7 =	vld [tilespmem:s13+$0x0];
	v8 =	vmul.f32 v8, v5;
	v9 =	vmul.f32 v9, v5  }
0x111: {  	s16 =	sor.u32 s25, s16;
	v32 =	vmul.f32 v10, v5;
	v31 =	vmul.f32 v11, v5;
	v10 =	vld [tilespmem:s15+$0x0]  }
0x112: {  	s17 =	sor.u32 s25, s17;
	v30 =	vmul.f32 v12, v5;
	v29 =	vmul.f32 v13, v5;
	v11 =	vld [tilespmem:s16+$0x0]  }
0x113: {  	s18 =	sor.u32 s25, s18;
	v24 =	vmul.f32 v14, v5;
	v23 =	vmul.f32 v15, v5;
	v12 =	vld [tilespmem:s17+$0x0]  }
0x114: {  	v22 =	vmul.f32 v16, v5;
	v21 =	vmul.f32 v17, v5;
	v4 =	vmov s24;
	v13 =	vld [tilespmem:s18+$0x0];
	s24 =	sor.u32 s25, s19  }
0x115: {  	vm3 =	vmmov vm2;
	v15 =	vld [tilespmem:s24+$0x0];
	v14 =	vmul.f32 v20, v7;
	v16 =	vmul.f32 v25, v7  }
0x116: {  	s28 =	sor.u32 s25, s28;
	v6 =	vimm.f32 $0.0e+00;
	v17 =	vmul.f32 v18, v5;
	v18 =	vmul.f32 v28, v7  }
0x117: {  	s29 =	sor.u32 s25, s29;
	v25 =	vld [tilespmem:s28+$0x0];
	v20 =	vmul.f32 v19, v5;
	v14 =	vadd.f32 v14, v6;
	v16 =	vadd.f32 v16, v6  }
0x118: {  	v19 =	vld [tilespmem:s29+$0x0];
	v18 =	vadd.f32 v18, v6;
	v10 =	vmul.f32 v10, v7;
	v11 =	vmul.f32 v11, v7  }
0x119: {  	v28 =	vmul.f32 v12, v7;
	v12 =	vadd.f32 v26, v14;
	v26 =	vmul.f32 v13, v7  }
0x11a: {  	s2 =	sor.u32 s25, s2;
	v13 =	vadd.f32 v27, v16;
	v14 =	vadd.f32 v8, v18;
	v8 =	vmul.f32 v15, v7  }
0x11b: {  	v37 =	vld [tilespmem:s2+$0x0];
	s30 =	sor.u32 s25, s5;
	v18 =	vimm.f32 $0.0e+00;
	v15 =	vimm.f32 $0.0e+00;
	v10 =	vadd.f32 v10, v6  }
0x11c: {  	s1 =	sor.u32 s25, s1;
	v35 =	vld [tilespmem:s30+$0x0];
	v27 =	vadd.f32 v11, v6;
	v28 =	vadd.f32 v28, v6;
	v38 =	vmul.f32 v25, v7  }
0x11d: {  	s0 =	sor.u32 s25, s0;
	v33 =	vld [tilespmem:s1+$0x0];
	s1 =	sor.u32 $0x12300, s26;
	v39 =	vmul.f32 v19, v7;
	v19 =	vimm.f32 $0.0e+00;
	v11 =	vimm.f32 $0.0e+00  }
0x11e: {  	v34 =	vld [tilespmem:s0+$0x0];
	s0 =	sor.u32 $0x12380, s26;
	s26 =	simm.s32 $0x20;
	s31 =	sor.u32 s25, s1;
	v25 =	vadd.f32 v26, v6;
	v26 =	vadd.f32 v8, v6;
	v8 =	vimm.f32 $0.0e+00  }
0x11f: {  	s2 =	sor.u32 s25, s0;
	v36 =	vld [tilespmem:s31+$0x0];
	s25 =	simm.s32 $0x100;
	s24 =	simm.s32 $0x0;
	v16 =	vadd.f32 v9, v10;
	v10 =	vimm.f32 $0.0e+00;
	v9 =	vimm.f32 $0.0e+00  }
.LBB2_5:
0x120: {  	s28 =	sand.u32 $0x60, s26;
	s29 =	sand.u32 $0x1C00, s25;
	v37 =	vmul.f32 v37, v7;
	v40 =	vld [tilespmem:s2+$0x0];
	v27 =	vadd.f32 v32, v27;
	v28 =	vadd.f32 v31, v28;
	s1 =	sor.u32 s23, s1  }
0x121: {  	s0 =	sor.u32 s23, s0;
	s30 =	sor.u32 $0x10000, s29;
	v31 =	vmul.f32 v35, v7;
	v25 =	vadd.f32 v30, v25;
	v26 =	vadd.f32 v29, v26;
	v29 =	vld [tilespmem:s1+$0x0];
	s23 =	sor.u32 $0x10, s28  }
0x122: {  	v6 =	vadd.f32 v38, v6;
	s31 =	sor.u32 $0x10080, s29;
	v18 =	vadd.f32 v39, v18;
	s1 =	sor.u32 s23, s30;
	v30 =	vmul.f32 v33, v7;
	v32 =	vld [tilespmem:s0+$0x0]  }
0x123: {  	s5 =	sor.u32 $0x10100, s29;
	v19 =	vadd.f32 v37, v19;
	v33 =	vld [tilespmem:s1+$0x0];
	s1 =	sor.u32 s23, s31;
	v15 =	vadd.f32 v31, v15;
	v31 =	vmul.f32 v34, v7  }
0x124: {  	s0 =	sor.u32 $0x10180, s29;
	v6 =	vadd.f32 v24, v6;
	v18 =	vadd.f32 v23, v18;
	v34 =	vld [tilespmem:s1+$0x0];
	s1 =	sor.u32 s23, s5;
	v35 =	vmul.f32 v36, v7  }
0x125: {  	s9 =	sor.u32 $0x10200, s29;
	v19 =	vadd.f32 v22, v19;
	v23 =	vld [tilespmem:s1+$0x0];
	s1 =	sor.u32 s23, s0;
	v7 =	vmul.f32 v40, v7;
	v15 =	vadd.f32 v21, v15  }
0x126: {  	s15 =	sor.u32 $0x10280, s29;
	s2 =	sor.u32 s23, s9;
	v10 =	vadd.f32 v30, v10;
	v11 =	vadd.f32 v31, v11;
	v21 =	vld [tilespmem:s1+$0x0];
	v22 =	vmul.f32 v29, v5  }
0x127: {  	s1 =	sor.u32 $0x10300, s29;
	v9 =	vadd.f32 v35, v9;
	v24 =	vld [tilespmem:s2+$0x0];
	s2 =	sor.u32 s23, s15;
	v7 =	vadd.f32 v7, v8;
	v5 =	vmul.f32 v32, v5  }
0x128: {  	s14 =	sor.u32 $0x10380, s29;
	v10 =	vadd.f32 v17, v10;
	v11 =	vadd.f32 v20, v11;
	v29 =	vld [tilespmem:s2+$0x0];
	s2 =	sor.u32 s23, s1  }
0x129: {  	s17 =	sor.u32 $0x12000, s29;
	v9 =	vadd.f32 v22, v9;
	v17 =	vld [tilespmem:s2+$0x0];
	s2 =	sor.u32 s23, s14;
	v8 =	vadd.f32 v5, v7  }
0x12a: {  	s18 =	sor.u32 $0x12080, s29;
	v20 =	vld [tilespmem:s2+$0x0];
	s2 =	sor.u32 s23, s17  }
0x12b: {  	s16 =	sadd.s32 s29, s21;
	s13 =	sor.u32 $0x12100, s29;
	v22 =	vld [tilespmem:s2+$0x0];
	s2 =	sor.u32 s23, s18  }
0x12c: {  	s3 =	sadd.s32 $0x80, s16;
	v35 =	vld [tilespmem:s2+$0x0];
	s2 =	sor.u32 s23, s13  }
0x12d: {  	s19 =	sor.u32 $0x12180, s29;
	s16 =	sadd.s32 s23, s3;
	v36 =	vld [tilespmem:s2+$0x0]  }
0x12e: {  	s10 =	sor.u32 s23, s19;
	s2 =	sor.u32 $0x12200, s29;
	v5 =	vld [tilespmem:s16+$0x0]  }
0x12f: {  	s16 =	sor.u32 $0x12280, s29;
	v37 =	vld [tilespmem:s10+$0x0];
	s10 =	sor.u32 s23, s2  }
0x130: {  	v38 =	vld [tilespmem:s10+$0x0];
	s10 =	sor.u32 s23, s16  }
0x131: {  	s30 =	sor.u32 s28, s30;
	v39 =	vld [tilespmem:s10+$0x0]  }
0x132: {  	s10 =	sor.u32 s28, s31;
	v40 =	vld [tilespmem:s30+$0x0]  }
0x133: {  	s5 =	sor.u32 s28, s5;
	v41 =	vld [tilespmem:s10+$0x0];
	v33 =	vmul.f32 v33, v5;
	v34 =	vmul.f32 v34, v5  }
0x134: {  	s3 =	sadd.s32 s28, s3;
	v43 =	vmul.f32 v23, v5;
	v44 =	vmul.f32 v21, v5;
	v42 =	vld [tilespmem:s5+$0x0]  }
0x135: {  	s0 =	sor.u32 s28, s0;
	v32 =	vmul.f32 v24, v5;
	v31 =	vmul.f32 v29, v5;
	v7 =	vld [tilespmem:s3+$0x0]  }
0x136: {  	v30 =	vmul.f32 v17, v5;
	v29 =	vmul.f32 v20, v5;
	v45 =	vld [tilespmem:s0+$0x0];
	s0 =	sor.u32 s28, s9  }
0x137: {  	v24 =	vmul.f32 v22, v5;
	v23 =	vmul.f32 v35, v5;
	v46 =	vld [tilespmem:s0+$0x0];
	s0 =	sor.u32 s28, s15  }
0x138: {  	v22 =	vmul.f32 v36, v5;
	v21 =	vmul.f32 v37, v5;
	v35 =	vld [tilespmem:s0+$0x0];
	s0 =	sor.u32 s28, s1  }
0x139: {  	v17 =	vmul.f32 v38, v5;
	v20 =	vmul.f32 v39, v5;
	v36 =	vld [tilespmem:s0+$0x0];
	s0 =	sor.u32 s28, s14  }
0x13a: {  	v37 =	vmul.f32 v40, v7;
	v38 =	vmul.f32 v41, v7;
	v39 =	vld [tilespmem:s0+$0x0];
	s0 =	sor.u32 s28, s17  }
0x13b: {  	s24 =	sadd.s32 $0x2, s24;
	v40 =	vmul.f32 v42, v7;
	v41 =	vmul.f32 v45, v7;
	v42 =	vld [tilespmem:s0+$0x0];
	s0 =	sor.u32 s28, s18  }
0x13c: {  	p1 =	slt.u32 s24, $0x3E;
	v12 =	vadd.f32 v37, v12;
	v13 =	vadd.f32 v38, v13;
	v38 =	vmul.f32 v46, v7;
	v45 =	vld [tilespmem:s0+$0x0];
	s0 =	sor.u32 s28, s13  }
.Ltmp1:
0x13d: {  	v14 =	vadd.f32 v40, v14;
	v16 =	vadd.f32 v41, v16;
	v40 =	vmul.f32 v35, v7;
	v37 =	vld [tilespmem:s0+$0x0];
	s0 =	sor.u32 s28, s19;
	(pc) =	sbr.rel @p1 .LBB2_5-.Ltmp1, $4  }
0x13e: {  	v36 =	vmul.f32 v36, v7;
	v35 =	vld [tilespmem:s0+$0x0];
	s0 =	sor.u32 s28, s2;
	v12 =	vadd.f32 v33, v12;
	v13 =	vadd.f32 v34, v13  }
0x13f: {  	s1 =	sor.u32 $0x12300, s29;
	v14 =	vadd.f32 v43, v14;
	v39 =	vmul.f32 v39, v7;
	v33 =	vld [tilespmem:s0+$0x0];
	s0 =	sor.u32 s28, s16;
	v16 =	vadd.f32 v44, v16  }
0x140: {  	v27 =	vadd.f32 v38, v27;
	s2 =	sor.u32 s28, s1;
	v28 =	vadd.f32 v40, v28;
	v38 =	vmul.f32 v42, v7;
	v34 =	vld [tilespmem:s0+$0x0];
	s0 =	sor.u32 $0x12380, s29  }
0x141: {  	s25 =	sadd.s32 $0x100, s25;
	s26 =	sadd.s32 $0x20, s26;
	v25 =	vadd.f32 v36, v25;
	v26 =	vadd.f32 v39, v26;
	v39 =	vmul.f32 v45, v7;
	v36 =	vld [tilespmem:s2+$0x0];
	s2 =	sor.u32 s28, s0  }
0x142: {  	(xrf2) =	vadd.scan.msk.f32 $0xffff, v12  }
0x143: {  	v12 =	vadd.f32 v32, v27;
	(xrf2) =	vadd.scan.msk.f32 $0xffff, v13  }
0x144: {  	v6 =	vadd.f32 v38, v6;
	v13 =	vadd.f32 v31, v28;
	(xrf2) =	vadd.scan.msk.f32 $0xffff, v14  }
0x145: {  	v18 =	vadd.f32 v39, v18;
	v14 =	vmul.f32 v37, v7;
	v27 =	vmul.f32 v33, v7;
	(xrf2) =	vadd.scan.msk.f32 $0xffff, v16  }
0x146: {  	s1 =	sor.u32 s23, s1;
	v6 =	vadd.f32 v24, v6;
	v16 =	vadd.f32 v30, v25;
	(xrf2) =	vadd.scan.msk.f32 $0xffff, v12;
	v12 =	vmul.f32 v35, v7  }
0x147: {  	v25 =	vadd.f32 v29, v26;
	v26 =	vld [tilespmem:s1+$0x0];
	v14 =	vadd.f32 v14, v19;
	(xrf2) =	vadd.scan.msk.f32 $0xffff, v13  }
0x148: {  	v10 =	vadd.f32 v27, v10;
	v13 =	vld [tilespmem:s2+$0x0];
	(xrf2) =	vadd.scan.msk.f32 $0xffff, v16;
	v12 =	vadd.f32 v12, v15;
	v15 =	vmul.f32 v34, v7  }
0x149: {  	v16 =	vadd.f32 v23, v18;
	(xrf2) =	vadd.scan.msk.f32 $0xffff, v25  }
0x14a: {  	v19 =	vmul.f32 v36, v7;
	v14 =	vadd.f32 v22, v14;
	v10 =	vadd.f32 v17, v10;
	(xrf2) =	vadd.scan.msk.f32 $0xffff, v6  }
0x14b: {  	v6 =	vadd.f32 v21, v12;
	v11 =	vadd.f32 v15, v11;
	(xrf2) =	vadd.scan.msk.f32 $0xffff, v16  }
0x14c: {  	v9 =	vadd.f32 v19, v9;
	v12 =	vmul.f32 v26, v5;
	v15, _, _ =	vpop (xrf2);
	(xrf2) =	vadd.scan.msk.f32 $0xffff, v14  }
0x14d: {  	s0 =	sor.u32 s23, s0;
	v7 =	vmul.f32 v13, v7;
	v11 =	vadd.f32 v20, v11;
	v13, _, _ =	vpop (xrf2);
	(xrf2) =	vadd.scan.msk.f32 $0xffff, v6  }
0x14e: {  	v18 =	vld [tilespmem:s0+$0x0];
	v6 =	vadd.f32 v12, v9;
	v12 =	vbroadcast v13, $0xF;
	v13, _, _ =	vpop (xrf2);
	(xrf2) =	vadd.scan.msk.f32 $0xffff, v10  }
0x14f: {  	v10, _, _ =	vpop (xrf2);
	(xrf2) =	vadd.scan.msk.f32 $0xffff, v11;
	v11 =	vld [tilespmem:$0x1FFE0];
	_ =	sdelay $0x3  }
0x150: {  	v9 =	vbroadcast v15, $0xF;
	v5 =	vmul.f32 v18, v5  }
0x151: {  	v7 =	vadd.f32 v7, v8;
	v8 =	vbroadcast v13, $0xF;
	vm2 =	vnez.u8 v11  }
0x152: {  	v11, _, _ =	vpop (xrf2);
	v9 =	vsel vm2, v9, v12  }
0x153: {  	v5 =	vadd.f32 v5, v7;
	v7 =	vsel vm3, v9, v8;
	v8 =	vbroadcast v11, $0xF;
	v11 =	vld [tilespmem:$0x1FFF0];
	_ =	sdelay $0x3  }
0x154: {  	v10 =	vbroadcast v10, $0xF  }
0x155: {  	(xrf2) =	vadd.scan.msk.f32 $0xffff, v6;
	v6, _, _ =	vpop (xrf2);
	vm2 =	vnez.u8 v11  }
0x156: {  	v9, _, _ =	vpop (xrf2);
	v7 =	vsel vm2, v7, v10  }
0x157: {  	v6 =	vbroadcast v6, $0xF;
	v7 =	vsel vm4, v7, v8;
	v8 =	vbroadcast v9, $0xF  }
0x158: {  	v9, _, _ =	vpop (xrf2)  }
0x159: {  	(xrf2) =	vadd.scan.msk.f32 $0xffff, v5;
	v5, _, _ =	vpop (xrf2);
	v6 =	vsel vm5, v7, v6;
	v7 =	vbroadcast v9, $0xF  }
0x15a: {  	v9, _, _ =	vpop (xrf2);
	v6 =	vsel vm6, v6, v8;
	v5 =	vbroadcast v5, $0xF  }
0x15b: {  	v6 =	vsel vm7, v6, v7;
	v7 =	vbroadcast v9, $0xF;
	v8, _, _ =	vpop (xrf2)  }
0x15c: {  	v5 =	vsel vm8, v6, v5;
	v9, _, _ =	vpop (xrf2);
	v6 =	vbroadcast v8, $0xF  }
0x15d: {  	v5 =	vsel vm9, v5, v7;
	v8, _, _ =	vpop (xrf2);
	v7 =	vbroadcast v9, $0xF  }
0x15e: {  	v9, _, _ =	vpop (xrf2);
	v5 =	vsel vm10, v5, v6;
	v6 =	vbroadcast v8, $0xF  }
0x15f: {  	v8, _, _ =	vpop (xrf2);
	v5 =	vsel vm11, v5, v7  }
0x160: {  	v5 =	vsel vm12, v5, v6;
	v6 =	vbroadcast v8, $0xF  }
0x161: {  	v7 =	vbroadcast v9, $0xF;
	v9 =	vld [tilespmem:s22+$0x80];
	_ =	sdelay $0x1  }
0x162: {  	v5 =	vsel vm13, v5, v7  }
0x163: {  	v5 =	vsel vm14, v5, v6;
	v6, _, _ =	vpop (xrf2)  }
0x164: {  	v5 =	vsel vm15, v5, v6  }
0x165: {  	(xrf1) =	vsort.dscd.msk.f32 $0xffff, v5, v9;
	_ =	sdelay $0x8  }
0x166: {  	v5 =	vadd.s32 $0x4, v0  }
0x167: {  	v5 =	vor.u32 v5, v4;
	_ =	sdelay $0x3  }
0x168: {  	s17 =	simm.s32 $0x1C000;
	_, v6, _ =	vpop (xrf1)  }
0x169: {  	[tilespmem:v5+s17+$0x0] =	vst.idx.msk $0xf, v6  }
0x16a: {  	v5 =	vld @!p0 [tilespmem:s22+$0x280];
	_ =	sdelay $0x4  }
0x16b: {  	v6 =	vshll.u32 @!p0 v5, $0x3  }
0x16c: {  	v7 =	vlaneseq.u32 @!p0;
	v5 =	vand.u32 @!p0 $0x7, v5;
	v6 =	vand.u32 @!p0 $0xFFFFFFC0, v6  }
0x16d: {  	v8 =	vshrl.u32 @!p0 v7, $0x3;
	v5 =	vor.u32 @!p0 v5, v6;
	v6 =	vand.u32 @!p0 $0x7, v7  }
0x16e: {  	v8 =	vmul.u32 @!p0 $0x8, v8;
	v6 =	vperm.xlane @!p0 v5, v6;
	_ =	sdelay $0x1  }
0x16f: {  	v6 =	vadd.s32 @!p0 v8, v6;
	_ =	sdelay $0x3  }
0x170: {  	s1 =	simm.s32 @!p0 $0x10000;
	s0 =	simm.s32 @!p0 $0x0  }
0x171: {  	v7 =	vor.u32 @!p0 $0x8, v7;
	[tilespmem:s1], [sflag:$0x2] =	stream.indirect_vreg.gather @!p0 [hbm4b:s4+s0], $0x80, v6, vm1, $0xb8;
	[tilespmem:$0x1D000] =	vst v63  }
0x172: {  	v5 =	vperm.xlane @!p0 v5, v7;
	s1 =	simm.s32 @!p0 $0x10800  }
0x173: {  	[tilespmem:s1], [sflag:$0x2] =	stream.indirect_vreg.gather @!p0 [hbm4b:s6+s0], $0x80, v6, vm1, $0xb8;
	[tilespmem:$0x1D000] =	vst v63  }
0x174: {  	v5 =	vadd.s32 @!p0 v8, v5;
	s1 =	simm.s32 @!p0 $0x11000  }
0x175: {  	[tilespmem:s1], [sflag:$0x2] =	stream.indirect_vreg.gather @!p0 [hbm4b:s7+s0], $0x80, v6, vm1, $0xb8;
	[tilespmem:$0x1D000] =	vst v63  }
0x176: {  	s1 =	simm.s32 @!p0 $0x11800  }
0x177: {  	[tilespmem:s1], [sflag:$0x2] =	stream.indirect_vreg.gather @!p0 [hbm4b:s8+s0], $0x80, v6, vm1, $0xb8;
	[tilespmem:$0x1D000] =	vst v63  }
0x178: {  	s1 =	simm.s32 @!p0 $0x12000  }
0x179: {  	[tilespmem:s1], [sflag:$0x2] =	stream.indirect_vreg.gather @!p0 [hbm4b:s4+s0], $0x80, v5, vm1, $0xb8;
	[tilespmem:$0x1D000] =	vst v63  }
0x17a: {  	s1 =	simm.s32 @!p0 $0x12800  }
0x17b: {  	[tilespmem:s1], [sflag:$0x2] =	stream.indirect_vreg.gather @!p0 [hbm4b:s6+s0], $0x80, v5, vm1, $0xb8;
	[tilespmem:$0x1D000] =	vst v63  }
0x17c: {  	s1 =	simm.s32 @!p0 $0x13000  }
0x17d: {  	[tilespmem:s1], [sflag:$0x2] =	stream.indirect_vreg.gather @!p0 [hbm4b:s7+s0], $0x80, v5, vm1, $0xb8;
	[tilespmem:$0x1D000] =	vst v63  }
0x17e: {  	s18 =	simm.s32 $0x0;
	s19 =	simm.s32 $0x3;
	s1 =	simm.s32 @!p0 $0x13800  }
0x17f: {  	[tilespmem:s1], [sflag:$0x2] =	stream.indirect_vreg.gather @!p0 [hbm4b:s8+s0], $0x80, v5, vm1, $0xb8;
	[tilespmem:$0x1D000] =	vst v63  }
0x180: {  	s25 =	sand.u32 $0x60, s18;
	s26 =	sand.u32 $0x1C00, s18;
	_ =	swait.ge [sflag:s19], $0x4000  }
0x181: {  	s3 =	sor.u32 $0x14000, s26;
	s23 =	sor.u32 $0x10, s25;
	[sflag:s19] =	ssyncset.done $0x0  }
0x182: {  	s9 =	sor.u32 $0x14080, s26;
	s24 =	sor.u32 s23, s3;
	[sflag:s19] =	ssyncadd.s32 $0xFFFFC000  }
0x183: {  	s10 =	sor.u32 $0x14100, s26;
	s28 =	sor.u32 s23, s9;
	v6 =	vld [tilespmem:s24+$0x0]  }
0x184: {  	s13 =	sor.u32 $0x14180, s26;
	s29 =	sor.u32 s23, s10;
	v7 =	vld [tilespmem:s28+$0x0]  }
0x185: {  	s14 =	sor.u32 $0x14200, s26;
	s30 =	sor.u32 s23, s13;
	v8 =	vld [tilespmem:s29+$0x0]  }
0x186: {  	s15 =	sor.u32 $0x14280, s26;
	s31 =	sor.u32 s23, s14;
	v9 =	vld [tilespmem:s30+$0x0]  }
0x187: {  	s16 =	sor.u32 $0x14300, s26;
	s1 =	sor.u32 s23, s15;
	v10 =	vld [tilespmem:s31+$0x0]  }
0x188: {  	s2 =	sor.u32 s23, s16;
	s17 =	sor.u32 $0x14380, s26;
	v11 =	vld [tilespmem:s1+$0x0]  }
0x189: {  	s5 =	sor.u32 s23, s17;
	v12 =	vld [tilespmem:s2+$0x0]  }
0x18a: {  	s18 =	sor.u32 $0x16000, s26;
	s3 =	sor.u32 s25, s3;
	v13 =	vld [tilespmem:s5+$0x0]  }
0x18b: {  	s24 =	sor.u32 s23, s18;
	s28 =	sadd.s32 s26, s21;
	v20 =	vld [tilespmem:s3+$0x0]  }
0x18c: {  	s10 =	sor.u32 s25, s10;
	v14 =	vld [tilespmem:s24+$0x0];
	s24 =	sadd.s32 $0x100, s28  }
0x18d: {  	s19 =	sor.u32 $0x16080, s26;
	v28 =	vld [tilespmem:s10+$0x0];
	s28 =	sadd.s32 s23, s24  }
0x18e: {  	s2 =	sor.u32 $0x16100, s26;
	s29 =	sor.u32 s23, s19;
	v5 =	vld [tilespmem:s28+$0x0]  }
0x18f: {  	s5 =	sor.u32 $0x16180, s26;
	v15 =	vld [tilespmem:s29+$0x0];
	s30 =	sor.u32 s23, s2  }
0x190: {  	s1 =	sor.u32 $0x16200, s26;
	s31 =	sor.u32 s23, s5;
	v16 =	vld [tilespmem:s30+$0x0]  }
0x191: {  	s29 =	sor.u32 s23, s1;
	v17 =	vld [tilespmem:s31+$0x0]  }
0x192: {  	v18 =	vld [tilespmem:s29+$0x0];
	s31 =	sor.u32 s25, s9  }
0x193: {  	s9 =	sadd.s32 s25, s24;
	v25 =	vld [tilespmem:s31+$0x0];
	v26 =	vmul.f32 v6, v5;
	v27 =	vmul.f32 v7, v5  }
0x194: {  	s13 =	sor.u32 s25, s13;
	v7 =	vld [tilespmem:s9+$0x0];
	v8 =	vmul.f32 v8, v5;
	v9 =	vmul.f32 v9, v5  }
0x195: {  	s0 =	sor.u32 $0x16280, s26;
	s15 =	sor.u32 s25, s15;
	v32 =	vmul.f32 v10, v5;
	v31 =	vmul.f32 v11, v5;
	v10 =	vld [tilespmem:s13+$0x0]  }
0x196: {  	s30 =	sor.u32 s23, s0;
	v30 =	vmul.f32 v12, v5;
	v29 =	vmul.f32 v13, v5;
	v12 =	vld [tilespmem:s15+$0x0]  }
0x197: {  	s14 =	sor.u32 s25, s14;
	v19 =	vld [tilespmem:s30+$0x0];
	v24 =	vmul.f32 v14, v5;
	v23 =	vmul.f32 v15, v5  }
0x198: {  	s16 =	sor.u32 s25, s16;
	v11 =	vld [tilespmem:s14+$0x0];
	v22 =	vmul.f32 v16, v5;
	v21 =	vmul.f32 v17, v5  }
0x199: {  	s24 =	sor.u32 s25, s17;
	v13 =	vld [tilespmem:s16+$0x0];
	v17 =	vmul.f32 v18, v5;
	v14 =	vmul.f32 v20, v7  }
0x19a: {  	v15 =	vld [tilespmem:s24+$0x0];
	v6 =	vimm.f32 $0.0e+00;
	v16 =	vmul.f32 v25, v7;
	v18 =	vmul.f32 v28, v7  }
0x19b: {  	s28 =	sor.u32 s25, s18;
	v10 =	vmul.f32 v10, v7;
	v28 =	vmul.f32 v12, v7;
	v14 =	vadd.f32 v14, v6  }
0x19c: {  	s29 =	sor.u32 s25, s19;
	v25 =	vld [tilespmem:s28+$0x0];
	v20 =	vmul.f32 v19, v5;
	v16 =	vadd.f32 v16, v6;
	v18 =	vadd.f32 v18, v6  }
0x19d: {  	v19 =	vld [tilespmem:s29+$0x0];
	v11 =	vmul.f32 v11, v7;
	v10 =	vadd.f32 v10, v6;
	v28 =	vadd.f32 v28, v6  }
0x19e: {  	s2 =	sor.u32 s25, s2;
	v12 =	vadd.f32 v26, v14;
	v26 =	vmul.f32 v13, v7;
	v13 =	vadd.f32 v27, v16  }
0x19f: {  	v37 =	vld [tilespmem:s2+$0x0];
	s30 =	sor.u32 s25, s5;
	v14 =	vadd.f32 v8, v18;
	v8 =	vmul.f32 v15, v7;
	v16 =	vadd.f32 v9, v10  }
0x1a0: {  	s1 =	sor.u32 s25, s1;
	v35 =	vld [tilespmem:s30+$0x0];
	v27 =	vadd.f32 v11, v6;
	v18 =	vimm.f32 $0.0e+00;
	v15 =	vimm.f32 $0.0e+00  }
0x1a1: {  	v33 =	vld [tilespmem:s1+$0x0];
	s0 =	sor.u32 s25, s0;
	s1 =	sor.u32 $0x16300, s26;
	v10 =	vimm.f32 $0.0e+00;
	v11 =	vimm.f32 $0.0e+00;
	v9 =	vimm.f32 $0.0e+00  }
0x1a2: {  	v34 =	vld [tilespmem:s0+$0x0];
	s31 =	sor.u32 s25, s1;
	s0 =	sor.u32 $0x16380, s26;
	s26 =	simm.s32 $0x20;
	v38 =	vmul.f32 v25, v7;
	v39 =	vmul.f32 v19, v7;
	v19 =	vimm.f32 $0.0e+00  }
0x1a3: {  	v36 =	vld [tilespmem:s31+$0x0];
	s2 =	sor.u32 s25, s0;
	s25 =	simm.s32 $0x100;
	s24 =	simm.s32 $0x0;
	v25 =	vadd.f32 v26, v6;
	v26 =	vadd.f32 v8, v6;
	v8 =	vimm.f32 $0.0e+00  }
.LBB2_7:
0x1a4: {  	s28 =	sand.u32 $0x60, s26;
	s29 =	sand.u32 $0x1C00, s25;
	v37 =	vmul.f32 v37, v7;
	v40 =	vld [tilespmem:s2+$0x0];
	v27 =	vadd.f32 v32, v27;
	v28 =	vadd.f32 v31, v28;
	s1 =	sor.u32 s23, s1  }
0x1a5: {  	s0 =	sor.u32 s23, s0;
	s30 =	sor.u32 $0x14000, s29;
	v31 =	vmul.f32 v35, v7;
	v25 =	vadd.f32 v30, v25;
	v26 =	vadd.f32 v29, v26;
	v29 =	vld [tilespmem:s1+$0x0];
	s23 =	sor.u32 $0x10, s28  }
0x1a6: {  	v6 =	vadd.f32 v38, v6;
	s31 =	sor.u32 $0x14080, s29;
	v18 =	vadd.f32 v39, v18;
	s1 =	sor.u32 s23, s30;
	v30 =	vmul.f32 v33, v7;
	v32 =	vld [tilespmem:s0+$0x0]  }
0x1a7: {  	s5 =	sor.u32 $0x14100, s29;
	v19 =	vadd.f32 v37, v19;
	v33 =	vld [tilespmem:s1+$0x0];
	s1 =	sor.u32 s23, s31;
	v15 =	vadd.f32 v31, v15;
	v31 =	vmul.f32 v34, v7  }
0x1a8: {  	s0 =	sor.u32 $0x14180, s29;
	v6 =	vadd.f32 v24, v6;
	v18 =	vadd.f32 v23, v18;
	v34 =	vld [tilespmem:s1+$0x0];
	s1 =	sor.u32 s23, s5;
	v35 =	vmul.f32 v36, v7  }
0x1a9: {  	s9 =	sor.u32 $0x14200, s29;
	v19 =	vadd.f32 v22, v19;
	v23 =	vld [tilespmem:s1+$0x0];
	s1 =	sor.u32 s23, s0;
	v7 =	vmul.f32 v40, v7;
	v15 =	vadd.f32 v21, v15  }
0x1aa: {  	s15 =	sor.u32 $0x14280, s29;
	s2 =	sor.u32 s23, s9;
	v10 =	vadd.f32 v30, v10;
	v11 =	vadd.f32 v31, v11;
	v21 =	vld [tilespmem:s1+$0x0];
	v22 =	vmul.f32 v29, v5  }
0x1ab: {  	s1 =	sor.u32 $0x14300, s29;
	v9 =	vadd.f32 v35, v9;
	v24 =	vld [tilespmem:s2+$0x0];
	s2 =	sor.u32 s23, s15;
	v7 =	vadd.f32 v7, v8;
	v5 =	vmul.f32 v32, v5  }
0x1ac: {  	s14 =	sor.u32 $0x14380, s29;
	v10 =	vadd.f32 v17, v10;
	v11 =	vadd.f32 v20, v11;
	v29 =	vld [tilespmem:s2+$0x0];
	s2 =	sor.u32 s23, s1  }
0x1ad: {  	s13 =	sor.u32 $0x16000, s29;
	v9 =	vadd.f32 v22, v9;
	v17 =	vld [tilespmem:s2+$0x0];
	s2 =	sor.u32 s23, s14;
	v8 =	vadd.f32 v5, v7  }
0x1ae: {  	s18 =	sor.u32 $0x16080, s29;
	v20 =	vld [tilespmem:s2+$0x0];
	s2 =	sor.u32 s23, s13  }
0x1af: {  	s3 =	sadd.s32 s29, s21;
	s17 =	sor.u32 $0x16100, s29;
	v22 =	vld [tilespmem:s2+$0x0];
	s2 =	sor.u32 s23, s18  }
0x1b0: {  	s3 =	sadd.s32 $0x100, s3;
	s10 =	sor.u32 s23, s17;
	v35 =	vld [tilespmem:s2+$0x0]  }
0x1b1: {  	s16 =	sadd.s32 s23, s3;
	s2 =	sor.u32 $0x16180, s29;
	v36 =	vld [tilespmem:s10+$0x0]  }
0x1b2: {  	s19 =	sor.u32 $0x16200, s29;
	s10 =	sor.u32 s23, s2;
	v5 =	vld [tilespmem:s16+$0x0]  }
0x1b3: {  	s16 =	sor.u32 $0x16280, s29;
	v37 =	vld [tilespmem:s10+$0x0];
	s10 =	sor.u32 s23, s19  }
0x1b4: {  	v38 =	vld [tilespmem:s10+$0x0];
	s10 =	sor.u32 s23, s16  }
0x1b5: {  	s30 =	sor.u32 s28, s30;
	v39 =	vld [tilespmem:s10+$0x0]  }
0x1b6: {  	s10 =	sor.u32 s28, s31;
	v40 =	vld [tilespmem:s30+$0x0]  }
0x1b7: {  	s5 =	sor.u32 s28, s5;
	v41 =	vld [tilespmem:s10+$0x0];
	v33 =	vmul.f32 v33, v5;
	v34 =	vmul.f32 v34, v5  }
0x1b8: {  	s3 =	sadd.s32 s28, s3;
	v43 =	vmul.f32 v23, v5;
	v44 =	vmul.f32 v21, v5;
	v42 =	vld [tilespmem:s5+$0x0]  }
0x1b9: {  	s0 =	sor.u32 s28, s0;
	v32 =	vmul.f32 v24, v5;
	v31 =	vmul.f32 v29, v5;
	v7 =	vld [tilespmem:s3+$0x0]  }
0x1ba: {  	v30 =	vmul.f32 v17, v5;
	v29 =	vmul.f32 v20, v5;
	v45 =	vld [tilespmem:s0+$0x0];
	s0 =	sor.u32 s28, s9  }
0x1bb: {  	v24 =	vmul.f32 v22, v5;
	v23 =	vmul.f32 v35, v5;
	v46 =	vld [tilespmem:s0+$0x0];
	s0 =	sor.u32 s28, s15  }
0x1bc: {  	v22 =	vmul.f32 v36, v5;
	v21 =	vmul.f32 v37, v5;
	v35 =	vld [tilespmem:s0+$0x0];
	s0 =	sor.u32 s28, s1  }
0x1bd: {  	v17 =	vmul.f32 v38, v5;
	v20 =	vmul.f32 v39, v5;
	v36 =	vld [tilespmem:s0+$0x0];
	s0 =	sor.u32 s28, s14  }
0x1be: {  	v37 =	vmul.f32 v40, v7;
	v38 =	vmul.f32 v41, v7;
	v39 =	vld [tilespmem:s0+$0x0];
	s0 =	sor.u32 s28, s13  }
0x1bf: {  	s24 =	sadd.s32 $0x2, s24;
	v40 =	vmul.f32 v42, v7;
	v41 =	vmul.f32 v45, v7;
	v42 =	vld [tilespmem:s0+$0x0];
	s0 =	sor.u32 s28, s18  }
0x1c0: {  	p1 =	slt.u32 s24, $0x3E;
	v12 =	vadd.f32 v37, v12;
	v13 =	vadd.f32 v38, v13;
	v38 =	vmul.f32 v46, v7;
	v45 =	vld [tilespmem:s0+$0x0];
	s0 =	sor.u32 s28, s17  }
.Ltmp2:
0x1c1: {  	v14 =	vadd.f32 v40, v14;
	v16 =	vadd.f32 v41, v16;
	v40 =	vmul.f32 v35, v7;
	v37 =	vld [tilespmem:s0+$0x0];
	s0 =	sor.u32 s28, s2;
	(pc) =	sbr.rel @p1 .LBB2_7-.Ltmp2, $4  }
0x1c2: {  	v36 =	vmul.f32 v36, v7;
	v35 =	vld [tilespmem:s0+$0x0];
	s0 =	sor.u32 s28, s19;
	v12 =	vadd.f32 v33, v12;
	v13 =	vadd.f32 v34, v13  }
0x1c3: {  	s1 =	sor.u32 $0x16300, s29;
	v14 =	vadd.f32 v43, v14;
	v39 =	vmul.f32 v39, v7;
	v33 =	vld [tilespmem:s0+$0x0];
	s0 =	sor.u32 s28, s16;
	v16 =	vadd.f32 v44, v16  }
0x1c4: {  	s2 =	sor.u32 s28, s1;
	v27 =	vadd.f32 v38, v27;
	v28 =	vadd.f32 v40, v28;
	v38 =	vmul.f32 v42, v7;
	v34 =	vld [tilespmem:s0+$0x0];
	s0 =	sor.u32 $0x16380, s29  }
0x1c5: {  	s25 =	sadd.s32 $0x100, s25;
	s26 =	sadd.s32 $0x20, s26;
	v25 =	vadd.f32 v36, v25;
	v26 =	vadd.f32 v39, v26;
	v39 =	vmul.f32 v45, v7;
	v36 =	vld [tilespmem:s2+$0x0];
	s2 =	sor.u32 s28, s0  }
0x1c6: {  	(xrf2) =	vadd.scan.msk.f32 $0xffff, v12  }
0x1c7: {  	v12 =	vadd.f32 v32, v27;
	(xrf2) =	vadd.scan.msk.f32 $0xffff, v13  }
0x1c8: {  	v6 =	vadd.f32 v38, v6;
	v13 =	vadd.f32 v31, v28;
	(xrf2) =	vadd.scan.msk.f32 $0xffff, v14  }
0x1c9: {  	v18 =	vadd.f32 v39, v18;
	v14 =	vmul.f32 v37, v7;
	v27 =	vmul.f32 v33, v7;
	(xrf2) =	vadd.scan.msk.f32 $0xffff, v16  }
0x1ca: {  	s1 =	sor.u32 s23, s1;
	v6 =	vadd.f32 v24, v6;
	v16 =	vadd.f32 v30, v25;
	(xrf2) =	vadd.scan.msk.f32 $0xffff, v12;
	v12 =	vmul.f32 v35, v7  }
0x1cb: {  	v25 =	vadd.f32 v29, v26;
	v26 =	vld [tilespmem:s1+$0x0];
	v14 =	vadd.f32 v14, v19;
	(xrf2) =	vadd.scan.msk.f32 $0xffff, v13  }
0x1cc: {  	v10 =	vadd.f32 v27, v10;
	v13 =	vld [tilespmem:s2+$0x0];
	(xrf2) =	vadd.scan.msk.f32 $0xffff, v16;
	v12 =	vadd.f32 v12, v15;
	v15 =	vmul.f32 v34, v7  }
0x1cd: {  	v16 =	vadd.f32 v23, v18;
	(xrf2) =	vadd.scan.msk.f32 $0xffff, v25  }
0x1ce: {  	v19 =	vmul.f32 v36, v7;
	v14 =	vadd.f32 v22, v14;
	v10 =	vadd.f32 v17, v10;
	(xrf2) =	vadd.scan.msk.f32 $0xffff, v6  }
0x1cf: {  	v6 =	vadd.f32 v21, v12;
	v11 =	vadd.f32 v15, v11;
	(xrf2) =	vadd.scan.msk.f32 $0xffff, v16  }
0x1d0: {  	v9 =	vadd.f32 v19, v9;
	v12 =	vmul.f32 v26, v5;
	v15, _, _ =	vpop (xrf2);
	(xrf2) =	vadd.scan.msk.f32 $0xffff, v14  }
0x1d1: {  	s0 =	sor.u32 s23, s0;
	v7 =	vmul.f32 v13, v7;
	v11 =	vadd.f32 v20, v11;
	v13, _, _ =	vpop (xrf2);
	(xrf2) =	vadd.scan.msk.f32 $0xffff, v6  }
0x1d2: {  	v18 =	vld [tilespmem:s0+$0x0];
	v6 =	vadd.f32 v12, v9;
	v12 =	vbroadcast v13, $0xF;
	v13, _, _ =	vpop (xrf2);
	(xrf2) =	vadd.scan.msk.f32 $0xffff, v10  }
0x1d3: {  	v10, _, _ =	vpop (xrf2);
	(xrf2) =	vadd.scan.msk.f32 $0xffff, v11;
	v11 =	vld [tilespmem:$0x1FFE0];
	_ =	sdelay $0x3  }
0x1d4: {  	v9 =	vbroadcast v15, $0xF;
	v5 =	vmul.f32 v18, v5  }
0x1d5: {  	v7 =	vadd.f32 v7, v8;
	v8 =	vbroadcast v13, $0xF;
	vm2 =	vnez.u8 v11  }
0x1d6: {  	v11, _, _ =	vpop (xrf2);
	v9 =	vsel vm2, v9, v12  }
0x1d7: {  	v5 =	vadd.f32 v5, v7;
	v7 =	vsel vm3, v9, v8;
	v8 =	vbroadcast v11, $0xF;
	v11 =	vld [tilespmem:$0x1FFF0];
	_ =	sdelay $0x3  }
0x1d8: {  	v10 =	vbroadcast v10, $0xF  }
0x1d9: {  	(xrf2) =	vadd.scan.msk.f32 $0xffff, v6;
	v6, _, _ =	vpop (xrf2);
	vm2 =	vmmov vm3;
	vm3 =	vnez.u8 v11  }
0x1da: {  	v9, _, _ =	vpop (xrf2);
	v7 =	vsel vm3, v7, v10  }
0x1db: {  	v6 =	vbroadcast v6, $0xF;
	v7 =	vsel vm4, v7, v8;
	v8 =	vbroadcast v9, $0xF  }
0x1dc: {  	v9, _, _ =	vpop (xrf2)  }
0x1dd: {  	(xrf2) =	vadd.scan.msk.f32 $0xffff, v5;
	v5, _, _ =	vpop (xrf2);
	v6 =	vsel vm5, v7, v6;
	v7 =	vbroadcast v9, $0xF  }
0x1de: {  	v9, _, _ =	vpop (xrf2);
	v6 =	vsel vm6, v6, v8;
	v5 =	vbroadcast v5, $0xF  }
0x1df: {  	v6 =	vsel vm7, v6, v7;
	v7 =	vbroadcast v9, $0xF;
	v8, _, _ =	vpop (xrf2)  }
0x1e0: {  	v5 =	vsel vm8, v6, v5;
	v9, _, _ =	vpop (xrf2);
	v6 =	vbroadcast v8, $0xF  }
0x1e1: {  	v5 =	vsel vm9, v5, v7;
	v8, _, _ =	vpop (xrf2);
	v7 =	vbroadcast v9, $0xF  }
0x1e2: {  	v9, _, _ =	vpop (xrf2);
	v5 =	vsel vm10, v5, v6;
	v6 =	vbroadcast v8, $0xF  }
0x1e3: {  	v8, _, _ =	vpop (xrf2);
	v5 =	vsel vm11, v5, v7  }
0x1e4: {  	v5 =	vsel vm12, v5, v6;
	v6 =	vbroadcast v8, $0xF  }
0x1e5: {  	v7 =	vbroadcast v9, $0xF;
	v9 =	vld [tilespmem:s22+$0x100];
	_ =	sdelay $0x1  }
0x1e6: {  	v5 =	vsel vm13, v5, v7  }
0x1e7: {  	v5 =	vsel vm14, v5, v6;
	v6, _, _ =	vpop (xrf2)  }
0x1e8: {  	v5 =	vsel vm15, v5, v6  }
0x1e9: {  	(xrf1) =	vsort.dscd.msk.f32 $0xffff, v5, v9;
	_ =	sdelay $0x8  }
0x1ea: {  	v5 =	vadd.s32 $0x8, v0  }
0x1eb: {  	v5 =	vor.u32 v5, v4;
	_ =	sdelay $0x3  }
0x1ec: {  	s17 =	simm.s32 $0x1C000;
	_, v6, _ =	vpop (xrf1)  }
0x1ed: {  	[tilespmem:v5+s17+$0x0] =	vst.idx.msk $0xf, v6  }
0x1ee: {  	v5 =	vld @!p0 [tilespmem:s22+$0x300];
	_ =	sdelay $0x4  }
0x1ef: {  	v6 =	vshll.u32 @!p0 v5, $0x3  }
0x1f0: {  	v7 =	vlaneseq.u32 @!p0;
	v5 =	vand.u32 @!p0 $0x7, v5;
	v6 =	vand.u32 @!p0 $0xFFFFFFC0, v6  }
0x1f1: {  	v8 =	vshrl.u32 @!p0 v7, $0x3;
	v5 =	vor.u32 @!p0 v5, v6;
	v6 =	vand.u32 @!p0 $0x7, v7  }
0x1f2: {  	v8 =	vmul.u32 @!p0 $0x8, v8;
	v6 =	vperm.xlane @!p0 v5, v6;
	_ =	sdelay $0x1  }
0x1f3: {  	v6 =	vadd.s32 @!p0 v8, v6;
	_ =	sdelay $0x3  }
0x1f4: {  	s1 =	simm.s32 @!p0 $0x14000;
	s0 =	simm.s32 @!p0 $0x0  }
0x1f5: {  	v7 =	vor.u32 @!p0 $0x8, v7;
	[tilespmem:s1], [sflag:$0x3] =	stream.indirect_vreg.gather @!p0 [hbm4b:s4+s0], $0x80, v6, vm1, $0xb8;
	[tilespmem:$0x1D000] =	vst v63  }
0x1f6: {  	v5 =	vperm.xlane @!p0 v5, v7;
	s1 =	simm.s32 @!p0 $0x14800  }
0x1f7: {  	[tilespmem:s1], [sflag:$0x3] =	stream.indirect_vreg.gather @!p0 [hbm4b:s6+s0], $0x80, v6, vm1, $0xb8;
	[tilespmem:$0x1D000] =	vst v63  }
0x1f8: {  	v5 =	vadd.s32 @!p0 v8, v5;
	s1 =	simm.s32 @!p0 $0x15000  }
0x1f9: {  	[tilespmem:s1], [sflag:$0x3] =	stream.indirect_vreg.gather @!p0 [hbm4b:s7+s0], $0x80, v6, vm1, $0xb8;
	[tilespmem:$0x1D000] =	vst v63  }
0x1fa: {  	s1 =	simm.s32 @!p0 $0x15800  }
0x1fb: {  	[tilespmem:s1], [sflag:$0x3] =	stream.indirect_vreg.gather @!p0 [hbm4b:s8+s0], $0x80, v6, vm1, $0xb8;
	[tilespmem:$0x1D000] =	vst v63  }
0x1fc: {  	s1 =	simm.s32 @!p0 $0x16000  }
0x1fd: {  	[tilespmem:s1], [sflag:$0x3] =	stream.indirect_vreg.gather @!p0 [hbm4b:s4+s0], $0x80, v5, vm1, $0xb8;
	[tilespmem:$0x1D000] =	vst v63  }
0x1fe: {  	s1 =	simm.s32 @!p0 $0x16800  }
0x1ff: {  	[tilespmem:s1], [sflag:$0x3] =	stream.indirect_vreg.gather @!p0 [hbm4b:s6+s0], $0x80, v5, vm1, $0xb8;
	[tilespmem:$0x1D000] =	vst v63  }
0x200: {  	s1 =	simm.s32 @!p0 $0x17000  }
0x201: {  	[tilespmem:s1], [sflag:$0x3] =	stream.indirect_vreg.gather @!p0 [hbm4b:s7+s0], $0x80, v5, vm1, $0xb8;
	[tilespmem:$0x1D000] =	vst v63  }
0x202: {  	s18 =	simm.s32 $0x0;
	s19 =	simm.s32 $0x4;
	s1 =	simm.s32 @!p0 $0x17800  }
0x203: {  	[tilespmem:s1], [sflag:$0x3] =	stream.indirect_vreg.gather @!p0 [hbm4b:s8+s0], $0x80, v5, vm1, $0xb8;
	[tilespmem:$0x1D000] =	vst v63  }
0x204: {  	s25 =	sand.u32 $0x60, s18;
	s26 =	sand.u32 $0x1C00, s18;
	_ =	swait.ge [sflag:s19], $0x4000  }
0x205: {  	s3 =	sor.u32 $0x18000, s26;
	s23 =	sor.u32 $0x10, s25;
	[sflag:s19] =	ssyncset.done $0x0  }
0x206: {  	s9 =	sor.u32 $0x18080, s26;
	s24 =	sor.u32 s23, s3;
	[sflag:s19] =	ssyncadd.s32 $0xFFFFC000  }
0x207: {  	s10 =	sor.u32 $0x18100, s26;
	s28 =	sor.u32 s23, s9;
	v6 =	vld [tilespmem:s24+$0x0]  }
0x208: {  	s13 =	sor.u32 $0x18180, s26;
	s29 =	sor.u32 s23, s10;
	v7 =	vld [tilespmem:s28+$0x0]  }
0x209: {  	s14 =	sor.u32 $0x18200, s26;
	s30 =	sor.u32 s23, s13;
	v8 =	vld [tilespmem:s29+$0x0]  }
0x20a: {  	s15 =	sor.u32 $0x18280, s26;
	s31 =	sor.u32 s23, s14;
	v9 =	vld [tilespmem:s30+$0x0]  }
0x20b: {  	s16 =	sor.u32 $0x18300, s26;
	s1 =	sor.u32 s23, s15;
	v10 =	vld [tilespmem:s31+$0x0]  }
0x20c: {  	s2 =	sor.u32 s23, s16;
	s17 =	sor.u32 $0x18380, s26;
	v11 =	vld [tilespmem:s1+$0x0]  }
0x20d: {  	s5 =	sor.u32 s23, s17;
	v12 =	vld [tilespmem:s2+$0x0]  }
0x20e: {  	s18 =	sor.u32 $0x1A000, s26;
	s3 =	sor.u32 s25, s3;
	v13 =	vld [tilespmem:s5+$0x0]  }
0x20f: {  	s24 =	sor.u32 s23, s18;
	s28 =	sadd.s32 s26, s21;
	v20 =	vld [tilespmem:s3+$0x0]  }
0x210: {  	s10 =	sor.u32 s25, s10;
	v14 =	vld [tilespmem:s24+$0x0];
	s24 =	sadd.s32 $0x180, s28  }
0x211: {  	s19 =	sor.u32 $0x1A080, s26;
	v28 =	vld [tilespmem:s10+$0x0];
	s28 =	sadd.s32 s23, s24  }
0x212: {  	s2 =	sor.u32 $0x1A100, s26;
	s29 =	sor.u32 s23, s19;
	v5 =	vld [tilespmem:s28+$0x0]  }
0x213: {  	s5 =	sor.u32 $0x1A180, s26;
	v15 =	vld [tilespmem:s29+$0x0];
	s30 =	sor.u32 s23, s2  }
0x214: {  	s1 =	sor.u32 $0x1A200, s26;
	s31 =	sor.u32 s23, s5;
	v16 =	vld [tilespmem:s30+$0x0]  }
0x215: {  	s29 =	sor.u32 s23, s1;
	v17 =	vld [tilespmem:s31+$0x0]  }
0x216: {  	v18 =	vld [tilespmem:s29+$0x0];
	s31 =	sor.u32 s25, s9  }
0x217: {  	s9 =	sadd.s32 s25, s24;
	v25 =	vld [tilespmem:s31+$0x0];
	v26 =	vmul.f32 v6, v5;
	v27 =	vmul.f32 v7, v5  }
0x218: {  	s13 =	sor.u32 s25, s13;
	v7 =	vld [tilespmem:s9+$0x0];
	v8 =	vmul.f32 v8, v5;
	v9 =	vmul.f32 v9, v5  }
0x219: {  	s0 =	sor.u32 $0x1A280, s26;
	s15 =	sor.u32 s25, s15;
	v32 =	vmul.f32 v10, v5;
	v31 =	vmul.f32 v11, v5;
	v10 =	vld [tilespmem:s13+$0x0]  }
0x21a: {  	s30 =	sor.u32 s23, s0;
	v30 =	vmul.f32 v12, v5;
	v29 =	vmul.f32 v13, v5;
	v12 =	vld [tilespmem:s15+$0x0]  }
0x21b: {  	s14 =	sor.u32 s25, s14;
	v19 =	vld [tilespmem:s30+$0x0];
	v24 =	vmul.f32 v14, v5;
	v23 =	vmul.f32 v15, v5  }
0x21c: {  	s16 =	sor.u32 s25, s16;
	v11 =	vld [tilespmem:s14+$0x0];
	v22 =	vmul.f32 v16, v5;
	v21 =	vmul.f32 v17, v5  }
0x21d: {  	s24 =	sor.u32 s25, s17;
	v13 =	vld [tilespmem:s16+$0x0];
	v17 =	vmul.f32 v18, v5;
	v14 =	vmul.f32 v20, v7  }
0x21e: {  	v15 =	vld [tilespmem:s24+$0x0];
	v6 =	vimm.f32 $0.0e+00;
	v16 =	vmul.f32 v25, v7;
	v18 =	vmul.f32 v28, v7  }
0x21f: {  	s28 =	sor.u32 s25, s18;
	v10 =	vmul.f32 v10, v7;
	v28 =	vmul.f32 v12, v7;
	v14 =	vadd.f32 v14, v6  }
0x220: {  	s29 =	sor.u32 s25, s19;
	v25 =	vld [tilespmem:s28+$0x0];
	v20 =	vmul.f32 v19, v5;
	v16 =	vadd.f32 v16, v6;
	v18 =	vadd.f32 v18, v6  }
0x221: {  	v19 =	vld [tilespmem:s29+$0x0];
	v11 =	vmul.f32 v11, v7;
	v10 =	vadd.f32 v10, v6;
	v28 =	vadd.f32 v28, v6  }
0x222: {  	s2 =	sor.u32 s25, s2;
	v12 =	vadd.f32 v26, v14;
	v26 =	vmul.f32 v13, v7;
	v13 =	vadd.f32 v27, v16  }
0x223: {  	v37 =	vld [tilespmem:s2+$0x0];
	s30 =	sor.u32 s25, s5;
	v14 =	vadd.f32 v8, v18;
	v8 =	vmul.f32 v15, v7;
	v16 =	vadd.f32 v9, v10  }
0x224: {  	s1 =	sor.u32 s25, s1;
	v35 =	vld [tilespmem:s30+$0x0];
	v27 =	vadd.f32 v11, v6;
	v18 =	vimm.f32 $0.0e+00;
	v15 =	vimm.f32 $0.0e+00  }
0x225: {  	v33 =	vld [tilespmem:s1+$0x0];
	s0 =	sor.u32 s25, s0;
	s1 =	sor.u32 $0x1A300, s26;
	v10 =	vimm.f32 $0.0e+00;
	v11 =	vimm.f32 $0.0e+00;
	v9 =	vimm.f32 $0.0e+00  }
0x226: {  	v34 =	vld [tilespmem:s0+$0x0];
	s31 =	sor.u32 s25, s1;
	s0 =	sor.u32 $0x1A380, s26;
	s26 =	simm.s32 $0x20;
	v38 =	vmul.f32 v25, v7;
	v39 =	vmul.f32 v19, v7;
	v19 =	vimm.f32 $0.0e+00  }
0x227: {  	v36 =	vld [tilespmem:s31+$0x0];
	s2 =	sor.u32 s25, s0;
	s25 =	simm.s32 $0x100;
	s24 =	simm.s32 $0x0;
	v25 =	vadd.f32 v26, v6;
	v26 =	vadd.f32 v8, v6;
	v8 =	vimm.f32 $0.0e+00  }
.LBB2_9:
0x228: {  	s28 =	sand.u32 $0x60, s26;
	s29 =	sand.u32 $0x1C00, s25;
	v37 =	vmul.f32 v37, v7;
	v40 =	vld [tilespmem:s2+$0x0];
	v27 =	vadd.f32 v32, v27;
	v28 =	vadd.f32 v31, v28;
	s1 =	sor.u32 s23, s1  }
0x229: {  	s0 =	sor.u32 s23, s0;
	s30 =	sor.u32 $0x18000, s29;
	v31 =	vmul.f32 v35, v7;
	v25 =	vadd.f32 v30, v25;
	v26 =	vadd.f32 v29, v26;
	v29 =	vld [tilespmem:s1+$0x0];
	s23 =	sor.u32 $0x10, s28  }
0x22a: {  	v6 =	vadd.f32 v38, v6;
	s31 =	sor.u32 $0x18080, s29;
	v18 =	vadd.f32 v39, v18;
	s1 =	sor.u32 s23, s30;
	v30 =	vmul.f32 v33, v7;
	v32 =	vld [tilespmem:s0+$0x0]  }
0x22b: {  	s5 =	sor.u32 $0x18100, s29;
	v19 =	vadd.f32 v37, v19;
	v33 =	vld [tilespmem:s1+$0x0];
	s1 =	sor.u32 s23, s31;
	v15 =	vadd.f32 v31, v15;
	v31 =	vmul.f32 v34, v7  }
0x22c: {  	s0 =	sor.u32 $0x18180, s29;
	v6 =	vadd.f32 v24, v6;
	v18 =	vadd.f32 v23, v18;
	v34 =	vld [tilespmem:s1+$0x0];
	s1 =	sor.u32 s23, s5;
	v35 =	vmul.f32 v36, v7  }
0x22d: {  	s9 =	sor.u32 $0x18200, s29;
	v19 =	vadd.f32 v22, v19;
	v23 =	vld [tilespmem:s1+$0x0];
	s1 =	sor.u32 s23, s0;
	v7 =	vmul.f32 v40, v7;
	v15 =	vadd.f32 v21, v15  }
0x22e: {  	s15 =	sor.u32 $0x18280, s29;
	s2 =	sor.u32 s23, s9;
	v10 =	vadd.f32 v30, v10;
	v11 =	vadd.f32 v31, v11;
	v21 =	vld [tilespmem:s1+$0x0];
	v22 =	vmul.f32 v29, v5  }
0x22f: {  	s1 =	sor.u32 $0x18300, s29;
	v9 =	vadd.f32 v35, v9;
	v24 =	vld [tilespmem:s2+$0x0];
	s2 =	sor.u32 s23, s15;
	v7 =	vadd.f32 v7, v8;
	v5 =	vmul.f32 v32, v5  }
0x230: {  	s14 =	sor.u32 $0x18380, s29;
	v10 =	vadd.f32 v17, v10;
	v11 =	vadd.f32 v20, v11;
	v29 =	vld [tilespmem:s2+$0x0];
	s2 =	sor.u32 s23, s1  }
0x231: {  	s13 =	sor.u32 $0x1A000, s29;
	v9 =	vadd.f32 v22, v9;
	v17 =	vld [tilespmem:s2+$0x0];
	s2 =	sor.u32 s23, s14;
	v8 =	vadd.f32 v5, v7  }
0x232: {  	s18 =	sor.u32 $0x1A080, s29;
	v20 =	vld [tilespmem:s2+$0x0];
	s2 =	sor.u32 s23, s13  }
0x233: {  	s3 =	sadd.s32 s29, s21;
	s17 =	sor.u32 $0x1A100, s29;
	v22 =	vld [tilespmem:s2+$0x0];
	s2 =	sor.u32 s23, s18  }
0x234: {  	s3 =	sadd.s32 $0x180, s3;
	s10 =	sor.u32 s23, s17;
	v35 =	vld [tilespmem:s2+$0x0]  }
0x235: {  	s16 =	sadd.s32 s23, s3;
	s2 =	sor.u32 $0x1A180, s29;
	v36 =	vld [tilespmem:s10+$0x0]  }
0x236: {  	s19 =	sor.u32 $0x1A200, s29;
	s10 =	sor.u32 s23, s2;
	v5 =	vld [tilespmem:s16+$0x0]  }
0x237: {  	s16 =	sor.u32 $0x1A280, s29;
	v37 =	vld [tilespmem:s10+$0x0];
	s10 =	sor.u32 s23, s19  }
0x238: {  	v38 =	vld [tilespmem:s10+$0x0];
	s10 =	sor.u32 s23, s16  }
0x239: {  	s30 =	sor.u32 s28, s30;
	v39 =	vld [tilespmem:s10+$0x0]  }
0x23a: {  	s10 =	sor.u32 s28, s31;
	v40 =	vld [tilespmem:s30+$0x0]  }
0x23b: {  	s5 =	sor.u32 s28, s5;
	v41 =	vld [tilespmem:s10+$0x0];
	v33 =	vmul.f32 v33, v5;
	v34 =	vmul.f32 v34, v5  }
0x23c: {  	s3 =	sadd.s32 s28, s3;
	v43 =	vmul.f32 v23, v5;
	v44 =	vmul.f32 v21, v5;
	v42 =	vld [tilespmem:s5+$0x0]  }
0x23d: {  	s0 =	sor.u32 s28, s0;
	v32 =	vmul.f32 v24, v5;
	v31 =	vmul.f32 v29, v5;
	v7 =	vld [tilespmem:s3+$0x0]  }
0x23e: {  	v30 =	vmul.f32 v17, v5;
	v29 =	vmul.f32 v20, v5;
	v45 =	vld [tilespmem:s0+$0x0];
	s0 =	sor.u32 s28, s9  }
0x23f: {  	v24 =	vmul.f32 v22, v5;
	v23 =	vmul.f32 v35, v5;
	v46 =	vld [tilespmem:s0+$0x0];
	s0 =	sor.u32 s28, s15  }
0x240: {  	v22 =	vmul.f32 v36, v5;
	v21 =	vmul.f32 v37, v5;
	v35 =	vld [tilespmem:s0+$0x0];
	s0 =	sor.u32 s28, s1  }
0x241: {  	v17 =	vmul.f32 v38, v5;
	v20 =	vmul.f32 v39, v5;
	v36 =	vld [tilespmem:s0+$0x0];
	s0 =	sor.u32 s28, s14  }
0x242: {  	v37 =	vmul.f32 v40, v7;
	v38 =	vmul.f32 v41, v7;
	v39 =	vld [tilespmem:s0+$0x0];
	s0 =	sor.u32 s28, s13  }
0x243: {  	s24 =	sadd.s32 $0x2, s24;
	v40 =	vmul.f32 v42, v7;
	v41 =	vmul.f32 v45, v7;
	v42 =	vld [tilespmem:s0+$0x0];
	s0 =	sor.u32 s28, s18  }
0x244: {  	p1 =	slt.u32 s24, $0x3E;
	v12 =	vadd.f32 v37, v12;
	v13 =	vadd.f32 v38, v13;
	v38 =	vmul.f32 v46, v7;
	v45 =	vld [tilespmem:s0+$0x0];
	s0 =	sor.u32 s28, s17  }
.Ltmp3:
0x245: {  	v14 =	vadd.f32 v40, v14;
	v16 =	vadd.f32 v41, v16;
	v40 =	vmul.f32 v35, v7;
	v37 =	vld [tilespmem:s0+$0x0];
	s0 =	sor.u32 s28, s2;
	(pc) =	sbr.rel @p1 .LBB2_9-.Ltmp3, $4  }
0x246: {  	v36 =	vmul.f32 v36, v7;
	v35 =	vld [tilespmem:s0+$0x0];
	s0 =	sor.u32 s28, s19;
	v12 =	vadd.f32 v33, v12;
	v13 =	vadd.f32 v34, v13  }
0x247: {  	s1 =	sor.u32 $0x1A300, s29;
	v14 =	vadd.f32 v43, v14;
	v39 =	vmul.f32 v39, v7;
	v33 =	vld [tilespmem:s0+$0x0];
	s0 =	sor.u32 s28, s16;
	v16 =	vadd.f32 v44, v16  }
0x248: {  	s2 =	sor.u32 s28, s1;
	v27 =	vadd.f32 v38, v27;
	v28 =	vadd.f32 v40, v28;
	v38 =	vmul.f32 v42, v7;
	v34 =	vld [tilespmem:s0+$0x0];
	s0 =	sor.u32 $0x1A380, s29  }
0x249: {  	s25 =	sadd.s32 $0x100, s25;
	s26 =	sadd.s32 $0x20, s26;
	v25 =	vadd.f32 v36, v25;
	v26 =	vadd.f32 v39, v26;
	v39 =	vmul.f32 v45, v7;
	v36 =	vld [tilespmem:s2+$0x0];
	s2 =	sor.u32 s28, s0  }
0x24a: {  	(xrf2) =	vadd.scan.msk.f32 $0xffff, v12  }
0x24b: {  	(xrf2) =	vadd.scan.msk.f32 $0xffff, v13  }
0x24c: {  	v54 =	vadd.f32 v32, v27;
	(xrf2) =	vadd.scan.msk.f32 $0xffff, v14  }
0x24d: {  	v55 =	vadd.f32 v31, v28;
	(xrf2) =	vadd.scan.msk.f32 $0xffff, v16  }
0x24e: {  	v56 =	vmul.f32 v37, v7;
	s1 =	sor.u32 s23, s1;
	v6 =	vadd.f32 v38, v6;
	v61 =	vld [tilespmem:s2+$0x0];
	v57 =	vadd.f32 v30, v25;
	(xrf2) =	vadd.scan.msk.f32 $0xffff, v54  }
0x24f: {  	s0 =	sor.u32 s23, s0;
	v58 =	vmul.f32 v35, v7;
	v59 =	vadd.f32 v29, v26;
	v60 =	vld [tilespmem:s1+$0x0];
	v18 =	vadd.f32 v39, v18;
	(xrf2) =	vadd.scan.msk.f32 $0xffff, v55  }
0x250: {  	v25 =	vld [tilespmem:s0+$0x0];
	v62 =	vmul.f32 v33, v7;
	v14 =	vadd.f32 v56, v19;
	v6 =	vadd.f32 v24, v6;
	(xrf2) =	vadd.scan.msk.f32 $0xffff, v57  }
0x251: {  	v12 =	vadd.f32 v58, v15;
	v63 =	vmul.f32 v34, v7;
	v24 =	vadd.f32 v23, v18;
	(xrf2) =	vadd.scan.msk.f32 $0xffff, v59  }
0x252: {  	v40 =	vld [tilespmem:$0x1FFE0];
	v28 =	vmul.f32 v36, v7;
	v14 =	vadd.f32 v22, v14;
	v10 =	vadd.f32 v62, v10;
	(xrf2) =	vadd.scan.msk.f32 $0xffff, v6  }
0x253: {  	v29 =	vadd.f32 v21, v12;
	v11 =	vadd.f32 v63, v11;
	v32 =	vmul.f32 v61, v7;
	(xrf2) =	vadd.scan.msk.f32 $0xffff, v24  }
0x254: {  	v46 =	vld [tilespmem:$0x1FFF0];
	v30 =	vmul.f32 v60, v5;
	v9 =	vadd.f32 v28, v9;
	v10 =	vadd.f32 v17, v10;
	v31, _, _ =	vpop (xrf2);
	(xrf2) =	vadd.scan.msk.f32 $0xffff, v14  }
0x255: {  	v5 =	vmul.f32 v25, v5;
	v11 =	vadd.f32 v20, v11;
	v7 =	vadd.f32 v32, v8;
	v33, _, _ =	vpop (xrf2);
	(xrf2) =	vadd.scan.msk.f32 $0xffff, v29  }
0x256: {  	v34 =	vadd.f32 v30, v9;
	v35 =	vbroadcast v31, $0xF;
	v36 =	vbroadcast v33, $0xF;
	v37, _, _ =	vpop (xrf2);
	(xrf2) =	vadd.scan.msk.f32 $0xffff, v10  }
0x257: {  	vm1 =	vnez.u8 v40;
	v38 =	vbroadcast v37, $0xF;
	v39, _, _ =	vpop (xrf2);
	(xrf2) =	vadd.scan.msk.f32 $0xffff, v11  }
0x258: {  	v5 =	vadd.f32 v5, v7;
	v9 =	vsel vm1, v35, v36;
	v10 =	vbroadcast v39, $0xF;
	v41, _, _ =	vpop (xrf2);
	(xrf2) =	vadd.scan.msk.f32 $0xffff, v34  }
0x259: {  	vm1 =	vnez.u8 v46;
	v42, _, _ =	vpop (xrf2);
	v43 =	vsel vm2, v9, v38;
	v44 =	vbroadcast v41, $0xF  }
0x25a: {  	v45, _, _ =	vpop (xrf2);
	v7 =	vsel vm1, v43, v10;
	v6 =	vbroadcast v42, $0xF  }
0x25b: {  	(xrf2) =	vadd.scan.msk.f32 $0xffff, v5;
	v7 =	vsel vm4, v7, v44;
	v47 =	vbroadcast v45, $0xF;
	v48, _, _ =	vpop (xrf2)  }
0x25c: {  	v5, _, _ =	vpop (xrf2);
	v6 =	vsel vm5, v7, v6;
	v49 =	vbroadcast v48, $0xF  }
0x25d: {  	v50, _, _ =	vpop (xrf2);
	v6 =	vsel vm6, v6, v47;
	v5 =	vbroadcast v5, $0xF  }
0x25e: {  	v51, _, _ =	vpop (xrf2);
	v6 =	vsel vm7, v6, v49;
	v52 =	vbroadcast v50, $0xF  }
0x25f: {  	v53, _, _ =	vpop (xrf2);
	v5 =	vsel vm8, v6, v5;
	v54 =	vbroadcast v51, $0xF  }
0x260: {  	v55, _, _ =	vpop (xrf2);
	v5 =	vsel vm9, v5, v52;
	v56 =	vbroadcast v53, $0xF  }
0x261: {  	v57, _, _ =	vpop (xrf2);
	v5 =	vsel vm10, v5, v54;
	v58 =	vbroadcast v55, $0xF  }
0x262: {  	v61 =	vld [tilespmem:s22+$0x180];
	v59, _, _ =	vpop (xrf2);
	v5 =	vsel vm11, v5, v56;
	v60 =	vbroadcast v57, $0xF  }
0x263: {  	v5 =	vsel vm12, v5, v58;
	v62 =	vbroadcast v59, $0xF  }
0x264: {  	v5 =	vsel vm13, v5, v60  }
0x265: {  	v63, _, _ =	vpop (xrf2);
	v5 =	vsel vm14, v5, v62  }
0x266: {  	v5 =	vsel vm15, v5, v63  }
0x267: {  	(xrf1) =	vsort.dscd.msk.f32 $0xffff, v5, v61;
	_ =	sdelay $0x8  }
0x268: {  	v5 =	vadd.s32 $0xC, v0  }
0x269: {  	v4 =	vor.u32 v5, v4  }
.Ltmp4:
0x26a: {  	_ = 	snop;
	(pc) =	sbr.rel @p0 .LBB2_12-.Ltmp4, $3  }
0x26b: {  	_ =	sdelay $0x1  }
0x26c: {  	s31 =	simm.s32 $0x1C000;
	_, v5, _ =	vpop (xrf1)  }
0x26d: {  	[tilespmem:v4+s31+$0x0] =	vst.idx.msk $0xf, v5  }
0x26e: {  	v4 =	vld [tilespmem:s22+$0x380];
	_ =	sdelay $0x4  }
0x26f: {  	v5 =	vshll.u32 v4, $0x3  }
0x270: {  	v4 =	vand.u32 $0x7, v4;
	v5 =	vand.u32 $0xFFFFFFC0, v5  }
0x271: {  	v4 =	vor.u32 v4, v5  }
0x272: {  	v5 =	vperm.xlane v4, v1;
	_ =	sdelay $0x1  }
0x273: {  	v5 =	vadd.s32 v2, v5;
	_ =	sdelay $0x3  }
0x274: {  	s0 =	simm.s32 $0x0;
	s1 =	simm.s32 $0x18000  }
0x275: {  	[tilespmem:s1], [sflag:$0x4] =	stream.indirect_vreg.gather [hbm4b:s4+s0], $0x80, v5, vm0, $0xb8;
	[tilespmem:$0x1D000] =	vst v63  }
0x276: {  	s24 =	simm.s32 $0x18800;
	v4 =	vperm.xlane v4, v3  }
0x277: {  	[tilespmem:s24], [sflag:$0x4] =	stream.indirect_vreg.gather [hbm4b:s6+s0], $0x80, v5, vm0, $0xb8;
	[tilespmem:$0x1D000] =	vst v63  }
0x278: {  	s25 =	simm.s32 $0x19000;
	v4 =	vadd.s32 v2, v4  }
0x279: {  	[tilespmem:s25], [sflag:$0x4] =	stream.indirect_vreg.gather [hbm4b:s7+s0], $0x80, v5, vm0, $0xb8;
	[tilespmem:$0x1D000] =	vst v63  }
0x27a: {  	s26 =	simm.s32 $0x19800  }
0x27b: {  	[tilespmem:s26], [sflag:$0x4] =	stream.indirect_vreg.gather [hbm4b:s8+s0], $0x80, v5, vm0, $0xb8;
	[tilespmem:$0x1D000] =	vst v63  }
0x27c: {  	s28 =	simm.s32 $0x1A000  }
0x27d: {  	[tilespmem:s28], [sflag:$0x4] =	stream.indirect_vreg.gather [hbm4b:s4+s0], $0x80, v4, vm0, $0xb8;
	[tilespmem:$0x1D000] =	vst v63  }
0x27e: {  	s29 =	simm.s32 $0x1A800  }
0x27f: {  	[tilespmem:s29], [sflag:$0x4] =	stream.indirect_vreg.gather [hbm4b:s6+s0], $0x80, v4, vm0, $0xb8;
	[tilespmem:$0x1D000] =	vst v63  }
.Ltmp5:
0x280: {  	_ = 	snop;
	(pc) =	sbr.rel .LBB2_2-.Ltmp5, $4  }
0x281: {  	s30 =	simm.s32 $0x1B000  }
0x282: {  	[tilespmem:s30], [sflag:$0x4] =	stream.indirect_vreg.gather [hbm4b:s7+s0], $0x80, v4, vm0, $0xb8;
	[tilespmem:$0x1D000] =	vst v63  }
0x283: {  	s31 =	simm.s32 $0x1B800;
	s20 =	sadd.s32 $0x1, s20  }
0x284: {  	[tilespmem:s31], [sflag:$0x4] =	stream.indirect_vreg.gather [hbm4b:s8+s0], $0x80, v4, vm0, $0xb8;
	[tilespmem:$0x1D000] =	vst v63  }
.LBB2_12:
0x285: {  	v4 =	vld [tilespmem:$0x1C000];
	_ =	sdelay $0x4  }
0x286: {  	v5 =	vshll.u32 v4, $0x3  }
0x287: {  	v4 =	vand.u32 $0x7, v4;
	v5 =	vand.u32 $0xFFFFFFC0, v5  }
0x288: {  	v4 =	vor.u32 v4, v5  }
0x289: {  	v5 =	vperm.xlane v4, v1;
	_ =	sdelay $0x1  }
0x28a: {  	v5 =	vadd.s32 v2, v5;
	_ =	sdelay $0x3  }
0x28b: {  	s20 =	simm.s32 $0x0;
	s5 =	rddreg [dreg:$0x1];
	s10 =	simm.s32 $0xC000  }
0x28c: {  	[tilespmem:s10], [sflag:$0x5] =	stream.indirect_vreg.gather [hbm4b:s5+s20], $0x80, v5, vm0, $0xb8;
	[tilespmem:$0x1D000] =	vst v63  }
0x28d: {  	s14 =	rddreg [dreg:$0x5];
	s15 =	simm.s32 $0xC800;
	v4 =	vperm.xlane v4, v3  }
0x28e: {  	[tilespmem:s15], [sflag:$0x5] =	stream.indirect_vreg.gather [hbm4b:s14+s20], $0x80, v5, vm0, $0xb8;
	[tilespmem:$0x1D000] =	vst v63  }
0x28f: {  	s16 =	simm.s32 $0xD000;
	v4 =	vadd.s32 v2, v4  }
0x290: {  	[tilespmem:s16], [sflag:$0x5] =	stream.indirect_vreg.gather [hbm4b:s11+s20], $0x80, v5, vm0, $0xb8;
	[tilespmem:$0x1D000] =	vst v63  }
0x291: {  	s17 =	simm.s32 $0xD800  }
0x292: {  	[tilespmem:s17], [sflag:$0x5] =	stream.indirect_vreg.gather [hbm4b:s12+s20], $0x80, v5, vm0, $0xb8;
	[tilespmem:$0x1D000] =	vst v63  }
0x293: {  	s18 =	simm.s32 $0xE000  }
0x294: {  	[tilespmem:s18], [sflag:$0x5] =	stream.indirect_vreg.gather [hbm4b:s5+s20], $0x80, v4, vm0, $0xb8;
	[tilespmem:$0x1D000] =	vst v63  }
0x295: {  	s19 =	simm.s32 $0xE800  }
0x296: {  	[tilespmem:s19], [sflag:$0x5] =	stream.indirect_vreg.gather [hbm4b:s14+s20], $0x80, v4, vm0, $0xb8;
	[tilespmem:$0x1D000] =	vst v63  }
0x297: {  	s29 =	simm.s32 $0xF000  }
0x298: {  	[tilespmem:s29], [sflag:$0x5] =	stream.indirect_vreg.gather [hbm4b:s11+s20], $0x80, v4, vm0, $0xb8;
	[tilespmem:$0x1D000] =	vst v63  }
0x299: {  	s30 =	simm.s32 $0xF800  }
0x29a: {  	[tilespmem:s30], [sflag:$0x5] =	stream.indirect_vreg.gather [hbm4b:s12+s20], $0x80, v4, vm0, $0xb8;
	[tilespmem:$0x1D000] =	vst v63  }
0x29b: {  	v4 =	vld [tilespmem:$0x1C080];
	_ =	sdelay $0x4  }
0x29c: {  	v5 =	vshll.u32 v4, $0x3  }
0x29d: {  	v4 =	vand.u32 $0x7, v4;
	v5 =	vand.u32 $0xFFFFFFC0, v5  }
0x29e: {  	v4 =	vor.u32 v4, v5  }
0x29f: {  	v5 =	vperm.xlane v4, v1;
	_ =	sdelay $0x1  }
0x2a0: {  	v5 =	vadd.s32 v2, v5;
	_ =	sdelay $0x3  }
0x2a1: {  	s31 =	simm.s32 $0x10000  }
0x2a2: {  	[tilespmem:s31], [sflag:$0x6] =	stream.indirect_vreg.gather [hbm4b:s5+s20], $0x80, v5, vm0, $0xb8;
	[tilespmem:$0x1D000] =	vst v63  }
0x2a3: {  	s0 =	simm.s32 $0x10800;
	v4 =	vperm.xlane v4, v3  }
0x2a4: {  	[tilespmem:s0], [sflag:$0x6] =	stream.indirect_vreg.gather [hbm4b:s14+s20], $0x80, v5, vm0, $0xb8;
	[tilespmem:$0x1D000] =	vst v63  }
0x2a5: {  	s22 =	simm.s32 $0x11000;
	v4 =	vadd.s32 v2, v4  }
0x2a6: {  	[tilespmem:s22], [sflag:$0x6] =	stream.indirect_vreg.gather [hbm4b:s11+s20], $0x80, v5, vm0, $0xb8;
	[tilespmem:$0x1D000] =	vst v63  }
0x2a7: {  	s23 =	simm.s32 $0x11800  }
0x2a8: {  	[tilespmem:s23], [sflag:$0x6] =	stream.indirect_vreg.gather [hbm4b:s12+s20], $0x80, v5, vm0, $0xb8;
	[tilespmem:$0x1D000] =	vst v63  }
0x2a9: {  	s24 =	simm.s32 $0x12000  }
0x2aa: {  	[tilespmem:s24], [sflag:$0x6] =	stream.indirect_vreg.gather [hbm4b:s5+s20], $0x80, v4, vm0, $0xb8;
	[tilespmem:$0x1D000] =	vst v63  }
0x2ab: {  	s25 =	simm.s32 $0x12800  }
0x2ac: {  	[tilespmem:s25], [sflag:$0x6] =	stream.indirect_vreg.gather [hbm4b:s14+s20], $0x80, v4, vm0, $0xb8;
	[tilespmem:$0x1D000] =	vst v63  }
0x2ad: {  	s26 =	simm.s32 $0x13000;
	s28 =	simm.s32 $0x13800  }
0x2ae: {  	[tilespmem:s26], [sflag:$0x6] =	stream.indirect_vreg.gather [hbm4b:s11+s20], $0x80, v4, vm0, $0xb8;
	[tilespmem:$0x1D000] =	vst v63  }
0x2af: {  	s21 =	simm.s32 $0x0;
	s13 =	simm.s32 $0x0;
	s9 =	rddreg [dreg:$0x6]  }
0x2b0: {  	[tilespmem:s28], [sflag:$0x6] =	stream.indirect_vreg.gather [hbm4b:s12+s20], $0x80, v4, vm0, $0xb8;
	[tilespmem:$0x1D000] =	vst v63  }
.LBB2_13:
0x2b1: {  	p0 =	seq.s32 s21, $0x0  }
0x2b2: {  	s0 =	simm.s32 @!p0 $0x7  }
0x2b3: {  	_ =	swait.ge @!p0 [sflag:s0], $0x2000  }
0x2b4: {  	[sflag:s0] =	ssyncset.done @!p0 $0x0  }
0x2b5: {  	[sflag:s0] =	ssyncadd.s32 @!p0 $0xFFFFE000;
	s0 =	simm.s32 @!p0 $0x8  }
0x2b6: {  	_ =	swait.ge @!p0 [sflag:s0], $0x2000  }
0x2b7: {  	[sflag:s0] =	ssyncset.done @!p0 $0x0  }
0x2b8: {  	s2 =	simm.s32 $0x5;
	[sflag:s0] =	ssyncadd.s32 @!p0 $0xFFFFE000  }
0x2b9: {  	_ =	swait.ge [sflag:s2], $0x4000  }
0x2ba: {  	s22 =	sand.u32 $0x70, s20;
	s1 =	sand.u32 $0x1C00, s20;
	[sflag:s2] =	ssyncset.done $0x0  }
0x2bb: {  	s22 =	sor.u32 s22, s1;
	[sflag:s2] =	ssyncadd.s32 $0xFFFFC000  }
0x2bc: {  	v5 =	vld [tilespmem:s22+$0xE000]  }
0x2bd: {  	v6 =	vld [tilespmem:s22+$0xE080]  }
0x2be: {  	v8 =	vld [tilespmem:s22+$0xE100]  }
0x2bf: {  	v11 =	vld [tilespmem:s22+$0xE180]  }
0x2c0: {  	v12 =	vld [tilespmem:s22+$0xE200]  }
0x2c1: {  	v13 =	vld [tilespmem:s22+$0xE280]  }
0x2c2: {  	v4 =	vld [tilespmem:s22+$0xC000]  }
0x2c3: {  	v14 =	vld [tilespmem:s22+$0xC080]  }
0x2c4: {  	v15 =	vld [tilespmem:s22+$0xC100]  }
0x2c5: {  	v16 =	vld [tilespmem:s22+$0xC180]  }
0x2c6: {  	v17 =	vld [tilespmem:s22+$0xE300]  }
0x2c7: {  	v18 =	vld [tilespmem:s22+$0xE380]  }
0x2c8: {  	s25 =	simm.s32 $0x10;
	s26 =	simm.s32 $0x80;
	v7 =	vld [tilespmem:s22+$0xC200]  }
0x2c9: {  	s23 =	sand.u32 $0x70, s25;
	s24 =	sand.u32 $0x1C00, s26;
	v9 =	vld [tilespmem:s22+$0xC280];
	v14 =	vadd.f32 v14, v4  }
0x2ca: {  	s23 =	sor.u32 s23, s24;
	v10 =	vld [tilespmem:s22+$0xC300];
	v15 =	vadd.f32 v16, v15;
	v16 =	vadd.f32 v6, v5  }
0x2cb: {  	v4 =	vld [tilespmem:s23+$0xE000];
	v11 =	vadd.f32 v11, v8;
	v12 =	vadd.f32 v13, v12  }
0x2cc: {  	v6 =	vld [tilespmem:s23+$0xE080];
	v13 =	vadd.f32 v18, v17;
	v14 =	vadd.f32 v15, v14  }
0x2cd: {  	s28 =	sor.u32 s20, s20;
	v5 =	vld [tilespmem:s23+$0xE100];
	v11 =	vadd.f32 v11, v16  }
0x2ce: {  	s0 =	sor.u32 $0x380, s28;
	v8 =	vld [tilespmem:s23+$0xE180];
	v12 =	vadd.f32 v13, v12;
	[tilespmem:s22+$0x14000] =	vst v14  }
0x2cf: {  	v15 =	vld [tilespmem:s0+$0xC000];
	[tilespmem:s22+$0x14100] =	vst v11  }
0x2d0: {  	v11 =	vld [tilespmem:s23+$0xE200];
	[tilespmem:s22+$0x14180] =	vst v12  }
0x2d1: {  	v12 =	vld [tilespmem:s23+$0xE280]  }
0x2d2: {  	v13 =	vld [tilespmem:s23+$0xC000]  }
0x2d3: {  	s1 =	simm.s32 $0x20;
	s24 =	sshll.u32 s21, $0xB;
	s0 =	simm.s32 $0x80;
	v14 =	vld [tilespmem:s23+$0xC080]  }
.LBB2_14:
0x2d4: {  	p0 =	sne.s32 s1, $0x3F0;
	v16 =	vld [tilespmem:s23+$0xC100];
	v7 =	vadd.f32 v9, v7;
	v9 =	vadd.f32 v15, v10  }
0x2d5: {  	v10 =	vld [tilespmem:s23+$0xC180]  }
0x2d6: {  	v15 =	vld [tilespmem:s23+$0xE300];
	v9 =	vadd.f32 v9, v7  }
0x2d7: {  	v17 =	vld [tilespmem:s23+$0xE380]  }
0x2d8: {  	s26 =	sadd.s32 $0x80, s26;
	v7 =	vld [tilespmem:s23+$0xC200];
	[tilespmem:s22+$0x14080] =	vst v9;
	s22 =	smov.u32 s23  }
0x2d9: {  	s2 =	sand.u32 $0x70, s1;
	v18 =	vadd.f32 v6, v4;
	s3 =	sand.u32 $0x1C00, s26;
	v9 =	vld [tilespmem:s22+$0xC280]  }
0x2da: {  	s23 =	sor.u32 s2, s3;
	v13 =	vadd.f32 v14, v13;
	v14 =	vadd.f32 v10, v16;
	v10 =	vld [tilespmem:s22+$0xC300]  }
0x2db: {  	v8 =	vadd.f32 v8, v5;
	v11 =	vadd.f32 v12, v11;
	v4 =	vld [tilespmem:s23+$0xE000]  }
0x2dc: {  	v6 =	vld [tilespmem:s23+$0xE080];
	v12 =	vadd.f32 v14, v13;
	v13 =	vadd.f32 v17, v15  }
0x2dd: {  	s2 =	sor.u32 s0, s25;
	s0 =	smov.u32 s26;
	s25 =	smov.u32 s1;
	v14 =	vadd.f32 v8, v18;
	v5 =	vld [tilespmem:s23+$0xE100]  }
0x2de: {  	s2 =	sor.u32 $0x380, s2;
	v8 =	vld [tilespmem:s23+$0xE180];
	[tilespmem:s22+$0x14000] =	vst v12;
	v12 =	vadd.f32 v13, v11  }
.Ltmp6:
0x2df: {  	v15 =	vld [tilespmem:s2+$0xC000];
	[tilespmem:s22+$0x14100] =	vst v14;
	(pc) =	sbr.rel @p0 .LBB2_14-.Ltmp6, $4  }
0x2e0: {  	v11 =	vld [tilespmem:s23+$0xE200];
	[tilespmem:s22+$0x14180] =	vst v12  }
0x2e1: {  	v12 =	vld [tilespmem:s23+$0xE280]  }
0x2e2: {  	v13 =	vld [tilespmem:s23+$0xC000]  }
0x2e3: {  	s1 =	sadd.s32 $0x10, s1;
	v14 =	vld [tilespmem:s23+$0xC080]  }
0x2e4: {  	v16 =	vld [tilespmem:s23+$0xC100]  }
0x2e5: {  	v17 =	vld [tilespmem:s23+$0xC180];
	_ =	sdelay $0x1  }
0x2e6: {  	v7 =	vadd.f32 v9, v7;
	v9 =	vadd.f32 v15, v10;
	_ =	sdelay $0x1  }
0x2e7: {  	v7 =	vadd.f32 v9, v7  }
0x2e8: {  	v10 =	vld [tilespmem:s23+$0xE300];
	v13 =	vadd.f32 v14, v13;
	v58 =	vadd.f32 v17, v16  }
0x2e9: {  	v57 =	vld [tilespmem:s23+$0xC200]  }
0x2ea: {  	v9 =	vld [tilespmem:s23+$0xE380];
	[tilespmem:s22+$0x14080] =	vst v7;
	v13 =	vadd.f32 v58, v13  }
0x2eb: {  	s0 =	sor.u32 s0, s25;
	v7 =	vld [tilespmem:s23+$0xC280]  }
0x2ec: {  	s0 =	sor.u32 $0x380, s0;
	v59 =	vld [tilespmem:s23+$0xC300];
	[tilespmem:s23+$0x14000] =	vst v13  }
0x2ed: {  	v13 =	vld [tilespmem:s0+$0xC000];
	_ =	sdelay $0x1  }
0x2ee: {  	v4 =	vadd.f32 v6, v4;
	v5 =	vadd.f32 v8, v5  }
0x2ef: {  	v6 =	vadd.f32 v12, v11  }
0x2f0: {  	v4 =	vadd.f32 v5, v4;
	v8 =	vadd.f32 v9, v10  }
0x2f1: {  	v5 =	vadd.f32 v7, v57;
	v7 =	vadd.f32 v13, v59  }
0x2f2: {  	v6 =	vadd.f32 v8, v6  }
0x2f3: {  	[tilespmem:s23+$0x14100] =	vst v4;
	v4 =	vadd.f32 v7, v5  }
0x2f4: {  	s22 =	sor.u32 $0x400, s24;
	[tilespmem:s23+$0x14180] =	vst v6  }
0x2f5: {  	[tilespmem:s23+$0x14080] =	vst v4;
	s23 =	sshrl.u32 s22, $0x2  }
0x2f6: {  	v4 =	vld [tilespmem:s23+$0x1C000];
	_ =	sdelay $0x4  }
0x2f7: {  	v5 =	vshll.u32 v4, $0x3  }
0x2f8: {  	v4 =	vand.u32 $0x7, v4;
	v5 =	vand.u32 $0xFFFFFFC0, v5  }
0x2f9: {  	v4 =	vor.u32 v4, v5  }
0x2fa: {  	v5 =	vperm.xlane v4, v1;
	_ =	sdelay $0x1  }
0x2fb: {  	v5 =	vadd.s32 v2, v5;
	_ =	sdelay $0x3  }
0x2fc: {  	s25 =	simm.s32 $0x0  }
0x2fd: {  	[tilespmem:s10], [sflag:$0x5] =	stream.indirect_vreg.gather [hbm4b:s5+s25], $0x80, v5, vm0, $0xb8;
	[tilespmem:$0x1D000] =	vst v63  }
0x2fe: {  	v4 =	vperm.xlane v4, v3  }
0x2ff: {  	[tilespmem:s15], [sflag:$0x5] =	stream.indirect_vreg.gather [hbm4b:s14+s25], $0x80, v5, vm0, $0xb8;
	[tilespmem:$0x1D000] =	vst v63  }
0x300: {  	v4 =	vadd.s32 v2, v4  }
0x301: {  	[tilespmem:s16], [sflag:$0x5] =	stream.indirect_vreg.gather [hbm4b:s11+s25], $0x80, v5, vm0, $0xb8;
	[tilespmem:$0x1D000] =	vst v63  }
0x302: {  	_ = 	snop  }
0x303: {  	[tilespmem:s17], [sflag:$0x5] =	stream.indirect_vreg.gather [hbm4b:s12+s25], $0x80, v5, vm0, $0xb8;
	[tilespmem:$0x1D000] =	vst v63  }
0x304: {  	_ = 	snop  }
0x305: {  	[tilespmem:s18], [sflag:$0x5] =	stream.indirect_vreg.gather [hbm4b:s5+s25], $0x80, v4, vm0, $0xb8;
	[tilespmem:$0x1D000] =	vst v63  }
0x306: {  	_ = 	snop  }
0x307: {  	[tilespmem:s19], [sflag:$0x5] =	stream.indirect_vreg.gather [hbm4b:s14+s25], $0x80, v4, vm0, $0xb8;
	[tilespmem:$0x1D000] =	vst v63  }
0x308: {  	_ = 	snop  }
0x309: {  	[tilespmem:s29], [sflag:$0x5] =	stream.indirect_vreg.gather [hbm4b:s11+s25], $0x80, v4, vm0, $0xb8;
	[tilespmem:$0x1D000] =	vst v63  }
0x30a: {  	s2 =	simm.s32 $0x6  }
0x30b: {  	[tilespmem:s30], [sflag:$0x5] =	stream.indirect_vreg.gather [hbm4b:s12+s25], $0x80, v4, vm0, $0xb8;
	[tilespmem:$0x1D000] =	vst v63  }
0x30c: {  	_ =	swait.ge [sflag:s2], $0x4000  }
0x30d: {  	s1 =	sand.u32 $0x70, s25;
	s0 =	sand.u32 $0x1C00, s25;
	[sflag:s2] =	ssyncset.done $0x0  }
0x30e: {  	s23 =	sor.u32 s1, s0;
	[sflag:s2] =	ssyncadd.s32 $0xFFFFC000  }
0x30f: {  	v4 =	vld [tilespmem:s23+$0x12200]  }
0x310: {  	v5 =	vld [tilespmem:s23+$0x12280]  }
0x311: {  	v6 =	vld [tilespmem:s23+$0x12300]  }
0x312: {  	v7 =	vld [tilespmem:s23+$0x12380]  }
0x313: {  	v8 =	vld [tilespmem:s23+$0x10000]  }
0x314: {  	v9 =	vld [tilespmem:s23+$0x10080]  }
0x315: {  	v10 =	vld [tilespmem:s23+$0x10100]  }
0x316: {  	v11 =	vld [tilespmem:s23+$0x10180]  }
0x317: {  	v60 =	vld [tilespmem:s23+$0x10200];
	v4 =	vadd.f32 v5, v4;
	v5 =	vadd.f32 v7, v6  }
0x318: {  	v61 =	vld [tilespmem:s23+$0x10280]  }
0x319: {  	v62 =	vld [tilespmem:s23+$0x10300];
	v5 =	vadd.f32 v5, v4  }
0x31a: {  	v63 =	vld [tilespmem:s23+$0x10380]  }
0x31b: {  	v6 =	vld [tilespmem:s23+$0x12080];
	[tilespmem:s23+$0x14380] =	vst v5;
	v5 =	vadd.f32 v9, v8;
	v8 =	vadd.f32 v11, v10  }
0x31c: {  	s26 =	simm.s32 $0x10;
	s1 =	simm.s32 $0x80;
	v4 =	vld [tilespmem:s23+$0x12000]  }
0x31d: {  	s0 =	sand.u32 $0x70, s26;
	s28 =	sand.u32 $0x1C00, s1;
	v7 =	vld [tilespmem:s23+$0x12100];
	v8 =	vadd.f32 v8, v5  }
0x31e: {  	s0 =	sor.u32 s0, s28;
	v9 =	vld [tilespmem:s23+$0x12180]  }
0x31f: {  	v10 =	vadd.f32 v61, v60;
	v11 =	vadd.f32 v63, v62;
	v5 =	vld [tilespmem:s0+$0x12200];
	[tilespmem:s23+$0x14200] =	vst v8  }
0x320: {  	s2 =	simm.s32 $0x20;
	v8 =	vld [tilespmem:s0+$0x12280]  }
.LBB2_16:
0x321: {  	p0 =	sne.s32 s2, $0x3F0;
	v12 =	vld [tilespmem:s0+$0x12300];
	v10 =	vadd.f32 v11, v10;
	v4 =	vadd.f32 v6, v4  }
0x322: {  	v6 =	vld [tilespmem:s0+$0x12380]  }
0x323: {  	v11 =	vld [tilespmem:s0+$0x10000];
	[tilespmem:s23+$0x14280] =	vst v10;
	v7 =	vadd.f32 v9, v7  }
0x324: {  	v9 =	vld [tilespmem:s0+$0x10080]  }
0x325: {  	v10 =	vld [tilespmem:s0+$0x10100];
	v4 =	vadd.f32 v7, v4  }
0x326: {  	v7 =	vld [tilespmem:s0+$0x10180]  }
0x327: {  	v5 =	vadd.f32 v8, v5;
	v13 =	vld [tilespmem:s0+$0x10200];
	v6 =	vadd.f32 v6, v12;
	[tilespmem:s23+$0x14300] =	vst v4;
	s23 =	smov.u32 s0  }
0x328: {  	v8 =	vld [tilespmem:s23+$0x10280]  }
0x329: {  	v9 =	vadd.f32 v9, v11;
	v11 =	vld [tilespmem:s23+$0x10300];
	v5 =	vadd.f32 v6, v5  }
0x32a: {  	v12 =	vld [tilespmem:s23+$0x10380]  }
0x32b: {  	v7 =	vadd.f32 v7, v10;
	v4 =	vld [tilespmem:s23+$0x12000];
	[tilespmem:s23+$0x14380] =	vst v5  }
.Ltmp7:
0x32c: {  	s1 =	sadd.s32 $0x80, s1;
	v6 =	vld [tilespmem:s23+$0x12080];
	(pc) =	sbr.rel @p0 .LBB2_16-.Ltmp7, $4  }
0x32d: {  	s3 =	sand.u32 $0x1C00, s1;
	s0 =	sand.u32 $0x70, s2;
	v14 =	vadd.f32 v7, v9;
	v10 =	vadd.f32 v8, v13;
	v7 =	vld [tilespmem:s23+$0x12100]  }
0x32e: {  	s0 =	sor.u32 s0, s3;
	v9 =	vld [tilespmem:s23+$0x12180]  }
0x32f: {  	v5 =	vld [tilespmem:s0+$0x12200];
	[tilespmem:s23+$0x14200] =	vst v14;
	v11 =	vadd.f32 v12, v11  }
0x330: {  	s2 =	sadd.s32 $0x10, s2;
	v8 =	vld [tilespmem:s0+$0x12280]  }
0x331: {  	v12 =	vld [tilespmem:s0+$0x12300];
	v10 =	vadd.f32 v11, v10  }
0x332: {  	v11 =	vld [tilespmem:s0+$0x12380]  }
0x333: {  	v13 =	vld [tilespmem:s0+$0x10000];
	v4 =	vadd.f32 v6, v4;
	[tilespmem:s23+$0x14280] =	vst v10;
	v6 =	vadd.f32 v9, v7  }
0x334: {  	v7 =	vld [tilespmem:s0+$0x10080]  }
0x335: {  	v9 =	vld [tilespmem:s0+$0x10100];
	v4 =	vadd.f32 v6, v4  }
0x336: {  	v10 =	vld [tilespmem:s0+$0x10200]  }
0x337: {  	v6 =	vld [tilespmem:s0+$0x10180];
	[tilespmem:s23+$0x14300] =	vst v4  }
0x338: {  	v4 =	vadd.f32 v8, v5;
	v8 =	vld [tilespmem:s0+$0x10280]  }
0x339: {  	v5 =	vadd.f32 v11, v12;
	v11 =	vld [tilespmem:s0+$0x10300]  }
0x33a: {  	v12 =	vld [tilespmem:s0+$0x12000]  }
0x33b: {  	v14 =	vld [tilespmem:s0+$0x12100]  }
0x33c: {  	v15 =	vld [tilespmem:s0+$0x12180];
	v4 =	vadd.f32 v5, v4  }
0x33d: {  	v5 =	vld [tilespmem:s0+$0x10380]  }
0x33e: {  	[tilespmem:s0+$0x14380] =	vst v4;
	v4 =	vld [tilespmem:s0+$0x12080]  }
0x33f: {  	v7 =	vadd.f32 v7, v13;
	v6 =	vadd.f32 v6, v9;
	_ =	sdelay $0x1  }
0x340: {  	v6 =	vadd.f32 v6, v7  }
0x341: {  	v7 =	vadd.f32 v8, v10;
	v5 =	vadd.f32 v5, v11  }
0x342: {  	v8 =	vadd.f32 v15, v14;
	v4 =	vadd.f32 v4, v12  }
0x343: {  	v5 =	vadd.f32 v5, v7  }
0x344: {  	[tilespmem:s0+$0x14200] =	vst v6;
	v4 =	vadd.f32 v8, v4  }
0x345: {  	[tilespmem:s0+$0x14280] =	vst v5  }
0x346: {  	s23 =	sshrl.u32 s24, $0x2;
	[tilespmem:s0+$0x14300] =	vst v4  }
0x347: {  	v4 =	vld [tilespmem:s23+$0x1C180];
	_ =	sdelay $0x4  }
0x348: {  	v5 =	vshll.u32 v4, $0x3  }
0x349: {  	v4 =	vand.u32 $0x7, v4;
	v5 =	vand.u32 $0xFFFFFFC0, v5  }
0x34a: {  	v4 =	vor.u32 v4, v5  }
0x34b: {  	v5 =	vperm.xlane v4, v1;
	_ =	sdelay $0x1  }
0x34c: {  	v5 =	vadd.s32 v2, v5;
	_ =	sdelay $0x3  }
0x34d: {  	s0 =	simm.s32 $0x0  }
0x34e: {  	[tilespmem:s31], [sflag:$0x6] =	stream.indirect_vreg.gather [hbm4b:s5+s0], $0x80, v5, vm0, $0xb8;
	[tilespmem:$0x1D000] =	vst v63  }
0x34f: {  	s1 =	simm.s32 $0x10800;
	v4 =	vperm.xlane v4, v3  }
0x350: {  	[tilespmem:s1], [sflag:$0x6] =	stream.indirect_vreg.gather [hbm4b:s14+s0], $0x80, v5, vm0, $0xb8;
	[tilespmem:$0x1D000] =	vst v63  }
0x351: {  	s2 =	simm.s32 $0x11000;
	v4 =	vadd.s32 v2, v4  }
0x352: {  	[tilespmem:s2], [sflag:$0x6] =	stream.indirect_vreg.gather [hbm4b:s11+s0], $0x80, v5, vm0, $0xb8;
	[tilespmem:$0x1D000] =	vst v63  }
0x353: {  	s3 =	simm.s32 $0x11800  }
0x354: {  	[tilespmem:s3], [sflag:$0x6] =	stream.indirect_vreg.gather [hbm4b:s12+s0], $0x80, v5, vm0, $0xb8;
	[tilespmem:$0x1D000] =	vst v63  }
0x355: {  	s25 =	simm.s32 $0x12000  }
0x356: {  	[tilespmem:s25], [sflag:$0x6] =	stream.indirect_vreg.gather [hbm4b:s5+s0], $0x80, v4, vm0, $0xb8;
	[tilespmem:$0x1D000] =	vst v63  }
0x357: {  	s26 =	simm.s32 $0x12800  }
0x358: {  	[tilespmem:s26], [sflag:$0x6] =	stream.indirect_vreg.gather [hbm4b:s14+s0], $0x80, v4, vm0, $0xb8;
	[tilespmem:$0x1D000] =	vst v63  }
0x359: {  	s2 =	simm.s32 $0x13000  }
0x35a: {  	[tilespmem:s2], [sflag:$0x6] =	stream.indirect_vreg.gather [hbm4b:s11+s0], $0x80, v4, vm0, $0xb8;
	[tilespmem:$0x1D000] =	vst v63  }
0x35b: {  	s3 =	simm.s32 $0x13800  }
0x35c: {  	[tilespmem:s3], [sflag:$0x6] =	stream.indirect_vreg.gather [hbm4b:s12+s0], $0x80, v4, vm0, $0xb8;
	[tilespmem:$0x1D000] =	vst v63  }
0x35d: {  	s24 =	sadd.s32 s24, s9;
	s2 =	simm.s32 $0x14000;
	s3 =	simm.s32 $0x5  }
0x35e: {  	[hbm4b:s24+s0] =	stream.linear.scatter [tilespmem:s2], [sflag:$0x7], $0x2000, $0x38;
	[tilespmem:$0x1D000] =	vst v63  }
0x35f: {  	_ =	swait.ge [sflag:s3], $0x4000  }
0x360: {  	s25 =	sand.u32 $0x70, s0;
	s26 =	sand.u32 $0x1C00, s0;
	[sflag:s3] =	ssyncset.done $0x0  }
0x361: {  	s24 =	sor.u32 s25, s26;
	[sflag:s3] =	ssyncadd.s32 $0xFFFFC000  }
0x362: {  	v5 =	vld [tilespmem:s24+$0xE000]  }
0x363: {  	v6 =	vld [tilespmem:s24+$0xE080]  }
0x364: {  	v8 =	vld [tilespmem:s24+$0xE100]  }
0x365: {  	v11 =	vld [tilespmem:s24+$0xE180]  }
0x366: {  	v12 =	vld [tilespmem:s24+$0xE200]  }
0x367: {  	v13 =	vld [tilespmem:s24+$0xE280]  }
0x368: {  	v4 =	vld [tilespmem:s24+$0xC000]  }
0x369: {  	v14 =	vld [tilespmem:s24+$0xC080]  }
0x36a: {  	v15 =	vld [tilespmem:s24+$0xC100]  }
0x36b: {  	v16 =	vld [tilespmem:s24+$0xC180]  }
0x36c: {  	v17 =	vld [tilespmem:s24+$0xE300]  }
0x36d: {  	v18 =	vld [tilespmem:s24+$0xE380]  }
0x36e: {  	s28 =	simm.s32 $0x80;
	s26 =	simm.s32 $0x10;
	v7 =	vld [tilespmem:s24+$0xC200]  }
0x36f: {  	s25 =	sand.u32 $0x1C00, s28;
	s3 =	sand.u32 $0x70, s26;
	v9 =	vld [tilespmem:s24+$0xC280];
	v14 =	vadd.f32 v14, v4  }
0x370: {  	s25 =	sor.u32 s3, s25;
	v10 =	vld [tilespmem:s24+$0xC300];
	v15 =	vadd.f32 v16, v15;
	v16 =	vadd.f32 v6, v5  }
0x371: {  	v4 =	vld [tilespmem:s25+$0xE000];
	v11 =	vadd.f32 v11, v8;
	v12 =	vadd.f32 v13, v12  }
0x372: {  	v6 =	vld [tilespmem:s25+$0xE080];
	v13 =	vadd.f32 v18, v17;
	v14 =	vadd.f32 v15, v14  }
0x373: {  	s0 =	sor.u32 s0, s0;
	v5 =	vld [tilespmem:s25+$0xE100];
	v11 =	vadd.f32 v11, v16  }
0x374: {  	s0 =	sor.u32 $0x380, s0;
	v8 =	vld [tilespmem:s25+$0xE180];
	v12 =	vadd.f32 v13, v12;
	[tilespmem:s24+$0x18000] =	vst v14  }
0x375: {  	v15 =	vld [tilespmem:s0+$0xC000];
	[tilespmem:s24+$0x18100] =	vst v11  }
0x376: {  	v11 =	vld [tilespmem:s25+$0xE200];
	[tilespmem:s24+$0x18180] =	vst v12  }
0x377: {  	v12 =	vld [tilespmem:s25+$0xE280]  }
0x378: {  	v13 =	vld [tilespmem:s25+$0xC000]  }
0x379: {  	s1 =	simm.s32 $0x20;
	s0 =	simm.s32 $0x80;
	v14 =	vld [tilespmem:s25+$0xC080]  }
.LBB2_18:
0x37a: {  	p0 =	sne.s32 s1, $0x3F0;
	v16 =	vld [tilespmem:s25+$0xC100];
	v7 =	vadd.f32 v9, v7;
	v9 =	vadd.f32 v15, v10  }
0x37b: {  	v10 =	vld [tilespmem:s25+$0xC180]  }
0x37c: {  	v15 =	vld [tilespmem:s25+$0xE300];
	v9 =	vadd.f32 v9, v7  }
0x37d: {  	v17 =	vld [tilespmem:s25+$0xE380]  }
0x37e: {  	s28 =	sadd.s32 $0x80, s28;
	v7 =	vld [tilespmem:s25+$0xC200];
	[tilespmem:s24+$0x18080] =	vst v9;
	s24 =	smov.u32 s25  }
0x37f: {  	s2 =	sand.u32 $0x70, s1;
	v18 =	vadd.f32 v6, v4;
	s3 =	sand.u32 $0x1C00, s28;
	v9 =	vld [tilespmem:s24+$0xC280]  }
0x380: {  	s25 =	sor.u32 s2, s3;
	v13 =	vadd.f32 v14, v13;
	v14 =	vadd.f32 v10, v16;
	v10 =	vld [tilespmem:s24+$0xC300]  }
0x381: {  	v8 =	vadd.f32 v8, v5;
	v11 =	vadd.f32 v12, v11;
	v4 =	vld [tilespmem:s25+$0xE000]  }
0x382: {  	v6 =	vld [tilespmem:s25+$0xE080];
	v12 =	vadd.f32 v14, v13;
	v13 =	vadd.f32 v17, v15  }
0x383: {  	s2 =	sor.u32 s0, s26;
	s0 =	smov.u32 s28;
	s26 =	smov.u32 s1;
	v14 =	vadd.f32 v8, v18;
	v5 =	vld [tilespmem:s25+$0xE100]  }
0x384: {  	s2 =	sor.u32 $0x380, s2;
	v8 =	vld [tilespmem:s25+$0xE180];
	[tilespmem:s24+$0x18000] =	vst v12;
	v12 =	vadd.f32 v13, v11  }
.Ltmp8:
0x385: {  	v15 =	vld [tilespmem:s2+$0xC000];
	[tilespmem:s24+$0x18100] =	vst v14;
	(pc) =	sbr.rel @p0 .LBB2_18-.Ltmp8, $4  }
0x386: {  	v11 =	vld [tilespmem:s25+$0xE200];
	[tilespmem:s24+$0x18180] =	vst v12  }
0x387: {  	v12 =	vld [tilespmem:s25+$0xE280]  }
0x388: {  	v13 =	vld [tilespmem:s25+$0xC000]  }
0x389: {  	s1 =	sadd.s32 $0x10, s1;
	v14 =	vld [tilespmem:s25+$0xC080]  }
0x38a: {  	v16 =	vld [tilespmem:s25+$0xC100]  }
0x38b: {  	v17 =	vld [tilespmem:s25+$0xC180];
	_ =	sdelay $0x1  }
0x38c: {  	v7 =	vadd.f32 v9, v7;
	v9 =	vadd.f32 v15, v10;
	_ =	sdelay $0x1  }
0x38d: {  	v7 =	vadd.f32 v9, v7  }
0x38e: {  	v10 =	vld [tilespmem:s25+$0xE300];
	v13 =	vadd.f32 v14, v13;
	v58 =	vadd.f32 v17, v16  }
0x38f: {  	v57 =	vld [tilespmem:s25+$0xC200]  }
0x390: {  	v9 =	vld [tilespmem:s25+$0xE380];
	[tilespmem:s24+$0x18080] =	vst v7;
	v13 =	vadd.f32 v58, v13  }
0x391: {  	s0 =	sor.u32 s0, s26;
	v7 =	vld [tilespmem:s25+$0xC280]  }
0x392: {  	s0 =	sor.u32 $0x380, s0;
	v59 =	vld [tilespmem:s25+$0xC300];
	[tilespmem:s25+$0x18000] =	vst v13  }
0x393: {  	v13 =	vld [tilespmem:s0+$0xC000];
	_ =	sdelay $0x1  }
0x394: {  	v4 =	vadd.f32 v6, v4;
	v5 =	vadd.f32 v8, v5  }
0x395: {  	v6 =	vadd.f32 v12, v11  }
0x396: {  	v4 =	vadd.f32 v5, v4;
	v8 =	vadd.f32 v9, v10  }
0x397: {  	v5 =	vadd.f32 v7, v57;
	v7 =	vadd.f32 v13, v59  }
0x398: {  	v6 =	vadd.f32 v8, v6  }
0x399: {  	[tilespmem:s25+$0x18100] =	vst v4;
	v4 =	vadd.f32 v7, v5  }
0x39a: {  	[tilespmem:s25+$0x18180] =	vst v6  }
0x39b: {  	p0 =	seq.s32 s21, $0x7;
	[tilespmem:s25+$0x18080] =	vst v4  }
0x39c: {  	v4 =	vld @!p0 [tilespmem:s23+$0x1C200];
	_ =	sdelay $0x4  }
0x39d: {  	v5 =	vshll.u32 @!p0 v4, $0x3  }
0x39e: {  	v6 =	vlaneseq.u32 @!p0;
	v4 =	vand.u32 @!p0 $0x7, v4;
	v5 =	vand.u32 @!p0 $0xFFFFFFC0, v5  }
0x39f: {  	v7 =	vshrl.u32 @!p0 v6, $0x3;
	v4 =	vor.u32 @!p0 v4, v5;
	v5 =	vand.u32 @!p0 $0x7, v6  }
0x3a0: {  	v7 =	vmul.u32 @!p0 $0x8, v7;
	v5 =	vperm.xlane @!p0 v4, v5;
	_ =	sdelay $0x1  }
0x3a1: {  	v5 =	vadd.s32 @!p0 v7, v5;
	_ =	sdelay $0x3  }
0x3a2: {  	vm1 =	vmmov @!p0 $0xffff;
	s1 =	simm.s32 @!p0 $0xC000;
	s0 =	simm.s32 @!p0 $0x0  }
0x3a3: {  	v6 =	vor.u32 @!p0 $0x8, v6;
	[tilespmem:s1], [sflag:$0x5] =	stream.indirect_vreg.gather @!p0 [hbm4b:s5+s0], $0x80, v5, vm1, $0xb8;
	[tilespmem:$0x1D000] =	vst v63  }
0x3a4: {  	v4 =	vperm.xlane @!p0 v4, v6;
	s1 =	simm.s32 @!p0 $0xC800  }
0x3a5: {  	[tilespmem:s1], [sflag:$0x5] =	stream.indirect_vreg.gather @!p0 [hbm4b:s14+s0], $0x80, v5, vm1, $0xb8;
	[tilespmem:$0x1D000] =	vst v63  }
0x3a6: {  	v4 =	vadd.s32 @!p0 v7, v4;
	s1 =	simm.s32 @!p0 $0xD000  }
0x3a7: {  	[tilespmem:s1], [sflag:$0x5] =	stream.indirect_vreg.gather @!p0 [hbm4b:s11+s0], $0x80, v5, vm1, $0xb8;
	[tilespmem:$0x1D000] =	vst v63  }
0x3a8: {  	s1 =	simm.s32 @!p0 $0xD800  }
0x3a9: {  	[tilespmem:s1], [sflag:$0x5] =	stream.indirect_vreg.gather @!p0 [hbm4b:s12+s0], $0x80, v5, vm1, $0xb8;
	[tilespmem:$0x1D000] =	vst v63  }
0x3aa: {  	s1 =	simm.s32 @!p0 $0xE000  }
0x3ab: {  	[tilespmem:s1], [sflag:$0x5] =	stream.indirect_vreg.gather @!p0 [hbm4b:s5+s0], $0x80, v4, vm1, $0xb8;
	[tilespmem:$0x1D000] =	vst v63  }
0x3ac: {  	s1 =	simm.s32 @!p0 $0xE800  }
0x3ad: {  	[tilespmem:s1], [sflag:$0x5] =	stream.indirect_vreg.gather @!p0 [hbm4b:s14+s0], $0x80, v4, vm1, $0xb8;
	[tilespmem:$0x1D000] =	vst v63  }
0x3ae: {  	s1 =	simm.s32 @!p0 $0xF000  }
0x3af: {  	[tilespmem:s1], [sflag:$0x5] =	stream.indirect_vreg.gather @!p0 [hbm4b:s11+s0], $0x80, v4, vm1, $0xb8;
	[tilespmem:$0x1D000] =	vst v63  }
0x3b0: {  	s2 =	simm.s32 $0x6;
	s1 =	simm.s32 @!p0 $0xF800  }
0x3b1: {  	[tilespmem:s1], [sflag:$0x5] =	stream.indirect_vreg.gather @!p0 [hbm4b:s12+s0], $0x80, v4, vm1, $0xb8;
	[tilespmem:$0x1D000] =	vst v63  }
0x3b2: {  	s24 =	simm.s32 $0x0;
	_ =	swait.ge [sflag:s2], $0x4000  }
0x3b3: {  	s25 =	sand.u32 $0x70, s24;
	s0 =	sand.u32 $0x1C00, s24;
	[sflag:s2] =	ssyncset.done $0x0  }
0x3b4: {  	s24 =	sor.u32 s25, s0;
	[sflag:s2] =	ssyncadd.s32 $0xFFFFC000  }
0x3b5: {  	v4 =	vld [tilespmem:s24+$0x12200]  }
0x3b6: {  	v5 =	vld [tilespmem:s24+$0x12280]  }
0x3b7: {  	v6 =	vld [tilespmem:s24+$0x12300]  }
0x3b8: {  	v7 =	vld [tilespmem:s24+$0x12380]  }
0x3b9: {  	v8 =	vld [tilespmem:s24+$0x10000]  }
0x3ba: {  	v9 =	vld [tilespmem:s24+$0x10080]  }
0x3bb: {  	v10 =	vld [tilespmem:s24+$0x10100]  }
0x3bc: {  	v11 =	vld [tilespmem:s24+$0x10180]  }
0x3bd: {  	v60 =	vld [tilespmem:s24+$0x10200];
	v4 =	vadd.f32 v5, v4;
	v5 =	vadd.f32 v7, v6  }
0x3be: {  	v61 =	vld [tilespmem:s24+$0x10280]  }
0x3bf: {  	v62 =	vld [tilespmem:s24+$0x10300];
	v5 =	vadd.f32 v5, v4  }
0x3c0: {  	v63 =	vld [tilespmem:s24+$0x10380]  }
0x3c1: {  	v6 =	vld [tilespmem:s24+$0x12080];
	[tilespmem:s24+$0x18380] =	vst v5;
	v5 =	vadd.f32 v9, v8;
	v8 =	vadd.f32 v11, v10  }
0x3c2: {  	s26 =	simm.s32 $0x10;
	s1 =	simm.s32 $0x80;
	v4 =	vld [tilespmem:s24+$0x12000]  }
0x3c3: {  	s0 =	sand.u32 $0x70, s26;
	s28 =	sand.u32 $0x1C00, s1;
	v7 =	vld [tilespmem:s24+$0x12100];
	v8 =	vadd.f32 v8, v5  }
0x3c4: {  	s0 =	sor.u32 s0, s28;
	v9 =	vld [tilespmem:s24+$0x12180]  }
0x3c5: {  	v10 =	vadd.f32 v61, v60;
	v11 =	vadd.f32 v63, v62;
	v5 =	vld [tilespmem:s0+$0x12200];
	[tilespmem:s24+$0x18200] =	vst v8  }
0x3c6: {  	s2 =	simm.s32 $0x20;
	v8 =	vld [tilespmem:s0+$0x12280]  }
.LBB2_20:
0x3c7: {  	p1 =	sne.s32 s2, $0x3F0;
	v12 =	vld [tilespmem:s0+$0x12300];
	v10 =	vadd.f32 v11, v10;
	v4 =	vadd.f32 v6, v4  }
0x3c8: {  	v6 =	vld [tilespmem:s0+$0x12380]  }
0x3c9: {  	v11 =	vld [tilespmem:s0+$0x10000];
	[tilespmem:s24+$0x18280] =	vst v10;
	v7 =	vadd.f32 v9, v7  }
0x3ca: {  	v9 =	vld [tilespmem:s0+$0x10080]  }
0x3cb: {  	v10 =	vld [tilespmem:s0+$0x10100];
	v4 =	vadd.f32 v7, v4  }
0x3cc: {  	v7 =	vld [tilespmem:s0+$0x10180]  }
0x3cd: {  	v5 =	vadd.f32 v8, v5;
	v13 =	vld [tilespmem:s0+$0x10200];
	v6 =	vadd.f32 v6, v12;
	[tilespmem:s24+$0x18300] =	vst v4;
	s24 =	smov.u32 s0  }
0x3ce: {  	v8 =	vld [tilespmem:s24+$0x10280]  }
0x3cf: {  	v9 =	vadd.f32 v9, v11;
	v11 =	vld [tilespmem:s24+$0x10300];
	v5 =	vadd.f32 v6, v5  }
0x3d0: {  	v12 =	vld [tilespmem:s24+$0x10380]  }
0x3d1: {  	v7 =	vadd.f32 v7, v10;
	v4 =	vld [tilespmem:s24+$0x12000];
	[tilespmem:s24+$0x18380] =	vst v5  }
.Ltmp9:
0x3d2: {  	s1 =	sadd.s32 $0x80, s1;
	v6 =	vld [tilespmem:s24+$0x12080];
	(pc) =	sbr.rel @p1 .LBB2_20-.Ltmp9, $4  }
0x3d3: {  	s3 =	sand.u32 $0x1C00, s1;
	s0 =	sand.u32 $0x70, s2;
	v14 =	vadd.f32 v7, v9;
	v10 =	vadd.f32 v8, v13;
	v7 =	vld [tilespmem:s24+$0x12100]  }
0x3d4: {  	s0 =	sor.u32 s0, s3;
	v9 =	vld [tilespmem:s24+$0x12180]  }
0x3d5: {  	v5 =	vld [tilespmem:s0+$0x12200];
	[tilespmem:s24+$0x18200] =	vst v14;
	v11 =	vadd.f32 v12, v11  }
0x3d6: {  	s2 =	sadd.s32 $0x10, s2;
	v8 =	vld [tilespmem:s0+$0x12280]  }
0x3d7: {  	v12 =	vld [tilespmem:s0+$0x12300];
	v10 =	vadd.f32 v11, v10  }
0x3d8: {  	v54 =	vld [tilespmem:s0+$0x12380]  }
0x3d9: {  	v13 =	vld [tilespmem:s0+$0x10000];
	v4 =	vadd.f32 v6, v4;
	[tilespmem:s24+$0x18280] =	vst v10;
	v55 =	vadd.f32 v9, v7  }
0x3da: {  	v56 =	vld [tilespmem:s0+$0x10080]  }
0x3db: {  	v57 =	vld [tilespmem:s0+$0x10100];
	v4 =	vadd.f32 v55, v4  }
0x3dc: {  	v58 =	vld [tilespmem:s0+$0x10180]  }
0x3dd: {  	v10 =	vld [tilespmem:s0+$0x10200];
	[tilespmem:s24+$0x18300] =	vst v4  }
0x3de: {  	v59 =	vld [tilespmem:s0+$0x10280]  }
0x3df: {  	v60 =	vld [tilespmem:s0+$0x10300]  }
0x3e0: {  	v4 =	vadd.f32 v8, v5;
	v5 =	vadd.f32 v54, v12;
	v61 =	vld [tilespmem:s0+$0x12000]  }
0x3e1: {  	v14 =	vld [tilespmem:s0+$0x12100]  }
0x3e2: {  	v15 =	vld [tilespmem:s0+$0x12180];
	v4 =	vadd.f32 v5, v4  }
0x3e3: {  	v5 =	vld [tilespmem:s0+$0x10380]  }
0x3e4: {  	[tilespmem:s0+$0x18380] =	vst v4;
	v4 =	vld [tilespmem:s0+$0x12080]  }
0x3e5: {  	v7 =	vadd.f32 v56, v13;
	v6 =	vadd.f32 v58, v57;
	_ =	sdelay $0x1  }
0x3e6: {  	v6 =	vadd.f32 v6, v7  }
0x3e7: {  	v62 =	vadd.f32 v59, v10;
	v5 =	vadd.f32 v5, v60  }
0x3e8: {  	v63 =	vadd.f32 v15, v14;
	v4 =	vadd.f32 v4, v61  }
0x3e9: {  	v5 =	vadd.f32 v5, v62  }
0x3ea: {  	[tilespmem:s0+$0x18200] =	vst v6;
	v4 =	vadd.f32 v63, v4  }
0x3eb: {  	[tilespmem:s0+$0x18280] =	vst v5  }
0x3ec: {  	[tilespmem:s0+$0x18300] =	vst v4  }
0x3ed: {  	v4 =	vld @!p0 [tilespmem:s23+$0x1C280];
	_ =	sdelay $0x4  }
0x3ee: {  	v5 =	vshll.u32 @!p0 v4, $0x3  }
0x3ef: {  	v6 =	vlaneseq.u32 @!p0;
	v4 =	vand.u32 @!p0 $0x7, v4;
	v5 =	vand.u32 @!p0 $0xFFFFFFC0, v5  }
0x3f0: {  	v7 =	vshrl.u32 @!p0 v6, $0x3;
	v4 =	vor.u32 @!p0 v4, v5;
	v5 =	vand.u32 @!p0 $0x7, v6  }
0x3f1: {  	v7 =	vmul.u32 @!p0 $0x8, v7;
	v5 =	vperm.xlane @!p0 v4, v5;
	_ =	sdelay $0x1  }
0x3f2: {  	v5 =	vadd.s32 @!p0 v7, v5;
	_ =	sdelay $0x3  }
0x3f3: {  	s1 =	simm.s32 @!p0 $0x10000;
	s0 =	simm.s32 @!p0 $0x0  }
0x3f4: {  	v6 =	vor.u32 @!p0 $0x8, v6;
	[tilespmem:s1], [sflag:$0x6] =	stream.indirect_vreg.gather @!p0 [hbm4b:s5+s0], $0x80, v5, vm1, $0xb8;
	[tilespmem:$0x1D000] =	vst v63  }
0x3f5: {  	v4 =	vperm.xlane @!p0 v4, v6;
	s1 =	simm.s32 @!p0 $0x10800  }
0x3f6: {  	[tilespmem:s1], [sflag:$0x6] =	stream.indirect_vreg.gather @!p0 [hbm4b:s14+s0], $0x80, v5, vm1, $0xb8;
	[tilespmem:$0x1D000] =	vst v63  }
0x3f7: {  	v4 =	vadd.s32 @!p0 v7, v4;
	s1 =	simm.s32 @!p0 $0x11000  }
0x3f8: {  	[tilespmem:s1], [sflag:$0x6] =	stream.indirect_vreg.gather @!p0 [hbm4b:s11+s0], $0x80, v5, vm1, $0xb8;
	[tilespmem:$0x1D000] =	vst v63  }
0x3f9: {  	s1 =	simm.s32 @!p0 $0x11800  }
0x3fa: {  	[tilespmem:s1], [sflag:$0x6] =	stream.indirect_vreg.gather @!p0 [hbm4b:s12+s0], $0x80, v5, vm1, $0xb8;
	[tilespmem:$0x1D000] =	vst v63  }
0x3fb: {  	s1 =	simm.s32 @!p0 $0x12000  }
0x3fc: {  	[tilespmem:s1], [sflag:$0x6] =	stream.indirect_vreg.gather @!p0 [hbm4b:s5+s0], $0x80, v4, vm1, $0xb8;
	[tilespmem:$0x1D000] =	vst v63  }
0x3fd: {  	s1 =	simm.s32 @!p0 $0x12800  }
0x3fe: {  	[tilespmem:s1], [sflag:$0x6] =	stream.indirect_vreg.gather @!p0 [hbm4b:s14+s0], $0x80, v4, vm1, $0xb8;
	[tilespmem:$0x1D000] =	vst v63  }
0x3ff: {  	s1 =	simm.s32 @!p0 $0x13000  }
0x400: {  	[tilespmem:s1], [sflag:$0x6] =	stream.indirect_vreg.gather @!p0 [hbm4b:s11+s0], $0x80, v4, vm1, $0xb8;
	[tilespmem:$0x1D000] =	vst v63  }
0x401: {  	s21 =	sadd.s32 $0x1, s21;
	s1 =	simm.s32 @!p0 $0x13800  }
0x402: {  	[tilespmem:s1], [sflag:$0x6] =	stream.indirect_vreg.gather @!p0 [hbm4b:s12+s0], $0x80, v4, vm1, $0xb8;
	[tilespmem:$0x1D000] =	vst v63  }
0x403: {  	p0 =	sne.s32 s21, $0x8  }
.Ltmp10:
0x404: {  	_ = 	snop;
	(pc) =	sbr.rel @p0 .LBB2_13-.Ltmp10, $3  }
0x405: {  	_ =	sdelay $0x1  }
0x406: {  	s26 =	sadd.s32 s22, s9;
	s28 =	simm.s32 $0x18000  }
0x407: {  	[hbm4b:s26+s13] =	stream.linear.scatter [tilespmem:s28], [sflag:$0x8], $0x2000, $0x38;
	[tilespmem:$0x1D000] =	vst v63  }
0x408: {  	s0 =	simm.s32 $0x7  }
0x409: {  	_ =	swait.ge [sflag:s0], $0x2000  }
0x40a: {  	[sflag:s0] =	ssyncset.done $0x0  }
0x40b: {  	s1 =	simm.s32 $0x8;
	[sflag:s0] =	ssyncadd.s32 $0xFFFFE000  }
0x40c: {  	_ =	swait.ge [sflag:s1], $0x2000  }
0x40d: {  	s2 =	rddreg [dreg:$0x8]  }
0x40e: {  	s28 =	rddreg [dreg:$0x7];
	s2 =	sadd.s32 $0x1, s2  }
0x40f: {  	p0 =	sne.s32 s2, s28  }
.Ltmp11:
0x410: {  	_ = 	snop;
	(pc) =	sbr.rel @p0 .LBB2_1-.Ltmp11, $3  }
0x411: {  	_ =	sdelay $0x1  }
0x412: {  	[sflag:s1] =	ssyncset.done $0x0  }
0x413: {  	[sflag:s1] =	ssyncadd.s32 $0xFFFFE000  }
0x414: {  	_ =	sfence.sel $0x180000  }
0x415: {  	[bflag:$0x0] =	sbarrier.arrive $0xFFFF  }
0x416: {  	_ =	strace $0x90000047  }
0x417: {  	s0 =	stileid.u32;
	[bflag:$0x2] =	sbarrier.arrive $0xFFFF  }
0x418: {  	p0 =	sne.s32 s0, $0x0;
	s0 =	rddreg [dreg:$0x2]  }
0x419: {  	s0 =	sadd.s32 @!p0 $0x100000, s0  }
0x41a: {  	[sflag:s0] =	ssyncadd.tile.s32 @!p0 $0x1;
	_ =	shalt  }
.Lfunc_end2:
_tile_overlayer_lowered:
.L_overlay_start_2:
0x41b: {  	(tag) =	ssettag $0x2  }
0x41c: {  	s0 =	rddreg [dreg:$0x0];
	s2 =	stileid.u32  }
0x41d: {  	s1 =	rddreg [dreg:$0x1];
	p0 =	sne.s32 s2, $0x0  }
0x41e: {  	s3 =	rddreg [dreg:$0x2];
	[bflag:$0x3] =	sbarrier.arrive $0xFFFF;
	s2 =	simm.s32 @!p0 $0x1C09  }
0x41f: {  	[timem:s3], [sflag:s2] =	dma.local @!p0 [hbm:s0], s1  }
0x420: {  	s0 =	simm.s32 @!p0 $0x9  }
0x421: {  	_ =	swait.ge @!p0 [sflag:s0], s1  }
0x422: {  	s1 =	ssub.s32 @!p0 $0x0, s1;
	[sflag:s0] =	ssyncset.done @!p0 $0x0  }
0x423: {  	[sflag:s0] =	ssyncadd.s32 @!p0 s1  }
0x424: {  	[bflag:$0x3] =	sbarrier.arrive $0xFFFF  }
0x425: {  	_ =	shalt  }

</sc_bundles>
